<compile_context>
chip_gen: v7x
topology: tpu7x:2x2x1
jax: 0.10.2.dev20260603
libtpu: 0.0.44.dev20260713+nightly
codegen_flags: <defaults>
</compile_context>

<pallas_src>
import functools

import jax
import jax.numpy as jnp
from jax import lax
from jax.experimental import pallas as pl
from jax.experimental.pallas import tpu as pltpu
from jax.experimental.pallas import tpu_sc as plsc

N = 10000
NPAD = 10240
E = 320000
IN_DIM = 128
HID = 256
D1 = 144
DH = 128
B = 80
TPS = 640

_MESH = plsc.VectorSubcoreMesh(core_axis_name="c", subcore_axis_name="s")


def _zero_spmem(rows, agg, s, ncols):
    z16 = jnp.zeros((16,), jnp.float32)
    nc16 = ncols // 16

    def zrow(i, _):
        def zcol(j, _):
            rows[0, i, pl.ds(j * 16, 16)] = z16
            return 0
        return lax.fori_loop(0, nc16, zcol, 0)

    lax.fori_loop(0, B, zrow, 0)

    def zchunk(k, _):
        pltpu.sync_copy(rows.at[0], agg.at[pl.ds(TPS * s + B * k, B), :])
        return 0

    lax.fori_loop(0, TPS // B, zchunk, 0)


NB = 3
NBI = 6
NSI = 3


def _edge_pipeline(ei, tab, agg, ibuf, rows, semi, semg, sems, ebase, nsteps, prep):

    def idx_start(k):
        base = pl.multiple_of(ebase + k * B, 8)
        pltpu.async_copy(ei.at[:, pl.ds(base, B)], ibuf.at[k % NBI],
                         semi.at[k % NSI])

    def idx_wait(k):
        pltpu.make_async_copy(ei.at[:, pl.ds(0, B)], ibuf.at[k % NBI],
                              semi.at[k % NSI]).wait()

    def add_off(k):
        if prep is not None:
            prep(k % NBI)

    def gather_start(k):
        pltpu.async_copy(tab.at[ibuf.at[k % NBI, 0]], rows.at[k % NB],
                         semg.at[k % 2])

    def gather_wait(k):
        pltpu.make_async_copy(tab.at[ibuf.at[k % NBI, 0]], rows.at[k % NB],
                              semg.at[k % 2]).wait()

    def scatter_start(k):
        pltpu.async_copy(rows.at[k % NB], agg.at[ibuf.at[k % NBI, 1]],
                         sems.at[k % NB], add=True)

    def scatter_wait(k):
        pltpu.make_async_copy(rows.at[k % NB], agg.at[ibuf.at[k % NBI, 1]],
                              sems.at[k % NB]).wait()

    def body(k, do_ws, do_s, do_i):
        if do_ws:
            scatter_wait(k - 2)
        idx_wait(k + 1)
        add_off(k + 1)
        gather_start(k + 1)
        if do_s:
            gather_wait(k - 1)
            scatter_start(k - 1)
        if do_i:
            idx_start(k + NSI + 1)
        return 0

    n = nsteps
    for k in range(NSI):
        idx_start(k)
    body(-1, False, False, True)
    body(0, False, False, True)
    body(1, False, True, True)
    lax.fori_loop(2, n - NSI - 1, lambda k, _: body(k, True, True, True), 0)
    for k in range(n - NSI - 1, n - 1):
        body(k, True, True, False)
    scatter_wait(n - 3)
    gather_wait(n - 2)
    scatter_start(n - 2)
    scatter_wait(n - 2)
    gather_wait(n - 1)
    scatter_start(n - 1)
    scatter_wait(n - 1)


@functools.partial(
    pl.kernel,
    out_type=jax.ShapeDtypeStruct((2, NPAD, D1), jnp.float32),
    mesh=_MESH,
    scratch_types=[
        pltpu.VMEM((NBI, 2, B), jnp.int32),
        pltpu.VMEM((NB, B, D1), jnp.float32),
        pltpu.VMEM_SHARED((NPAD, D1), jnp.float32),
        pltpu.SemaphoreType.DMA((NSI,)),
        pltpu.SemaphoreType.DMA((2,)),
        pltpu.SemaphoreType.DMA((NB,)),
    ],
    compiler_params=pltpu.CompilerParams(use_tc_tiling_on_sc=False),
)
def _sc_agg1(xa_hbm, ei_hbm, out_hbm, ibuf, rows, agg, semi, semg, sems):
    c = lax.axis_index("c")
    s = lax.axis_index("s")
    _zero_spmem(rows, agg, s, D1)
    plsc.subcore_barrier()

    ebase = c * (E // 2) + s * (E // 32)
    _edge_pipeline(ei_hbm, xa_hbm, agg, ibuf, rows, semi, semg, sems,
                   ebase, (E // 32) // B, None)
    plsc.subcore_barrier()

    rbase = TPS * s
    pltpu.sync_copy(agg.at[pl.ds(rbase, TPS), :], out_hbm.at[c, pl.ds(rbase, TPS), :])


@functools.partial(
    pl.kernel,
    out_type=jax.ShapeDtypeStruct((2, NPAD, DH), jnp.float32),
    mesh=_MESH,
    scratch_types=[
        pltpu.VMEM((NBI, 2, B), jnp.int32),
        pltpu.VMEM((NB, B, DH), jnp.float32),
        pltpu.VMEM_SHARED((NPAD, DH), jnp.float32),
        pltpu.SemaphoreType.DMA((NSI,)),
        pltpu.SemaphoreType.DMA((2,)),
        pltpu.SemaphoreType.DMA((NB,)),
    ],
    compiler_params=pltpu.CompilerParams(use_tc_tiling_on_sc=False),
)
def _sc_agg2(hs_hbm, ei_hbm, out_hbm, ibuf, rows, agg, semi, semg, sems):
    c = lax.axis_index("c")
    s = lax.axis_index("s")
    _zero_spmem(rows, agg, s, DH)
    plsc.subcore_barrier()

    off = c * N

    def addoff(it):
        def body(j, _):
            ibuf[it, 0, pl.ds(j * 16, 16)] = ibuf[it, 0, pl.ds(j * 16, 16)] + off
            return 0

        lax.fori_loop(0, B // 16, body, 0)

    ebase = s * (E // 16)
    _edge_pipeline(ei_hbm, hs_hbm, agg, ibuf, rows, semi, semg, sems,
                   ebase, (E // 16) // B, addoff)
    plsc.subcore_barrier()

    rbase = TPS * s
    pltpu.sync_copy(agg.at[pl.ds(rbase, TPS), :], out_hbm.at[c, pl.ds(rbase, TPS), :])


_R = 1000


def _dot_t(a, w):
    return lax.dot_general(a, w, (((1,), (1,)), ((), ())),
                           preferred_element_type=jnp.float32)


def _tc1_body(parts_ref, x_ref, wl_ref, wr_ref, b_ref, hs_ref, dinv_ref):
    p0 = parts_ref[0]
    p1 = parts_ref[1]
    agg = p0[:, :IN_DIM] + p1[:, :IN_DIM]
    deg = p0[:, IN_DIM:IN_DIM + 1] + p1[:, IN_DIM:IN_DIM + 1]
    dinv = 1.0 / jnp.maximum(deg, 1.0)
    mean = agg * dinv
    h = _dot_t(mean, wl_ref[...]) + _dot_t(x_ref[...], wr_ref[...]) + b_ref[...][None, :]
    h = jnp.maximum(h, 0.0)
    hs_ref[0] = h[:, :DH]
    hs_ref[1] = h[:, DH:]
    dinv_ref[...] = dinv


def _tc1(parts, x, Wl1, Wr1, b1):
    return pl.pallas_call(
        _tc1_body,
        grid=(N // _R,),
        in_specs=[
            pl.BlockSpec((2, _R, D1), lambda i: (0, i, 0)),
            pl.BlockSpec((_R, IN_DIM), lambda i: (i, 0)),
            pl.BlockSpec((HID, IN_DIM), lambda i: (0, 0)),
            pl.BlockSpec((HID, IN_DIM), lambda i: (0, 0)),
            pl.BlockSpec((HID,), lambda i: (0,)),
        ],
        out_specs=[
            pl.BlockSpec((2, _R, DH), lambda i: (0, i, 0)),
            pl.BlockSpec((_R, 1), lambda i: (i, 0)),
        ],
        out_shape=[
            jax.ShapeDtypeStruct((2, N, DH), jnp.float32),
            jax.ShapeDtypeStruct((N, 1), jnp.float32),
        ],
    )(parts, x, Wl1, Wr1, b1)


def _tc2_body(a2_ref, dinv_ref, hs_ref, wl_ref, wr_ref, b_ref, out_ref):
    dinv = dinv_ref[...]
    m0 = a2_ref[0] * dinv
    m1 = a2_ref[1] * dinv
    acc = (_dot_t(m0, wl_ref[:, :DH]) + _dot_t(m1, wl_ref[:, DH:])
           + _dot_t(hs_ref[0], wr_ref[:, :DH]) + _dot_t(hs_ref[1], wr_ref[:, DH:])
           + b_ref[...][None, :])
    out_ref[...] = jnp.maximum(acc, 0.0)


def _tc2(parts2, dinv, hs, Wl2, Wr2, b2):
    return pl.pallas_call(
        _tc2_body,
        grid=(N // _R,),
        in_specs=[
            pl.BlockSpec((2, _R, DH), lambda i: (0, i, 0)),
            pl.BlockSpec((_R, 1), lambda i: (i, 0)),
            pl.BlockSpec((2, _R, DH), lambda i: (0, i, 0)),
            pl.BlockSpec((HID, HID), lambda i: (0, 0)),
            pl.BlockSpec((HID, HID), lambda i: (0, 0)),
            pl.BlockSpec((HID,), lambda i: (0,)),
        ],
        out_specs=pl.BlockSpec((_R, HID), lambda i: (i, 0)),
        out_shape=jax.ShapeDtypeStruct((N, HID), jnp.float32),
    )(parts2, dinv, hs, Wl2, Wr2, b2)


def kernel(x, edge_index, Wl1, Wr1, b1, Wl2, Wr2, b2):
    ei = edge_index.astype(jnp.int32)
    xa = jnp.concatenate(
        [x, jnp.ones((N, 1), jnp.float32), jnp.zeros((N, D1 - IN_DIM - 1), jnp.float32)],
        axis=1)
    parts1 = _sc_agg1(xa, ei)
    hs, dinv = _tc1(parts1, x, Wl1, Wr1, b1)
    hflat = hs.reshape(2 * N, DH)
    parts2 = _sc_agg2(hflat, ei)
    return _tc2(parts2, dinv, hs, Wl2, Wr2, b2)

# --- scband reference (transcript-rebuilt; emitter-appended) ---
"""Pipeline reference for scband-gnnstack-36223754174570 (READ-ONLY COPY).

The authoritative reference and input builder live on the scoring server;
editing this copy changes nothing except your own understanding.
"""

import jax, jax.numpy as jnp
import numpy as np

N_NODES = 10000
N_EDGES = 320000
IN_DIM = 128
HID_DIM = 256


def _glorot(key, shape):
    fan_in, fan_out = shape[1], shape[0]
    limit = float(np.sqrt(6.0 / (fan_in + fan_out)))
    return jax.random.uniform(key, shape, dtype=jnp.float32, minval=-limit, maxval=limit)


def setup_inputs(seed: int = 0) -> dict:
    key = jax.random.key(seed)
    ks = jax.random.split(key, 8)
    x = jax.random.normal(ks[0], (N_NODES, IN_DIM), dtype=jnp.float32)
    edge_index = jax.random.randint(ks[1], (2, N_EDGES), 0, N_NODES, dtype=jnp.int64)
    # SAGEConv layer 1 params (lin_l acts on aggregated neighbors w/ bias, lin_r on self)
    Wl1 = _glorot(ks[2], (HID_DIM, IN_DIM))
    Wr1 = _glorot(ks[3], (HID_DIM, IN_DIM))
    b1 = jnp.zeros((HID_DIM,), dtype=jnp.float32)
    # SAGEConv layer 2 params
    Wl2 = _glorot(ks[4], (HID_DIM, HID_DIM))
    Wr2 = _glorot(ks[5], (HID_DIM, HID_DIM))
    b2 = jnp.zeros((HID_DIM,), dtype=jnp.float32)
    return {"x": x, "edge_index": edge_index, "Wl1": Wl1, "Wr1": Wr1, "b1": b1,
            "Wl2": Wl2, "Wr2": Wr2, "b2": b2}


def _sage_conv(x, edge_index, Wl, Wr, b):
    # PyG SAGEConv with default mean aggregation:
    # out = lin_l(mean_{j in N(i)} x_j) + lin_r(x_i)
    n = x.shape[0]
    src = edge_index[0]
    dst = edge_index[1]
    msgs = jnp.take(x, src, axis=0)                              # gather
    agg = jax.ops.segment_sum(msgs, dst, num_segments=n)          # scatter-add
    deg = jax.ops.segment_sum(jnp.ones((edge_index.shape[1],), dtype=x.dtype), dst, num_segments=n)
    mean = agg / jnp.clip(deg, 1.0, None)[:, None]
    return mean @ Wl.T + b + x @ Wr.T


def reference(x, edge_index, Wl1, Wr1, b1, Wl2, Wr2, b2):
    h = jax.nn.relu(_sage_conv(x, edge_index, Wl1, Wr1, b1))
    h = jax.nn.relu(_sage_conv(h, edge_index, Wl2, Wr2, b2))
    return h

if __name__ == "__main__":
    import jax
    _d = setup_inputs()
    print(jax.jit(kernel)(*tuple(_d.values())))

</pallas_src>

<mosaic_0001>
#map = affine_map<(d0, d1) -> (0, 0)>
#map1 = affine_map<(d0, d1) -> (0, 0, 0)>
module attributes {stable_mosaic.version = 14 : i64} {
  func.func @_sc_agg2(%arg0: i32, %arg1: i32, %arg2: memref<20000x128xf32, #tpu.memory_space<hbm>>, %arg3: memref<2x320000xi32, #tpu.memory_space<hbm>>, %arg4: memref<2x10240x128xf32, #tpu.memory_space<hbm>>, %arg5: memref<6x2x80xi32, #tpu.memory_space<vmem>>, %arg6: memref<3x80x128xf32, #tpu.memory_space<vmem>>, %arg7: memref<10240x128xf32, #tpu.memory_space<vmem_shared>>, %arg8: memref<3x!tpu.dma_semaphore, #tpu.memory_space<semaphore_mem>>, %arg9: memref<2x!tpu.dma_semaphore, #tpu.memory_space<semaphore_mem>>, %arg10: memref<3x!tpu.dma_semaphore, #tpu.memory_space<semaphore_mem>>) attributes {dimension_semantics = [#tpu.dimension_semantics<core_parallel>, #tpu.dimension_semantics<subcore_parallel>], iteration_bounds = array<i64: 2, 16>, scalar_prefetch = 0 : i64, scratch_operands = 6 : i64, tpu.core_type = #tpu.core_type<sc_vector_subcore>, window_params = [{transform_indices = #map}, {transform_indices = #map}, {transform_indices = #map1}]} {
    %broadcast_in_dim3A = arith.constant 0.000000e+00 : f32
    %broadcast_in_dim3A_0 = vector.broadcast %broadcast_in_dim3A : f32 to vector<16xf32>
    %scan3A = arith.constant 0 : i32
    %scan3A_1 = arith.constant 0 : i32
    %scan3A_2 = arith.constant 80 : i32
    %scan3A_3 = arith.addi %scan3A_1, %scan3A_2 : i32
    %scan3A_4 = arith.constant 1 : i32
    %scan3A_5 = scf.for %scan3A_671 = %scan3A_1 to %scan3A_3 step %scan3A_4 iter_args(%scan3A_672 = %scan3A) -> (i32)  : i32 {
      %scan3A_673 = arith.constant 0 : i32
      %scan3A_674 = arith.constant 0 : i32
      %scan3A_675 = arith.constant 8 : i32
      %scan3A_676 = arith.addi %scan3A_674, %scan3A_675 : i32
      %scan3A_677 = arith.constant 1 : i32
      %scan3A_678 = scf.for %scan3A_680 = %scan3A_674 to %scan3A_676 step %scan3A_677 iter_args(%scan3A_681 = %scan3A_673) -> (i32)  : i32 {
        %mul3A_682 = arith.constant 16 : i32
        %mul3A_683 = arith.muli %scan3A_680, %mul3A_682 : i32
        %swap3A = arith.constant 0 : i32
        %swap3A_684 = arith.index_cast %swap3A : i32 to index
        %swap3A_685 = arith.index_cast %scan3A_671 : i32 to index
        %swap3A_686 = arith.index_cast %mul3A_683 : i32 to index
        %swap3A_687 = tpu.vector_load %arg6[%swap3A_684, %swap3A_685, %swap3A_686] {strides = array<i32>} : memref<3x80x128xf32, #tpu.memory_space<vmem>>, vector<1x1x16xf32>,
        %swap3A_688 = vector.shape_cast %swap3A_687 : vector<1x1x16xf32> to vector<16xf32>
        %swap3A_689 = vector.shape_cast %broadcast_in_dim3A_0 : vector<16xf32> to vector<1x1x16xf32>
        tpu.vector_store %arg6[%swap3A_684, %swap3A_685, %swap3A_686], %swap3A_689 {strides = array<i32>} : memref<3x80x128xf32, #tpu.memory_space<vmem>>, vector<1x1x16xf32>,
        %scan3A_690 = arith.constant 0 : i32
        scf.yield %scan3A_690 : i32
      }
      %scan3A_679 = arith.constant 8 : i32
      scf.yield %scan3A_678 : i32
    }
    %scan3A_6 = arith.constant 80 : i32
    %scan3A_7 = arith.constant 0 : i32
    %scan3A_8 = arith.constant 0 : i32
    %scan3A_9 = arith.constant 8 : i32
    %scan3A_10 = arith.addi %scan3A_8, %scan3A_9 : i32
    %scan3A_11 = arith.constant 1 : i32
    %scan3A_12 = scf.for %scan3A_671 = %scan3A_8 to %scan3A_10 step %scan3A_11 iter_args(%scan3A_672 = %scan3A_7) -> (i32)  : i32 {
      %mul3A_673 = arith.constant 640 : i32
      %mul3A_674 = arith.muli %mul3A_673, %arg1 : i32
      %mul3A_675 = arith.constant 80 : i32
      %mul3A_676 = arith.muli %mul3A_675, %scan3A_671 : i32
      %add3A_677 = arith.addi %mul3A_674, %mul3A_676 : i32
      %run_scoped3A = arith.constant 0 : i32
      "tpu.region"() ({
        %run_scoped3A_679 = tpu.sem_alloc : memref<!tpu.dma_semaphore, #tpu.memory_space<semaphore_mem>>
        %dma_start3A_680 = arith.constant 0 : i32
        %dma_start3A_681 = arith.constant 0 : i32
        %dma_start3A_682 = tpu.memref_slice %arg6[%run_scoped3A, %dma_start3A_680, %dma_start3A_681] : memref<3x80x128xf32, #tpu.memory_space<vmem>> -> memref<1x80x128xf32, #tpu.memory_space<vmem>>
        %dma_start3A_683 = tpu.memref_squeeze %dma_start3A_682 : memref<1x80x128xf32, #tpu.memory_space<vmem>> -> memref<80x128xf32, #tpu.memory_space<vmem>>
        %dma_start3A_684 = arith.constant 0 : i32
        %dma_start3A_685 = tpu.memref_slice %arg7[%add3A_677, %dma_start3A_684] : memref<10240x128xf32, #tpu.memory_space<vmem_shared>> -> memref<80x128xf32, #tpu.memory_space<vmem_shared>>
        %dma_start3A_686 = arith.constant 0 : i32
        %dma_start3A_687 = tpu.memref_slice %arg7[%add3A_677, %dma_start3A_686] : memref<10240x128xf32, #tpu.memory_space<vmem_shared>> -> memref<80x128xf32, #tpu.memory_space<vmem_shared>>
        %dma_start3A_688 = arith.constant 0 : i32
        %dma_start3A_689 = arith.constant 0 : i32
        %dma_start3A_690 = tpu.memref_slice %arg6[%run_scoped3A, %dma_start3A_688, %dma_start3A_689] : memref<3x80x128xf32, #tpu.memory_space<vmem>> -> memref<1x80x128xf32, #tpu.memory_space<vmem>>
        %dma_start3A_691 = tpu.memref_squeeze %dma_start3A_690 : memref<1x80x128xf32, #tpu.memory_space<vmem>> -> memref<80x128xf32, #tpu.memory_space<vmem>>
        tpu.enqueue_dma source(%dma_start3A_691 : memref<80x128xf32, #tpu.memory_space<vmem>>) target(%dma_start3A_687 : memref<80x128xf32, #tpu.memory_space<vmem_shared>>) target_semaphore(%run_scoped3A_679 : memref<!tpu.dma_semaphore, #tpu.memory_space<semaphore_mem>>)
        %dma_wait3A_692 = arith.constant 0 : i32
        %dma_wait3A_693 = arith.constant 0 : i32
        %dma_wait3A_694 = tpu.memref_slice %arg6[%run_scoped3A, %dma_wait3A_692, %dma_wait3A_693] : memref<3x80x128xf32, #tpu.memory_space<vmem>> -> memref<1x80x128xf32, #tpu.memory_space<vmem>>
        %dma_wait3A_695 = tpu.memref_squeeze %dma_wait3A_694 : memref<1x80x128xf32, #tpu.memory_space<vmem>> -> memref<80x128xf32, #tpu.memory_space<vmem>>
        %dma_wait3A_696 = arith.constant 0 : i32
        %dma_wait3A_697 = tpu.memref_slice %arg7[%add3A_677, %dma_wait3A_696] : memref<10240x128xf32, #tpu.memory_space<vmem_shared>> -> memref<80x128xf32, #tpu.memory_space<vmem_shared>>
        %dma_wait3A_698 = arith.constant 0 : i32
        %dma_wait3A_699 = tpu.memref_slice %arg7[%add3A_677, %dma_wait3A_698] : memref<10240x128xf32, #tpu.memory_space<vmem_shared>> -> memref<80x128xf32, #tpu.memory_space<vmem_shared>>
        %dma_wait3A_700 = arith.constant 0 : i32
        %dma_wait3A_701 = arith.constant 0 : i32
        %dma_wait3A_702 = tpu.memref_slice %arg6[%run_scoped3A, %dma_wait3A_700, %dma_wait3A_701] : memref<3x80x128xf32, #tpu.memory_space<vmem>> -> memref<1x80x128xf32, #tpu.memory_space<vmem>>
        %dma_wait3A_703 = tpu.memref_squeeze %dma_wait3A_702 : memref<1x80x128xf32, #tpu.memory_space<vmem>> -> memref<80x128xf32, #tpu.memory_space<vmem>>
        tpu.wait_dma2 semaphore(%run_scoped3A_679 : memref<!tpu.dma_semaphore, #tpu.memory_space<semaphore_mem>>) src(%dma_wait3A_703 : memref<80x128xf32, #tpu.memory_space<vmem>>) dst(%dma_wait3A_699 : memref<80x128xf32, #tpu.memory_space<vmem_shared>>)
        tpu.yield
      }) : () -> ()
      %scan3A_678 = arith.constant 0 : i32
      scf.yield %scan3A_678 : i32
    }
    %scan3A_13 = arith.constant 8 : i32
    %barrier3A = arith.constant 0 : index
    tpu.barrier barrier_id(%barrier3A)
    %mul3A = arith.constant 10000 : i32
    %mul3A_14 = arith.muli %arg0, %mul3A : i32
    %mul3A_15 = arith.constant 20000 : i32
    %mul3A_16 = arith.muli %arg1, %mul3A_15 : i32
    %add3A = arith.constant 0 : i32
    %add3A_17 = arith.addi %mul3A_16, %add3A : i32
    %multiple_of3A = tpu.assume_multiple %add3A_17, 8 : i32
    %dma_start3A = arith.constant 0 : i32
    %dma_start3A_18 = arith.constant 0 : i32
    %dma_start3A_19 = arith.constant 0 : i32
    %dma_start3A_20 = arith.constant 0 : i32
    %dma_start3A_21 = tpu.memref_slice %arg5[%dma_start3A, %dma_start3A_19, %dma_start3A_20] : memref<6x2x80xi32, #tpu.memory_space<vmem>> -> memref<1x2x80xi32, #tpu.memory_space<vmem>>
    %dma_start3A_22 = tpu.memref_squeeze %dma_start3A_21 : memref<1x2x80xi32, #tpu.memory_space<vmem>> -> memref<2x80xi32, #tpu.memory_space<vmem>>
    %dma_start3A_23 = arith.constant 0 : i32
    %dma_start3A_24 = tpu.memref_slice %arg3[%dma_start3A_23, %multiple_of3A] : memref<2x320000xi32, #tpu.memory_space<hbm>> -> memref<2x80xi32, #tpu.memory_space<hbm>>
    %dma_start3A_25 = tpu.memref_slice %arg8[%dma_start3A_18] : memref<3x!tpu.dma_semaphore, #tpu.memory_space<semaphore_mem>> -> memref<1x!tpu.dma_semaphore, #tpu.memory_space<semaphore_mem>>
    %dma_start3A_26 = tpu.memref_squeeze %dma_start3A_25 : memref<1x!tpu.dma_semaphore, #tpu.memory_space<semaphore_mem>> -> memref<!tpu.dma_semaphore, #tpu.memory_space<semaphore_mem>>
    %dma_start3A_27 = arith.constant 0 : i32
    %dma_start3A_28 = arith.constant 0 : i32
    %dma_start3A_29 = tpu.memref_slice %arg5[%dma_start3A, %dma_start3A_27, %dma_start3A_28] : memref<6x2x80xi32, #tpu.memory_space<vmem>> -> memref<1x2x80xi32, #tpu.memory_space<vmem>>
    %dma_start3A_30 = tpu.memref_squeeze %dma_start3A_29 : memref<1x2x80xi32, #tpu.memory_space<vmem>> -> memref<2x80xi32, #tpu.memory_space<vmem>>
    %dma_start3A_31 = arith.constant 0 : i32
    %dma_start3A_32 = tpu.memref_slice %arg3[%dma_start3A_31, %multiple_of3A] : memref<2x320000xi32, #tpu.memory_space<hbm>> -> memref<2x80xi32, #tpu.memory_space<hbm>>
    tpu.enqueue_dma source(%dma_start3A_32 : memref<2x80xi32, #tpu.memory_space<hbm>>) target(%dma_start3A_30 : memref<2x80xi32, #tpu.memory_space<vmem>>) target_semaphore(%dma_start3A_26 : memref<!tpu.dma_semaphore, #tpu.memory_space<semaphore_mem>>)
    %add3A_33 = arith.constant 80 : i32
    %add3A_34 = arith.addi %mul3A_16, %add3A_33 : i32
    %multiple_of3A_35 = tpu.assume_multiple %add3A_34, 8 : i32
    %dma_start3A_36 = arith.constant 1 : i32
    %dma_start3A_37 = arith.constant 1 : i32
    %dma_start3A_38 = arith.constant 0 : i32
    %dma_start3A_39 = arith.constant 0 : i32
    %dma_start3A_40 = tpu.memref_slice %arg5[%dma_start3A_36, %dma_start3A_38, %dma_start3A_39] : memref<6x2x80xi32, #tpu.memory_space<vmem>> -> memref<1x2x80xi32, #tpu.memory_space<vmem>>
    %dma_start3A_41 = tpu.memref_squeeze %dma_start3A_40 : memref<1x2x80xi32, #tpu.memory_space<vmem>> -> memref<2x80xi32, #tpu.memory_space<vmem>>
    %dma_start3A_42 = arith.constant 0 : i32
    %dma_start3A_43 = tpu.memref_slice %arg3[%dma_start3A_42, %multiple_of3A_35] : memref<2x320000xi32, #tpu.memory_space<hbm>> -> memref<2x80xi32, #tpu.memory_space<hbm>>
    %dma_start3A_44 = tpu.memref_slice %arg8[%dma_start3A_37] : memref<3x!tpu.dma_semaphore, #tpu.memory_space<semaphore_mem>> -> memref<1x!tpu.dma_semaphore, #tpu.memory_space<semaphore_mem>>
    %dma_start3A_45 = tpu.memref_squeeze %dma_start3A_44 : memref<1x!tpu.dma_semaphore, #tpu.memory_space<semaphore_mem>> -> memref<!tpu.dma_semaphore, #tpu.memory_space<semaphore_mem>>
    %dma_start3A_46 = arith.constant 0 : i32
    %dma_start3A_47 = arith.constant 0 : i32
    %dma_start3A_48 = tpu.memref_slice %arg5[%dma_start3A_36, %dma_start3A_46, %dma_start3A_47] : memref<6x2x80xi32, #tpu.memory_space<vmem>> -> memref<1x2x80xi32, #tpu.memory_space<vmem>>
    %dma_start3A_49 = tpu.memref_squeeze %dma_start3A_48 : memref<1x2x80xi32, #tpu.memory_space<vmem>> -> memref<2x80xi32, #tpu.memory_space<vmem>>
    %dma_start3A_50 = arith.constant 0 : i32
    %dma_start3A_51 = tpu.memref_slice %arg3[%dma_start3A_50, %multiple_of3A_35] : memref<2x320000xi32, #tpu.memory_space<hbm>> -> memref<2x80xi32, #tpu.memory_space<hbm>>
    tpu.enqueue_dma source(%dma_start3A_51 : memref<2x80xi32, #tpu.memory_space<hbm>>) target(%dma_start3A_49 : memref<2x80xi32, #tpu.memory_space<vmem>>) target_semaphore(%dma_start3A_45 : memref<!tpu.dma_semaphore, #tpu.memory_space<semaphore_mem>>)
    %add3A_52 = arith.constant 160 : i32
    %add3A_53 = arith.addi %mul3A_16, %add3A_52 : i32
    %multiple_of3A_54 = tpu.assume_multiple %add3A_53, 8 : i32
    %dma_start3A_55 = arith.constant 2 : i32
    %dma_start3A_56 = arith.constant 2 : i32
    %dma_start3A_57 = arith.constant 0 : i32
    %dma_start3A_58 = arith.constant 0 : i32
    %dma_start3A_59 = tpu.memref_slice %arg5[%dma_start3A_55, %dma_start3A_57, %dma_start3A_58] : memref<6x2x80xi32, #tpu.memory_space<vmem>> -> memref<1x2x80xi32, #tpu.memory_space<vmem>>
    %dma_start3A_60 = tpu.memref_squeeze %dma_start3A_59 : memref<1x2x80xi32, #tpu.memory_space<vmem>> -> memref<2x80xi32, #tpu.memory_space<vmem>>
    %dma_start3A_61 = arith.constant 0 : i32
    %dma_start3A_62 = tpu.memref_slice %arg3[%dma_start3A_61, %multiple_of3A_54] : memref<2x320000xi32, #tpu.memory_space<hbm>> -> memref<2x80xi32, #tpu.memory_space<hbm>>
    %dma_start3A_63 = tpu.memref_slice %arg8[%dma_start3A_56] : memref<3x!tpu.dma_semaphore, #tpu.memory_space<semaphore_mem>> -> memref<1x!tpu.dma_semaphore, #tpu.memory_space<semaphore_mem>>
    %dma_start3A_64 = tpu.memref_squeeze %dma_start3A_63 : memref<1x!tpu.dma_semaphore, #tpu.memory_space<semaphore_mem>> -> memref<!tpu.dma_semaphore, #tpu.memory_space<semaphore_mem>>
    %dma_start3A_65 = arith.constant 0 : i32
    %dma_start3A_66 = arith.constant 0 : i32
    %dma_start3A_67 = tpu.memref_slice %arg5[%dma_start3A_55, %dma_start3A_65, %dma_start3A_66] : memref<6x2x80xi32, #tpu.memory_space<vmem>> -> memref<1x2x80xi32, #tpu.memory_space<vmem>>
    %dma_start3A_68 = tpu.memref_squeeze %dma_start3A_67 : memref<1x2x80xi32, #tpu.memory_space<vmem>> -> memref<2x80xi32, #tpu.memory_space<vmem>>
    %dma_start3A_69 = arith.constant 0 : i32
    %dma_start3A_70 = tpu.memref_slice %arg3[%dma_start3A_69, %multiple_of3A_54] : memref<2x320000xi32, #tpu.memory_space<hbm>> -> memref<2x80xi32, #tpu.memory_space<hbm>>
    tpu.enqueue_dma source(%dma_start3A_70 : memref<2x80xi32, #tpu.memory_space<hbm>>) target(%dma_start3A_68 : memref<2x80xi32, #tpu.memory_space<vmem>>) target_semaphore(%dma_start3A_64 : memref<!tpu.dma_semaphore, #tpu.memory_space<semaphore_mem>>)
    %dma_wait3A = arith.constant 0 : i32
    %dma_wait3A_71 = arith.constant 0 : i32
    %dma_wait3A_72 = arith.constant 0 : i32
    %dma_wait3A_73 = arith.constant 0 : i32
    %dma_wait3A_74 = tpu.memref_slice %arg5[%dma_wait3A, %dma_wait3A_72, %dma_wait3A_73] : memref<6x2x80xi32, #tpu.memory_space<vmem>> -> memref<1x2x80xi32, #tpu.memory_space<vmem>>
    %dma_wait3A_75 = tpu.memref_squeeze %dma_wait3A_74 : memref<1x2x80xi32, #tpu.memory_space<vmem>> -> memref<2x80xi32, #tpu.memory_space<vmem>>
    %dma_wait3A_76 = arith.constant 0 : i32
    %dma_wait3A_77 = arith.constant 0 : i32
    %dma_wait3A_78 = tpu.memref_slice %arg3[%dma_wait3A_76, %dma_wait3A_77] : memref<2x320000xi32, #tpu.memory_space<hbm>> -> memref<2x80xi32, #tpu.memory_space<hbm>>
    %dma_wait3A_79 = tpu.memref_slice %arg8[%dma_wait3A_71] : memref<3x!tpu.dma_semaphore, #tpu.memory_space<semaphore_mem>> -> memref<1x!tpu.dma_semaphore, #tpu.memory_space<semaphore_mem>>
    %dma_wait3A_80 = tpu.memref_squeeze %dma_wait3A_79 : memref<1x!tpu.dma_semaphore, #tpu.memory_space<semaphore_mem>> -> memref<!tpu.dma_semaphore, #tpu.memory_space<semaphore_mem>>
    %dma_wait3A_81 = arith.constant 0 : i32
    %dma_wait3A_82 = arith.constant 0 : i32
    %dma_wait3A_83 = tpu.memref_slice %arg5[%dma_wait3A, %dma_wait3A_81, %dma_wait3A_82] : memref<6x2x80xi32, #tpu.memory_space<vmem>> -> memref<1x2x80xi32, #tpu.memory_space<vmem>>
    %dma_wait3A_84 = tpu.memref_squeeze %dma_wait3A_83 : memref<1x2x80xi32, #tpu.memory_space<vmem>> -> memref<2x80xi32, #tpu.memory_space<vmem>>
    %dma_wait3A_85 = arith.constant 0 : i32
    %dma_wait3A_86 = arith.constant 0 : i32
    %dma_wait3A_87 = tpu.memref_slice %arg3[%dma_wait3A_85, %dma_wait3A_86] : memref<2x320000xi32, #tpu.memory_space<hbm>> -> memref<2x80xi32, #tpu.memory_space<hbm>>
    tpu.wait_dma2 semaphore(%dma_wait3A_80 : memref<!tpu.dma_semaphore, #tpu.memory_space<semaphore_mem>>) src(%dma_wait3A_87 : memref<2x80xi32, #tpu.memory_space<hbm>>) dst(%dma_wait3A_84 : memref<2x80xi32, #tpu.memory_space<vmem>>)
    %scan3A_88 = arith.constant 0 : i32
    %scan3A_89 = arith.constant 0 : i32
    %scan3A_90 = arith.constant 5 : i32
    %scan3A_91 = arith.addi %scan3A_89, %scan3A_90 : i32
    %scan3A_92 = arith.constant 1 : i32
    %scan3A_93 = scf.for %scan3A_671 = %scan3A_89 to %scan3A_91 step %scan3A_92 iter_args(%scan3A_672 = %scan3A_88) -> (i32)  : i32 {
      %mul3A_673 = arith.constant 16 : i32
      %mul3A_674 = arith.muli %scan3A_671, %mul3A_673 : i32
      %get3A = arith.constant 0 : i32
      %get3A_675 = arith.constant 0 : i32
      %get3A_676 = arith.index_cast %get3A : i32 to index
      %get3A_677 = arith.index_cast %get3A_675 : i32 to index
      %get3A_678 = arith.index_cast %mul3A_674 : i32 to index
      %get3A_679 = tpu.vector_load %arg5[%get3A_676, %get3A_677, %get3A_678] {strides = array<i32>} : memref<6x2x80xi32, #tpu.memory_space<vmem>>, vector<1x1x16xi32>,
      %get3A_680 = vector.shape_cast %get3A_679 : vector<1x1x16xi32> to vector<16xi32>
      %add3A_681 = vector.broadcast %mul3A_14 : i32 to vector<16xi32>
      %add3A_682 = arith.addi %get3A_680, %add3A_681 : vector<16xi32>
      %mul3A_683 = arith.constant 16 : i32
      %mul3A_684 = arith.muli %scan3A_671, %mul3A_683 : i32
      %swap3A = arith.constant 0 : i32
      %swap3A_685 = arith.constant 0 : i32
      %swap3A_686 = arith.index_cast %swap3A : i32 to index
      %swap3A_687 = arith.index_cast %swap3A_685 : i32 to index
      %swap3A_688 = arith.index_cast %mul3A_684 : i32 to index
      %swap3A_689 = tpu.vector_load %arg5[%swap3A_686, %swap3A_687, %swap3A_688] {strides = array<i32>} : memref<6x2x80xi32, #tpu.memory_space<vmem>>, vector<1x1x16xi32>,
      %swap3A_690 = vector.shape_cast %swap3A_689 : vector<1x1x16xi32> to vector<16xi32>
      %swap3A_691 = vector.shape_cast %add3A_682 : vector<16xi32> to vector<1x1x16xi32>
      tpu.vector_store %arg5[%swap3A_686, %swap3A_687, %swap3A_688], %swap3A_691 {strides = array<i32>} : memref<6x2x80xi32, #tpu.memory_space<vmem>>, vector<1x1x16xi32>,
      %scan3A_692 = arith.constant 0 : i32
      scf.yield %scan3A_692 : i32
    }
    %scan3A_94 = arith.constant 5 : i32
    %dma_start3A_95 = arith.constant 0 : i32
    %dma_start3A_96 = arith.constant 0 : i32
    %dma_start3A_97 = arith.constant 0 : i32
    %dma_start3A_98 = arith.constant 0 : i32
    %dma_start3A_99 = arith.constant 0 : i32
    %dma_start3A_100 = arith.constant 0 : i32
    %dma_start3A_101 = tpu.memref_slice %arg6[%dma_start3A_97, %dma_start3A_99, %dma_start3A_100] : memref<3x80x128xf32, #tpu.memory_space<vmem>> -> memref<1x80x128xf32, #tpu.memory_space<vmem>>
    %dma_start3A_102 = tpu.memref_squeeze %dma_start3A_101 : memref<1x80x128xf32, #tpu.memory_space<vmem>> -> memref<80x128xf32, #tpu.memory_space<vmem>>
    %dma_start3A_103 = arith.constant 0 : i32
    %dma_start3A_104 = tpu.memref_slice %arg5[%dma_start3A_95, %dma_start3A_96, %dma_start3A_103] : memref<6x2x80xi32, #tpu.memory_space<vmem>> -> memref<1x1x80xi32, #tpu.memory_space<vmem>>
    %dma_start3A_105 = tpu.memref_squeeze %dma_start3A_104 : memref<1x1x80xi32, #tpu.memory_space<vmem>> -> memref<80xi32, #tpu.memory_space<vmem>>
    %dma_start3A_106 = arith.constant 0 : i32
    %dma_start3A_107 = arith.constant 0 : i32
    %dma_start3A_108 = tpu.memref_slice %arg2[%dma_start3A_106, %dma_start3A_107] : memref<20000x128xf32, #tpu.memory_space<hbm>> -> memref<20000x128xf32, #tpu.memory_space<hbm>>
    %dma_start3A_109 = tpu.memref_slice %arg9[%dma_start3A_98] : memref<2x!tpu.dma_semaphore, #tpu.memory_space<semaphore_mem>> -> memref<1x!tpu.dma_semaphore, #tpu.memory_space<semaphore_mem>>
    %dma_start3A_110 = tpu.memref_squeeze %dma_start3A_109 : memref<1x!tpu.dma_semaphore, #tpu.memory_space<semaphore_mem>> -> memref<!tpu.dma_semaphore, #tpu.memory_space<semaphore_mem>>
    tpu.enqueue_indirect_dma source(%dma_start3A_108 : memref<20000x128xf32, #tpu.memory_space<hbm>>) target(%dma_start3A_102 : memref<80x128xf32, #tpu.memory_space<vmem>>) offsets(%dma_start3A_105 : memref<80xi32, #tpu.memory_space<vmem>>) semaphore(%dma_start3A_110 : memref<!tpu.dma_semaphore, #tpu.memory_space<semaphore_mem>>)
    %add3A_111 = arith.constant 240 : i32
    %add3A_112 = arith.addi %mul3A_16, %add3A_111 : i32
    %multiple_of3A_113 = tpu.assume_multiple %add3A_112, 8 : i32
    %dma_start3A_114 = arith.constant 3 : i32
    %dma_start3A_115 = arith.constant 0 : i32
    %dma_start3A_116 = arith.constant 0 : i32
    %dma_start3A_117 = arith.constant 0 : i32
    %dma_start3A_118 = tpu.memref_slice %arg5[%dma_start3A_114, %dma_start3A_116, %dma_start3A_117] : memref<6x2x80xi32, #tpu.memory_space<vmem>> -> memref<1x2x80xi32, #tpu.memory_space<vmem>>
    %dma_start3A_119 = tpu.memref_squeeze %dma_start3A_118 : memref<1x2x80xi32, #tpu.memory_space<vmem>> -> memref<2x80xi32, #tpu.memory_space<vmem>>
    %dma_start3A_120 = arith.constant 0 : i32
    %dma_start3A_121 = tpu.memref_slice %arg3[%dma_start3A_120, %multiple_of3A_113] : memref<2x320000xi32, #tpu.memory_space<hbm>> -> memref<2x80xi32, #tpu.memory_space<hbm>>
    %dma_start3A_122 = tpu.memref_slice %arg8[%dma_start3A_115] : memref<3x!tpu.dma_semaphore, #tpu.memory_space<semaphore_mem>> -> memref<1x!tpu.dma_semaphore, #tpu.memory_space<semaphore_mem>>
    %dma_start3A_123 = tpu.memref_squeeze %dma_start3A_122 : memref<1x!tpu.dma_semaphore, #tpu.memory_space<semaphore_mem>> -> memref<!tpu.dma_semaphore, #tpu.memory_space<semaphore_mem>>
    %dma_start3A_124 = arith.constant 0 : i32
    %dma_start3A_125 = arith.constant 0 : i32
    %dma_start3A_126 = tpu.memref_slice %arg5[%dma_start3A_114, %dma_start3A_124, %dma_start3A_125] : memref<6x2x80xi32, #tpu.memory_space<vmem>> -> memref<1x2x80xi32, #tpu.memory_space<vmem>>
    %dma_start3A_127 = tpu.memref_squeeze %dma_start3A_126 : memref<1x2x80xi32, #tpu.memory_space<vmem>> -> memref<2x80xi32, #tpu.memory_space<vmem>>
    %dma_start3A_128 = arith.constant 0 : i32
    %dma_start3A_129 = tpu.memref_slice %arg3[%dma_start3A_128, %multiple_of3A_113] : memref<2x320000xi32, #tpu.memory_space<hbm>> -> memref<2x80xi32, #tpu.memory_space<hbm>>
    tpu.enqueue_dma source(%dma_start3A_129 : memref<2x80xi32, #tpu.memory_space<hbm>>) target(%dma_start3A_127 : memref<2x80xi32, #tpu.memory_space<vmem>>) target_semaphore(%dma_start3A_123 : memref<!tpu.dma_semaphore, #tpu.memory_space<semaphore_mem>>)
    %dma_wait3A_130 = arith.constant 1 : i32
    %dma_wait3A_131 = arith.constant 1 : i32
    %dma_wait3A_132 = arith.constant 0 : i32
    %dma_wait3A_133 = arith.constant 0 : i32
    %dma_wait3A_134 = tpu.memref_slice %arg5[%dma_wait3A_130, %dma_wait3A_132, %dma_wait3A_133] : memref<6x2x80xi32, #tpu.memory_space<vmem>> -> memref<1x2x80xi32, #tpu.memory_space<vmem>>
    %dma_wait3A_135 = tpu.memref_squeeze %dma_wait3A_134 : memref<1x2x80xi32, #tpu.memory_space<vmem>> -> memref<2x80xi32, #tpu.memory_space<vmem>>
    %dma_wait3A_136 = arith.constant 0 : i32
    %dma_wait3A_137 = arith.constant 0 : i32
    %dma_wait3A_138 = tpu.memref_slice %arg3[%dma_wait3A_136, %dma_wait3A_137] : memref<2x320000xi32, #tpu.memory_space<hbm>> -> memref<2x80xi32, #tpu.memory_space<hbm>>
    %dma_wait3A_139 = tpu.memref_slice %arg8[%dma_wait3A_131] : memref<3x!tpu.dma_semaphore, #tpu.memory_space<semaphore_mem>> -> memref<1x!tpu.dma_semaphore, #tpu.memory_space<semaphore_mem>>
    %dma_wait3A_140 = tpu.memref_squeeze %dma_wait3A_139 : memref<1x!tpu.dma_semaphore, #tpu.memory_space<semaphore_mem>> -> memref<!tpu.dma_semaphore, #tpu.memory_space<semaphore_mem>>
    %dma_wait3A_141 = arith.constant 0 : i32
    %dma_wait3A_142 = arith.constant 0 : i32
    %dma_wait3A_143 = tpu.memref_slice %arg5[%dma_wait3A_130, %dma_wait3A_141, %dma_wait3A_142] : memref<6x2x80xi32, #tpu.memory_space<vmem>> -> memref<1x2x80xi32, #tpu.memory_space<vmem>>
    %dma_wait3A_144 = tpu.memref_squeeze %dma_wait3A_143 : memref<1x2x80xi32, #tpu.memory_space<vmem>> -> memref<2x80xi32, #tpu.memory_space<vmem>>
    %dma_wait3A_145 = arith.constant 0 : i32
    %dma_wait3A_146 = arith.constant 0 : i32
    %dma_wait3A_147 = tpu.memref_slice %arg3[%dma_wait3A_145, %dma_wait3A_146] : memref<2x320000xi32, #tpu.memory_space<hbm>> -> memref<2x80xi32, #tpu.memory_space<hbm>>
    tpu.wait_dma2 semaphore(%dma_wait3A_140 : memref<!tpu.dma_semaphore, #tpu.memory_space<semaphore_mem>>) src(%dma_wait3A_147 : memref<2x80xi32, #tpu.memory_space<hbm>>) dst(%dma_wait3A_144 : memref<2x80xi32, #tpu.memory_space<vmem>>)
    %scan3A_148 = arith.constant 0 : i32
    %scan3A_149 = arith.constant 0 : i32
    %scan3A_150 = arith.constant 5 : i32
    %scan3A_151 = arith.addi %scan3A_149, %scan3A_150 : i32
    %scan3A_152 = arith.constant 1 : i32
    %scan3A_153 = scf.for %scan3A_671 = %scan3A_149 to %scan3A_151 step %scan3A_152 iter_args(%scan3A_672 = %scan3A_148) -> (i32)  : i32 {
      %mul3A_673 = arith.constant 16 : i32
      %mul3A_674 = arith.muli %scan3A_671, %mul3A_673 : i32
      %get3A = arith.constant 1 : i32
      %get3A_675 = arith.constant 0 : i32
      %get3A_676 = arith.index_cast %get3A : i32 to index
      %get3A_677 = arith.index_cast %get3A_675 : i32 to index
      %get3A_678 = arith.index_cast %mul3A_674 : i32 to index
      %get3A_679 = tpu.vector_load %arg5[%get3A_676, %get3A_677, %get3A_678] {strides = array<i32>} : memref<6x2x80xi32, #tpu.memory_space<vmem>>, vector<1x1x16xi32>,
      %get3A_680 = vector.shape_cast %get3A_679 : vector<1x1x16xi32> to vector<16xi32>
      %add3A_681 = vector.broadcast %mul3A_14 : i32 to vector<16xi32>
      %add3A_682 = arith.addi %get3A_680, %add3A_681 : vector<16xi32>
      %mul3A_683 = arith.constant 16 : i32
      %mul3A_684 = arith.muli %scan3A_671, %mul3A_683 : i32
      %swap3A = arith.constant 1 : i32
      %swap3A_685 = arith.constant 0 : i32
      %swap3A_686 = arith.index_cast %swap3A : i32 to index
      %swap3A_687 = arith.index_cast %swap3A_685 : i32 to index
      %swap3A_688 = arith.index_cast %mul3A_684 : i32 to index
      %swap3A_689 = tpu.vector_load %arg5[%swap3A_686, %swap3A_687, %swap3A_688] {strides = array<i32>} : memref<6x2x80xi32, #tpu.memory_space<vmem>>, vector<1x1x16xi32>,
      %swap3A_690 = vector.shape_cast %swap3A_689 : vector<1x1x16xi32> to vector<16xi32>
      %swap3A_691 = vector.shape_cast %add3A_682 : vector<16xi32> to vector<1x1x16xi32>
      tpu.vector_store %arg5[%swap3A_686, %swap3A_687, %swap3A_688], %swap3A_691 {strides = array<i32>} : memref<6x2x80xi32, #tpu.memory_space<vmem>>, vector<1x1x16xi32>,
      %scan3A_692 = arith.constant 0 : i32
      scf.yield %scan3A_692 : i32
    }
    %scan3A_154 = arith.constant 5 : i32
    %dma_start3A_155 = arith.constant 1 : i32
    %dma_start3A_156 = arith.constant 0 : i32
    %dma_start3A_157 = arith.constant 1 : i32
    %dma_start3A_158 = arith.constant 1 : i32
    %dma_start3A_159 = arith.constant 0 : i32
    %dma_start3A_160 = arith.constant 0 : i32
    %dma_start3A_161 = tpu.memref_slice %arg6[%dma_start3A_157, %dma_start3A_159, %dma_start3A_160] : memref<3x80x128xf32, #tpu.memory_space<vmem>> -> memref<1x80x128xf32, #tpu.memory_space<vmem>>
    %dma_start3A_162 = tpu.memref_squeeze %dma_start3A_161 : memref<1x80x128xf32, #tpu.memory_space<vmem>> -> memref<80x128xf32, #tpu.memory_space<vmem>>
    %dma_start3A_163 = arith.constant 0 : i32
    %dma_start3A_164 = tpu.memref_slice %arg5[%dma_start3A_155, %dma_start3A_156, %dma_start3A_163] : memref<6x2x80xi32, #tpu.memory_space<vmem>> -> memref<1x1x80xi32, #tpu.memory_space<vmem>>
    %dma_start3A_165 = tpu.memref_squeeze %dma_start3A_164 : memref<1x1x80xi32, #tpu.memory_space<vmem>> -> memref<80xi32, #tpu.memory_space<vmem>>
    %dma_start3A_166 = arith.constant 0 : i32
    %dma_start3A_167 = arith.constant 0 : i32
    %dma_start3A_168 = tpu.memref_slice %arg2[%dma_start3A_166, %dma_start3A_167] : memref<20000x128xf32, #tpu.memory_space<hbm>> -> memref<20000x128xf32, #tpu.memory_space<hbm>>
    %dma_start3A_169 = tpu.memref_slice %arg9[%dma_start3A_158] : memref<2x!tpu.dma_semaphore, #tpu.memory_space<semaphore_mem>> -> memref<1x!tpu.dma_semaphore, #tpu.memory_space<semaphore_mem>>
    %dma_start3A_170 = tpu.memref_squeeze %dma_start3A_169 : memref<1x!tpu.dma_semaphore, #tpu.memory_space<semaphore_mem>> -> memref<!tpu.dma_semaphore, #tpu.memory_space<semaphore_mem>>
    tpu.enqueue_indirect_dma source(%dma_start3A_168 : memref<20000x128xf32, #tpu.memory_space<hbm>>) target(%dma_start3A_162 : memref<80x128xf32, #tpu.memory_space<vmem>>) offsets(%dma_start3A_165 : memref<80xi32, #tpu.memory_space<vmem>>) semaphore(%dma_start3A_170 : memref<!tpu.dma_semaphore, #tpu.memory_space<semaphore_mem>>)
    %add3A_171 = arith.constant 320 : i32
    %add3A_172 = arith.addi %mul3A_16, %add3A_171 : i32
    %multiple_of3A_173 = tpu.assume_multiple %add3A_172, 8 : i32
    %dma_start3A_174 = arith.constant 4 : i32
    %dma_start3A_175 = arith.constant 1 : i32
    %dma_start3A_176 = arith.constant 0 : i32
    %dma_start3A_177 = arith.constant 0 : i32
    %dma_start3A_178 = tpu.memref_slice %arg5[%dma_start3A_174, %dma_start3A_176, %dma_start3A_177] : memref<6x2x80xi32, #tpu.memory_space<vmem>> -> memref<1x2x80xi32, #tpu.memory_space<vmem>>
    %dma_start3A_179 = tpu.memref_squeeze %dma_start3A_178 : memref<1x2x80xi32, #tpu.memory_space<vmem>> -> memref<2x80xi32, #tpu.memory_space<vmem>>
    %dma_start3A_180 = arith.constant 0 : i32
    %dma_start3A_181 = tpu.memref_slice %arg3[%dma_start3A_180, %multiple_of3A_173] : memref<2x320000xi32, #tpu.memory_space<hbm>> -> memref<2x80xi32, #tpu.memory_space<hbm>>
    %dma_start3A_182 = tpu.memref_slice %arg8[%dma_start3A_175] : memref<3x!tpu.dma_semaphore, #tpu.memory_space<semaphore_mem>> -> memref<1x!tpu.dma_semaphore, #tpu.memory_space<semaphore_mem>>
    %dma_start3A_183 = tpu.memref_squeeze %dma_start3A_182 : memref<1x!tpu.dma_semaphore, #tpu.memory_space<semaphore_mem>> -> memref<!tpu.dma_semaphore, #tpu.memory_space<semaphore_mem>>
    %dma_start3A_184 = arith.constant 0 : i32
    %dma_start3A_185 = arith.constant 0 : i32
    %dma_start3A_186 = tpu.memref_slice %arg5[%dma_start3A_174, %dma_start3A_184, %dma_start3A_185] : memref<6x2x80xi32, #tpu.memory_space<vmem>> -> memref<1x2x80xi32, #tpu.memory_space<vmem>>
    %dma_start3A_187 = tpu.memref_squeeze %dma_start3A_186 : memref<1x2x80xi32, #tpu.memory_space<vmem>> -> memref<2x80xi32, #tpu.memory_space<vmem>>
    %dma_start3A_188 = arith.constant 0 : i32
    %dma_start3A_189 = tpu.memref_slice %arg3[%dma_start3A_188, %multiple_of3A_173] : memref<2x320000xi32, #tpu.memory_space<hbm>> -> memref<2x80xi32, #tpu.memory_space<hbm>>
    tpu.enqueue_dma source(%dma_start3A_189 : memref<2x80xi32, #tpu.memory_space<hbm>>) target(%dma_start3A_187 : memref<2x80xi32, #tpu.memory_space<vmem>>) target_semaphore(%dma_start3A_183 : memref<!tpu.dma_semaphore, #tpu.memory_space<semaphore_mem>>)
    %dma_wait3A_190 = arith.constant 2 : i32
    %dma_wait3A_191 = arith.constant 2 : i32
    %dma_wait3A_192 = arith.constant 0 : i32
    %dma_wait3A_193 = arith.constant 0 : i32
    %dma_wait3A_194 = tpu.memref_slice %arg5[%dma_wait3A_190, %dma_wait3A_192, %dma_wait3A_193] : memref<6x2x80xi32, #tpu.memory_space<vmem>> -> memref<1x2x80xi32, #tpu.memory_space<vmem>>
    %dma_wait3A_195 = tpu.memref_squeeze %dma_wait3A_194 : memref<1x2x80xi32, #tpu.memory_space<vmem>> -> memref<2x80xi32, #tpu.memory_space<vmem>>
    %dma_wait3A_196 = arith.constant 0 : i32
    %dma_wait3A_197 = arith.constant 0 : i32
    %dma_wait3A_198 = tpu.memref_slice %arg3[%dma_wait3A_196, %dma_wait3A_197] : memref<2x320000xi32, #tpu.memory_space<hbm>> -> memref<2x80xi32, #tpu.memory_space<hbm>>
    %dma_wait3A_199 = tpu.memref_slice %arg8[%dma_wait3A_191] : memref<3x!tpu.dma_semaphore, #tpu.memory_space<semaphore_mem>> -> memref<1x!tpu.dma_semaphore, #tpu.memory_space<semaphore_mem>>
    %dma_wait3A_200 = tpu.memref_squeeze %dma_wait3A_199 : memref<1x!tpu.dma_semaphore, #tpu.memory_space<semaphore_mem>> -> memref<!tpu.dma_semaphore, #tpu.memory_space<semaphore_mem>>
    %dma_wait3A_201 = arith.constant 0 : i32
    %dma_wait3A_202 = arith.constant 0 : i32
    %dma_wait3A_203 = tpu.memref_slice %arg5[%dma_wait3A_190, %dma_wait3A_201, %dma_wait3A_202] : memref<6x2x80xi32, #tpu.memory_space<vmem>> -> memref<1x2x80xi32, #tpu.memory_space<vmem>>
    %dma_wait3A_204 = tpu.memref_squeeze %dma_wait3A_203 : memref<1x2x80xi32, #tpu.memory_space<vmem>> -> memref<2x80xi32, #tpu.memory_space<vmem>>
    %dma_wait3A_205 = arith.constant 0 : i32
    %dma_wait3A_206 = arith.constant 0 : i32
    %dma_wait3A_207 = tpu.memref_slice %arg3[%dma_wait3A_205, %dma_wait3A_206] : memref<2x320000xi32, #tpu.memory_space<hbm>> -> memref<2x80xi32, #tpu.memory_space<hbm>>
    tpu.wait_dma2 semaphore(%dma_wait3A_200 : memref<!tpu.dma_semaphore, #tpu.memory_space<semaphore_mem>>) src(%dma_wait3A_207 : memref<2x80xi32, #tpu.memory_space<hbm>>) dst(%dma_wait3A_204 : memref<2x80xi32, #tpu.memory_space<vmem>>)
    %scan3A_208 = arith.constant 0 : i32
    %scan3A_209 = arith.constant 0 : i32
    %scan3A_210 = arith.constant 5 : i32
    %scan3A_211 = arith.addi %scan3A_209, %scan3A_210 : i32
    %scan3A_212 = arith.constant 1 : i32
    %scan3A_213 = scf.for %scan3A_671 = %scan3A_209 to %scan3A_211 step %scan3A_212 iter_args(%scan3A_672 = %scan3A_208) -> (i32)  : i32 {
      %mul3A_673 = arith.constant 16 : i32
      %mul3A_674 = arith.muli %scan3A_671, %mul3A_673 : i32
      %get3A = arith.constant 2 : i32
      %get3A_675 = arith.constant 0 : i32
      %get3A_676 = arith.index_cast %get3A : i32 to index
      %get3A_677 = arith.index_cast %get3A_675 : i32 to index
      %get3A_678 = arith.index_cast %mul3A_674 : i32 to index
      %get3A_679 = tpu.vector_load %arg5[%get3A_676, %get3A_677, %get3A_678] {strides = array<i32>} : memref<6x2x80xi32, #tpu.memory_space<vmem>>, vector<1x1x16xi32>,
      %get3A_680 = vector.shape_cast %get3A_679 : vector<1x1x16xi32> to vector<16xi32>
      %add3A_681 = vector.broadcast %mul3A_14 : i32 to vector<16xi32>
      %add3A_682 = arith.addi %get3A_680, %add3A_681 : vector<16xi32>
      %mul3A_683 = arith.constant 16 : i32
      %mul3A_684 = arith.muli %scan3A_671, %mul3A_683 : i32
      %swap3A = arith.constant 2 : i32
      %swap3A_685 = arith.constant 0 : i32
      %swap3A_686 = arith.index_cast %swap3A : i32 to index
      %swap3A_687 = arith.index_cast %swap3A_685 : i32 to index
      %swap3A_688 = arith.index_cast %mul3A_684 : i32 to index
      %swap3A_689 = tpu.vector_load %arg5[%swap3A_686, %swap3A_687, %swap3A_688] {strides = array<i32>} : memref<6x2x80xi32, #tpu.memory_space<vmem>>, vector<1x1x16xi32>,
      %swap3A_690 = vector.shape_cast %swap3A_689 : vector<1x1x16xi32> to vector<16xi32>
      %swap3A_691 = vector.shape_cast %add3A_682 : vector<16xi32> to vector<1x1x16xi32>
      tpu.vector_store %arg5[%swap3A_686, %swap3A_687, %swap3A_688], %swap3A_691 {strides = array<i32>} : memref<6x2x80xi32, #tpu.memory_space<vmem>>, vector<1x1x16xi32>,
      %scan3A_692 = arith.constant 0 : i32
      scf.yield %scan3A_692 : i32
    }
    %scan3A_214 = arith.constant 5 : i32
    %dma_start3A_215 = arith.constant 2 : i32
    %dma_start3A_216 = arith.constant 0 : i32
    %dma_start3A_217 = arith.constant 2 : i32
    %dma_start3A_218 = arith.constant 0 : i32
    %dma_start3A_219 = arith.constant 0 : i32
    %dma_start3A_220 = arith.constant 0 : i32
    %dma_start3A_221 = tpu.memref_slice %arg6[%dma_start3A_217, %dma_start3A_219, %dma_start3A_220] : memref<3x80x128xf32, #tpu.memory_space<vmem>> -> memref<1x80x128xf32, #tpu.memory_space<vmem>>
    %dma_start3A_222 = tpu.memref_squeeze %dma_start3A_221 : memref<1x80x128xf32, #tpu.memory_space<vmem>> -> memref<80x128xf32, #tpu.memory_space<vmem>>
    %dma_start3A_223 = arith.constant 0 : i32
    %dma_start3A_224 = tpu.memref_slice %arg5[%dma_start3A_215, %dma_start3A_216, %dma_start3A_223] : memref<6x2x80xi32, #tpu.memory_space<vmem>> -> memref<1x1x80xi32, #tpu.memory_space<vmem>>
    %dma_start3A_225 = tpu.memref_squeeze %dma_start3A_224 : memref<1x1x80xi32, #tpu.memory_space<vmem>> -> memref<80xi32, #tpu.memory_space<vmem>>
    %dma_start3A_226 = arith.constant 0 : i32
    %dma_start3A_227 = arith.constant 0 : i32
    %dma_start3A_228 = tpu.memref_slice %arg2[%dma_start3A_226, %dma_start3A_227] : memref<20000x128xf32, #tpu.memory_space<hbm>> -> memref<20000x128xf32, #tpu.memory_space<hbm>>
    %dma_start3A_229 = tpu.memref_slice %arg9[%dma_start3A_218] : memref<2x!tpu.dma_semaphore, #tpu.memory_space<semaphore_mem>> -> memref<1x!tpu.dma_semaphore, #tpu.memory_space<semaphore_mem>>
    %dma_start3A_230 = tpu.memref_squeeze %dma_start3A_229 : memref<1x!tpu.dma_semaphore, #tpu.memory_space<semaphore_mem>> -> memref<!tpu.dma_semaphore, #tpu.memory_space<semaphore_mem>>
    tpu.enqueue_indirect_dma source(%dma_start3A_228 : memref<20000x128xf32, #tpu.memory_space<hbm>>) target(%dma_start3A_222 : memref<80x128xf32, #tpu.memory_space<vmem>>) offsets(%dma_start3A_225 : memref<80xi32, #tpu.memory_space<vmem>>) semaphore(%dma_start3A_230 : memref<!tpu.dma_semaphore, #tpu.memory_space<semaphore_mem>>)
    %dma_wait3A_231 = arith.constant 0 : i32
    %dma_wait3A_232 = arith.constant 0 : i32
    %dma_wait3A_233 = arith.constant 0 : i32
    %dma_wait3A_234 = arith.constant 0 : i32
    %dma_wait3A_235 = arith.constant 0 : i32
    %dma_wait3A_236 = arith.constant 0 : i32
    %dma_wait3A_237 = tpu.memref_slice %arg6[%dma_wait3A_233, %dma_wait3A_235, %dma_wait3A_236] : memref<3x80x128xf32, #tpu.memory_space<vmem>> -> memref<1x80x128xf32, #tpu.memory_space<vmem>>
    %dma_wait3A_238 = tpu.memref_squeeze %dma_wait3A_237 : memref<1x80x128xf32, #tpu.memory_space<vmem>> -> memref<80x128xf32, #tpu.memory_space<vmem>>
    %dma_wait3A_239 = arith.constant 0 : i32
    %dma_wait3A_240 = tpu.memref_slice %arg5[%dma_wait3A_231, %dma_wait3A_232, %dma_wait3A_239] : memref<6x2x80xi32, #tpu.memory_space<vmem>> -> memref<1x1x80xi32, #tpu.memory_space<vmem>>
    %dma_wait3A_241 = tpu.memref_squeeze %dma_wait3A_240 : memref<1x1x80xi32, #tpu.memory_space<vmem>> -> memref<80xi32, #tpu.memory_space<vmem>>
    %dma_wait3A_242 = arith.constant 0 : i32
    %dma_wait3A_243 = arith.constant 0 : i32
    %dma_wait3A_244 = tpu.memref_slice %arg2[%dma_wait3A_242, %dma_wait3A_243] : memref<20000x128xf32, #tpu.memory_space<hbm>> -> memref<20000x128xf32, #tpu.memory_space<hbm>>
    %dma_wait3A_245 = tpu.memref_slice %arg9[%dma_wait3A_234] : memref<2x!tpu.dma_semaphore, #tpu.memory_space<semaphore_mem>> -> memref<1x!tpu.dma_semaphore, #tpu.memory_space<semaphore_mem>>
    %dma_wait3A_246 = tpu.memref_squeeze %dma_wait3A_245 : memref<1x!tpu.dma_semaphore, #tpu.memory_space<semaphore_mem>> -> memref<!tpu.dma_semaphore, #tpu.memory_space<semaphore_mem>>
    tpu.wait_indirect_dma semaphore(%dma_wait3A_246 : memref<!tpu.dma_semaphore, #tpu.memory_space<semaphore_mem>>) src(%dma_wait3A_244 : memref<20000x128xf32, #tpu.memory_space<hbm>>) dst(%dma_wait3A_238 : memref<80x128xf32, #tpu.memory_space<vmem>>)
    %dma_start3A_247 = arith.constant 0 : i32
    %dma_start3A_248 = arith.constant 0 : i32
    %dma_start3A_249 = arith.constant 1 : i32
    %dma_start3A_250 = arith.constant 0 : i32
    %dma_start3A_251 = arith.constant 0 : i32
    %dma_start3A_252 = arith.constant 0 : i32
    %dma_start3A_253 = tpu.memref_slice %arg6[%dma_start3A_247, %dma_start3A_251, %dma_start3A_252] : memref<3x80x128xf32, #tpu.memory_space<vmem>> -> memref<1x80x128xf32, #tpu.memory_space<vmem>>
    %dma_start3A_254 = tpu.memref_squeeze %dma_start3A_253 : memref<1x80x128xf32, #tpu.memory_space<vmem>> -> memref<80x128xf32, #tpu.memory_space<vmem>>
    %dma_start3A_255 = arith.constant 0 : i32
    %dma_start3A_256 = tpu.memref_slice %arg5[%dma_start3A_248, %dma_start3A_249, %dma_start3A_255] : memref<6x2x80xi32, #tpu.memory_space<vmem>> -> memref<1x1x80xi32, #tpu.memory_space<vmem>>
    %dma_start3A_257 = tpu.memref_squeeze %dma_start3A_256 : memref<1x1x80xi32, #tpu.memory_space<vmem>> -> memref<80xi32, #tpu.memory_space<vmem>>
    %dma_start3A_258 = arith.constant 0 : i32
    %dma_start3A_259 = arith.constant 0 : i32
    %dma_start3A_260 = tpu.memref_slice %arg7[%dma_start3A_258, %dma_start3A_259] : memref<10240x128xf32, #tpu.memory_space<vmem_shared>> -> memref<10240x128xf32, #tpu.memory_space<vmem_shared>>
    %dma_start3A_261 = tpu.memref_slice %arg10[%dma_start3A_250] : memref<3x!tpu.dma_semaphore, #tpu.memory_space<semaphore_mem>> -> memref<1x!tpu.dma_semaphore, #tpu.memory_space<semaphore_mem>>
    %dma_start3A_262 = tpu.memref_squeeze %dma_start3A_261 : memref<1x!tpu.dma_semaphore, #tpu.memory_space<semaphore_mem>> -> memref<!tpu.dma_semaphore, #tpu.memory_space<semaphore_mem>>
    tpu.enqueue_indirect_dma source(%dma_start3A_254 : memref<80x128xf32, #tpu.memory_space<vmem>>) target(%dma_start3A_260 : memref<10240x128xf32, #tpu.memory_space<vmem_shared>>) offsets(%dma_start3A_257 : memref<80xi32, #tpu.memory_space<vmem>>) semaphore(%dma_start3A_262 : memref<!tpu.dma_semaphore, #tpu.memory_space<semaphore_mem>>) {add = true}
    %add3A_263 = arith.constant 400 : i32
    %add3A_264 = arith.addi %mul3A_16, %add3A_263 : i32
    %multiple_of3A_265 = tpu.assume_multiple %add3A_264, 8 : i32
    %dma_start3A_266 = arith.constant 5 : i32
    %dma_start3A_267 = arith.constant 2 : i32
    %dma_start3A_268 = arith.constant 0 : i32
    %dma_start3A_269 = arith.constant 0 : i32
    %dma_start3A_270 = tpu.memref_slice %arg5[%dma_start3A_266, %dma_start3A_268, %dma_start3A_269] : memref<6x2x80xi32, #tpu.memory_space<vmem>> -> memref<1x2x80xi32, #tpu.memory_space<vmem>>
    %dma_start3A_271 = tpu.memref_squeeze %dma_start3A_270 : memref<1x2x80xi32, #tpu.memory_space<vmem>> -> memref<2x80xi32, #tpu.memory_space<vmem>>
    %dma_start3A_272 = arith.constant 0 : i32
    %dma_start3A_273 = tpu.memref_slice %arg3[%dma_start3A_272, %multiple_of3A_265] : memref<2x320000xi32, #tpu.memory_space<hbm>> -> memref<2x80xi32, #tpu.memory_space<hbm>>
    %dma_start3A_274 = tpu.memref_slice %arg8[%dma_start3A_267] : memref<3x!tpu.dma_semaphore, #tpu.memory_space<semaphore_mem>> -> memref<1x!tpu.dma_semaphore, #tpu.memory_space<semaphore_mem>>
    %dma_start3A_275 = tpu.memref_squeeze %dma_start3A_274 : memref<1x!tpu.dma_semaphore, #tpu.memory_space<semaphore_mem>> -> memref<!tpu.dma_semaphore, #tpu.memory_space<semaphore_mem>>
    %dma_start3A_276 = arith.constant 0 : i32
    %dma_start3A_277 = arith.constant 0 : i32
    %dma_start3A_278 = tpu.memref_slice %arg5[%dma_start3A_266, %dma_start3A_276, %dma_start3A_277] : memref<6x2x80xi32, #tpu.memory_space<vmem>> -> memref<1x2x80xi32, #tpu.memory_space<vmem>>
    %dma_start3A_279 = tpu.memref_squeeze %dma_start3A_278 : memref<1x2x80xi32, #tpu.memory_space<vmem>> -> memref<2x80xi32, #tpu.memory_space<vmem>>
    %dma_start3A_280 = arith.constant 0 : i32
    %dma_start3A_281 = tpu.memref_slice %arg3[%dma_start3A_280, %multiple_of3A_265] : memref<2x320000xi32, #tpu.memory_space<hbm>> -> memref<2x80xi32, #tpu.memory_space<hbm>>
    tpu.enqueue_dma source(%dma_start3A_281 : memref<2x80xi32, #tpu.memory_space<hbm>>) target(%dma_start3A_279 : memref<2x80xi32, #tpu.memory_space<vmem>>) target_semaphore(%dma_start3A_275 : memref<!tpu.dma_semaphore, #tpu.memory_space<semaphore_mem>>)
    %scan3A_282 = arith.constant 0 : i32
    %scan3A_283 = arith.constant 2 : i32
    %scan3A_284 = arith.constant 244 : i32
    %scan3A_285 = arith.addi %scan3A_283, %scan3A_284 : i32
    %scan3A_286 = arith.constant 1 : i32
    %scan3A_287 = scf.for %scan3A_671 = %scan3A_283 to %scan3A_285 step %scan3A_286 iter_args(%scan3A_672 = %scan3A_282) -> (i32)  : i32 {
      %sub3A = arith.constant 2 : i32
      %sub3A_673 = arith.subi %scan3A_671, %sub3A : i32
      %jit3A = arith.constant 3 : i32
      %eq3A = arith.constant 0 : i32
      %eq3A_674 = arith.cmpi eq, %jit3A, %eq3A : i32
      %jit3A_675 = arith.constant 1 : i32
      %select_n3A = arith.select %eq3A_674, %jit3A_675, %jit3A : i32
      %rem3A = arith.remsi %sub3A_673, %select_n3A : i32
      %ne3A = arith.constant 0 : i32
      %ne3A_676 = arith.cmpi ne, %rem3A, %ne3A : i32
      %lt3A = arith.constant 0 : i32
      %lt3A_677 = arith.cmpi slt, %rem3A, %lt3A : i32
      %lt3A_678 = arith.constant 0 : i32
      %lt3A_679 = arith.cmpi slt, %select_n3A, %lt3A_678 : i32
      %ne3A_680 = arith.xori %lt3A_677, %lt3A_679 : i1
      %and3A = arith.andi %ne3A_680, %ne3A_676 : i1
      %add3A_681 = arith.addi %rem3A, %select_n3A : i32
      %select_n3A_682 = arith.select %and3A, %add3A_681, %rem3A : i32
      %jit3A_683 = arith.constant 6 : i32
      %eq3A_684 = arith.constant 0 : i32
      %eq3A_685 = arith.cmpi eq, %jit3A_683, %eq3A_684 : i32
      %jit3A_686 = arith.constant 1 : i32
      %select_n3A_687 = arith.select %eq3A_685, %jit3A_686, %jit3A_683 : i32
      %rem3A_688 = arith.remsi %sub3A_673, %select_n3A_687 : i32
      %ne3A_689 = arith.constant 0 : i32
      %ne3A_690 = arith.cmpi ne, %rem3A_688, %ne3A_689 : i32
      %lt3A_691 = arith.constant 0 : i32
      %lt3A_692 = arith.cmpi slt, %rem3A_688, %lt3A_691 : i32
      %lt3A_693 = arith.constant 0 : i32
      %lt3A_694 = arith.cmpi slt, %select_n3A_687, %lt3A_693 : i32
      %ne3A_695 = arith.xori %lt3A_692, %lt3A_694 : i1
      %and3A_696 = arith.andi %ne3A_695, %ne3A_690 : i1
      %add3A_697 = arith.addi %rem3A_688, %select_n3A_687 : i32
      %select_n3A_698 = arith.select %and3A_696, %add3A_697, %rem3A_688 : i32
      %jit3A_699 = arith.constant 3 : i32
      %eq3A_700 = arith.constant 0 : i32
      %eq3A_701 = arith.cmpi eq, %jit3A_699, %eq3A_700 : i32
      %jit3A_702 = arith.constant 1 : i32
      %select_n3A_703 = arith.select %eq3A_701, %jit3A_702, %jit3A_699 : i32
      %rem3A_704 = arith.remsi %sub3A_673, %select_n3A_703 : i32
      %ne3A_705 = arith.constant 0 : i32
      %ne3A_706 = arith.cmpi ne, %rem3A_704, %ne3A_705 : i32
      %lt3A_707 = arith.constant 0 : i32
      %lt3A_708 = arith.cmpi slt, %rem3A_704, %lt3A_707 : i32
      %lt3A_709 = arith.constant 0 : i32
      %lt3A_710 = arith.cmpi slt, %select_n3A_703, %lt3A_709 : i32
      %ne3A_711 = arith.xori %lt3A_708, %lt3A_710 : i1
      %and3A_712 = arith.andi %ne3A_711, %ne3A_706 : i1
      %add3A_713 = arith.addi %rem3A_704, %select_n3A_703 : i32
      %select_n3A_714 = arith.select %and3A_712, %add3A_713, %rem3A_704 : i32
      %dma_wait3A_715 = arith.constant 1 : i32
      %dma_wait3A_716 = arith.constant 0 : i32
      %dma_wait3A_717 = arith.constant 0 : i32
      %dma_wait3A_718 = tpu.memref_slice %arg6[%select_n3A_682, %dma_wait3A_716, %dma_wait3A_717] : memref<3x80x128xf32, #tpu.memory_space<vmem>> -> memref<1x80x128xf32, #tpu.memory_space<vmem>>
      %dma_wait3A_719 = tpu.memref_squeeze %dma_wait3A_718 : memref<1x80x128xf32, #tpu.memory_space<vmem>> -> memref<80x128xf32, #tpu.memory_space<vmem>>
      %dma_wait3A_720 = arith.constant 0 : i32
      %dma_wait3A_721 = tpu.memref_slice %arg5[%select_n3A_698, %dma_wait3A_715, %dma_wait3A_720] : memref<6x2x80xi32, #tpu.memory_space<vmem>> -> memref<1x1x80xi32, #tpu.memory_space<vmem>>
      %dma_wait3A_722 = tpu.memref_squeeze %dma_wait3A_721 : memref<1x1x80xi32, #tpu.memory_space<vmem>> -> memref<80xi32, #tpu.memory_space<vmem>>
      %dma_wait3A_723 = arith.constant 0 : i32
      %dma_wait3A_724 = arith.constant 0 : i32
      %dma_wait3A_725 = tpu.memref_slice %arg7[%dma_wait3A_723, %dma_wait3A_724] : memref<10240x128xf32, #tpu.memory_space<vmem_shared>> -> memref<10240x128xf32, #tpu.memory_space<vmem_shared>>
      %dma_wait3A_726 = tpu.memref_slice %arg10[%select_n3A_714] : memref<3x!tpu.dma_semaphore, #tpu.memory_space<semaphore_mem>> -> memref<1x!tpu.dma_semaphore, #tpu.memory_space<semaphore_mem>>
      %dma_wait3A_727 = tpu.memref_squeeze %dma_wait3A_726 : memref<1x!tpu.dma_semaphore, #tpu.memory_space<semaphore_mem>> -> memref<!tpu.dma_semaphore, #tpu.memory_space<semaphore_mem>>
      tpu.wait_indirect_dma semaphore(%dma_wait3A_727 : memref<!tpu.dma_semaphore, #tpu.memory_space<semaphore_mem>>) src(%dma_wait3A_719 : memref<80x128xf32, #tpu.memory_space<vmem>>) dst(%dma_wait3A_725 : memref<10240x128xf32, #tpu.memory_space<vmem_shared>>)
      %add3A_728 = arith.constant 1 : i32
      %add3A_729 = arith.addi %scan3A_671, %add3A_728 : i32
      %jit3A_730 = arith.constant 6 : i32
      %eq3A_731 = arith.constant 0 : i32
      %eq3A_732 = arith.cmpi eq, %jit3A_730, %eq3A_731 : i32
      %jit3A_733 = arith.constant 1 : i32
      %select_n3A_734 = arith.select %eq3A_732, %jit3A_733, %jit3A_730 : i32
      %rem3A_735 = arith.remsi %add3A_729, %select_n3A_734 : i32
      %ne3A_736 = arith.constant 0 : i32
      %ne3A_737 = arith.cmpi ne, %rem3A_735, %ne3A_736 : i32
      %lt3A_738 = arith.constant 0 : i32
      %lt3A_739 = arith.cmpi slt, %rem3A_735, %lt3A_738 : i32
      %lt3A_740 = arith.constant 0 : i32
      %lt3A_741 = arith.cmpi slt, %select_n3A_734, %lt3A_740 : i32
      %ne3A_742 = arith.xori %lt3A_739, %lt3A_741 : i1
      %and3A_743 = arith.andi %ne3A_742, %ne3A_737 : i1
      %add3A_744 = arith.addi %rem3A_735, %select_n3A_734 : i32
      %select_n3A_745 = arith.select %and3A_743, %add3A_744, %rem3A_735 : i32
      %jit3A_746 = arith.constant 3 : i32
      %eq3A_747 = arith.constant 0 : i32
      %eq3A_748 = arith.cmpi eq, %jit3A_746, %eq3A_747 : i32
      %jit3A_749 = arith.constant 1 : i32
      %select_n3A_750 = arith.select %eq3A_748, %jit3A_749, %jit3A_746 : i32
      %rem3A_751 = arith.remsi %add3A_729, %select_n3A_750 : i32
      %ne3A_752 = arith.constant 0 : i32
      %ne3A_753 = arith.cmpi ne, %rem3A_751, %ne3A_752 : i32
      %lt3A_754 = arith.constant 0 : i32
      %lt3A_755 = arith.cmpi slt, %rem3A_751, %lt3A_754 : i32
      %lt3A_756 = arith.constant 0 : i32
      %lt3A_757 = arith.cmpi slt, %select_n3A_750, %lt3A_756 : i32
      %ne3A_758 = arith.xori %lt3A_755, %lt3A_757 : i1
      %and3A_759 = arith.andi %ne3A_758, %ne3A_753 : i1
      %add3A_760 = arith.addi %rem3A_751, %select_n3A_750 : i32
      %select_n3A_761 = arith.select %and3A_759, %add3A_760, %rem3A_751 : i32
      %dma_wait3A_762 = arith.constant 0 : i32
      %dma_wait3A_763 = arith.constant 0 : i32
      %dma_wait3A_764 = tpu.memref_slice %arg5[%select_n3A_745, %dma_wait3A_762, %dma_wait3A_763] : memref<6x2x80xi32, #tpu.memory_space<vmem>> -> memref<1x2x80xi32, #tpu.memory_space<vmem>>
      %dma_wait3A_765 = tpu.memref_squeeze %dma_wait3A_764 : memref<1x2x80xi32, #tpu.memory_space<vmem>> -> memref<2x80xi32, #tpu.memory_space<vmem>>
      %dma_wait3A_766 = arith.constant 0 : i32
      %dma_wait3A_767 = arith.constant 0 : i32
      %dma_wait3A_768 = tpu.memref_slice %arg3[%dma_wait3A_766, %dma_wait3A_767] : memref<2x320000xi32, #tpu.memory_space<hbm>> -> memref<2x80xi32, #tpu.memory_space<hbm>>
      %dma_wait3A_769 = tpu.memref_slice %arg8[%select_n3A_761] : memref<3x!tpu.dma_semaphore, #tpu.memory_space<semaphore_mem>> -> memref<1x!tpu.dma_semaphore, #tpu.memory_space<semaphore_mem>>
      %dma_wait3A_770 = tpu.memref_squeeze %dma_wait3A_769 : memref<1x!tpu.dma_semaphore, #tpu.memory_space<semaphore_mem>> -> memref<!tpu.dma_semaphore, #tpu.memory_space<semaphore_mem>>
      %dma_wait3A_771 = arith.constant 0 : i32
      %dma_wait3A_772 = arith.constant 0 : i32
      %dma_wait3A_773 = tpu.memref_slice %arg5[%select_n3A_745, %dma_wait3A_771, %dma_wait3A_772] : memref<6x2x80xi32, #tpu.memory_space<vmem>> -> memref<1x2x80xi32, #tpu.memory_space<vmem>>
      %dma_wait3A_774 = tpu.memref_squeeze %dma_wait3A_773 : memref<1x2x80xi32, #tpu.memory_space<vmem>> -> memref<2x80xi32, #tpu.memory_space<vmem>>
      %dma_wait3A_775 = arith.constant 0 : i32
      %dma_wait3A_776 = arith.constant 0 : i32
      %dma_wait3A_777 = tpu.memref_slice %arg3[%dma_wait3A_775, %dma_wait3A_776] : memref<2x320000xi32, #tpu.memory_space<hbm>> -> memref<2x80xi32, #tpu.memory_space<hbm>>
      tpu.wait_dma2 semaphore(%dma_wait3A_770 : memref<!tpu.dma_semaphore, #tpu.memory_space<semaphore_mem>>) src(%dma_wait3A_777 : memref<2x80xi32, #tpu.memory_space<hbm>>) dst(%dma_wait3A_774 : memref<2x80xi32, #tpu.memory_space<vmem>>)
      %add3A_778 = arith.constant 1 : i32
      %add3A_779 = arith.addi %scan3A_671, %add3A_778 : i32
      %jit3A_780 = arith.constant 6 : i32
      %eq3A_781 = arith.constant 0 : i32
      %eq3A_782 = arith.cmpi eq, %jit3A_780, %eq3A_781 : i32
      %jit3A_783 = arith.constant 1 : i32
      %select_n3A_784 = arith.select %eq3A_782, %jit3A_783, %jit3A_780 : i32
      %rem3A_785 = arith.remsi %add3A_779, %select_n3A_784 : i32
      %ne3A_786 = arith.constant 0 : i32
      %ne3A_787 = arith.cmpi ne, %rem3A_785, %ne3A_786 : i32
      %lt3A_788 = arith.constant 0 : i32
      %lt3A_789 = arith.cmpi slt, %rem3A_785, %lt3A_788 : i32
      %lt3A_790 = arith.constant 0 : i32
      %lt3A_791 = arith.cmpi slt, %select_n3A_784, %lt3A_790 : i32
      %ne3A_792 = arith.xori %lt3A_789, %lt3A_791 : i1
      %and3A_793 = arith.andi %ne3A_792, %ne3A_787 : i1
      %add3A_794 = arith.addi %rem3A_785, %select_n3A_784 : i32
      %select_n3A_795 = arith.select %and3A_793, %add3A_794, %rem3A_785 : i32
      %scan3A_796 = arith.constant 0 : i32
      %scan3A_797 = arith.constant 0 : i32
      %scan3A_798 = arith.constant 5 : i32
      %scan3A_799 = arith.addi %scan3A_797, %scan3A_798 : i32
      %scan3A_800 = arith.constant 1 : i32
      %scan3A_801 = scf.for %scan3A_1047 = %scan3A_797 to %scan3A_799 step %scan3A_800 iter_args(%scan3A_1048 = %scan3A_796) -> (i32)  : i32 {
        %mul3A_1049 = arith.constant 16 : i32
        %mul3A_1050 = arith.muli %scan3A_1047, %mul3A_1049 : i32
        %get3A = arith.constant 0 : i32
        %get3A_1051 = arith.index_cast %select_n3A_795 : i32 to index
        %get3A_1052 = arith.index_cast %get3A : i32 to index
        %get3A_1053 = arith.index_cast %mul3A_1050 : i32 to index
        %get3A_1054 = tpu.vector_load %arg5[%get3A_1051, %get3A_1052, %get3A_1053] {strides = array<i32>} : memref<6x2x80xi32, #tpu.memory_space<vmem>>, vector<1x1x16xi32>,
        %get3A_1055 = vector.shape_cast %get3A_1054 : vector<1x1x16xi32> to vector<16xi32>
        %add3A_1056 = vector.broadcast %mul3A_14 : i32 to vector<16xi32>
        %add3A_1057 = arith.addi %get3A_1055, %add3A_1056 : vector<16xi32>
        %mul3A_1058 = arith.constant 16 : i32
        %mul3A_1059 = arith.muli %scan3A_1047, %mul3A_1058 : i32
        %swap3A = arith.constant 0 : i32
        %swap3A_1060 = arith.index_cast %select_n3A_795 : i32 to index
        %swap3A_1061 = arith.index_cast %swap3A : i32 to index
        %swap3A_1062 = arith.index_cast %mul3A_1059 : i32 to index
        %swap3A_1063 = tpu.vector_load %arg5[%swap3A_1060, %swap3A_1061, %swap3A_1062] {strides = array<i32>} : memref<6x2x80xi32, #tpu.memory_space<vmem>>, vector<1x1x16xi32>,
        %swap3A_1064 = vector.shape_cast %swap3A_1063 : vector<1x1x16xi32> to vector<16xi32>
        %swap3A_1065 = vector.shape_cast %add3A_1057 : vector<16xi32> to vector<1x1x16xi32>
        tpu.vector_store %arg5[%swap3A_1060, %swap3A_1061, %swap3A_1062], %swap3A_1065 {strides = array<i32>} : memref<6x2x80xi32, #tpu.memory_space<vmem>>, vector<1x1x16xi32>,
        %scan3A_1066 = arith.constant 0 : i32
        scf.yield %scan3A_1066 : i32
      }
      %scan3A_802 = arith.constant 5 : i32
      %add3A_803 = arith.constant 1 : i32
      %add3A_804 = arith.addi %scan3A_671, %add3A_803 : i32
      %jit3A_805 = arith.constant 6 : i32
      %eq3A_806 = arith.constant 0 : i32
      %eq3A_807 = arith.cmpi eq, %jit3A_805, %eq3A_806 : i32
      %jit3A_808 = arith.constant 1 : i32
      %select_n3A_809 = arith.select %eq3A_807, %jit3A_808, %jit3A_805 : i32
      %rem3A_810 = arith.remsi %add3A_804, %select_n3A_809 : i32
      %ne3A_811 = arith.constant 0 : i32
      %ne3A_812 = arith.cmpi ne, %rem3A_810, %ne3A_811 : i32
      %lt3A_813 = arith.constant 0 : i32
      %lt3A_814 = arith.cmpi slt, %rem3A_810, %lt3A_813 : i32
      %lt3A_815 = arith.constant 0 : i32
      %lt3A_816 = arith.cmpi slt, %select_n3A_809, %lt3A_815 : i32
      %ne3A_817 = arith.xori %lt3A_814, %lt3A_816 : i1
      %and3A_818 = arith.andi %ne3A_817, %ne3A_812 : i1
      %add3A_819 = arith.addi %rem3A_810, %select_n3A_809 : i32
      %select_n3A_820 = arith.select %and3A_818, %add3A_819, %rem3A_810 : i32
      %jit3A_821 = arith.constant 3 : i32
      %eq3A_822 = arith.constant 0 : i32
      %eq3A_823 = arith.cmpi eq, %jit3A_821, %eq3A_822 : i32
      %jit3A_824 = arith.constant 1 : i32
      %select_n3A_825 = arith.select %eq3A_823, %jit3A_824, %jit3A_821 : i32
      %rem3A_826 = arith.remsi %add3A_804, %select_n3A_825 : i32
      %ne3A_827 = arith.constant 0 : i32
      %ne3A_828 = arith.cmpi ne, %rem3A_826, %ne3A_827 : i32
      %lt3A_829 = arith.constant 0 : i32
      %lt3A_830 = arith.cmpi slt, %rem3A_826, %lt3A_829 : i32
      %lt3A_831 = arith.constant 0 : i32
      %lt3A_832 = arith.cmpi slt, %select_n3A_825, %lt3A_831 : i32
      %ne3A_833 = arith.xori %lt3A_830, %lt3A_832 : i1
      %and3A_834 = arith.andi %ne3A_833, %ne3A_828 : i1
      %add3A_835 = arith.addi %rem3A_826, %select_n3A_825 : i32
      %select_n3A_836 = arith.select %and3A_834, %add3A_835, %rem3A_826 : i32
      %jit3A_837 = arith.constant 2 : i32
      %eq3A_838 = arith.constant 0 : i32
      %eq3A_839 = arith.cmpi eq, %jit3A_837, %eq3A_838 : i32
      %jit3A_840 = arith.constant 1 : i32
      %select_n3A_841 = arith.select %eq3A_839, %jit3A_840, %jit3A_837 : i32
      %rem3A_842 = arith.remsi %add3A_804, %select_n3A_841 : i32
      %ne3A_843 = arith.constant 0 : i32
      %ne3A_844 = arith.cmpi ne, %rem3A_842, %ne3A_843 : i32
      %lt3A_845 = arith.constant 0 : i32
      %lt3A_846 = arith.cmpi slt, %rem3A_842, %lt3A_845 : i32
      %lt3A_847 = arith.constant 0 : i32
      %lt3A_848 = arith.cmpi slt, %select_n3A_841, %lt3A_847 : i32
      %ne3A_849 = arith.xori %lt3A_846, %lt3A_848 : i1
      %and3A_850 = arith.andi %ne3A_849, %ne3A_844 : i1
      %add3A_851 = arith.addi %rem3A_842, %select_n3A_841 : i32
      %select_n3A_852 = arith.select %and3A_850, %add3A_851, %rem3A_842 : i32
      %dma_start3A_853 = arith.constant 0 : i32
      %dma_start3A_854 = arith.constant 0 : i32
      %dma_start3A_855 = arith.constant 0 : i32
      %dma_start3A_856 = tpu.memref_slice %arg6[%select_n3A_836, %dma_start3A_854, %dma_start3A_855] : memref<3x80x128xf32, #tpu.memory_space<vmem>> -> memref<1x80x128xf32, #tpu.memory_space<vmem>>
      %dma_start3A_857 = tpu.memref_squeeze %dma_start3A_856 : memref<1x80x128xf32, #tpu.memory_space<vmem>> -> memref<80x128xf32, #tpu.memory_space<vmem>>
      %dma_start3A_858 = arith.constant 0 : i32
      %dma_start3A_859 = tpu.memref_slice %arg5[%select_n3A_820, %dma_start3A_853, %dma_start3A_858] : memref<6x2x80xi32, #tpu.memory_space<vmem>> -> memref<1x1x80xi32, #tpu.memory_space<vmem>>
      %dma_start3A_860 = tpu.memref_squeeze %dma_start3A_859 : memref<1x1x80xi32, #tpu.memory_space<vmem>> -> memref<80xi32, #tpu.memory_space<vmem>>
      %dma_start3A_861 = arith.constant 0 : i32
      %dma_start3A_862 = arith.constant 0 : i32
      %dma_start3A_863 = tpu.memref_slice %arg2[%dma_start3A_861, %dma_start3A_862] : memref<20000x128xf32, #tpu.memory_space<hbm>> -> memref<20000x128xf32, #tpu.memory_space<hbm>>
      %dma_start3A_864 = tpu.memref_slice %arg9[%select_n3A_852] : memref<2x!tpu.dma_semaphore, #tpu.memory_space<semaphore_mem>> -> memref<1x!tpu.dma_semaphore, #tpu.memory_space<semaphore_mem>>
      %dma_start3A_865 = tpu.memref_squeeze %dma_start3A_864 : memref<1x!tpu.dma_semaphore, #tpu.memory_space<semaphore_mem>> -> memref<!tpu.dma_semaphore, #tpu.memory_space<semaphore_mem>>
      tpu.enqueue_indirect_dma source(%dma_start3A_863 : memref<20000x128xf32, #tpu.memory_space<hbm>>) target(%dma_start3A_857 : memref<80x128xf32, #tpu.memory_space<vmem>>) offsets(%dma_start3A_860 : memref<80xi32, #tpu.memory_space<vmem>>) semaphore(%dma_start3A_865 : memref<!tpu.dma_semaphore, #tpu.memory_space<semaphore_mem>>)
      %sub3A_866 = arith.constant 1 : i32
      %sub3A_867 = arith.subi %scan3A_671, %sub3A_866 : i32
      %jit3A_868 = arith.constant 6 : i32
      %eq3A_869 = arith.constant 0 : i32
      %eq3A_870 = arith.cmpi eq, %jit3A_868, %eq3A_869 : i32
      %jit3A_871 = arith.constant 1 : i32
      %select_n3A_872 = arith.select %eq3A_870, %jit3A_871, %jit3A_868 : i32
      %rem3A_873 = arith.remsi %sub3A_867, %select_n3A_872 : i32
      %ne3A_874 = arith.constant 0 : i32
      %ne3A_875 = arith.cmpi ne, %rem3A_873, %ne3A_874 : i32
      %lt3A_876 = arith.constant 0 : i32
      %lt3A_877 = arith.cmpi slt, %rem3A_873, %lt3A_876 : i32
      %lt3A_878 = arith.constant 0 : i32
      %lt3A_879 = arith.cmpi slt, %select_n3A_872, %lt3A_878 : i32
      %ne3A_880 = arith.xori %lt3A_877, %lt3A_879 : i1
      %and3A_881 = arith.andi %ne3A_880, %ne3A_875 : i1
      %add3A_882 = arith.addi %rem3A_873, %select_n3A_872 : i32
      %select_n3A_883 = arith.select %and3A_881, %add3A_882, %rem3A_873 : i32
      %jit3A_884 = arith.constant 3 : i32
      %eq3A_885 = arith.constant 0 : i32
      %eq3A_886 = arith.cmpi eq, %jit3A_884, %eq3A_885 : i32
      %jit3A_887 = arith.constant 1 : i32
      %select_n3A_888 = arith.select %eq3A_886, %jit3A_887, %jit3A_884 : i32
      %rem3A_889 = arith.remsi %sub3A_867, %select_n3A_888 : i32
      %ne3A_890 = arith.constant 0 : i32
      %ne3A_891 = arith.cmpi ne, %rem3A_889, %ne3A_890 : i32
      %lt3A_892 = arith.constant 0 : i32
      %lt3A_893 = arith.cmpi slt, %rem3A_889, %lt3A_892 : i32
      %lt3A_894 = arith.constant 0 : i32
      %lt3A_895 = arith.cmpi slt, %select_n3A_888, %lt3A_894 : i32
      %ne3A_896 = arith.xori %lt3A_893, %lt3A_895 : i1
      %and3A_897 = arith.andi %ne3A_896, %ne3A_891 : i1
      %add3A_898 = arith.addi %rem3A_889, %select_n3A_888 : i32
      %select_n3A_899 = arith.select %and3A_897, %add3A_898, %rem3A_889 : i32
      %jit3A_900 = arith.constant 2 : i32
      %eq3A_901 = arith.constant 0 : i32
      %eq3A_902 = arith.cmpi eq, %jit3A_900, %eq3A_901 : i32
      %jit3A_903 = arith.constant 1 : i32
      %select_n3A_904 = arith.select %eq3A_902, %jit3A_903, %jit3A_900 : i32
      %rem3A_905 = arith.remsi %sub3A_867, %select_n3A_904 : i32
      %ne3A_906 = arith.constant 0 : i32
      %ne3A_907 = arith.cmpi ne, %rem3A_905, %ne3A_906 : i32
      %lt3A_908 = arith.constant 0 : i32
      %lt3A_909 = arith.cmpi slt, %rem3A_905, %lt3A_908 : i32
      %lt3A_910 = arith.constant 0 : i32
      %lt3A_911 = arith.cmpi slt, %select_n3A_904, %lt3A_910 : i32
      %ne3A_912 = arith.xori %lt3A_909, %lt3A_911 : i1
      %and3A_913 = arith.andi %ne3A_912, %ne3A_907 : i1
      %add3A_914 = arith.addi %rem3A_905, %select_n3A_904 : i32
      %select_n3A_915 = arith.select %and3A_913, %add3A_914, %rem3A_905 : i32
      %dma_wait3A_916 = arith.constant 0 : i32
      %dma_wait3A_917 = arith.constant 0 : i32
      %dma_wait3A_918 = arith.constant 0 : i32
      %dma_wait3A_919 = tpu.memref_slice %arg6[%select_n3A_899, %dma_wait3A_917, %dma_wait3A_918] : memref<3x80x128xf32, #tpu.memory_space<vmem>> -> memref<1x80x128xf32, #tpu.memory_space<vmem>>
      %dma_wait3A_920 = tpu.memref_squeeze %dma_wait3A_919 : memref<1x80x128xf32, #tpu.memory_space<vmem>> -> memref<80x128xf32, #tpu.memory_space<vmem>>
      %dma_wait3A_921 = arith.constant 0 : i32
      %dma_wait3A_922 = tpu.memref_slice %arg5[%select_n3A_883, %dma_wait3A_916, %dma_wait3A_921] : memref<6x2x80xi32, #tpu.memory_space<vmem>> -> memref<1x1x80xi32, #tpu.memory_space<vmem>>
      %dma_wait3A_923 = tpu.memref_squeeze %dma_wait3A_922 : memref<1x1x80xi32, #tpu.memory_space<vmem>> -> memref<80xi32, #tpu.memory_space<vmem>>
      %dma_wait3A_924 = arith.constant 0 : i32
      %dma_wait3A_925 = arith.constant 0 : i32
      %dma_wait3A_926 = tpu.memref_slice %arg2[%dma_wait3A_924, %dma_wait3A_925] : memref<20000x128xf32, #tpu.memory_space<hbm>> -> memref<20000x128xf32, #tpu.memory_space<hbm>>
      %dma_wait3A_927 = tpu.memref_slice %arg9[%select_n3A_915] : memref<2x!tpu.dma_semaphore, #tpu.memory_space<semaphore_mem>> -> memref<1x!tpu.dma_semaphore, #tpu.memory_space<semaphore_mem>>
      %dma_wait3A_928 = tpu.memref_squeeze %dma_wait3A_927 : memref<1x!tpu.dma_semaphore, #tpu.memory_space<semaphore_mem>> -> memref<!tpu.dma_semaphore, #tpu.memory_space<semaphore_mem>>
      tpu.wait_indirect_dma semaphore(%dma_wait3A_928 : memref<!tpu.dma_semaphore, #tpu.memory_space<semaphore_mem>>) src(%dma_wait3A_926 : memref<20000x128xf32, #tpu.memory_space<hbm>>) dst(%dma_wait3A_920 : memref<80x128xf32, #tpu.memory_space<vmem>>)
      %sub3A_929 = arith.constant 1 : i32
      %sub3A_930 = arith.subi %scan3A_671, %sub3A_929 : i32
      %jit3A_931 = arith.constant 3 : i32
      %eq3A_932 = arith.constant 0 : i32
      %eq3A_933 = arith.cmpi eq, %jit3A_931, %eq3A_932 : i32
      %jit3A_934 = arith.constant 1 : i32
      %select_n3A_935 = arith.select %eq3A_933, %jit3A_934, %jit3A_931 : i32
      %rem3A_936 = arith.remsi %sub3A_930, %select_n3A_935 : i32
      %ne3A_937 = arith.constant 0 : i32
      %ne3A_938 = arith.cmpi ne, %rem3A_936, %ne3A_937 : i32
      %lt3A_939 = arith.constant 0 : i32
      %lt3A_940 = arith.cmpi slt, %rem3A_936, %lt3A_939 : i32
      %lt3A_941 = arith.constant 0 : i32
      %lt3A_942 = arith.cmpi slt, %select_n3A_935, %lt3A_941 : i32
      %ne3A_943 = arith.xori %lt3A_940, %lt3A_942 : i1
      %and3A_944 = arith.andi %ne3A_943, %ne3A_938 : i1
      %add3A_945 = arith.addi %rem3A_936, %select_n3A_935 : i32
      %select_n3A_946 = arith.select %and3A_944, %add3A_945, %rem3A_936 : i32
      %jit3A_947 = arith.constant 6 : i32
      %eq3A_948 = arith.constant 0 : i32
      %eq3A_949 = arith.cmpi eq, %jit3A_947, %eq3A_948 : i32
      %jit3A_950 = arith.constant 1 : i32
      %select_n3A_951 = arith.select %eq3A_949, %jit3A_950, %jit3A_947 : i32
      %rem3A_952 = arith.remsi %sub3A_930, %select_n3A_951 : i32
      %ne3A_953 = arith.constant 0 : i32
      %ne3A_954 = arith.cmpi ne, %rem3A_952, %ne3A_953 : i32
      %lt3A_955 = arith.constant 0 : i32
      %lt3A_956 = arith.cmpi slt, %rem3A_952, %lt3A_955 : i32
      %lt3A_957 = arith.constant 0 : i32
      %lt3A_958 = arith.cmpi slt, %select_n3A_951, %lt3A_957 : i32
      %ne3A_959 = arith.xori %lt3A_956, %lt3A_958 : i1
      %and3A_960 = arith.andi %ne3A_959, %ne3A_954 : i1
      %add3A_961 = arith.addi %rem3A_952, %select_n3A_951 : i32
      %select_n3A_962 = arith.select %and3A_960, %add3A_961, %rem3A_952 : i32
      %jit3A_963 = arith.constant 3 : i32
      %eq3A_964 = arith.constant 0 : i32
      %eq3A_965 = arith.cmpi eq, %jit3A_963, %eq3A_964 : i32
      %jit3A_966 = arith.constant 1 : i32
      %select_n3A_967 = arith.select %eq3A_965, %jit3A_966, %jit3A_963 : i32
      %rem3A_968 = arith.remsi %sub3A_930, %select_n3A_967 : i32
      %ne3A_969 = arith.constant 0 : i32
      %ne3A_970 = arith.cmpi ne, %rem3A_968, %ne3A_969 : i32
      %lt3A_971 = arith.constant 0 : i32
      %lt3A_972 = arith.cmpi slt, %rem3A_968, %lt3A_971 : i32
      %lt3A_973 = arith.constant 0 : i32
      %lt3A_974 = arith.cmpi slt, %select_n3A_967, %lt3A_973 : i32
      %ne3A_975 = arith.xori %lt3A_972, %lt3A_974 : i1
      %and3A_976 = arith.andi %ne3A_975, %ne3A_970 : i1
      %add3A_977 = arith.addi %rem3A_968, %select_n3A_967 : i32
      %select_n3A_978 = arith.select %and3A_976, %add3A_977, %rem3A_968 : i32
      %dma_start3A_979 = arith.constant 1 : i32
      %dma_start3A_980 = arith.constant 0 : i32
      %dma_start3A_981 = arith.constant 0 : i32
      %dma_start3A_982 = tpu.memref_slice %arg6[%select_n3A_946, %dma_start3A_980, %dma_start3A_981] : memref<3x80x128xf32, #tpu.memory_space<vmem>> -> memref<1x80x128xf32, #tpu.memory_space<vmem>>
      %dma_start3A_983 = tpu.memref_squeeze %dma_start3A_982 : memref<1x80x128xf32, #tpu.memory_space<vmem>> -> memref<80x128xf32, #tpu.memory_space<vmem>>
      %dma_start3A_984 = arith.constant 0 : i32
      %dma_start3A_985 = tpu.memref_slice %arg5[%select_n3A_962, %dma_start3A_979, %dma_start3A_984] : memref<6x2x80xi32, #tpu.memory_space<vmem>> -> memref<1x1x80xi32, #tpu.memory_space<vmem>>
      %dma_start3A_986 = tpu.memref_squeeze %dma_start3A_985 : memref<1x1x80xi32, #tpu.memory_space<vmem>> -> memref<80xi32, #tpu.memory_space<vmem>>
      %dma_start3A_987 = arith.constant 0 : i32
      %dma_start3A_988 = arith.constant 0 : i32
      %dma_start3A_989 = tpu.memref_slice %arg7[%dma_start3A_987, %dma_start3A_988] : memref<10240x128xf32, #tpu.memory_space<vmem_shared>> -> memref<10240x128xf32, #tpu.memory_space<vmem_shared>>
      %dma_start3A_990 = tpu.memref_slice %arg10[%select_n3A_978] : memref<3x!tpu.dma_semaphore, #tpu.memory_space<semaphore_mem>> -> memref<1x!tpu.dma_semaphore, #tpu.memory_space<semaphore_mem>>
      %dma_start3A_991 = tpu.memref_squeeze %dma_start3A_990 : memref<1x!tpu.dma_semaphore, #tpu.memory_space<semaphore_mem>> -> memref<!tpu.dma_semaphore, #tpu.memory_space<semaphore_mem>>
      tpu.enqueue_indirect_dma source(%dma_start3A_983 : memref<80x128xf32, #tpu.memory_space<vmem>>) target(%dma_start3A_989 : memref<10240x128xf32, #tpu.memory_space<vmem_shared>>) offsets(%dma_start3A_986 : memref<80xi32, #tpu.memory_space<vmem>>) semaphore(%dma_start3A_991 : memref<!tpu.dma_semaphore, #tpu.memory_space<semaphore_mem>>) {add = true}
      %add3A_992 = arith.constant 3 : i32
      %add3A_993 = arith.addi %scan3A_671, %add3A_992 : i32
      %add3A_994 = arith.constant 1 : i32
      %add3A_995 = arith.addi %add3A_993, %add3A_994 : i32
      %mul3A_996 = arith.constant 80 : i32
      %mul3A_997 = arith.muli %add3A_995, %mul3A_996 : i32
      %add3A_998 = arith.addi %mul3A_16, %mul3A_997 : i32
      %multiple_of3A_999 = tpu.assume_multiple %add3A_998, 8 : i32
      %jit3A_1000 = arith.constant 6 : i32
      %eq3A_1001 = arith.constant 0 : i32
      %eq3A_1002 = arith.cmpi eq, %jit3A_1000, %eq3A_1001 : i32
      %jit3A_1003 = arith.constant 1 : i32
      %select_n3A_1004 = arith.select %eq3A_1002, %jit3A_1003, %jit3A_1000 : i32
      %rem3A_1005 = arith.remsi %add3A_995, %select_n3A_1004 : i32
      %ne3A_1006 = arith.constant 0 : i32
      %ne3A_1007 = arith.cmpi ne, %rem3A_1005, %ne3A_1006 : i32
      %lt3A_1008 = arith.constant 0 : i32
      %lt3A_1009 = arith.cmpi slt, %rem3A_1005, %lt3A_1008 : i32
      %lt3A_1010 = arith.constant 0 : i32
      %lt3A_1011 = arith.cmpi slt, %select_n3A_1004, %lt3A_1010 : i32
      %ne3A_1012 = arith.xori %lt3A_1009, %lt3A_1011 : i1
      %and3A_1013 = arith.andi %ne3A_1012, %ne3A_1007 : i1
      %add3A_1014 = arith.addi %rem3A_1005, %select_n3A_1004 : i32
      %select_n3A_1015 = arith.select %and3A_1013, %add3A_1014, %rem3A_1005 : i32
      %jit3A_1016 = arith.constant 3 : i32
      %eq3A_1017 = arith.constant 0 : i32
      %eq3A_1018 = arith.cmpi eq, %jit3A_1016, %eq3A_1017 : i32
      %jit3A_1019 = arith.constant 1 : i32
      %select_n3A_1020 = arith.select %eq3A_1018, %jit3A_1019, %jit3A_1016 : i32
      %rem3A_1021 = arith.remsi %add3A_995, %select_n3A_1020 : i32
      %ne3A_1022 = arith.constant 0 : i32
      %ne3A_1023 = arith.cmpi ne, %rem3A_1021, %ne3A_1022 : i32
      %lt3A_1024 = arith.constant 0 : i32
      %lt3A_1025 = arith.cmpi slt, %rem3A_1021, %lt3A_1024 : i32
      %lt3A_1026 = arith.constant 0 : i32
      %lt3A_1027 = arith.cmpi slt, %select_n3A_1020, %lt3A_1026 : i32
      %ne3A_1028 = arith.xori %lt3A_1025, %lt3A_1027 : i1
      %and3A_1029 = arith.andi %ne3A_1028, %ne3A_1023 : i1
      %add3A_1030 = arith.addi %rem3A_1021, %select_n3A_1020 : i32
      %select_n3A_1031 = arith.select %and3A_1029, %add3A_1030, %rem3A_1021 : i32
      %dma_start3A_1032 = arith.constant 0 : i32
      %dma_start3A_1033 = arith.constant 0 : i32
      %dma_start3A_1034 = tpu.memref_slice %arg5[%select_n3A_1015, %dma_start3A_1032, %dma_start3A_1033] : memref<6x2x80xi32, #tpu.memory_space<vmem>> -> memref<1x2x80xi32, #tpu.memory_space<vmem>>
      %dma_start3A_1035 = tpu.memref_squeeze %dma_start3A_1034 : memref<1x2x80xi32, #tpu.memory_space<vmem>> -> memref<2x80xi32, #tpu.memory_space<vmem>>
      %dma_start3A_1036 = arith.constant 0 : i32
      %dma_start3A_1037 = tpu.memref_slice %arg3[%dma_start3A_1036, %multiple_of3A_999] : memref<2x320000xi32, #tpu.memory_space<hbm>> -> memref<2x80xi32, #tpu.memory_space<hbm>>
      %dma_start3A_1038 = tpu.memref_slice %arg8[%select_n3A_1031] : memref<3x!tpu.dma_semaphore, #tpu.memory_space<semaphore_mem>> -> memref<1x!tpu.dma_semaphore, #tpu.memory_space<semaphore_mem>>
      %dma_start3A_1039 = tpu.memref_squeeze %dma_start3A_1038 : memref<1x!tpu.dma_semaphore, #tpu.memory_space<semaphore_mem>> -> memref<!tpu.dma_semaphore, #tpu.memory_space<semaphore_mem>>
      %dma_start3A_1040 = arith.constant 0 : i32
      %dma_start3A_1041 = arith.constant 0 : i32
      %dma_start3A_1042 = tpu.memref_slice %arg5[%select_n3A_1015, %dma_start3A_1040, %dma_start3A_1041] : memref<6x2x80xi32, #tpu.memory_space<vmem>> -> memref<1x2x80xi32, #tpu.memory_space<vmem>>
      %dma_start3A_1043 = tpu.memref_squeeze %dma_start3A_1042 : memref<1x2x80xi32, #tpu.memory_space<vmem>> -> memref<2x80xi32, #tpu.memory_space<vmem>>
      %dma_start3A_1044 = arith.constant 0 : i32
      %dma_start3A_1045 = tpu.memref_slice %arg3[%dma_start3A_1044, %multiple_of3A_999] : memref<2x320000xi32, #tpu.memory_space<hbm>> -> memref<2x80xi32, #tpu.memory_space<hbm>>
      tpu.enqueue_dma source(%dma_start3A_1045 : memref<2x80xi32, #tpu.memory_space<hbm>>) target(%dma_start3A_1043 : memref<2x80xi32, #tpu.memory_space<vmem>>) target_semaphore(%dma_start3A_1039 : memref<!tpu.dma_semaphore, #tpu.memory_space<semaphore_mem>>)
      %scan3A_1046 = arith.constant 0 : i32
      scf.yield %scan3A_1046 : i32
    }
    %scan3A_288 = arith.constant 244 : i32
    %dma_wait3A_289 = arith.constant 1 : i32
    %dma_wait3A_290 = arith.constant 4 : i32
    %dma_wait3A_291 = arith.constant 1 : i32
    %dma_wait3A_292 = arith.constant 1 : i32
    %dma_wait3A_293 = arith.constant 0 : i32
    %dma_wait3A_294 = arith.constant 0 : i32
    %dma_wait3A_295 = tpu.memref_slice %arg6[%dma_wait3A_289, %dma_wait3A_293, %dma_wait3A_294] : memref<3x80x128xf32, #tpu.memory_space<vmem>> -> memref<1x80x128xf32, #tpu.memory_space<vmem>>
    %dma_wait3A_296 = tpu.memref_squeeze %dma_wait3A_295 : memref<1x80x128xf32, #tpu.memory_space<vmem>> -> memref<80x128xf32, #tpu.memory_space<vmem>>
    %dma_wait3A_297 = arith.constant 0 : i32
    %dma_wait3A_298 = tpu.memref_slice %arg5[%dma_wait3A_290, %dma_wait3A_291, %dma_wait3A_297] : memref<6x2x80xi32, #tpu.memory_space<vmem>> -> memref<1x1x80xi32, #tpu.memory_space<vmem>>
    %dma_wait3A_299 = tpu.memref_squeeze %dma_wait3A_298 : memref<1x1x80xi32, #tpu.memory_space<vmem>> -> memref<80xi32, #tpu.memory_space<vmem>>
    %dma_wait3A_300 = arith.constant 0 : i32
    %dma_wait3A_301 = arith.constant 0 : i32
    %dma_wait3A_302 = tpu.memref_slice %arg7[%dma_wait3A_300, %dma_wait3A_301] : memref<10240x128xf32, #tpu.memory_space<vmem_shared>> -> memref<10240x128xf32, #tpu.memory_space<vmem_shared>>
    %dma_wait3A_303 = tpu.memref_slice %arg10[%dma_wait3A_292] : memref<3x!tpu.dma_semaphore, #tpu.memory_space<semaphore_mem>> -> memref<1x!tpu.dma_semaphore, #tpu.memory_space<semaphore_mem>>
    %dma_wait3A_304 = tpu.memref_squeeze %dma_wait3A_303 : memref<1x!tpu.dma_semaphore, #tpu.memory_space<semaphore_mem>> -> memref<!tpu.dma_semaphore, #tpu.memory_space<semaphore_mem>>
    tpu.wait_indirect_dma semaphore(%dma_wait3A_304 : memref<!tpu.dma_semaphore, #tpu.memory_space<semaphore_mem>>) src(%dma_wait3A_296 : memref<80x128xf32, #tpu.memory_space<vmem>>) dst(%dma_wait3A_302 : memref<10240x128xf32, #tpu.memory_space<vmem_shared>>)
    %dma_wait3A_305 = arith.constant 1 : i32
    %dma_wait3A_306 = arith.constant 1 : i32
    %dma_wait3A_307 = arith.constant 0 : i32
    %dma_wait3A_308 = arith.constant 0 : i32
    %dma_wait3A_309 = tpu.memref_slice %arg5[%dma_wait3A_305, %dma_wait3A_307, %dma_wait3A_308] : memref<6x2x80xi32, #tpu.memory_space<vmem>> -> memref<1x2x80xi32, #tpu.memory_space<vmem>>
    %dma_wait3A_310 = tpu.memref_squeeze %dma_wait3A_309 : memref<1x2x80xi32, #tpu.memory_space<vmem>> -> memref<2x80xi32, #tpu.memory_space<vmem>>
    %dma_wait3A_311 = arith.constant 0 : i32
    %dma_wait3A_312 = arith.constant 0 : i32
    %dma_wait3A_313 = tpu.memref_slice %arg3[%dma_wait3A_311, %dma_wait3A_312] : memref<2x320000xi32, #tpu.memory_space<hbm>> -> memref<2x80xi32, #tpu.memory_space<hbm>>
    %dma_wait3A_314 = tpu.memref_slice %arg8[%dma_wait3A_306] : memref<3x!tpu.dma_semaphore, #tpu.memory_space<semaphore_mem>> -> memref<1x!tpu.dma_semaphore, #tpu.memory_space<semaphore_mem>>
    %dma_wait3A_315 = tpu.memref_squeeze %dma_wait3A_314 : memref<1x!tpu.dma_semaphore, #tpu.memory_space<semaphore_mem>> -> memref<!tpu.dma_semaphore, #tpu.memory_space<semaphore_mem>>
    %dma_wait3A_316 = arith.constant 0 : i32
    %dma_wait3A_317 = arith.constant 0 : i32
    %dma_wait3A_318 = tpu.memref_slice %arg5[%dma_wait3A_305, %dma_wait3A_316, %dma_wait3A_317] : memref<6x2x80xi32, #tpu.memory_space<vmem>> -> memref<1x2x80xi32, #tpu.memory_space<vmem>>
    %dma_wait3A_319 = tpu.memref_squeeze %dma_wait3A_318 : memref<1x2x80xi32, #tpu.memory_space<vmem>> -> memref<2x80xi32, #tpu.memory_space<vmem>>
    %dma_wait3A_320 = arith.constant 0 : i32
    %dma_wait3A_321 = arith.constant 0 : i32
    %dma_wait3A_322 = tpu.memref_slice %arg3[%dma_wait3A_320, %dma_wait3A_321] : memref<2x320000xi32, #tpu.memory_space<hbm>> -> memref<2x80xi32, #tpu.memory_space<hbm>>
    tpu.wait_dma2 semaphore(%dma_wait3A_315 : memref<!tpu.dma_semaphore, #tpu.memory_space<semaphore_mem>>) src(%dma_wait3A_322 : memref<2x80xi32, #tpu.memory_space<hbm>>) dst(%dma_wait3A_319 : memref<2x80xi32, #tpu.memory_space<vmem>>)
    %scan3A_323 = arith.constant 0 : i32
    %scan3A_324 = arith.constant 0 : i32
    %scan3A_325 = arith.constant 5 : i32
    %scan3A_326 = arith.addi %scan3A_324, %scan3A_325 : i32
    %scan3A_327 = arith.constant 1 : i32
    %scan3A_328 = scf.for %scan3A_671 = %scan3A_324 to %scan3A_326 step %scan3A_327 iter_args(%scan3A_672 = %scan3A_323) -> (i32)  : i32 {
      %mul3A_673 = arith.constant 16 : i32
      %mul3A_674 = arith.muli %scan3A_671, %mul3A_673 : i32
      %get3A = arith.constant 1 : i32
      %get3A_675 = arith.constant 0 : i32
      %get3A_676 = arith.index_cast %get3A : i32 to index
      %get3A_677 = arith.index_cast %get3A_675 : i32 to index
      %get3A_678 = arith.index_cast %mul3A_674 : i32 to index
      %get3A_679 = tpu.vector_load %arg5[%get3A_676, %get3A_677, %get3A_678] {strides = array<i32>} : memref<6x2x80xi32, #tpu.memory_space<vmem>>, vector<1x1x16xi32>,
      %get3A_680 = vector.shape_cast %get3A_679 : vector<1x1x16xi32> to vector<16xi32>
      %add3A_681 = vector.broadcast %mul3A_14 : i32 to vector<16xi32>
      %add3A_682 = arith.addi %get3A_680, %add3A_681 : vector<16xi32>
      %mul3A_683 = arith.constant 16 : i32
      %mul3A_684 = arith.muli %scan3A_671, %mul3A_683 : i32
      %swap3A = arith.constant 1 : i32
      %swap3A_685 = arith.constant 0 : i32
      %swap3A_686 = arith.index_cast %swap3A : i32 to index
      %swap3A_687 = arith.index_cast %swap3A_685 : i32 to index
      %swap3A_688 = arith.index_cast %mul3A_684 : i32 to index
      %swap3A_689 = tpu.vector_load %arg5[%swap3A_686, %swap3A_687, %swap3A_688] {strides = array<i32>} : memref<6x2x80xi32, #tpu.memory_space<vmem>>, vector<1x1x16xi32>,
      %swap3A_690 = vector.shape_cast %swap3A_689 : vector<1x1x16xi32> to vector<16xi32>
      %swap3A_691 = vector.shape_cast %add3A_682 : vector<16xi32> to vector<1x1x16xi32>
      tpu.vector_store %arg5[%swap3A_686, %swap3A_687, %swap3A_688], %swap3A_691 {strides = array<i32>} : memref<6x2x80xi32, #tpu.memory_space<vmem>>, vector<1x1x16xi32>,
      %scan3A_692 = arith.constant 0 : i32
      scf.yield %scan3A_692 : i32
    }
    %scan3A_329 = arith.constant 5 : i32
    %dma_start3A_330 = arith.constant 1 : i32
    %dma_start3A_331 = arith.constant 0 : i32
    %dma_start3A_332 = arith.constant 1 : i32
    %dma_start3A_333 = arith.constant 1 : i32
    %dma_start3A_334 = arith.constant 0 : i32
    %dma_start3A_335 = arith.constant 0 : i32
    %dma_start3A_336 = tpu.memref_slice %arg6[%dma_start3A_332, %dma_start3A_334, %dma_start3A_335] : memref<3x80x128xf32, #tpu.memory_space<vmem>> -> memref<1x80x128xf32, #tpu.memory_space<vmem>>
    %dma_start3A_337 = tpu.memref_squeeze %dma_start3A_336 : memref<1x80x128xf32, #tpu.memory_space<vmem>> -> memref<80x128xf32, #tpu.memory_space<vmem>>
    %dma_start3A_338 = arith.constant 0 : i32
    %dma_start3A_339 = tpu.memref_slice %arg5[%dma_start3A_330, %dma_start3A_331, %dma_start3A_338] : memref<6x2x80xi32, #tpu.memory_space<vmem>> -> memref<1x1x80xi32, #tpu.memory_space<vmem>>
    %dma_start3A_340 = tpu.memref_squeeze %dma_start3A_339 : memref<1x1x80xi32, #tpu.memory_space<vmem>> -> memref<80xi32, #tpu.memory_space<vmem>>
    %dma_start3A_341 = arith.constant 0 : i32
    %dma_start3A_342 = arith.constant 0 : i32
    %dma_start3A_343 = tpu.memref_slice %arg2[%dma_start3A_341, %dma_start3A_342] : memref<20000x128xf32, #tpu.memory_space<hbm>> -> memref<20000x128xf32, #tpu.memory_space<hbm>>
    %dma_start3A_344 = tpu.memref_slice %arg9[%dma_start3A_333] : memref<2x!tpu.dma_semaphore, #tpu.memory_space<semaphore_mem>> -> memref<1x!tpu.dma_semaphore, #tpu.memory_space<semaphore_mem>>
    %dma_start3A_345 = tpu.memref_squeeze %dma_start3A_344 : memref<1x!tpu.dma_semaphore, #tpu.memory_space<semaphore_mem>> -> memref<!tpu.dma_semaphore, #tpu.memory_space<semaphore_mem>>
    tpu.enqueue_indirect_dma source(%dma_start3A_343 : memref<20000x128xf32, #tpu.memory_space<hbm>>) target(%dma_start3A_337 : memref<80x128xf32, #tpu.memory_space<vmem>>) offsets(%dma_start3A_340 : memref<80xi32, #tpu.memory_space<vmem>>) semaphore(%dma_start3A_345 : memref<!tpu.dma_semaphore, #tpu.memory_space<semaphore_mem>>)
    %dma_wait3A_346 = arith.constant 5 : i32
    %dma_wait3A_347 = arith.constant 0 : i32
    %dma_wait3A_348 = arith.constant 2 : i32
    %dma_wait3A_349 = arith.constant 1 : i32
    %dma_wait3A_350 = arith.constant 0 : i32
    %dma_wait3A_351 = arith.constant 0 : i32
    %dma_wait3A_352 = tpu.memref_slice %arg6[%dma_wait3A_348, %dma_wait3A_350, %dma_wait3A_351] : memref<3x80x128xf32, #tpu.memory_space<vmem>> -> memref<1x80x128xf32, #tpu.memory_space<vmem>>
    %dma_wait3A_353 = tpu.memref_squeeze %dma_wait3A_352 : memref<1x80x128xf32, #tpu.memory_space<vmem>> -> memref<80x128xf32, #tpu.memory_space<vmem>>
    %dma_wait3A_354 = arith.constant 0 : i32
    %dma_wait3A_355 = tpu.memref_slice %arg5[%dma_wait3A_346, %dma_wait3A_347, %dma_wait3A_354] : memref<6x2x80xi32, #tpu.memory_space<vmem>> -> memref<1x1x80xi32, #tpu.memory_space<vmem>>
    %dma_wait3A_356 = tpu.memref_squeeze %dma_wait3A_355 : memref<1x1x80xi32, #tpu.memory_space<vmem>> -> memref<80xi32, #tpu.memory_space<vmem>>
    %dma_wait3A_357 = arith.constant 0 : i32
    %dma_wait3A_358 = arith.constant 0 : i32
    %dma_wait3A_359 = tpu.memref_slice %arg2[%dma_wait3A_357, %dma_wait3A_358] : memref<20000x128xf32, #tpu.memory_space<hbm>> -> memref<20000x128xf32, #tpu.memory_space<hbm>>
    %dma_wait3A_360 = tpu.memref_slice %arg9[%dma_wait3A_349] : memref<2x!tpu.dma_semaphore, #tpu.memory_space<semaphore_mem>> -> memref<1x!tpu.dma_semaphore, #tpu.memory_space<semaphore_mem>>
    %dma_wait3A_361 = tpu.memref_squeeze %dma_wait3A_360 : memref<1x!tpu.dma_semaphore, #tpu.memory_space<semaphore_mem>> -> memref<!tpu.dma_semaphore, #tpu.memory_space<semaphore_mem>>
    tpu.wait_indirect_dma semaphore(%dma_wait3A_361 : memref<!tpu.dma_semaphore, #tpu.memory_space<semaphore_mem>>) src(%dma_wait3A_359 : memref<20000x128xf32, #tpu.memory_space<hbm>>) dst(%dma_wait3A_353 : memref<80x128xf32, #tpu.memory_space<vmem>>)
    %dma_start3A_362 = arith.constant 2 : i32
    %dma_start3A_363 = arith.constant 5 : i32
    %dma_start3A_364 = arith.constant 1 : i32
    %dma_start3A_365 = arith.constant 2 : i32
    %dma_start3A_366 = arith.constant 0 : i32
    %dma_start3A_367 = arith.constant 0 : i32
    %dma_start3A_368 = tpu.memref_slice %arg6[%dma_start3A_362, %dma_start3A_366, %dma_start3A_367] : memref<3x80x128xf32, #tpu.memory_space<vmem>> -> memref<1x80x128xf32, #tpu.memory_space<vmem>>
    %dma_start3A_369 = tpu.memref_squeeze %dma_start3A_368 : memref<1x80x128xf32, #tpu.memory_space<vmem>> -> memref<80x128xf32, #tpu.memory_space<vmem>>
    %dma_start3A_370 = arith.constant 0 : i32
    %dma_start3A_371 = tpu.memref_slice %arg5[%dma_start3A_363, %dma_start3A_364, %dma_start3A_370] : memref<6x2x80xi32, #tpu.memory_space<vmem>> -> memref<1x1x80xi32, #tpu.memory_space<vmem>>
    %dma_start3A_372 = tpu.memref_squeeze %dma_start3A_371 : memref<1x1x80xi32, #tpu.memory_space<vmem>> -> memref<80xi32, #tpu.memory_space<vmem>>
    %dma_start3A_373 = arith.constant 0 : i32
    %dma_start3A_374 = arith.constant 0 : i32
    %dma_start3A_375 = tpu.memref_slice %arg7[%dma_start3A_373, %dma_start3A_374] : memref<10240x128xf32, #tpu.memory_space<vmem_shared>> -> memref<10240x128xf32, #tpu.memory_space<vmem_shared>>
    %dma_start3A_376 = tpu.memref_slice %arg10[%dma_start3A_365] : memref<3x!tpu.dma_semaphore, #tpu.memory_space<semaphore_mem>> -> memref<1x!tpu.dma_semaphore, #tpu.memory_space<semaphore_mem>>
    %dma_start3A_377 = tpu.memref_squeeze %dma_start3A_376 : memref<1x!tpu.dma_semaphore, #tpu.memory_space<semaphore_mem>> -> memref<!tpu.dma_semaphore, #tpu.memory_space<semaphore_mem>>
    tpu.enqueue_indirect_dma source(%dma_start3A_369 : memref<80x128xf32, #tpu.memory_space<vmem>>) target(%dma_start3A_375 : memref<10240x128xf32, #tpu.memory_space<vmem_shared>>) offsets(%dma_start3A_372 : memref<80xi32, #tpu.memory_space<vmem>>) semaphore(%dma_start3A_377 : memref<!tpu.dma_semaphore, #tpu.memory_space<semaphore_mem>>) {add = true}
    %dma_wait3A_378 = arith.constant 2 : i32
    %dma_wait3A_379 = arith.constant 5 : i32
    %dma_wait3A_380 = arith.constant 1 : i32
    %dma_wait3A_381 = arith.constant 2 : i32
    %dma_wait3A_382 = arith.constant 0 : i32
    %dma_wait3A_383 = arith.constant 0 : i32
    %dma_wait3A_384 = tpu.memref_slice %arg6[%dma_wait3A_378, %dma_wait3A_382, %dma_wait3A_383] : memref<3x80x128xf32, #tpu.memory_space<vmem>> -> memref<1x80x128xf32, #tpu.memory_space<vmem>>
    %dma_wait3A_385 = tpu.memref_squeeze %dma_wait3A_384 : memref<1x80x128xf32, #tpu.memory_space<vmem>> -> memref<80x128xf32, #tpu.memory_space<vmem>>
    %dma_wait3A_386 = arith.constant 0 : i32
    %dma_wait3A_387 = tpu.memref_slice %arg5[%dma_wait3A_379, %dma_wait3A_380, %dma_wait3A_386] : memref<6x2x80xi32, #tpu.memory_space<vmem>> -> memref<1x1x80xi32, #tpu.memory_space<vmem>>
    %dma_wait3A_388 = tpu.memref_squeeze %dma_wait3A_387 : memref<1x1x80xi32, #tpu.memory_space<vmem>> -> memref<80xi32, #tpu.memory_space<vmem>>
    %dma_wait3A_389 = arith.constant 0 : i32
    %dma_wait3A_390 = arith.constant 0 : i32
    %dma_wait3A_391 = tpu.memref_slice %arg7[%dma_wait3A_389, %dma_wait3A_390] : memref<10240x128xf32, #tpu.memory_space<vmem_shared>> -> memref<10240x128xf32, #tpu.memory_space<vmem_shared>>
    %dma_wait3A_392 = tpu.memref_slice %arg10[%dma_wait3A_381] : memref<3x!tpu.dma_semaphore, #tpu.memory_space<semaphore_mem>> -> memref<1x!tpu.dma_semaphore, #tpu.memory_space<semaphore_mem>>
    %dma_wait3A_393 = tpu.memref_squeeze %dma_wait3A_392 : memref<1x!tpu.dma_semaphore, #tpu.memory_space<semaphore_mem>> -> memref<!tpu.dma_semaphore, #tpu.memory_space<semaphore_mem>>
    tpu.wait_indirect_dma semaphore(%dma_wait3A_393 : memref<!tpu.dma_semaphore, #tpu.memory_space<semaphore_mem>>) src(%dma_wait3A_385 : memref<80x128xf32, #tpu.memory_space<vmem>>) dst(%dma_wait3A_391 : memref<10240x128xf32, #tpu.memory_space<vmem_shared>>)
    %dma_wait3A_394 = arith.constant 2 : i32
    %dma_wait3A_395 = arith.constant 2 : i32
    %dma_wait3A_396 = arith.constant 0 : i32
    %dma_wait3A_397 = arith.constant 0 : i32
    %dma_wait3A_398 = tpu.memref_slice %arg5[%dma_wait3A_394, %dma_wait3A_396, %dma_wait3A_397] : memref<6x2x80xi32, #tpu.memory_space<vmem>> -> memref<1x2x80xi32, #tpu.memory_space<vmem>>
    %dma_wait3A_399 = tpu.memref_squeeze %dma_wait3A_398 : memref<1x2x80xi32, #tpu.memory_space<vmem>> -> memref<2x80xi32, #tpu.memory_space<vmem>>
    %dma_wait3A_400 = arith.constant 0 : i32
    %dma_wait3A_401 = arith.constant 0 : i32
    %dma_wait3A_402 = tpu.memref_slice %arg3[%dma_wait3A_400, %dma_wait3A_401] : memref<2x320000xi32, #tpu.memory_space<hbm>> -> memref<2x80xi32, #tpu.memory_space<hbm>>
    %dma_wait3A_403 = tpu.memref_slice %arg8[%dma_wait3A_395] : memref<3x!tpu.dma_semaphore, #tpu.memory_space<semaphore_mem>> -> memref<1x!tpu.dma_semaphore, #tpu.memory_space<semaphore_mem>>
    %dma_wait3A_404 = tpu.memref_squeeze %dma_wait3A_403 : memref<1x!tpu.dma_semaphore, #tpu.memory_space<semaphore_mem>> -> memref<!tpu.dma_semaphore, #tpu.memory_space<semaphore_mem>>
    %dma_wait3A_405 = arith.constant 0 : i32
    %dma_wait3A_406 = arith.constant 0 : i32
    %dma_wait3A_407 = tpu.memref_slice %arg5[%dma_wait3A_394, %dma_wait3A_405, %dma_wait3A_406] : memref<6x2x80xi32, #tpu.memory_space<vmem>> -> memref<1x2x80xi32, #tpu.memory_space<vmem>>
    %dma_wait3A_408 = tpu.memref_squeeze %dma_wait3A_407 : memref<1x2x80xi32, #tpu.memory_space<vmem>> -> memref<2x80xi32, #tpu.memory_space<vmem>>
    %dma_wait3A_409 = arith.constant 0 : i32
    %dma_wait3A_410 = arith.constant 0 : i32
    %dma_wait3A_411 = tpu.memref_slice %arg3[%dma_wait3A_409, %dma_wait3A_410] : memref<2x320000xi32, #tpu.memory_space<hbm>> -> memref<2x80xi32, #tpu.memory_space<hbm>>
    tpu.wait_dma2 semaphore(%dma_wait3A_404 : memref<!tpu.dma_semaphore, #tpu.memory_space<semaphore_mem>>) src(%dma_wait3A_411 : memref<2x80xi32, #tpu.memory_space<hbm>>) dst(%dma_wait3A_408 : memref<2x80xi32, #tpu.memory_space<vmem>>)
    %scan3A_412 = arith.constant 0 : i32
    %scan3A_413 = arith.constant 0 : i32
    %scan3A_414 = arith.constant 5 : i32
    %scan3A_415 = arith.addi %scan3A_413, %scan3A_414 : i32
    %scan3A_416 = arith.constant 1 : i32
    %scan3A_417 = scf.for %scan3A_671 = %scan3A_413 to %scan3A_415 step %scan3A_416 iter_args(%scan3A_672 = %scan3A_412) -> (i32)  : i32 {
      %mul3A_673 = arith.constant 16 : i32
      %mul3A_674 = arith.muli %scan3A_671, %mul3A_673 : i32
      %get3A = arith.constant 2 : i32
      %get3A_675 = arith.constant 0 : i32
      %get3A_676 = arith.index_cast %get3A : i32 to index
      %get3A_677 = arith.index_cast %get3A_675 : i32 to index
      %get3A_678 = arith.index_cast %mul3A_674 : i32 to index
      %get3A_679 = tpu.vector_load %arg5[%get3A_676, %get3A_677, %get3A_678] {strides = array<i32>} : memref<6x2x80xi32, #tpu.memory_space<vmem>>, vector<1x1x16xi32>,
      %get3A_680 = vector.shape_cast %get3A_679 : vector<1x1x16xi32> to vector<16xi32>
      %add3A_681 = vector.broadcast %mul3A_14 : i32 to vector<16xi32>
      %add3A_682 = arith.addi %get3A_680, %add3A_681 : vector<16xi32>
      %mul3A_683 = arith.constant 16 : i32
      %mul3A_684 = arith.muli %scan3A_671, %mul3A_683 : i32
      %swap3A = arith.constant 2 : i32
      %swap3A_685 = arith.constant 0 : i32
      %swap3A_686 = arith.index_cast %swap3A : i32 to index
      %swap3A_687 = arith.index_cast %swap3A_685 : i32 to index
      %swap3A_688 = arith.index_cast %mul3A_684 : i32 to index
      %swap3A_689 = tpu.vector_load %arg5[%swap3A_686, %swap3A_687, %swap3A_688] {strides = array<i32>} : memref<6x2x80xi32, #tpu.memory_space<vmem>>, vector<1x1x16xi32>,
      %swap3A_690 = vector.shape_cast %swap3A_689 : vector<1x1x16xi32> to vector<16xi32>
      %swap3A_691 = vector.shape_cast %add3A_682 : vector<16xi32> to vector<1x1x16xi32>
      tpu.vector_store %arg5[%swap3A_686, %swap3A_687, %swap3A_688], %swap3A_691 {strides = array<i32>} : memref<6x2x80xi32, #tpu.memory_space<vmem>>, vector<1x1x16xi32>,
      %scan3A_692 = arith.constant 0 : i32
      scf.yield %scan3A_692 : i32
    }
    %scan3A_418 = arith.constant 5 : i32
    %dma_start3A_419 = arith.constant 2 : i32
    %dma_start3A_420 = arith.constant 0 : i32
    %dma_start3A_421 = arith.constant 2 : i32
    %dma_start3A_422 = arith.constant 0 : i32
    %dma_start3A_423 = arith.constant 0 : i32
    %dma_start3A_424 = arith.constant 0 : i32
    %dma_start3A_425 = tpu.memref_slice %arg6[%dma_start3A_421, %dma_start3A_423, %dma_start3A_424] : memref<3x80x128xf32, #tpu.memory_space<vmem>> -> memref<1x80x128xf32, #tpu.memory_space<vmem>>
    %dma_start3A_426 = tpu.memref_squeeze %dma_start3A_425 : memref<1x80x128xf32, #tpu.memory_space<vmem>> -> memref<80x128xf32, #tpu.memory_space<vmem>>
    %dma_start3A_427 = arith.constant 0 : i32
    %dma_start3A_428 = tpu.memref_slice %arg5[%dma_start3A_419, %dma_start3A_420, %dma_start3A_427] : memref<6x2x80xi32, #tpu.memory_space<vmem>> -> memref<1x1x80xi32, #tpu.memory_space<vmem>>
    %dma_start3A_429 = tpu.memref_squeeze %dma_start3A_428 : memref<1x1x80xi32, #tpu.memory_space<vmem>> -> memref<80xi32, #tpu.memory_space<vmem>>
    %dma_start3A_430 = arith.constant 0 : i32
    %dma_start3A_431 = arith.constant 0 : i32
    %dma_start3A_432 = tpu.memref_slice %arg2[%dma_start3A_430, %dma_start3A_431] : memref<20000x128xf32, #tpu.memory_space<hbm>> -> memref<20000x128xf32, #tpu.memory_space<hbm>>
    %dma_start3A_433 = tpu.memref_slice %arg9[%dma_start3A_422] : memref<2x!tpu.dma_semaphore, #tpu.memory_space<semaphore_mem>> -> memref<1x!tpu.dma_semaphore, #tpu.memory_space<semaphore_mem>>
    %dma_start3A_434 = tpu.memref_squeeze %dma_start3A_433 : memref<1x!tpu.dma_semaphore, #tpu.memory_space<semaphore_mem>> -> memref<!tpu.dma_semaphore, #tpu.memory_space<semaphore_mem>>
    tpu.enqueue_indirect_dma source(%dma_start3A_432 : memref<20000x128xf32, #tpu.memory_space<hbm>>) target(%dma_start3A_426 : memref<80x128xf32, #tpu.memory_space<vmem>>) offsets(%dma_start3A_429 : memref<80xi32, #tpu.memory_space<vmem>>) semaphore(%dma_start3A_434 : memref<!tpu.dma_semaphore, #tpu.memory_space<semaphore_mem>>)
    %dma_wait3A_435 = arith.constant 0 : i32
    %dma_wait3A_436 = arith.constant 0 : i32
    %dma_wait3A_437 = arith.constant 0 : i32
    %dma_wait3A_438 = arith.constant 0 : i32
    %dma_wait3A_439 = arith.constant 0 : i32
    %dma_wait3A_440 = arith.constant 0 : i32
    %dma_wait3A_441 = tpu.memref_slice %arg6[%dma_wait3A_437, %dma_wait3A_439, %dma_wait3A_440] : memref<3x80x128xf32, #tpu.memory_space<vmem>> -> memref<1x80x128xf32, #tpu.memory_space<vmem>>
    %dma_wait3A_442 = tpu.memref_squeeze %dma_wait3A_441 : memref<1x80x128xf32, #tpu.memory_space<vmem>> -> memref<80x128xf32, #tpu.memory_space<vmem>>
    %dma_wait3A_443 = arith.constant 0 : i32
    %dma_wait3A_444 = tpu.memref_slice %arg5[%dma_wait3A_435, %dma_wait3A_436, %dma_wait3A_443] : memref<6x2x80xi32, #tpu.memory_space<vmem>> -> memref<1x1x80xi32, #tpu.memory_space<vmem>>
    %dma_wait3A_445 = tpu.memref_squeeze %dma_wait3A_444 : memref<1x1x80xi32, #tpu.memory_space<vmem>> -> memref<80xi32, #tpu.memory_space<vmem>>
    %dma_wait3A_446 = arith.constant 0 : i32
    %dma_wait3A_447 = arith.constant 0 : i32
    %dma_wait3A_448 = tpu.memref_slice %arg2[%dma_wait3A_446, %dma_wait3A_447] : memref<20000x128xf32, #tpu.memory_space<hbm>> -> memref<20000x128xf32, #tpu.memory_space<hbm>>
    %dma_wait3A_449 = tpu.memref_slice %arg9[%dma_wait3A_438] : memref<2x!tpu.dma_semaphore, #tpu.memory_space<semaphore_mem>> -> memref<1x!tpu.dma_semaphore, #tpu.memory_space<semaphore_mem>>
    %dma_wait3A_450 = tpu.memref_squeeze %dma_wait3A_449 : memref<1x!tpu.dma_semaphore, #tpu.memory_space<semaphore_mem>> -> memref<!tpu.dma_semaphore, #tpu.memory_space<semaphore_mem>>
    tpu.wait_indirect_dma semaphore(%dma_wait3A_450 : memref<!tpu.dma_semaphore, #tpu.memory_space<semaphore_mem>>) src(%dma_wait3A_448 : memref<20000x128xf32, #tpu.memory_space<hbm>>) dst(%dma_wait3A_442 : memref<80x128xf32, #tpu.memory_space<vmem>>)
    %dma_start3A_451 = arith.constant 0 : i32
    %dma_start3A_452 = arith.constant 0 : i32
    %dma_start3A_453 = arith.constant 1 : i32
    %dma_start3A_454 = arith.constant 0 : i32
    %dma_start3A_455 = arith.constant 0 : i32
    %dma_start3A_456 = arith.constant 0 : i32
    %dma_start3A_457 = tpu.memref_slice %arg6[%dma_start3A_451, %dma_start3A_455, %dma_start3A_456] : memref<3x80x128xf32, #tpu.memory_space<vmem>> -> memref<1x80x128xf32, #tpu.memory_space<vmem>>
    %dma_start3A_458 = tpu.memref_squeeze %dma_start3A_457 : memref<1x80x128xf32, #tpu.memory_space<vmem>> -> memref<80x128xf32, #tpu.memory_space<vmem>>
    %dma_start3A_459 = arith.constant 0 : i32
    %dma_start3A_460 = tpu.memref_slice %arg5[%dma_start3A_452, %dma_start3A_453, %dma_start3A_459] : memref<6x2x80xi32, #tpu.memory_space<vmem>> -> memref<1x1x80xi32, #tpu.memory_space<vmem>>
    %dma_start3A_461 = tpu.memref_squeeze %dma_start3A_460 : memref<1x1x80xi32, #tpu.memory_space<vmem>> -> memref<80xi32, #tpu.memory_space<vmem>>
    %dma_start3A_462 = arith.constant 0 : i32
    %dma_start3A_463 = arith.constant 0 : i32
    %dma_start3A_464 = tpu.memref_slice %arg7[%dma_start3A_462, %dma_start3A_463] : memref<10240x128xf32, #tpu.memory_space<vmem_shared>> -> memref<10240x128xf32, #tpu.memory_space<vmem_shared>>
    %dma_start3A_465 = tpu.memref_slice %arg10[%dma_start3A_454] : memref<3x!tpu.dma_semaphore, #tpu.memory_space<semaphore_mem>> -> memref<1x!tpu.dma_semaphore, #tpu.memory_space<semaphore_mem>>
    %dma_start3A_466 = tpu.memref_squeeze %dma_start3A_465 : memref<1x!tpu.dma_semaphore, #tpu.memory_space<semaphore_mem>> -> memref<!tpu.dma_semaphore, #tpu.memory_space<semaphore_mem>>
    tpu.enqueue_indirect_dma source(%dma_start3A_458 : memref<80x128xf32, #tpu.memory_space<vmem>>) target(%dma_start3A_464 : memref<10240x128xf32, #tpu.memory_space<vmem_shared>>) offsets(%dma_start3A_461 : memref<80xi32, #tpu.memory_space<vmem>>) semaphore(%dma_start3A_466 : memref<!tpu.dma_semaphore, #tpu.memory_space<semaphore_mem>>) {add = true}
    %dma_wait3A_467 = arith.constant 0 : i32
    %dma_wait3A_468 = arith.constant 0 : i32
    %dma_wait3A_469 = arith.constant 1 : i32
    %dma_wait3A_470 = arith.constant 0 : i32
    %dma_wait3A_471 = arith.constant 0 : i32
    %dma_wait3A_472 = arith.constant 0 : i32
    %dma_wait3A_473 = tpu.memref_slice %arg6[%dma_wait3A_467, %dma_wait3A_471, %dma_wait3A_472] : memref<3x80x128xf32, #tpu.memory_space<vmem>> -> memref<1x80x128xf32, #tpu.memory_space<vmem>>
    %dma_wait3A_474 = tpu.memref_squeeze %dma_wait3A_473 : memref<1x80x128xf32, #tpu.memory_space<vmem>> -> memref<80x128xf32, #tpu.memory_space<vmem>>
    %dma_wait3A_475 = arith.constant 0 : i32
    %dma_wait3A_476 = tpu.memref_slice %arg5[%dma_wait3A_468, %dma_wait3A_469, %dma_wait3A_475] : memref<6x2x80xi32, #tpu.memory_space<vmem>> -> memref<1x1x80xi32, #tpu.memory_space<vmem>>
    %dma_wait3A_477 = tpu.memref_squeeze %dma_wait3A_476 : memref<1x1x80xi32, #tpu.memory_space<vmem>> -> memref<80xi32, #tpu.memory_space<vmem>>
    %dma_wait3A_478 = arith.constant 0 : i32
    %dma_wait3A_479 = arith.constant 0 : i32
    %dma_wait3A_480 = tpu.memref_slice %arg7[%dma_wait3A_478, %dma_wait3A_479] : memref<10240x128xf32, #tpu.memory_space<vmem_shared>> -> memref<10240x128xf32, #tpu.memory_space<vmem_shared>>
    %dma_wait3A_481 = tpu.memref_slice %arg10[%dma_wait3A_470] : memref<3x!tpu.dma_semaphore, #tpu.memory_space<semaphore_mem>> -> memref<1x!tpu.dma_semaphore, #tpu.memory_space<semaphore_mem>>
    %dma_wait3A_482 = tpu.memref_squeeze %dma_wait3A_481 : memref<1x!tpu.dma_semaphore, #tpu.memory_space<semaphore_mem>> -> memref<!tpu.dma_semaphore, #tpu.memory_space<semaphore_mem>>
    tpu.wait_indirect_dma semaphore(%dma_wait3A_482 : memref<!tpu.dma_semaphore, #tpu.memory_space<semaphore_mem>>) src(%dma_wait3A_474 : memref<80x128xf32, #tpu.memory_space<vmem>>) dst(%dma_wait3A_480 : memref<10240x128xf32, #tpu.memory_space<vmem_shared>>)
    %dma_wait3A_483 = arith.constant 3 : i32
    %dma_wait3A_484 = arith.constant 0 : i32
    %dma_wait3A_485 = arith.constant 0 : i32
    %dma_wait3A_486 = arith.constant 0 : i32
    %dma_wait3A_487 = tpu.memref_slice %arg5[%dma_wait3A_483, %dma_wait3A_485, %dma_wait3A_486] : memref<6x2x80xi32, #tpu.memory_space<vmem>> -> memref<1x2x80xi32, #tpu.memory_space<vmem>>
    %dma_wait3A_488 = tpu.memref_squeeze %dma_wait3A_487 : memref<1x2x80xi32, #tpu.memory_space<vmem>> -> memref<2x80xi32, #tpu.memory_space<vmem>>
    %dma_wait3A_489 = arith.constant 0 : i32
    %dma_wait3A_490 = arith.constant 0 : i32
    %dma_wait3A_491 = tpu.memref_slice %arg3[%dma_wait3A_489, %dma_wait3A_490] : memref<2x320000xi32, #tpu.memory_space<hbm>> -> memref<2x80xi32, #tpu.memory_space<hbm>>
    %dma_wait3A_492 = tpu.memref_slice %arg8[%dma_wait3A_484] : memref<3x!tpu.dma_semaphore, #tpu.memory_space<semaphore_mem>> -> memref<1x!tpu.dma_semaphore, #tpu.memory_space<semaphore_mem>>
    %dma_wait3A_493 = tpu.memref_squeeze %dma_wait3A_492 : memref<1x!tpu.dma_semaphore, #tpu.memory_space<semaphore_mem>> -> memref<!tpu.dma_semaphore, #tpu.memory_space<semaphore_mem>>
    %dma_wait3A_494 = arith.constant 0 : i32
    %dma_wait3A_495 = arith.constant 0 : i32
    %dma_wait3A_496 = tpu.memref_slice %arg5[%dma_wait3A_483, %dma_wait3A_494, %dma_wait3A_495] : memref<6x2x80xi32, #tpu.memory_space<vmem>> -> memref<1x2x80xi32, #tpu.memory_space<vmem>>
    %dma_wait3A_497 = tpu.memref_squeeze %dma_wait3A_496 : memref<1x2x80xi32, #tpu.memory_space<vmem>> -> memref<2x80xi32, #tpu.memory_space<vmem>>
    %dma_wait3A_498 = arith.constant 0 : i32
    %dma_wait3A_499 = arith.constant 0 : i32
    %dma_wait3A_500 = tpu.memref_slice %arg3[%dma_wait3A_498, %dma_wait3A_499] : memref<2x320000xi32, #tpu.memory_space<hbm>> -> memref<2x80xi32, #tpu.memory_space<hbm>>
    tpu.wait_dma2 semaphore(%dma_wait3A_493 : memref<!tpu.dma_semaphore, #tpu.memory_space<semaphore_mem>>) src(%dma_wait3A_500 : memref<2x80xi32, #tpu.memory_space<hbm>>) dst(%dma_wait3A_497 : memref<2x80xi32, #tpu.memory_space<vmem>>)
    %scan3A_501 = arith.constant 0 : i32
    %scan3A_502 = arith.constant 0 : i32
    %scan3A_503 = arith.constant 5 : i32
    %scan3A_504 = arith.addi %scan3A_502, %scan3A_503 : i32
    %scan3A_505 = arith.constant 1 : i32
    %scan3A_506 = scf.for %scan3A_671 = %scan3A_502 to %scan3A_504 step %scan3A_505 iter_args(%scan3A_672 = %scan3A_501) -> (i32)  : i32 {
      %mul3A_673 = arith.constant 16 : i32
      %mul3A_674 = arith.muli %scan3A_671, %mul3A_673 : i32
      %get3A = arith.constant 3 : i32
      %get3A_675 = arith.constant 0 : i32
      %get3A_676 = arith.index_cast %get3A : i32 to index
      %get3A_677 = arith.index_cast %get3A_675 : i32 to index
      %get3A_678 = arith.index_cast %mul3A_674 : i32 to index
      %get3A_679 = tpu.vector_load %arg5[%get3A_676, %get3A_677, %get3A_678] {strides = array<i32>} : memref<6x2x80xi32, #tpu.memory_space<vmem>>, vector<1x1x16xi32>,
      %get3A_680 = vector.shape_cast %get3A_679 : vector<1x1x16xi32> to vector<16xi32>
      %add3A_681 = vector.broadcast %mul3A_14 : i32 to vector<16xi32>
      %add3A_682 = arith.addi %get3A_680, %add3A_681 : vector<16xi32>
      %mul3A_683 = arith.constant 16 : i32
      %mul3A_684 = arith.muli %scan3A_671, %mul3A_683 : i32
      %swap3A = arith.constant 3 : i32
      %swap3A_685 = arith.constant 0 : i32
      %swap3A_686 = arith.index_cast %swap3A : i32 to index
      %swap3A_687 = arith.index_cast %swap3A_685 : i32 to index
      %swap3A_688 = arith.index_cast %mul3A_684 : i32 to index
      %swap3A_689 = tpu.vector_load %arg5[%swap3A_686, %swap3A_687, %swap3A_688] {strides = array<i32>} : memref<6x2x80xi32, #tpu.memory_space<vmem>>, vector<1x1x16xi32>,
      %swap3A_690 = vector.shape_cast %swap3A_689 : vector<1x1x16xi32> to vector<16xi32>
      %swap3A_691 = vector.shape_cast %add3A_682 : vector<16xi32> to vector<1x1x16xi32>
      tpu.vector_store %arg5[%swap3A_686, %swap3A_687, %swap3A_688], %swap3A_691 {strides = array<i32>} : memref<6x2x80xi32, #tpu.memory_space<vmem>>, vector<1x1x16xi32>,
      %scan3A_692 = arith.constant 0 : i32
      scf.yield %scan3A_692 : i32
    }
    %scan3A_507 = arith.constant 5 : i32
    %dma_start3A_508 = arith.constant 3 : i32
    %dma_start3A_509 = arith.constant 0 : i32
    %dma_start3A_510 = arith.constant 0 : i32
    %dma_start3A_511 = arith.constant 1 : i32
    %dma_start3A_512 = arith.constant 0 : i32
    %dma_start3A_513 = arith.constant 0 : i32
    %dma_start3A_514 = tpu.memref_slice %arg6[%dma_start3A_510, %dma_start3A_512, %dma_start3A_513] : memref<3x80x128xf32, #tpu.memory_space<vmem>> -> memref<1x80x128xf32, #tpu.memory_space<vmem>>
    %dma_start3A_515 = tpu.memref_squeeze %dma_start3A_514 : memref<1x80x128xf32, #tpu.memory_space<vmem>> -> memref<80x128xf32, #tpu.memory_space<vmem>>
    %dma_start3A_516 = arith.constant 0 : i32
    %dma_start3A_517 = tpu.memref_slice %arg5[%dma_start3A_508, %dma_start3A_509, %dma_start3A_516] : memref<6x2x80xi32, #tpu.memory_space<vmem>> -> memref<1x1x80xi32, #tpu.memory_space<vmem>>
    %dma_start3A_518 = tpu.memref_squeeze %dma_start3A_517 : memref<1x1x80xi32, #tpu.memory_space<vmem>> -> memref<80xi32, #tpu.memory_space<vmem>>
    %dma_start3A_519 = arith.constant 0 : i32
    %dma_start3A_520 = arith.constant 0 : i32
    %dma_start3A_521 = tpu.memref_slice %arg2[%dma_start3A_519, %dma_start3A_520] : memref<20000x128xf32, #tpu.memory_space<hbm>> -> memref<20000x128xf32, #tpu.memory_space<hbm>>
    %dma_start3A_522 = tpu.memref_slice %arg9[%dma_start3A_511] : memref<2x!tpu.dma_semaphore, #tpu.memory_space<semaphore_mem>> -> memref<1x!tpu.dma_semaphore, #tpu.memory_space<semaphore_mem>>
    %dma_start3A_523 = tpu.memref_squeeze %dma_start3A_522 : memref<1x!tpu.dma_semaphore, #tpu.memory_space<semaphore_mem>> -> memref<!tpu.dma_semaphore, #tpu.memory_space<semaphore_mem>>
    tpu.enqueue_indirect_dma source(%dma_start3A_521 : memref<20000x128xf32, #tpu.memory_space<hbm>>) target(%dma_start3A_515 : memref<80x128xf32, #tpu.memory_space<vmem>>) offsets(%dma_start3A_518 : memref<80xi32, #tpu.memory_space<vmem>>) semaphore(%dma_start3A_523 : memref<!tpu.dma_semaphore, #tpu.memory_space<semaphore_mem>>)
    %dma_wait3A_524 = arith.constant 1 : i32
    %dma_wait3A_525 = arith.constant 0 : i32
    %dma_wait3A_526 = arith.constant 1 : i32
    %dma_wait3A_527 = arith.constant 1 : i32
    %dma_wait3A_528 = arith.constant 0 : i32
    %dma_wait3A_529 = arith.constant 0 : i32
    %dma_wait3A_530 = tpu.memref_slice %arg6[%dma_wait3A_526, %dma_wait3A_528, %dma_wait3A_529] : memref<3x80x128xf32, #tpu.memory_space<vmem>> -> memref<1x80x128xf32, #tpu.memory_space<vmem>>
    %dma_wait3A_531 = tpu.memref_squeeze %dma_wait3A_530 : memref<1x80x128xf32, #tpu.memory_space<vmem>> -> memref<80x128xf32, #tpu.memory_space<vmem>>
    %dma_wait3A_532 = arith.constant 0 : i32
    %dma_wait3A_533 = tpu.memref_slice %arg5[%dma_wait3A_524, %dma_wait3A_525, %dma_wait3A_532] : memref<6x2x80xi32, #tpu.memory_space<vmem>> -> memref<1x1x80xi32, #tpu.memory_space<vmem>>
    %dma_wait3A_534 = tpu.memref_squeeze %dma_wait3A_533 : memref<1x1x80xi32, #tpu.memory_space<vmem>> -> memref<80xi32, #tpu.memory_space<vmem>>
    %dma_wait3A_535 = arith.constant 0 : i32
    %dma_wait3A_536 = arith.constant 0 : i32
    %dma_wait3A_537 = tpu.memref_slice %arg2[%dma_wait3A_535, %dma_wait3A_536] : memref<20000x128xf32, #tpu.memory_space<hbm>> -> memref<20000x128xf32, #tpu.memory_space<hbm>>
    %dma_wait3A_538 = tpu.memref_slice %arg9[%dma_wait3A_527] : memref<2x!tpu.dma_semaphore, #tpu.memory_space<semaphore_mem>> -> memref<1x!tpu.dma_semaphore, #tpu.memory_space<semaphore_mem>>
    %dma_wait3A_539 = tpu.memref_squeeze %dma_wait3A_538 : memref<1x!tpu.dma_semaphore, #tpu.memory_space<semaphore_mem>> -> memref<!tpu.dma_semaphore, #tpu.memory_space<semaphore_mem>>
    tpu.wait_indirect_dma semaphore(%dma_wait3A_539 : memref<!tpu.dma_semaphore, #tpu.memory_space<semaphore_mem>>) src(%dma_wait3A_537 : memref<20000x128xf32, #tpu.memory_space<hbm>>) dst(%dma_wait3A_531 : memref<80x128xf32, #tpu.memory_space<vmem>>)
    %dma_start3A_540 = arith.constant 1 : i32
    %dma_start3A_541 = arith.constant 1 : i32
    %dma_start3A_542 = arith.constant 1 : i32
    %dma_start3A_543 = arith.constant 1 : i32
    %dma_start3A_544 = arith.constant 0 : i32
    %dma_start3A_545 = arith.constant 0 : i32
    %dma_start3A_546 = tpu.memref_slice %arg6[%dma_start3A_540, %dma_start3A_544, %dma_start3A_545] : memref<3x80x128xf32, #tpu.memory_space<vmem>> -> memref<1x80x128xf32, #tpu.memory_space<vmem>>
    %dma_start3A_547 = tpu.memref_squeeze %dma_start3A_546 : memref<1x80x128xf32, #tpu.memory_space<vmem>> -> memref<80x128xf32, #tpu.memory_space<vmem>>
    %dma_start3A_548 = arith.constant 0 : i32
    %dma_start3A_549 = tpu.memref_slice %arg5[%dma_start3A_541, %dma_start3A_542, %dma_start3A_548] : memref<6x2x80xi32, #tpu.memory_space<vmem>> -> memref<1x1x80xi32, #tpu.memory_space<vmem>>
    %dma_start3A_550 = tpu.memref_squeeze %dma_start3A_549 : memref<1x1x80xi32, #tpu.memory_space<vmem>> -> memref<80xi32, #tpu.memory_space<vmem>>
    %dma_start3A_551 = arith.constant 0 : i32
    %dma_start3A_552 = arith.constant 0 : i32
    %dma_start3A_553 = tpu.memref_slice %arg7[%dma_start3A_551, %dma_start3A_552] : memref<10240x128xf32, #tpu.memory_space<vmem_shared>> -> memref<10240x128xf32, #tpu.memory_space<vmem_shared>>
    %dma_start3A_554 = tpu.memref_slice %arg10[%dma_start3A_543] : memref<3x!tpu.dma_semaphore, #tpu.memory_space<semaphore_mem>> -> memref<1x!tpu.dma_semaphore, #tpu.memory_space<semaphore_mem>>
    %dma_start3A_555 = tpu.memref_squeeze %dma_start3A_554 : memref<1x!tpu.dma_semaphore, #tpu.memory_space<semaphore_mem>> -> memref<!tpu.dma_semaphore, #tpu.memory_space<semaphore_mem>>
    tpu.enqueue_indirect_dma source(%dma_start3A_547 : memref<80x128xf32, #tpu.memory_space<vmem>>) target(%dma_start3A_553 : memref<10240x128xf32, #tpu.memory_space<vmem_shared>>) offsets(%dma_start3A_550 : memref<80xi32, #tpu.memory_space<vmem>>) semaphore(%dma_start3A_555 : memref<!tpu.dma_semaphore, #tpu.memory_space<semaphore_mem>>) {add = true}
    %dma_wait3A_556 = arith.constant 1 : i32
    %dma_wait3A_557 = arith.constant 1 : i32
    %dma_wait3A_558 = arith.constant 1 : i32
    %dma_wait3A_559 = arith.constant 1 : i32
    %dma_wait3A_560 = arith.constant 0 : i32
    %dma_wait3A_561 = arith.constant 0 : i32
    %dma_wait3A_562 = tpu.memref_slice %arg6[%dma_wait3A_556, %dma_wait3A_560, %dma_wait3A_561] : memref<3x80x128xf32, #tpu.memory_space<vmem>> -> memref<1x80x128xf32, #tpu.memory_space<vmem>>
    %dma_wait3A_563 = tpu.memref_squeeze %dma_wait3A_562 : memref<1x80x128xf32, #tpu.memory_space<vmem>> -> memref<80x128xf32, #tpu.memory_space<vmem>>
    %dma_wait3A_564 = arith.constant 0 : i32
    %dma_wait3A_565 = tpu.memref_slice %arg5[%dma_wait3A_557, %dma_wait3A_558, %dma_wait3A_564] : memref<6x2x80xi32, #tpu.memory_space<vmem>> -> memref<1x1x80xi32, #tpu.memory_space<vmem>>
    %dma_wait3A_566 = tpu.memref_squeeze %dma_wait3A_565 : memref<1x1x80xi32, #tpu.memory_space<vmem>> -> memref<80xi32, #tpu.memory_space<vmem>>
    %dma_wait3A_567 = arith.constant 0 : i32
    %dma_wait3A_568 = arith.constant 0 : i32
    %dma_wait3A_569 = tpu.memref_slice %arg7[%dma_wait3A_567, %dma_wait3A_568] : memref<10240x128xf32, #tpu.memory_space<vmem_shared>> -> memref<10240x128xf32, #tpu.memory_space<vmem_shared>>
    %dma_wait3A_570 = tpu.memref_slice %arg10[%dma_wait3A_559] : memref<3x!tpu.dma_semaphore, #tpu.memory_space<semaphore_mem>> -> memref<1x!tpu.dma_semaphore, #tpu.memory_space<semaphore_mem>>
    %dma_wait3A_571 = tpu.memref_squeeze %dma_wait3A_570 : memref<1x!tpu.dma_semaphore, #tpu.memory_space<semaphore_mem>> -> memref<!tpu.dma_semaphore, #tpu.memory_space<semaphore_mem>>
    tpu.wait_indirect_dma semaphore(%dma_wait3A_571 : memref<!tpu.dma_semaphore, #tpu.memory_space<semaphore_mem>>) src(%dma_wait3A_563 : memref<80x128xf32, #tpu.memory_space<vmem>>) dst(%dma_wait3A_569 : memref<10240x128xf32, #tpu.memory_space<vmem_shared>>)
    %dma_wait3A_572 = arith.constant 2 : i32
    %dma_wait3A_573 = arith.constant 0 : i32
    %dma_wait3A_574 = arith.constant 2 : i32
    %dma_wait3A_575 = arith.constant 0 : i32
    %dma_wait3A_576 = arith.constant 0 : i32
    %dma_wait3A_577 = arith.constant 0 : i32
    %dma_wait3A_578 = tpu.memref_slice %arg6[%dma_wait3A_574, %dma_wait3A_576, %dma_wait3A_577] : memref<3x80x128xf32, #tpu.memory_space<vmem>> -> memref<1x80x128xf32, #tpu.memory_space<vmem>>
    %dma_wait3A_579 = tpu.memref_squeeze %dma_wait3A_578 : memref<1x80x128xf32, #tpu.memory_space<vmem>> -> memref<80x128xf32, #tpu.memory_space<vmem>>
    %dma_wait3A_580 = arith.constant 0 : i32
    %dma_wait3A_581 = tpu.memref_slice %arg5[%dma_wait3A_572, %dma_wait3A_573, %dma_wait3A_580] : memref<6x2x80xi32, #tpu.memory_space<vmem>> -> memref<1x1x80xi32, #tpu.memory_space<vmem>>
    %dma_wait3A_582 = tpu.memref_squeeze %dma_wait3A_581 : memref<1x1x80xi32, #tpu.memory_space<vmem>> -> memref<80xi32, #tpu.memory_space<vmem>>
    %dma_wait3A_583 = arith.constant 0 : i32
    %dma_wait3A_584 = arith.constant 0 : i32
    %dma_wait3A_585 = tpu.memref_slice %arg2[%dma_wait3A_583, %dma_wait3A_584] : memref<20000x128xf32, #tpu.memory_space<hbm>> -> memref<20000x128xf32, #tpu.memory_space<hbm>>
    %dma_wait3A_586 = tpu.memref_slice %arg9[%dma_wait3A_575] : memref<2x!tpu.dma_semaphore, #tpu.memory_space<semaphore_mem>> -> memref<1x!tpu.dma_semaphore, #tpu.memory_space<semaphore_mem>>
    %dma_wait3A_587 = tpu.memref_squeeze %dma_wait3A_586 : memref<1x!tpu.dma_semaphore, #tpu.memory_space<semaphore_mem>> -> memref<!tpu.dma_semaphore, #tpu.memory_space<semaphore_mem>>
    tpu.wait_indirect_dma semaphore(%dma_wait3A_587 : memref<!tpu.dma_semaphore, #tpu.memory_space<semaphore_mem>>) src(%dma_wait3A_585 : memref<20000x128xf32, #tpu.memory_space<hbm>>) dst(%dma_wait3A_579 : memref<80x128xf32, #tpu.memory_space<vmem>>)
    %dma_start3A_588 = arith.constant 2 : i32
    %dma_start3A_589 = arith.constant 2 : i32
    %dma_start3A_590 = arith.constant 1 : i32
    %dma_start3A_591 = arith.constant 2 : i32
    %dma_start3A_592 = arith.constant 0 : i32
    %dma_start3A_593 = arith.constant 0 : i32
    %dma_start3A_594 = tpu.memref_slice %arg6[%dma_start3A_588, %dma_start3A_592, %dma_start3A_593] : memref<3x80x128xf32, #tpu.memory_space<vmem>> -> memref<1x80x128xf32, #tpu.memory_space<vmem>>
    %dma_start3A_595 = tpu.memref_squeeze %dma_start3A_594 : memref<1x80x128xf32, #tpu.memory_space<vmem>> -> memref<80x128xf32, #tpu.memory_space<vmem>>
    %dma_start3A_596 = arith.constant 0 : i32
    %dma_start3A_597 = tpu.memref_slice %arg5[%dma_start3A_589, %dma_start3A_590, %dma_start3A_596] : memref<6x2x80xi32, #tpu.memory_space<vmem>> -> memref<1x1x80xi32, #tpu.memory_space<vmem>>
    %dma_start3A_598 = tpu.memref_squeeze %dma_start3A_597 : memref<1x1x80xi32, #tpu.memory_space<vmem>> -> memref<80xi32, #tpu.memory_space<vmem>>
    %dma_start3A_599 = arith.constant 0 : i32
    %dma_start3A_600 = arith.constant 0 : i32
    %dma_start3A_601 = tpu.memref_slice %arg7[%dma_start3A_599, %dma_start3A_600] : memref<10240x128xf32, #tpu.memory_space<vmem_shared>> -> memref<10240x128xf32, #tpu.memory_space<vmem_shared>>
    %dma_start3A_602 = tpu.memref_slice %arg10[%dma_start3A_591] : memref<3x!tpu.dma_semaphore, #tpu.memory_space<semaphore_mem>> -> memref<1x!tpu.dma_semaphore, #tpu.memory_space<semaphore_mem>>
    %dma_start3A_603 = tpu.memref_squeeze %dma_start3A_602 : memref<1x!tpu.dma_semaphore, #tpu.memory_space<semaphore_mem>> -> memref<!tpu.dma_semaphore, #tpu.memory_space<semaphore_mem>>
    tpu.enqueue_indirect_dma source(%dma_start3A_595 : memref<80x128xf32, #tpu.memory_space<vmem>>) target(%dma_start3A_601 : memref<10240x128xf32, #tpu.memory_space<vmem_shared>>) offsets(%dma_start3A_598 : memref<80xi32, #tpu.memory_space<vmem>>) semaphore(%dma_start3A_603 : memref<!tpu.dma_semaphore, #tpu.memory_space<semaphore_mem>>) {add = true}
    %dma_wait3A_604 = arith.constant 2 : i32
    %dma_wait3A_605 = arith.constant 2 : i32
    %dma_wait3A_606 = arith.constant 1 : i32
    %dma_wait3A_607 = arith.constant 2 : i32
    %dma_wait3A_608 = arith.constant 0 : i32
    %dma_wait3A_609 = arith.constant 0 : i32
    %dma_wait3A_610 = tpu.memref_slice %arg6[%dma_wait3A_604, %dma_wait3A_608, %dma_wait3A_609] : memref<3x80x128xf32, #tpu.memory_space<vmem>> -> memref<1x80x128xf32, #tpu.memory_space<vmem>>
    %dma_wait3A_611 = tpu.memref_squeeze %dma_wait3A_610 : memref<1x80x128xf32, #tpu.memory_space<vmem>> -> memref<80x128xf32, #tpu.memory_space<vmem>>
    %dma_wait3A_612 = arith.constant 0 : i32
    %dma_wait3A_613 = tpu.memref_slice %arg5[%dma_wait3A_605, %dma_wait3A_606, %dma_wait3A_612] : memref<6x2x80xi32, #tpu.memory_space<vmem>> -> memref<1x1x80xi32, #tpu.memory_space<vmem>>
    %dma_wait3A_614 = tpu.memref_squeeze %dma_wait3A_613 : memref<1x1x80xi32, #tpu.memory_space<vmem>> -> memref<80xi32, #tpu.memory_space<vmem>>
    %dma_wait3A_615 = arith.constant 0 : i32
    %dma_wait3A_616 = arith.constant 0 : i32
    %dma_wait3A_617 = tpu.memref_slice %arg7[%dma_wait3A_615, %dma_wait3A_616] : memref<10240x128xf32, #tpu.memory_space<vmem_shared>> -> memref<10240x128xf32, #tpu.memory_space<vmem_shared>>
    %dma_wait3A_618 = tpu.memref_slice %arg10[%dma_wait3A_607] : memref<3x!tpu.dma_semaphore, #tpu.memory_space<semaphore_mem>> -> memref<1x!tpu.dma_semaphore, #tpu.memory_space<semaphore_mem>>
    %dma_wait3A_619 = tpu.memref_squeeze %dma_wait3A_618 : memref<1x!tpu.dma_semaphore, #tpu.memory_space<semaphore_mem>> -> memref<!tpu.dma_semaphore, #tpu.memory_space<semaphore_mem>>
    tpu.wait_indirect_dma semaphore(%dma_wait3A_619 : memref<!tpu.dma_semaphore, #tpu.memory_space<semaphore_mem>>) src(%dma_wait3A_611 : memref<80x128xf32, #tpu.memory_space<vmem>>) dst(%dma_wait3A_617 : memref<10240x128xf32, #tpu.memory_space<vmem_shared>>)
    %dma_wait3A_620 = arith.constant 3 : i32
    %dma_wait3A_621 = arith.constant 0 : i32
    %dma_wait3A_622 = arith.constant 0 : i32
    %dma_wait3A_623 = arith.constant 1 : i32
    %dma_wait3A_624 = arith.constant 0 : i32
    %dma_wait3A_625 = arith.constant 0 : i32
    %dma_wait3A_626 = tpu.memref_slice %arg6[%dma_wait3A_622, %dma_wait3A_624, %dma_wait3A_625] : memref<3x80x128xf32, #tpu.memory_space<vmem>> -> memref<1x80x128xf32, #tpu.memory_space<vmem>>
    %dma_wait3A_627 = tpu.memref_squeeze %dma_wait3A_626 : memref<1x80x128xf32, #tpu.memory_space<vmem>> -> memref<80x128xf32, #tpu.memory_space<vmem>>
    %dma_wait3A_628 = arith.constant 0 : i32
    %dma_wait3A_629 = tpu.memref_slice %arg5[%dma_wait3A_620, %dma_wait3A_621, %dma_wait3A_628] : memref<6x2x80xi32, #tpu.memory_space<vmem>> -> memref<1x1x80xi32, #tpu.memory_space<vmem>>
    %dma_wait3A_630 = tpu.memref_squeeze %dma_wait3A_629 : memref<1x1x80xi32, #tpu.memory_space<vmem>> -> memref<80xi32, #tpu.memory_space<vmem>>
    %dma_wait3A_631 = arith.constant 0 : i32
    %dma_wait3A_632 = arith.constant 0 : i32
    %dma_wait3A_633 = tpu.memref_slice %arg2[%dma_wait3A_631, %dma_wait3A_632] : memref<20000x128xf32, #tpu.memory_space<hbm>> -> memref<20000x128xf32, #tpu.memory_space<hbm>>
    %dma_wait3A_634 = tpu.memref_slice %arg9[%dma_wait3A_623] : memref<2x!tpu.dma_semaphore, #tpu.memory_space<semaphore_mem>> -> memref<1x!tpu.dma_semaphore, #tpu.memory_space<semaphore_mem>>
    %dma_wait3A_635 = tpu.memref_squeeze %dma_wait3A_634 : memref<1x!tpu.dma_semaphore, #tpu.memory_space<semaphore_mem>> -> memref<!tpu.dma_semaphore, #tpu.memory_space<semaphore_mem>>
    tpu.wait_indirect_dma semaphore(%dma_wait3A_635 : memref<!tpu.dma_semaphore, #tpu.memory_space<semaphore_mem>>) src(%dma_wait3A_633 : memref<20000x128xf32, #tpu.memory_space<hbm>>) dst(%dma_wait3A_627 : memref<80x128xf32, #tpu.memory_space<vmem>>)
    %dma_start3A_636 = arith.constant 0 : i32
    %dma_start3A_637 = arith.constant 3 : i32
    %dma_start3A_638 = arith.constant 1 : i32
    %dma_start3A_639 = arith.constant 0 : i32
    %dma_start3A_640 = arith.constant 0 : i32
    %dma_start3A_641 = arith.constant 0 : i32
    %dma_start3A_642 = tpu.memref_slice %arg6[%dma_start3A_636, %dma_start3A_640, %dma_start3A_641] : memref<3x80x128xf32, #tpu.memory_space<vmem>> -> memref<1x80x128xf32, #tpu.memory_space<vmem>>
    %dma_start3A_643 = tpu.memref_squeeze %dma_start3A_642 : memref<1x80x128xf32, #tpu.memory_space<vmem>> -> memref<80x128xf32, #tpu.memory_space<vmem>>
    %dma_start3A_644 = arith.constant 0 : i32
    %dma_start3A_645 = tpu.memref_slice %arg5[%dma_start3A_637, %dma_start3A_638, %dma_start3A_644] : memref<6x2x80xi32, #tpu.memory_space<vmem>> -> memref<1x1x80xi32, #tpu.memory_space<vmem>>
    %dma_start3A_646 = tpu.memref_squeeze %dma_start3A_645 : memref<1x1x80xi32, #tpu.memory_space<vmem>> -> memref<80xi32, #tpu.memory_space<vmem>>
    %dma_start3A_647 = arith.constant 0 : i32
    %dma_start3A_648 = arith.constant 0 : i32
    %dma_start3A_649 = tpu.memref_slice %arg7[%dma_start3A_647, %dma_start3A_648] : memref<10240x128xf32, #tpu.memory_space<vmem_shared>> -> memref<10240x128xf32, #tpu.memory_space<vmem_shared>>
    %dma_start3A_650 = tpu.memref_slice %arg10[%dma_start3A_639] : memref<3x!tpu.dma_semaphore, #tpu.memory_space<semaphore_mem>> -> memref<1x!tpu.dma_semaphore, #tpu.memory_space<semaphore_mem>>
    %dma_start3A_651 = tpu.memref_squeeze %dma_start3A_650 : memref<1x!tpu.dma_semaphore, #tpu.memory_space<semaphore_mem>> -> memref<!tpu.dma_semaphore, #tpu.memory_space<semaphore_mem>>
    tpu.enqueue_indirect_dma source(%dma_start3A_643 : memref<80x128xf32, #tpu.memory_space<vmem>>) target(%dma_start3A_649 : memref<10240x128xf32, #tpu.memory_space<vmem_shared>>) offsets(%dma_start3A_646 : memref<80xi32, #tpu.memory_space<vmem>>) semaphore(%dma_start3A_651 : memref<!tpu.dma_semaphore, #tpu.memory_space<semaphore_mem>>) {add = true}
    %dma_wait3A_652 = arith.constant 0 : i32
    %dma_wait3A_653 = arith.constant 3 : i32
    %dma_wait3A_654 = arith.constant 1 : i32
    %dma_wait3A_655 = arith.constant 0 : i32
    %dma_wait3A_656 = arith.constant 0 : i32
    %dma_wait3A_657 = arith.constant 0 : i32
    %dma_wait3A_658 = tpu.memref_slice %arg6[%dma_wait3A_652, %dma_wait3A_656, %dma_wait3A_657] : memref<3x80x128xf32, #tpu.memory_space<vmem>> -> memref<1x80x128xf32, #tpu.memory_space<vmem>>
    %dma_wait3A_659 = tpu.memref_squeeze %dma_wait3A_658 : memref<1x80x128xf32, #tpu.memory_space<vmem>> -> memref<80x128xf32, #tpu.memory_space<vmem>>
    %dma_wait3A_660 = arith.constant 0 : i32
    %dma_wait3A_661 = tpu.memref_slice %arg5[%dma_wait3A_653, %dma_wait3A_654, %dma_wait3A_660] : memref<6x2x80xi32, #tpu.memory_space<vmem>> -> memref<1x1x80xi32, #tpu.memory_space<vmem>>
    %dma_wait3A_662 = tpu.memref_squeeze %dma_wait3A_661 : memref<1x1x80xi32, #tpu.memory_space<vmem>> -> memref<80xi32, #tpu.memory_space<vmem>>
    %dma_wait3A_663 = arith.constant 0 : i32
    %dma_wait3A_664 = arith.constant 0 : i32
    %dma_wait3A_665 = tpu.memref_slice %arg7[%dma_wait3A_663, %dma_wait3A_664] : memref<10240x128xf32, #tpu.memory_space<vmem_shared>> -> memref<10240x128xf32, #tpu.memory_space<vmem_shared>>
    %dma_wait3A_666 = tpu.memref_slice %arg10[%dma_wait3A_655] : memref<3x!tpu.dma_semaphore, #tpu.memory_space<semaphore_mem>> -> memref<1x!tpu.dma_semaphore, #tpu.memory_space<semaphore_mem>>
    %dma_wait3A_667 = tpu.memref_squeeze %dma_wait3A_666 : memref<1x!tpu.dma_semaphore, #tpu.memory_space<semaphore_mem>> -> memref<!tpu.dma_semaphore, #tpu.memory_space<semaphore_mem>>
    tpu.wait_indirect_dma semaphore(%dma_wait3A_667 : memref<!tpu.dma_semaphore, #tpu.memory_space<semaphore_mem>>) src(%dma_wait3A_659 : memref<80x128xf32, #tpu.memory_space<vmem>>) dst(%dma_wait3A_665 : memref<10240x128xf32, #tpu.memory_space<vmem_shared>>)
    %barrier3A_668 = arith.constant 0 : index
    tpu.barrier barrier_id(%barrier3A_668)
    %mul3A_669 = arith.constant 640 : i32
    %mul3A_670 = arith.muli %mul3A_669, %arg1 : i32
    "tpu.region"() ({
      %run_scoped3A = tpu.sem_alloc : memref<!tpu.dma_semaphore, #tpu.memory_space<semaphore_mem>>
      %dma_start3A_671 = arith.constant 0 : i32
      %dma_start3A_672 = tpu.memref_slice %arg4[%arg0, %mul3A_670, %dma_start3A_671] : memref<2x10240x128xf32, #tpu.memory_space<hbm>> -> memref<1x640x128xf32, #tpu.memory_space<hbm>>
      %dma_start3A_673 = tpu.memref_squeeze %dma_start3A_672 : memref<1x640x128xf32, #tpu.memory_space<hbm>> -> memref<640x128xf32, #tpu.memory_space<hbm>>
      %dma_start3A_674 = arith.constant 0 : i32
      %dma_start3A_675 = tpu.memref_slice %arg7[%mul3A_670, %dma_start3A_674] : memref<10240x128xf32, #tpu.memory_space<vmem_shared>> -> memref<640x128xf32, #tpu.memory_space<vmem_shared>>
      tpu.enqueue_dma source(%dma_start3A_675 : memref<640x128xf32, #tpu.memory_space<vmem_shared>>) target(%dma_start3A_673 : memref<640x128xf32, #tpu.memory_space<hbm>>) target_semaphore(%run_scoped3A : memref<!tpu.dma_semaphore, #tpu.memory_space<semaphore_mem>>)
      %dma_wait3A_676 = arith.constant 0 : i32
      %dma_wait3A_677 = tpu.memref_slice %arg4[%arg0, %mul3A_670, %dma_wait3A_676] : memref<2x10240x128xf32, #tpu.memory_space<hbm>> -> memref<1x640x128xf32, #tpu.memory_space<hbm>>
      %dma_wait3A_678 = tpu.memref_squeeze %dma_wait3A_677 : memref<1x640x128xf32, #tpu.memory_space<hbm>> -> memref<640x128xf32, #tpu.memory_space<hbm>>
      %dma_wait3A_679 = arith.constant 0 : i32
      %dma_wait3A_680 = tpu.memref_slice %arg7[%mul3A_670, %dma_wait3A_679] : memref<10240x128xf32, #tpu.memory_space<vmem_shared>> -> memref<640x128xf32, #tpu.memory_space<vmem_shared>>
      tpu.wait_dma2 semaphore(%run_scoped3A : memref<!tpu.dma_semaphore, #tpu.memory_space<semaphore_mem>>) src(%dma_wait3A_680 : memref<640x128xf32, #tpu.memory_space<vmem_shared>>) dst(%dma_wait3A_678 : memref<640x128xf32, #tpu.memory_space<hbm>>)
      tpu.yield
    }) : () -> ()
    return
  }
}

#map = affine_map<(d0, d1) -> (0, 0)>
#map1 = affine_map<(d0, d1) -> (0, 0, 0)>
module attributes {stable_mosaic.version = 14 : i64} {
  func.func @_sc_agg1(%arg0: i32, %arg1: i32, %arg2: memref<10000x144xf32, #tpu.memory_space<hbm>>, %arg3: memref<2x320000xi32, #tpu.memory_space<hbm>>, %arg4: memref<2x10240x144xf32, #tpu.memory_space<hbm>>, %arg5: memref<6x2x80xi32, #tpu.memory_space<vmem>>, %arg6: memref<3x80x144xf32, #tpu.memory_space<vmem>>, %arg7: memref<10240x144xf32, #tpu.memory_space<vmem_shared>>, %arg8: memref<3x!tpu.dma_semaphore, #tpu.memory_space<semaphore_mem>>, %arg9: memref<2x!tpu.dma_semaphore, #tpu.memory_space<semaphore_mem>>, %arg10: memref<3x!tpu.dma_semaphore, #tpu.memory_space<semaphore_mem>>) attributes {dimension_semantics = [#tpu.dimension_semantics<core_parallel>, #tpu.dimension_semantics<subcore_parallel>], iteration_bounds = array<i64: 2, 16>, scalar_prefetch = 0 : i64, scratch_operands = 6 : i64, tpu.core_type = #tpu.core_type<sc_vector_subcore>, window_params = [{transform_indices = #map}, {transform_indices = #map}, {transform_indices = #map1}]} {
    %broadcast_in_dim3A = arith.constant 0.000000e+00 : f32
    %broadcast_in_dim3A_0 = vector.broadcast %broadcast_in_dim3A : f32 to vector<16xf32>
    %scan3A = arith.constant 0 : i32
    %scan3A_1 = arith.constant 0 : i32
    %scan3A_2 = arith.constant 80 : i32
    %scan3A_3 = arith.addi %scan3A_1, %scan3A_2 : i32
    %scan3A_4 = arith.constant 1 : i32
    %scan3A_5 = scf.for %scan3A_630 = %scan3A_1 to %scan3A_3 step %scan3A_4 iter_args(%scan3A_631 = %scan3A) -> (i32)  : i32 {
      %scan3A_632 = arith.constant 0 : i32
      %scan3A_633 = arith.constant 0 : i32
      %scan3A_634 = arith.constant 9 : i32
      %scan3A_635 = arith.addi %scan3A_633, %scan3A_634 : i32
      %scan3A_636 = arith.constant 1 : i32
      %scan3A_637 = scf.for %scan3A_639 = %scan3A_633 to %scan3A_635 step %scan3A_636 iter_args(%scan3A_640 = %scan3A_632) -> (i32)  : i32 {
        %mul3A_641 = arith.constant 16 : i32
        %mul3A_642 = arith.muli %scan3A_639, %mul3A_641 : i32
        %swap3A = arith.constant 0 : i32
        %swap3A_643 = arith.index_cast %swap3A : i32 to index
        %swap3A_644 = arith.index_cast %scan3A_630 : i32 to index
        %swap3A_645 = arith.index_cast %mul3A_642 : i32 to index
        %swap3A_646 = tpu.vector_load %arg6[%swap3A_643, %swap3A_644, %swap3A_645] {strides = array<i32>} : memref<3x80x144xf32, #tpu.memory_space<vmem>>, vector<1x1x16xf32>,
        %swap3A_647 = vector.shape_cast %swap3A_646 : vector<1x1x16xf32> to vector<16xf32>
        %swap3A_648 = vector.shape_cast %broadcast_in_dim3A_0 : vector<16xf32> to vector<1x1x16xf32>
        tpu.vector_store %arg6[%swap3A_643, %swap3A_644, %swap3A_645], %swap3A_648 {strides = array<i32>} : memref<3x80x144xf32, #tpu.memory_space<vmem>>, vector<1x1x16xf32>,
        %scan3A_649 = arith.constant 0 : i32
        scf.yield %scan3A_649 : i32
      }
      %scan3A_638 = arith.constant 9 : i32
      scf.yield %scan3A_637 : i32
    }
    %scan3A_6 = arith.constant 80 : i32
    %scan3A_7 = arith.constant 0 : i32
    %scan3A_8 = arith.constant 0 : i32
    %scan3A_9 = arith.constant 8 : i32
    %scan3A_10 = arith.addi %scan3A_8, %scan3A_9 : i32
    %scan3A_11 = arith.constant 1 : i32
    %scan3A_12 = scf.for %scan3A_630 = %scan3A_8 to %scan3A_10 step %scan3A_11 iter_args(%scan3A_631 = %scan3A_7) -> (i32)  : i32 {
      %mul3A_632 = arith.constant 640 : i32
      %mul3A_633 = arith.muli %mul3A_632, %arg1 : i32
      %mul3A_634 = arith.constant 80 : i32
      %mul3A_635 = arith.muli %mul3A_634, %scan3A_630 : i32
      %add3A_636 = arith.addi %mul3A_633, %mul3A_635 : i32
      %run_scoped3A = arith.constant 0 : i32
      "tpu.region"() ({
        %run_scoped3A_638 = tpu.sem_alloc : memref<!tpu.dma_semaphore, #tpu.memory_space<semaphore_mem>>
        %dma_start3A_639 = arith.constant 0 : i32
        %dma_start3A_640 = arith.constant 0 : i32
        %dma_start3A_641 = tpu.memref_slice %arg6[%run_scoped3A, %dma_start3A_639, %dma_start3A_640] : memref<3x80x144xf32, #tpu.memory_space<vmem>> -> memref<1x80x144xf32, #tpu.memory_space<vmem>>
        %dma_start3A_642 = tpu.memref_squeeze %dma_start3A_641 : memref<1x80x144xf32, #tpu.memory_space<vmem>> -> memref<80x144xf32, #tpu.memory_space<vmem>>
        %dma_start3A_643 = arith.constant 0 : i32
        %dma_start3A_644 = tpu.memref_slice %arg7[%add3A_636, %dma_start3A_643] : memref<10240x144xf32, #tpu.memory_space<vmem_shared>> -> memref<80x144xf32, #tpu.memory_space<vmem_shared>>
        %dma_start3A_645 = arith.constant 0 : i32
        %dma_start3A_646 = tpu.memref_slice %arg7[%add3A_636, %dma_start3A_645] : memref<10240x144xf32, #tpu.memory_space<vmem_shared>> -> memref<80x144xf32, #tpu.memory_space<vmem_shared>>
        %dma_start3A_647 = arith.constant 0 : i32
        %dma_start3A_648 = arith.constant 0 : i32
        %dma_start3A_649 = tpu.memref_slice %arg6[%run_scoped3A, %dma_start3A_647, %dma_start3A_648] : memref<3x80x144xf32, #tpu.memory_space<vmem>> -> memref<1x80x144xf32, #tpu.memory_space<vmem>>
        %dma_start3A_650 = tpu.memref_squeeze %dma_start3A_649 : memref<1x80x144xf32, #tpu.memory_space<vmem>> -> memref<80x144xf32, #tpu.memory_space<vmem>>
        tpu.enqueue_dma source(%dma_start3A_650 : memref<80x144xf32, #tpu.memory_space<vmem>>) target(%dma_start3A_646 : memref<80x144xf32, #tpu.memory_space<vmem_shared>>) target_semaphore(%run_scoped3A_638 : memref<!tpu.dma_semaphore, #tpu.memory_space<semaphore_mem>>)
        %dma_wait3A_651 = arith.constant 0 : i32
        %dma_wait3A_652 = arith.constant 0 : i32
        %dma_wait3A_653 = tpu.memref_slice %arg6[%run_scoped3A, %dma_wait3A_651, %dma_wait3A_652] : memref<3x80x144xf32, #tpu.memory_space<vmem>> -> memref<1x80x144xf32, #tpu.memory_space<vmem>>
        %dma_wait3A_654 = tpu.memref_squeeze %dma_wait3A_653 : memref<1x80x144xf32, #tpu.memory_space<vmem>> -> memref<80x144xf32, #tpu.memory_space<vmem>>
        %dma_wait3A_655 = arith.constant 0 : i32
        %dma_wait3A_656 = tpu.memref_slice %arg7[%add3A_636, %dma_wait3A_655] : memref<10240x144xf32, #tpu.memory_space<vmem_shared>> -> memref<80x144xf32, #tpu.memory_space<vmem_shared>>
        %dma_wait3A_657 = arith.constant 0 : i32
        %dma_wait3A_658 = tpu.memref_slice %arg7[%add3A_636, %dma_wait3A_657] : memref<10240x144xf32, #tpu.memory_space<vmem_shared>> -> memref<80x144xf32, #tpu.memory_space<vmem_shared>>
        %dma_wait3A_659 = arith.constant 0 : i32
        %dma_wait3A_660 = arith.constant 0 : i32
        %dma_wait3A_661 = tpu.memref_slice %arg6[%run_scoped3A, %dma_wait3A_659, %dma_wait3A_660] : memref<3x80x144xf32, #tpu.memory_space<vmem>> -> memref<1x80x144xf32, #tpu.memory_space<vmem>>
        %dma_wait3A_662 = tpu.memref_squeeze %dma_wait3A_661 : memref<1x80x144xf32, #tpu.memory_space<vmem>> -> memref<80x144xf32, #tpu.memory_space<vmem>>
        tpu.wait_dma2 semaphore(%run_scoped3A_638 : memref<!tpu.dma_semaphore, #tpu.memory_space<semaphore_mem>>) src(%dma_wait3A_662 : memref<80x144xf32, #tpu.memory_space<vmem>>) dst(%dma_wait3A_658 : memref<80x144xf32, #tpu.memory_space<vmem_shared>>)
        tpu.yield
      }) : () -> ()
      %scan3A_637 = arith.constant 0 : i32
      scf.yield %scan3A_637 : i32
    }
    %scan3A_13 = arith.constant 8 : i32
    %barrier3A = arith.constant 0 : index
    tpu.barrier barrier_id(%barrier3A)
    %mul3A = arith.constant 160000 : i32
    %mul3A_14 = arith.muli %arg0, %mul3A : i32
    %mul3A_15 = arith.constant 10000 : i32
    %mul3A_16 = arith.muli %arg1, %mul3A_15 : i32
    %add3A = arith.addi %mul3A_14, %mul3A_16 : i32
    %add3A_17 = arith.constant 0 : i32
    %add3A_18 = arith.addi %add3A, %add3A_17 : i32
    %multiple_of3A = tpu.assume_multiple %add3A_18, 8 : i32
    %dma_start3A = arith.constant 0 : i32
    %dma_start3A_19 = arith.constant 0 : i32
    %dma_start3A_20 = arith.constant 0 : i32
    %dma_start3A_21 = arith.constant 0 : i32
    %dma_start3A_22 = tpu.memref_slice %arg5[%dma_start3A, %dma_start3A_20, %dma_start3A_21] : memref<6x2x80xi32, #tpu.memory_space<vmem>> -> memref<1x2x80xi32, #tpu.memory_space<vmem>>
    %dma_start3A_23 = tpu.memref_squeeze %dma_start3A_22 : memref<1x2x80xi32, #tpu.memory_space<vmem>> -> memref<2x80xi32, #tpu.memory_space<vmem>>
    %dma_start3A_24 = arith.constant 0 : i32
    %dma_start3A_25 = tpu.memref_slice %arg3[%dma_start3A_24, %multiple_of3A] : memref<2x320000xi32, #tpu.memory_space<hbm>> -> memref<2x80xi32, #tpu.memory_space<hbm>>
    %dma_start3A_26 = tpu.memref_slice %arg8[%dma_start3A_19] : memref<3x!tpu.dma_semaphore, #tpu.memory_space<semaphore_mem>> -> memref<1x!tpu.dma_semaphore, #tpu.memory_space<semaphore_mem>>
    %dma_start3A_27 = tpu.memref_squeeze %dma_start3A_26 : memref<1x!tpu.dma_semaphore, #tpu.memory_space<semaphore_mem>> -> memref<!tpu.dma_semaphore, #tpu.memory_space<semaphore_mem>>
    %dma_start3A_28 = arith.constant 0 : i32
    %dma_start3A_29 = arith.constant 0 : i32
    %dma_start3A_30 = tpu.memref_slice %arg5[%dma_start3A, %dma_start3A_28, %dma_start3A_29] : memref<6x2x80xi32, #tpu.memory_space<vmem>> -> memref<1x2x80xi32, #tpu.memory_space<vmem>>
    %dma_start3A_31 = tpu.memref_squeeze %dma_start3A_30 : memref<1x2x80xi32, #tpu.memory_space<vmem>> -> memref<2x80xi32, #tpu.memory_space<vmem>>
    %dma_start3A_32 = arith.constant 0 : i32
    %dma_start3A_33 = tpu.memref_slice %arg3[%dma_start3A_32, %multiple_of3A] : memref<2x320000xi32, #tpu.memory_space<hbm>> -> memref<2x80xi32, #tpu.memory_space<hbm>>
    tpu.enqueue_dma source(%dma_start3A_33 : memref<2x80xi32, #tpu.memory_space<hbm>>) target(%dma_start3A_31 : memref<2x80xi32, #tpu.memory_space<vmem>>) target_semaphore(%dma_start3A_27 : memref<!tpu.dma_semaphore, #tpu.memory_space<semaphore_mem>>)
    %add3A_34 = arith.constant 80 : i32
    %add3A_35 = arith.addi %add3A, %add3A_34 : i32
    %multiple_of3A_36 = tpu.assume_multiple %add3A_35, 8 : i32
    %dma_start3A_37 = arith.constant 1 : i32
    %dma_start3A_38 = arith.constant 1 : i32
    %dma_start3A_39 = arith.constant 0 : i32
    %dma_start3A_40 = arith.constant 0 : i32
    %dma_start3A_41 = tpu.memref_slice %arg5[%dma_start3A_37, %dma_start3A_39, %dma_start3A_40] : memref<6x2x80xi32, #tpu.memory_space<vmem>> -> memref<1x2x80xi32, #tpu.memory_space<vmem>>
    %dma_start3A_42 = tpu.memref_squeeze %dma_start3A_41 : memref<1x2x80xi32, #tpu.memory_space<vmem>> -> memref<2x80xi32, #tpu.memory_space<vmem>>
    %dma_start3A_43 = arith.constant 0 : i32
    %dma_start3A_44 = tpu.memref_slice %arg3[%dma_start3A_43, %multiple_of3A_36] : memref<2x320000xi32, #tpu.memory_space<hbm>> -> memref<2x80xi32, #tpu.memory_space<hbm>>
    %dma_start3A_45 = tpu.memref_slice %arg8[%dma_start3A_38] : memref<3x!tpu.dma_semaphore, #tpu.memory_space<semaphore_mem>> -> memref<1x!tpu.dma_semaphore, #tpu.memory_space<semaphore_mem>>
    %dma_start3A_46 = tpu.memref_squeeze %dma_start3A_45 : memref<1x!tpu.dma_semaphore, #tpu.memory_space<semaphore_mem>> -> memref<!tpu.dma_semaphore, #tpu.memory_space<semaphore_mem>>
    %dma_start3A_47 = arith.constant 0 : i32
    %dma_start3A_48 = arith.constant 0 : i32
    %dma_start3A_49 = tpu.memref_slice %arg5[%dma_start3A_37, %dma_start3A_47, %dma_start3A_48] : memref<6x2x80xi32, #tpu.memory_space<vmem>> -> memref<1x2x80xi32, #tpu.memory_space<vmem>>
    %dma_start3A_50 = tpu.memref_squeeze %dma_start3A_49 : memref<1x2x80xi32, #tpu.memory_space<vmem>> -> memref<2x80xi32, #tpu.memory_space<vmem>>
    %dma_start3A_51 = arith.constant 0 : i32
    %dma_start3A_52 = tpu.memref_slice %arg3[%dma_start3A_51, %multiple_of3A_36] : memref<2x320000xi32, #tpu.memory_space<hbm>> -> memref<2x80xi32, #tpu.memory_space<hbm>>
    tpu.enqueue_dma source(%dma_start3A_52 : memref<2x80xi32, #tpu.memory_space<hbm>>) target(%dma_start3A_50 : memref<2x80xi32, #tpu.memory_space<vmem>>) target_semaphore(%dma_start3A_46 : memref<!tpu.dma_semaphore, #tpu.memory_space<semaphore_mem>>)
    %add3A_53 = arith.constant 160 : i32
    %add3A_54 = arith.addi %add3A, %add3A_53 : i32
    %multiple_of3A_55 = tpu.assume_multiple %add3A_54, 8 : i32
    %dma_start3A_56 = arith.constant 2 : i32
    %dma_start3A_57 = arith.constant 2 : i32
    %dma_start3A_58 = arith.constant 0 : i32
    %dma_start3A_59 = arith.constant 0 : i32
    %dma_start3A_60 = tpu.memref_slice %arg5[%dma_start3A_56, %dma_start3A_58, %dma_start3A_59] : memref<6x2x80xi32, #tpu.memory_space<vmem>> -> memref<1x2x80xi32, #tpu.memory_space<vmem>>
    %dma_start3A_61 = tpu.memref_squeeze %dma_start3A_60 : memref<1x2x80xi32, #tpu.memory_space<vmem>> -> memref<2x80xi32, #tpu.memory_space<vmem>>
    %dma_start3A_62 = arith.constant 0 : i32
    %dma_start3A_63 = tpu.memref_slice %arg3[%dma_start3A_62, %multiple_of3A_55] : memref<2x320000xi32, #tpu.memory_space<hbm>> -> memref<2x80xi32, #tpu.memory_space<hbm>>
    %dma_start3A_64 = tpu.memref_slice %arg8[%dma_start3A_57] : memref<3x!tpu.dma_semaphore, #tpu.memory_space<semaphore_mem>> -> memref<1x!tpu.dma_semaphore, #tpu.memory_space<semaphore_mem>>
    %dma_start3A_65 = tpu.memref_squeeze %dma_start3A_64 : memref<1x!tpu.dma_semaphore, #tpu.memory_space<semaphore_mem>> -> memref<!tpu.dma_semaphore, #tpu.memory_space<semaphore_mem>>
    %dma_start3A_66 = arith.constant 0 : i32
    %dma_start3A_67 = arith.constant 0 : i32
    %dma_start3A_68 = tpu.memref_slice %arg5[%dma_start3A_56, %dma_start3A_66, %dma_start3A_67] : memref<6x2x80xi32, #tpu.memory_space<vmem>> -> memref<1x2x80xi32, #tpu.memory_space<vmem>>
    %dma_start3A_69 = tpu.memref_squeeze %dma_start3A_68 : memref<1x2x80xi32, #tpu.memory_space<vmem>> -> memref<2x80xi32, #tpu.memory_space<vmem>>
    %dma_start3A_70 = arith.constant 0 : i32
    %dma_start3A_71 = tpu.memref_slice %arg3[%dma_start3A_70, %multiple_of3A_55] : memref<2x320000xi32, #tpu.memory_space<hbm>> -> memref<2x80xi32, #tpu.memory_space<hbm>>
    tpu.enqueue_dma source(%dma_start3A_71 : memref<2x80xi32, #tpu.memory_space<hbm>>) target(%dma_start3A_69 : memref<2x80xi32, #tpu.memory_space<vmem>>) target_semaphore(%dma_start3A_65 : memref<!tpu.dma_semaphore, #tpu.memory_space<semaphore_mem>>)
    %dma_wait3A = arith.constant 0 : i32
    %dma_wait3A_72 = arith.constant 0 : i32
    %dma_wait3A_73 = arith.constant 0 : i32
    %dma_wait3A_74 = arith.constant 0 : i32
    %dma_wait3A_75 = tpu.memref_slice %arg5[%dma_wait3A, %dma_wait3A_73, %dma_wait3A_74] : memref<6x2x80xi32, #tpu.memory_space<vmem>> -> memref<1x2x80xi32, #tpu.memory_space<vmem>>
    %dma_wait3A_76 = tpu.memref_squeeze %dma_wait3A_75 : memref<1x2x80xi32, #tpu.memory_space<vmem>> -> memref<2x80xi32, #tpu.memory_space<vmem>>
    %dma_wait3A_77 = arith.constant 0 : i32
    %dma_wait3A_78 = arith.constant 0 : i32
    %dma_wait3A_79 = tpu.memref_slice %arg3[%dma_wait3A_77, %dma_wait3A_78] : memref<2x320000xi32, #tpu.memory_space<hbm>> -> memref<2x80xi32, #tpu.memory_space<hbm>>
    %dma_wait3A_80 = tpu.memref_slice %arg8[%dma_wait3A_72] : memref<3x!tpu.dma_semaphore, #tpu.memory_space<semaphore_mem>> -> memref<1x!tpu.dma_semaphore, #tpu.memory_space<semaphore_mem>>
    %dma_wait3A_81 = tpu.memref_squeeze %dma_wait3A_80 : memref<1x!tpu.dma_semaphore, #tpu.memory_space<semaphore_mem>> -> memref<!tpu.dma_semaphore, #tpu.memory_space<semaphore_mem>>
    %dma_wait3A_82 = arith.constant 0 : i32
    %dma_wait3A_83 = arith.constant 0 : i32
    %dma_wait3A_84 = tpu.memref_slice %arg5[%dma_wait3A, %dma_wait3A_82, %dma_wait3A_83] : memref<6x2x80xi32, #tpu.memory_space<vmem>> -> memref<1x2x80xi32, #tpu.memory_space<vmem>>
    %dma_wait3A_85 = tpu.memref_squeeze %dma_wait3A_84 : memref<1x2x80xi32, #tpu.memory_space<vmem>> -> memref<2x80xi32, #tpu.memory_space<vmem>>
    %dma_wait3A_86 = arith.constant 0 : i32
    %dma_wait3A_87 = arith.constant 0 : i32
    %dma_wait3A_88 = tpu.memref_slice %arg3[%dma_wait3A_86, %dma_wait3A_87] : memref<2x320000xi32, #tpu.memory_space<hbm>> -> memref<2x80xi32, #tpu.memory_space<hbm>>
    tpu.wait_dma2 semaphore(%dma_wait3A_81 : memref<!tpu.dma_semaphore, #tpu.memory_space<semaphore_mem>>) src(%dma_wait3A_88 : memref<2x80xi32, #tpu.memory_space<hbm>>) dst(%dma_wait3A_85 : memref<2x80xi32, #tpu.memory_space<vmem>>)
    %dma_start3A_89 = arith.constant 0 : i32
    %dma_start3A_90 = arith.constant 0 : i32
    %dma_start3A_91 = arith.constant 0 : i32
    %dma_start3A_92 = arith.constant 0 : i32
    %dma_start3A_93 = arith.constant 0 : i32
    %dma_start3A_94 = arith.constant 0 : i32
    %dma_start3A_95 = tpu.memref_slice %arg6[%dma_start3A_91, %dma_start3A_93, %dma_start3A_94] : memref<3x80x144xf32, #tpu.memory_space<vmem>> -> memref<1x80x144xf32, #tpu.memory_space<vmem>>
    %dma_start3A_96 = tpu.memref_squeeze %dma_start3A_95 : memref<1x80x144xf32, #tpu.memory_space<vmem>> -> memref<80x144xf32, #tpu.memory_space<vmem>>
    %dma_start3A_97 = arith.constant 0 : i32
    %dma_start3A_98 = tpu.memref_slice %arg5[%dma_start3A_89, %dma_start3A_90, %dma_start3A_97] : memref<6x2x80xi32, #tpu.memory_space<vmem>> -> memref<1x1x80xi32, #tpu.memory_space<vmem>>
    %dma_start3A_99 = tpu.memref_squeeze %dma_start3A_98 : memref<1x1x80xi32, #tpu.memory_space<vmem>> -> memref<80xi32, #tpu.memory_space<vmem>>
    %dma_start3A_100 = arith.constant 0 : i32
    %dma_start3A_101 = arith.constant 0 : i32
    %dma_start3A_102 = tpu.memref_slice %arg2[%dma_start3A_100, %dma_start3A_101] : memref<10000x144xf32, #tpu.memory_space<hbm>> -> memref<10000x144xf32, #tpu.memory_space<hbm>>
    %dma_start3A_103 = tpu.memref_slice %arg9[%dma_start3A_92] : memref<2x!tpu.dma_semaphore, #tpu.memory_space<semaphore_mem>> -> memref<1x!tpu.dma_semaphore, #tpu.memory_space<semaphore_mem>>
    %dma_start3A_104 = tpu.memref_squeeze %dma_start3A_103 : memref<1x!tpu.dma_semaphore, #tpu.memory_space<semaphore_mem>> -> memref<!tpu.dma_semaphore, #tpu.memory_space<semaphore_mem>>
    tpu.enqueue_indirect_dma source(%dma_start3A_102 : memref<10000x144xf32, #tpu.memory_space<hbm>>) target(%dma_start3A_96 : memref<80x144xf32, #tpu.memory_space<vmem>>) offsets(%dma_start3A_99 : memref<80xi32, #tpu.memory_space<vmem>>) semaphore(%dma_start3A_104 : memref<!tpu.dma_semaphore, #tpu.memory_space<semaphore_mem>>)
    %add3A_105 = arith.constant 240 : i32
    %add3A_106 = arith.addi %add3A, %add3A_105 : i32
    %multiple_of3A_107 = tpu.assume_multiple %add3A_106, 8 : i32
    %dma_start3A_108 = arith.constant 3 : i32
    %dma_start3A_109 = arith.constant 0 : i32
    %dma_start3A_110 = arith.constant 0 : i32
    %dma_start3A_111 = arith.constant 0 : i32
    %dma_start3A_112 = tpu.memref_slice %arg5[%dma_start3A_108, %dma_start3A_110, %dma_start3A_111] : memref<6x2x80xi32, #tpu.memory_space<vmem>> -> memref<1x2x80xi32, #tpu.memory_space<vmem>>
    %dma_start3A_113 = tpu.memref_squeeze %dma_start3A_112 : memref<1x2x80xi32, #tpu.memory_space<vmem>> -> memref<2x80xi32, #tpu.memory_space<vmem>>
    %dma_start3A_114 = arith.constant 0 : i32
    %dma_start3A_115 = tpu.memref_slice %arg3[%dma_start3A_114, %multiple_of3A_107] : memref<2x320000xi32, #tpu.memory_space<hbm>> -> memref<2x80xi32, #tpu.memory_space<hbm>>
    %dma_start3A_116 = tpu.memref_slice %arg8[%dma_start3A_109] : memref<3x!tpu.dma_semaphore, #tpu.memory_space<semaphore_mem>> -> memref<1x!tpu.dma_semaphore, #tpu.memory_space<semaphore_mem>>
    %dma_start3A_117 = tpu.memref_squeeze %dma_start3A_116 : memref<1x!tpu.dma_semaphore, #tpu.memory_space<semaphore_mem>> -> memref<!tpu.dma_semaphore, #tpu.memory_space<semaphore_mem>>
    %dma_start3A_118 = arith.constant 0 : i32
    %dma_start3A_119 = arith.constant 0 : i32
    %dma_start3A_120 = tpu.memref_slice %arg5[%dma_start3A_108, %dma_start3A_118, %dma_start3A_119] : memref<6x2x80xi32, #tpu.memory_space<vmem>> -> memref<1x2x80xi32, #tpu.memory_space<vmem>>
    %dma_start3A_121 = tpu.memref_squeeze %dma_start3A_120 : memref<1x2x80xi32, #tpu.memory_space<vmem>> -> memref<2x80xi32, #tpu.memory_space<vmem>>
    %dma_start3A_122 = arith.constant 0 : i32
    %dma_start3A_123 = tpu.memref_slice %arg3[%dma_start3A_122, %multiple_of3A_107] : memref<2x320000xi32, #tpu.memory_space<hbm>> -> memref<2x80xi32, #tpu.memory_space<hbm>>
    tpu.enqueue_dma source(%dma_start3A_123 : memref<2x80xi32, #tpu.memory_space<hbm>>) target(%dma_start3A_121 : memref<2x80xi32, #tpu.memory_space<vmem>>) target_semaphore(%dma_start3A_117 : memref<!tpu.dma_semaphore, #tpu.memory_space<semaphore_mem>>)
    %dma_wait3A_124 = arith.constant 1 : i32
    %dma_wait3A_125 = arith.constant 1 : i32
    %dma_wait3A_126 = arith.constant 0 : i32
    %dma_wait3A_127 = arith.constant 0 : i32
    %dma_wait3A_128 = tpu.memref_slice %arg5[%dma_wait3A_124, %dma_wait3A_126, %dma_wait3A_127] : memref<6x2x80xi32, #tpu.memory_space<vmem>> -> memref<1x2x80xi32, #tpu.memory_space<vmem>>
    %dma_wait3A_129 = tpu.memref_squeeze %dma_wait3A_128 : memref<1x2x80xi32, #tpu.memory_space<vmem>> -> memref<2x80xi32, #tpu.memory_space<vmem>>
    %dma_wait3A_130 = arith.constant 0 : i32
    %dma_wait3A_131 = arith.constant 0 : i32
    %dma_wait3A_132 = tpu.memref_slice %arg3[%dma_wait3A_130, %dma_wait3A_131] : memref<2x320000xi32, #tpu.memory_space<hbm>> -> memref<2x80xi32, #tpu.memory_space<hbm>>
    %dma_wait3A_133 = tpu.memref_slice %arg8[%dma_wait3A_125] : memref<3x!tpu.dma_semaphore, #tpu.memory_space<semaphore_mem>> -> memref<1x!tpu.dma_semaphore, #tpu.memory_space<semaphore_mem>>
    %dma_wait3A_134 = tpu.memref_squeeze %dma_wait3A_133 : memref<1x!tpu.dma_semaphore, #tpu.memory_space<semaphore_mem>> -> memref<!tpu.dma_semaphore, #tpu.memory_space<semaphore_mem>>
    %dma_wait3A_135 = arith.constant 0 : i32
    %dma_wait3A_136 = arith.constant 0 : i32
    %dma_wait3A_137 = tpu.memref_slice %arg5[%dma_wait3A_124, %dma_wait3A_135, %dma_wait3A_136] : memref<6x2x80xi32, #tpu.memory_space<vmem>> -> memref<1x2x80xi32, #tpu.memory_space<vmem>>
    %dma_wait3A_138 = tpu.memref_squeeze %dma_wait3A_137 : memref<1x2x80xi32, #tpu.memory_space<vmem>> -> memref<2x80xi32, #tpu.memory_space<vmem>>
    %dma_wait3A_139 = arith.constant 0 : i32
    %dma_wait3A_140 = arith.constant 0 : i32
    %dma_wait3A_141 = tpu.memref_slice %arg3[%dma_wait3A_139, %dma_wait3A_140] : memref<2x320000xi32, #tpu.memory_space<hbm>> -> memref<2x80xi32, #tpu.memory_space<hbm>>
    tpu.wait_dma2 semaphore(%dma_wait3A_134 : memref<!tpu.dma_semaphore, #tpu.memory_space<semaphore_mem>>) src(%dma_wait3A_141 : memref<2x80xi32, #tpu.memory_space<hbm>>) dst(%dma_wait3A_138 : memref<2x80xi32, #tpu.memory_space<vmem>>)
    %dma_start3A_142 = arith.constant 1 : i32
    %dma_start3A_143 = arith.constant 0 : i32
    %dma_start3A_144 = arith.constant 1 : i32
    %dma_start3A_145 = arith.constant 1 : i32
    %dma_start3A_146 = arith.constant 0 : i32
    %dma_start3A_147 = arith.constant 0 : i32
    %dma_start3A_148 = tpu.memref_slice %arg6[%dma_start3A_144, %dma_start3A_146, %dma_start3A_147] : memref<3x80x144xf32, #tpu.memory_space<vmem>> -> memref<1x80x144xf32, #tpu.memory_space<vmem>>
    %dma_start3A_149 = tpu.memref_squeeze %dma_start3A_148 : memref<1x80x144xf32, #tpu.memory_space<vmem>> -> memref<80x144xf32, #tpu.memory_space<vmem>>
    %dma_start3A_150 = arith.constant 0 : i32
    %dma_start3A_151 = tpu.memref_slice %arg5[%dma_start3A_142, %dma_start3A_143, %dma_start3A_150] : memref<6x2x80xi32, #tpu.memory_space<vmem>> -> memref<1x1x80xi32, #tpu.memory_space<vmem>>
    %dma_start3A_152 = tpu.memref_squeeze %dma_start3A_151 : memref<1x1x80xi32, #tpu.memory_space<vmem>> -> memref<80xi32, #tpu.memory_space<vmem>>
    %dma_start3A_153 = arith.constant 0 : i32
    %dma_start3A_154 = arith.constant 0 : i32
    %dma_start3A_155 = tpu.memref_slice %arg2[%dma_start3A_153, %dma_start3A_154] : memref<10000x144xf32, #tpu.memory_space<hbm>> -> memref<10000x144xf32, #tpu.memory_space<hbm>>
    %dma_start3A_156 = tpu.memref_slice %arg9[%dma_start3A_145] : memref<2x!tpu.dma_semaphore, #tpu.memory_space<semaphore_mem>> -> memref<1x!tpu.dma_semaphore, #tpu.memory_space<semaphore_mem>>
    %dma_start3A_157 = tpu.memref_squeeze %dma_start3A_156 : memref<1x!tpu.dma_semaphore, #tpu.memory_space<semaphore_mem>> -> memref<!tpu.dma_semaphore, #tpu.memory_space<semaphore_mem>>
    tpu.enqueue_indirect_dma source(%dma_start3A_155 : memref<10000x144xf32, #tpu.memory_space<hbm>>) target(%dma_start3A_149 : memref<80x144xf32, #tpu.memory_space<vmem>>) offsets(%dma_start3A_152 : memref<80xi32, #tpu.memory_space<vmem>>) semaphore(%dma_start3A_157 : memref<!tpu.dma_semaphore, #tpu.memory_space<semaphore_mem>>)
    %add3A_158 = arith.constant 320 : i32
    %add3A_159 = arith.addi %add3A, %add3A_158 : i32
    %multiple_of3A_160 = tpu.assume_multiple %add3A_159, 8 : i32
    %dma_start3A_161 = arith.constant 4 : i32
    %dma_start3A_162 = arith.constant 1 : i32
    %dma_start3A_163 = arith.constant 0 : i32
    %dma_start3A_164 = arith.constant 0 : i32
    %dma_start3A_165 = tpu.memref_slice %arg5[%dma_start3A_161, %dma_start3A_163, %dma_start3A_164] : memref<6x2x80xi32, #tpu.memory_space<vmem>> -> memref<1x2x80xi32, #tpu.memory_space<vmem>>
    %dma_start3A_166 = tpu.memref_squeeze %dma_start3A_165 : memref<1x2x80xi32, #tpu.memory_space<vmem>> -> memref<2x80xi32, #tpu.memory_space<vmem>>
    %dma_start3A_167 = arith.constant 0 : i32
    %dma_start3A_168 = tpu.memref_slice %arg3[%dma_start3A_167, %multiple_of3A_160] : memref<2x320000xi32, #tpu.memory_space<hbm>> -> memref<2x80xi32, #tpu.memory_space<hbm>>
    %dma_start3A_169 = tpu.memref_slice %arg8[%dma_start3A_162] : memref<3x!tpu.dma_semaphore, #tpu.memory_space<semaphore_mem>> -> memref<1x!tpu.dma_semaphore, #tpu.memory_space<semaphore_mem>>
    %dma_start3A_170 = tpu.memref_squeeze %dma_start3A_169 : memref<1x!tpu.dma_semaphore, #tpu.memory_space<semaphore_mem>> -> memref<!tpu.dma_semaphore, #tpu.memory_space<semaphore_mem>>
    %dma_start3A_171 = arith.constant 0 : i32
    %dma_start3A_172 = arith.constant 0 : i32
    %dma_start3A_173 = tpu.memref_slice %arg5[%dma_start3A_161, %dma_start3A_171, %dma_start3A_172] : memref<6x2x80xi32, #tpu.memory_space<vmem>> -> memref<1x2x80xi32, #tpu.memory_space<vmem>>
    %dma_start3A_174 = tpu.memref_squeeze %dma_start3A_173 : memref<1x2x80xi32, #tpu.memory_space<vmem>> -> memref<2x80xi32, #tpu.memory_space<vmem>>
    %dma_start3A_175 = arith.constant 0 : i32
    %dma_start3A_176 = tpu.memref_slice %arg3[%dma_start3A_175, %multiple_of3A_160] : memref<2x320000xi32, #tpu.memory_space<hbm>> -> memref<2x80xi32, #tpu.memory_space<hbm>>
    tpu.enqueue_dma source(%dma_start3A_176 : memref<2x80xi32, #tpu.memory_space<hbm>>) target(%dma_start3A_174 : memref<2x80xi32, #tpu.memory_space<vmem>>) target_semaphore(%dma_start3A_170 : memref<!tpu.dma_semaphore, #tpu.memory_space<semaphore_mem>>)
    %dma_wait3A_177 = arith.constant 2 : i32
    %dma_wait3A_178 = arith.constant 2 : i32
    %dma_wait3A_179 = arith.constant 0 : i32
    %dma_wait3A_180 = arith.constant 0 : i32
    %dma_wait3A_181 = tpu.memref_slice %arg5[%dma_wait3A_177, %dma_wait3A_179, %dma_wait3A_180] : memref<6x2x80xi32, #tpu.memory_space<vmem>> -> memref<1x2x80xi32, #tpu.memory_space<vmem>>
    %dma_wait3A_182 = tpu.memref_squeeze %dma_wait3A_181 : memref<1x2x80xi32, #tpu.memory_space<vmem>> -> memref<2x80xi32, #tpu.memory_space<vmem>>
    %dma_wait3A_183 = arith.constant 0 : i32
    %dma_wait3A_184 = arith.constant 0 : i32
    %dma_wait3A_185 = tpu.memref_slice %arg3[%dma_wait3A_183, %dma_wait3A_184] : memref<2x320000xi32, #tpu.memory_space<hbm>> -> memref<2x80xi32, #tpu.memory_space<hbm>>
    %dma_wait3A_186 = tpu.memref_slice %arg8[%dma_wait3A_178] : memref<3x!tpu.dma_semaphore, #tpu.memory_space<semaphore_mem>> -> memref<1x!tpu.dma_semaphore, #tpu.memory_space<semaphore_mem>>
    %dma_wait3A_187 = tpu.memref_squeeze %dma_wait3A_186 : memref<1x!tpu.dma_semaphore, #tpu.memory_space<semaphore_mem>> -> memref<!tpu.dma_semaphore, #tpu.memory_space<semaphore_mem>>
    %dma_wait3A_188 = arith.constant 0 : i32
    %dma_wait3A_189 = arith.constant 0 : i32
    %dma_wait3A_190 = tpu.memref_slice %arg5[%dma_wait3A_177, %dma_wait3A_188, %dma_wait3A_189] : memref<6x2x80xi32, #tpu.memory_space<vmem>> -> memref<1x2x80xi32, #tpu.memory_space<vmem>>
    %dma_wait3A_191 = tpu.memref_squeeze %dma_wait3A_190 : memref<1x2x80xi32, #tpu.memory_space<vmem>> -> memref<2x80xi32, #tpu.memory_space<vmem>>
    %dma_wait3A_192 = arith.constant 0 : i32
    %dma_wait3A_193 = arith.constant 0 : i32
    %dma_wait3A_194 = tpu.memref_slice %arg3[%dma_wait3A_192, %dma_wait3A_193] : memref<2x320000xi32, #tpu.memory_space<hbm>> -> memref<2x80xi32, #tpu.memory_space<hbm>>
    tpu.wait_dma2 semaphore(%dma_wait3A_187 : memref<!tpu.dma_semaphore, #tpu.memory_space<semaphore_mem>>) src(%dma_wait3A_194 : memref<2x80xi32, #tpu.memory_space<hbm>>) dst(%dma_wait3A_191 : memref<2x80xi32, #tpu.memory_space<vmem>>)
    %dma_start3A_195 = arith.constant 2 : i32
    %dma_start3A_196 = arith.constant 0 : i32
    %dma_start3A_197 = arith.constant 2 : i32
    %dma_start3A_198 = arith.constant 0 : i32
    %dma_start3A_199 = arith.constant 0 : i32
    %dma_start3A_200 = arith.constant 0 : i32
    %dma_start3A_201 = tpu.memref_slice %arg6[%dma_start3A_197, %dma_start3A_199, %dma_start3A_200] : memref<3x80x144xf32, #tpu.memory_space<vmem>> -> memref<1x80x144xf32, #tpu.memory_space<vmem>>
    %dma_start3A_202 = tpu.memref_squeeze %dma_start3A_201 : memref<1x80x144xf32, #tpu.memory_space<vmem>> -> memref<80x144xf32, #tpu.memory_space<vmem>>
    %dma_start3A_203 = arith.constant 0 : i32
    %dma_start3A_204 = tpu.memref_slice %arg5[%dma_start3A_195, %dma_start3A_196, %dma_start3A_203] : memref<6x2x80xi32, #tpu.memory_space<vmem>> -> memref<1x1x80xi32, #tpu.memory_space<vmem>>
    %dma_start3A_205 = tpu.memref_squeeze %dma_start3A_204 : memref<1x1x80xi32, #tpu.memory_space<vmem>> -> memref<80xi32, #tpu.memory_space<vmem>>
    %dma_start3A_206 = arith.constant 0 : i32
    %dma_start3A_207 = arith.constant 0 : i32
    %dma_start3A_208 = tpu.memref_slice %arg2[%dma_start3A_206, %dma_start3A_207] : memref<10000x144xf32, #tpu.memory_space<hbm>> -> memref<10000x144xf32, #tpu.memory_space<hbm>>
    %dma_start3A_209 = tpu.memref_slice %arg9[%dma_start3A_198] : memref<2x!tpu.dma_semaphore, #tpu.memory_space<semaphore_mem>> -> memref<1x!tpu.dma_semaphore, #tpu.memory_space<semaphore_mem>>
    %dma_start3A_210 = tpu.memref_squeeze %dma_start3A_209 : memref<1x!tpu.dma_semaphore, #tpu.memory_space<semaphore_mem>> -> memref<!tpu.dma_semaphore, #tpu.memory_space<semaphore_mem>>
    tpu.enqueue_indirect_dma source(%dma_start3A_208 : memref<10000x144xf32, #tpu.memory_space<hbm>>) target(%dma_start3A_202 : memref<80x144xf32, #tpu.memory_space<vmem>>) offsets(%dma_start3A_205 : memref<80xi32, #tpu.memory_space<vmem>>) semaphore(%dma_start3A_210 : memref<!tpu.dma_semaphore, #tpu.memory_space<semaphore_mem>>)
    %dma_wait3A_211 = arith.constant 0 : i32
    %dma_wait3A_212 = arith.constant 0 : i32
    %dma_wait3A_213 = arith.constant 0 : i32
    %dma_wait3A_214 = arith.constant 0 : i32
    %dma_wait3A_215 = arith.constant 0 : i32
    %dma_wait3A_216 = arith.constant 0 : i32
    %dma_wait3A_217 = tpu.memref_slice %arg6[%dma_wait3A_213, %dma_wait3A_215, %dma_wait3A_216] : memref<3x80x144xf32, #tpu.memory_space<vmem>> -> memref<1x80x144xf32, #tpu.memory_space<vmem>>
    %dma_wait3A_218 = tpu.memref_squeeze %dma_wait3A_217 : memref<1x80x144xf32, #tpu.memory_space<vmem>> -> memref<80x144xf32, #tpu.memory_space<vmem>>
    %dma_wait3A_219 = arith.constant 0 : i32
    %dma_wait3A_220 = tpu.memref_slice %arg5[%dma_wait3A_211, %dma_wait3A_212, %dma_wait3A_219] : memref<6x2x80xi32, #tpu.memory_space<vmem>> -> memref<1x1x80xi32, #tpu.memory_space<vmem>>
    %dma_wait3A_221 = tpu.memref_squeeze %dma_wait3A_220 : memref<1x1x80xi32, #tpu.memory_space<vmem>> -> memref<80xi32, #tpu.memory_space<vmem>>
    %dma_wait3A_222 = arith.constant 0 : i32
    %dma_wait3A_223 = arith.constant 0 : i32
    %dma_wait3A_224 = tpu.memref_slice %arg2[%dma_wait3A_222, %dma_wait3A_223] : memref<10000x144xf32, #tpu.memory_space<hbm>> -> memref<10000x144xf32, #tpu.memory_space<hbm>>
    %dma_wait3A_225 = tpu.memref_slice %arg9[%dma_wait3A_214] : memref<2x!tpu.dma_semaphore, #tpu.memory_space<semaphore_mem>> -> memref<1x!tpu.dma_semaphore, #tpu.memory_space<semaphore_mem>>
    %dma_wait3A_226 = tpu.memref_squeeze %dma_wait3A_225 : memref<1x!tpu.dma_semaphore, #tpu.memory_space<semaphore_mem>> -> memref<!tpu.dma_semaphore, #tpu.memory_space<semaphore_mem>>
    tpu.wait_indirect_dma semaphore(%dma_wait3A_226 : memref<!tpu.dma_semaphore, #tpu.memory_space<semaphore_mem>>) src(%dma_wait3A_224 : memref<10000x144xf32, #tpu.memory_space<hbm>>) dst(%dma_wait3A_218 : memref<80x144xf32, #tpu.memory_space<vmem>>)
    %dma_start3A_227 = arith.constant 0 : i32
    %dma_start3A_228 = arith.constant 0 : i32
    %dma_start3A_229 = arith.constant 1 : i32
    %dma_start3A_230 = arith.constant 0 : i32
    %dma_start3A_231 = arith.constant 0 : i32
    %dma_start3A_232 = arith.constant 0 : i32
    %dma_start3A_233 = tpu.memref_slice %arg6[%dma_start3A_227, %dma_start3A_231, %dma_start3A_232] : memref<3x80x144xf32, #tpu.memory_space<vmem>> -> memref<1x80x144xf32, #tpu.memory_space<vmem>>
    %dma_start3A_234 = tpu.memref_squeeze %dma_start3A_233 : memref<1x80x144xf32, #tpu.memory_space<vmem>> -> memref<80x144xf32, #tpu.memory_space<vmem>>
    %dma_start3A_235 = arith.constant 0 : i32
    %dma_start3A_236 = tpu.memref_slice %arg5[%dma_start3A_228, %dma_start3A_229, %dma_start3A_235] : memref<6x2x80xi32, #tpu.memory_space<vmem>> -> memref<1x1x80xi32, #tpu.memory_space<vmem>>
    %dma_start3A_237 = tpu.memref_squeeze %dma_start3A_236 : memref<1x1x80xi32, #tpu.memory_space<vmem>> -> memref<80xi32, #tpu.memory_space<vmem>>
    %dma_start3A_238 = arith.constant 0 : i32
    %dma_start3A_239 = arith.constant 0 : i32
    %dma_start3A_240 = tpu.memref_slice %arg7[%dma_start3A_238, %dma_start3A_239] : memref<10240x144xf32, #tpu.memory_space<vmem_shared>> -> memref<10240x144xf32, #tpu.memory_space<vmem_shared>>
    %dma_start3A_241 = tpu.memref_slice %arg10[%dma_start3A_230] : memref<3x!tpu.dma_semaphore, #tpu.memory_space<semaphore_mem>> -> memref<1x!tpu.dma_semaphore, #tpu.memory_space<semaphore_mem>>
    %dma_start3A_242 = tpu.memref_squeeze %dma_start3A_241 : memref<1x!tpu.dma_semaphore, #tpu.memory_space<semaphore_mem>> -> memref<!tpu.dma_semaphore, #tpu.memory_space<semaphore_mem>>
    tpu.enqueue_indirect_dma source(%dma_start3A_234 : memref<80x144xf32, #tpu.memory_space<vmem>>) target(%dma_start3A_240 : memref<10240x144xf32, #tpu.memory_space<vmem_shared>>) offsets(%dma_start3A_237 : memref<80xi32, #tpu.memory_space<vmem>>) semaphore(%dma_start3A_242 : memref<!tpu.dma_semaphore, #tpu.memory_space<semaphore_mem>>) {add = true}
    %add3A_243 = arith.constant 400 : i32
    %add3A_244 = arith.addi %add3A, %add3A_243 : i32
    %multiple_of3A_245 = tpu.assume_multiple %add3A_244, 8 : i32
    %dma_start3A_246 = arith.constant 5 : i32
    %dma_start3A_247 = arith.constant 2 : i32
    %dma_start3A_248 = arith.constant 0 : i32
    %dma_start3A_249 = arith.constant 0 : i32
    %dma_start3A_250 = tpu.memref_slice %arg5[%dma_start3A_246, %dma_start3A_248, %dma_start3A_249] : memref<6x2x80xi32, #tpu.memory_space<vmem>> -> memref<1x2x80xi32, #tpu.memory_space<vmem>>
    %dma_start3A_251 = tpu.memref_squeeze %dma_start3A_250 : memref<1x2x80xi32, #tpu.memory_space<vmem>> -> memref<2x80xi32, #tpu.memory_space<vmem>>
    %dma_start3A_252 = arith.constant 0 : i32
    %dma_start3A_253 = tpu.memref_slice %arg3[%dma_start3A_252, %multiple_of3A_245] : memref<2x320000xi32, #tpu.memory_space<hbm>> -> memref<2x80xi32, #tpu.memory_space<hbm>>
    %dma_start3A_254 = tpu.memref_slice %arg8[%dma_start3A_247] : memref<3x!tpu.dma_semaphore, #tpu.memory_space<semaphore_mem>> -> memref<1x!tpu.dma_semaphore, #tpu.memory_space<semaphore_mem>>
    %dma_start3A_255 = tpu.memref_squeeze %dma_start3A_254 : memref<1x!tpu.dma_semaphore, #tpu.memory_space<semaphore_mem>> -> memref<!tpu.dma_semaphore, #tpu.memory_space<semaphore_mem>>
    %dma_start3A_256 = arith.constant 0 : i32
    %dma_start3A_257 = arith.constant 0 : i32
    %dma_start3A_258 = tpu.memref_slice %arg5[%dma_start3A_246, %dma_start3A_256, %dma_start3A_257] : memref<6x2x80xi32, #tpu.memory_space<vmem>> -> memref<1x2x80xi32, #tpu.memory_space<vmem>>
    %dma_start3A_259 = tpu.memref_squeeze %dma_start3A_258 : memref<1x2x80xi32, #tpu.memory_space<vmem>> -> memref<2x80xi32, #tpu.memory_space<vmem>>
    %dma_start3A_260 = arith.constant 0 : i32
    %dma_start3A_261 = tpu.memref_slice %arg3[%dma_start3A_260, %multiple_of3A_245] : memref<2x320000xi32, #tpu.memory_space<hbm>> -> memref<2x80xi32, #tpu.memory_space<hbm>>
    tpu.enqueue_dma source(%dma_start3A_261 : memref<2x80xi32, #tpu.memory_space<hbm>>) target(%dma_start3A_259 : memref<2x80xi32, #tpu.memory_space<vmem>>) target_semaphore(%dma_start3A_255 : memref<!tpu.dma_semaphore, #tpu.memory_space<semaphore_mem>>)
    %scan3A_262 = arith.constant 0 : i32
    %scan3A_263 = arith.constant 2 : i32
    %scan3A_264 = arith.constant 119 : i32
    %scan3A_265 = arith.addi %scan3A_263, %scan3A_264 : i32
    %scan3A_266 = arith.constant 1 : i32
    %scan3A_267 = scf.for %scan3A_630 = %scan3A_263 to %scan3A_265 step %scan3A_266 iter_args(%scan3A_631 = %scan3A_262) -> (i32)  : i32 {
      %sub3A = arith.constant 2 : i32
      %sub3A_632 = arith.subi %scan3A_630, %sub3A : i32
      %jit3A = arith.constant 3 : i32
      %eq3A = arith.constant 0 : i32
      %eq3A_633 = arith.cmpi eq, %jit3A, %eq3A : i32
      %jit3A_634 = arith.constant 1 : i32
      %select_n3A = arith.select %eq3A_633, %jit3A_634, %jit3A : i32
      %rem3A = arith.remsi %sub3A_632, %select_n3A : i32
      %ne3A = arith.constant 0 : i32
      %ne3A_635 = arith.cmpi ne, %rem3A, %ne3A : i32
      %lt3A = arith.constant 0 : i32
      %lt3A_636 = arith.cmpi slt, %rem3A, %lt3A : i32
      %lt3A_637 = arith.constant 0 : i32
      %lt3A_638 = arith.cmpi slt, %select_n3A, %lt3A_637 : i32
      %ne3A_639 = arith.xori %lt3A_636, %lt3A_638 : i1
      %and3A = arith.andi %ne3A_639, %ne3A_635 : i1
      %add3A_640 = arith.addi %rem3A, %select_n3A : i32
      %select_n3A_641 = arith.select %and3A, %add3A_640, %rem3A : i32
      %jit3A_642 = arith.constant 6 : i32
      %eq3A_643 = arith.constant 0 : i32
      %eq3A_644 = arith.cmpi eq, %jit3A_642, %eq3A_643 : i32
      %jit3A_645 = arith.constant 1 : i32
      %select_n3A_646 = arith.select %eq3A_644, %jit3A_645, %jit3A_642 : i32
      %rem3A_647 = arith.remsi %sub3A_632, %select_n3A_646 : i32
      %ne3A_648 = arith.constant 0 : i32
      %ne3A_649 = arith.cmpi ne, %rem3A_647, %ne3A_648 : i32
      %lt3A_650 = arith.constant 0 : i32
      %lt3A_651 = arith.cmpi slt, %rem3A_647, %lt3A_650 : i32
      %lt3A_652 = arith.constant 0 : i32
      %lt3A_653 = arith.cmpi slt, %select_n3A_646, %lt3A_652 : i32
      %ne3A_654 = arith.xori %lt3A_651, %lt3A_653 : i1
      %and3A_655 = arith.andi %ne3A_654, %ne3A_649 : i1
      %add3A_656 = arith.addi %rem3A_647, %select_n3A_646 : i32
      %select_n3A_657 = arith.select %and3A_655, %add3A_656, %rem3A_647 : i32
      %jit3A_658 = arith.constant 3 : i32
      %eq3A_659 = arith.constant 0 : i32
      %eq3A_660 = arith.cmpi eq, %jit3A_658, %eq3A_659 : i32
      %jit3A_661 = arith.constant 1 : i32
      %select_n3A_662 = arith.select %eq3A_660, %jit3A_661, %jit3A_658 : i32
      %rem3A_663 = arith.remsi %sub3A_632, %select_n3A_662 : i32
      %ne3A_664 = arith.constant 0 : i32
      %ne3A_665 = arith.cmpi ne, %rem3A_663, %ne3A_664 : i32
      %lt3A_666 = arith.constant 0 : i32
      %lt3A_667 = arith.cmpi slt, %rem3A_663, %lt3A_666 : i32
      %lt3A_668 = arith.constant 0 : i32
      %lt3A_669 = arith.cmpi slt, %select_n3A_662, %lt3A_668 : i32
      %ne3A_670 = arith.xori %lt3A_667, %lt3A_669 : i1
      %and3A_671 = arith.andi %ne3A_670, %ne3A_665 : i1
      %add3A_672 = arith.addi %rem3A_663, %select_n3A_662 : i32
      %select_n3A_673 = arith.select %and3A_671, %add3A_672, %rem3A_663 : i32
      %dma_wait3A_674 = arith.constant 1 : i32
      %dma_wait3A_675 = arith.constant 0 : i32
      %dma_wait3A_676 = arith.constant 0 : i32
      %dma_wait3A_677 = tpu.memref_slice %arg6[%select_n3A_641, %dma_wait3A_675, %dma_wait3A_676] : memref<3x80x144xf32, #tpu.memory_space<vmem>> -> memref<1x80x144xf32, #tpu.memory_space<vmem>>
      %dma_wait3A_678 = tpu.memref_squeeze %dma_wait3A_677 : memref<1x80x144xf32, #tpu.memory_space<vmem>> -> memref<80x144xf32, #tpu.memory_space<vmem>>
      %dma_wait3A_679 = arith.constant 0 : i32
      %dma_wait3A_680 = tpu.memref_slice %arg5[%select_n3A_657, %dma_wait3A_674, %dma_wait3A_679] : memref<6x2x80xi32, #tpu.memory_space<vmem>> -> memref<1x1x80xi32, #tpu.memory_space<vmem>>
      %dma_wait3A_681 = tpu.memref_squeeze %dma_wait3A_680 : memref<1x1x80xi32, #tpu.memory_space<vmem>> -> memref<80xi32, #tpu.memory_space<vmem>>
      %dma_wait3A_682 = arith.constant 0 : i32
      %dma_wait3A_683 = arith.constant 0 : i32
      %dma_wait3A_684 = tpu.memref_slice %arg7[%dma_wait3A_682, %dma_wait3A_683] : memref<10240x144xf32, #tpu.memory_space<vmem_shared>> -> memref<10240x144xf32, #tpu.memory_space<vmem_shared>>
      %dma_wait3A_685 = tpu.memref_slice %arg10[%select_n3A_673] : memref<3x!tpu.dma_semaphore, #tpu.memory_space<semaphore_mem>> -> memref<1x!tpu.dma_semaphore, #tpu.memory_space<semaphore_mem>>
      %dma_wait3A_686 = tpu.memref_squeeze %dma_wait3A_685 : memref<1x!tpu.dma_semaphore, #tpu.memory_space<semaphore_mem>> -> memref<!tpu.dma_semaphore, #tpu.memory_space<semaphore_mem>>
      tpu.wait_indirect_dma semaphore(%dma_wait3A_686 : memref<!tpu.dma_semaphore, #tpu.memory_space<semaphore_mem>>) src(%dma_wait3A_678 : memref<80x144xf32, #tpu.memory_space<vmem>>) dst(%dma_wait3A_684 : memref<10240x144xf32, #tpu.memory_space<vmem_shared>>)
      %add3A_687 = arith.constant 1 : i32
      %add3A_688 = arith.addi %scan3A_630, %add3A_687 : i32
      %jit3A_689 = arith.constant 6 : i32
      %eq3A_690 = arith.constant 0 : i32
      %eq3A_691 = arith.cmpi eq, %jit3A_689, %eq3A_690 : i32
      %jit3A_692 = arith.constant 1 : i32
      %select_n3A_693 = arith.select %eq3A_691, %jit3A_692, %jit3A_689 : i32
      %rem3A_694 = arith.remsi %add3A_688, %select_n3A_693 : i32
      %ne3A_695 = arith.constant 0 : i32
      %ne3A_696 = arith.cmpi ne, %rem3A_694, %ne3A_695 : i32
      %lt3A_697 = arith.constant 0 : i32
      %lt3A_698 = arith.cmpi slt, %rem3A_694, %lt3A_697 : i32
      %lt3A_699 = arith.constant 0 : i32
      %lt3A_700 = arith.cmpi slt, %select_n3A_693, %lt3A_699 : i32
      %ne3A_701 = arith.xori %lt3A_698, %lt3A_700 : i1
      %and3A_702 = arith.andi %ne3A_701, %ne3A_696 : i1
      %add3A_703 = arith.addi %rem3A_694, %select_n3A_693 : i32
      %select_n3A_704 = arith.select %and3A_702, %add3A_703, %rem3A_694 : i32
      %jit3A_705 = arith.constant 3 : i32
      %eq3A_706 = arith.constant 0 : i32
      %eq3A_707 = arith.cmpi eq, %jit3A_705, %eq3A_706 : i32
      %jit3A_708 = arith.constant 1 : i32
      %select_n3A_709 = arith.select %eq3A_707, %jit3A_708, %jit3A_705 : i32
      %rem3A_710 = arith.remsi %add3A_688, %select_n3A_709 : i32
      %ne3A_711 = arith.constant 0 : i32
      %ne3A_712 = arith.cmpi ne, %rem3A_710, %ne3A_711 : i32
      %lt3A_713 = arith.constant 0 : i32
      %lt3A_714 = arith.cmpi slt, %rem3A_710, %lt3A_713 : i32
      %lt3A_715 = arith.constant 0 : i32
      %lt3A_716 = arith.cmpi slt, %select_n3A_709, %lt3A_715 : i32
      %ne3A_717 = arith.xori %lt3A_714, %lt3A_716 : i1
      %and3A_718 = arith.andi %ne3A_717, %ne3A_712 : i1
      %add3A_719 = arith.addi %rem3A_710, %select_n3A_709 : i32
      %select_n3A_720 = arith.select %and3A_718, %add3A_719, %rem3A_710 : i32
      %dma_wait3A_721 = arith.constant 0 : i32
      %dma_wait3A_722 = arith.constant 0 : i32
      %dma_wait3A_723 = tpu.memref_slice %arg5[%select_n3A_704, %dma_wait3A_721, %dma_wait3A_722] : memref<6x2x80xi32, #tpu.memory_space<vmem>> -> memref<1x2x80xi32, #tpu.memory_space<vmem>>
      %dma_wait3A_724 = tpu.memref_squeeze %dma_wait3A_723 : memref<1x2x80xi32, #tpu.memory_space<vmem>> -> memref<2x80xi32, #tpu.memory_space<vmem>>
      %dma_wait3A_725 = arith.constant 0 : i32
      %dma_wait3A_726 = arith.constant 0 : i32
      %dma_wait3A_727 = tpu.memref_slice %arg3[%dma_wait3A_725, %dma_wait3A_726] : memref<2x320000xi32, #tpu.memory_space<hbm>> -> memref<2x80xi32, #tpu.memory_space<hbm>>
      %dma_wait3A_728 = tpu.memref_slice %arg8[%select_n3A_720] : memref<3x!tpu.dma_semaphore, #tpu.memory_space<semaphore_mem>> -> memref<1x!tpu.dma_semaphore, #tpu.memory_space<semaphore_mem>>
      %dma_wait3A_729 = tpu.memref_squeeze %dma_wait3A_728 : memref<1x!tpu.dma_semaphore, #tpu.memory_space<semaphore_mem>> -> memref<!tpu.dma_semaphore, #tpu.memory_space<semaphore_mem>>
      %dma_wait3A_730 = arith.constant 0 : i32
      %dma_wait3A_731 = arith.constant 0 : i32
      %dma_wait3A_732 = tpu.memref_slice %arg5[%select_n3A_704, %dma_wait3A_730, %dma_wait3A_731] : memref<6x2x80xi32, #tpu.memory_space<vmem>> -> memref<1x2x80xi32, #tpu.memory_space<vmem>>
      %dma_wait3A_733 = tpu.memref_squeeze %dma_wait3A_732 : memref<1x2x80xi32, #tpu.memory_space<vmem>> -> memref<2x80xi32, #tpu.memory_space<vmem>>
      %dma_wait3A_734 = arith.constant 0 : i32
      %dma_wait3A_735 = arith.constant 0 : i32
      %dma_wait3A_736 = tpu.memref_slice %arg3[%dma_wait3A_734, %dma_wait3A_735] : memref<2x320000xi32, #tpu.memory_space<hbm>> -> memref<2x80xi32, #tpu.memory_space<hbm>>
      tpu.wait_dma2 semaphore(%dma_wait3A_729 : memref<!tpu.dma_semaphore, #tpu.memory_space<semaphore_mem>>) src(%dma_wait3A_736 : memref<2x80xi32, #tpu.memory_space<hbm>>) dst(%dma_wait3A_733 : memref<2x80xi32, #tpu.memory_space<vmem>>)
      %add3A_737 = arith.constant 1 : i32
      %add3A_738 = arith.addi %scan3A_630, %add3A_737 : i32
      %add3A_739 = arith.constant 1 : i32
      %add3A_740 = arith.addi %scan3A_630, %add3A_739 : i32
      %jit3A_741 = arith.constant 6 : i32
      %eq3A_742 = arith.constant 0 : i32
      %eq3A_743 = arith.cmpi eq, %jit3A_741, %eq3A_742 : i32
      %jit3A_744 = arith.constant 1 : i32
      %select_n3A_745 = arith.select %eq3A_743, %jit3A_744, %jit3A_741 : i32
      %rem3A_746 = arith.remsi %add3A_740, %select_n3A_745 : i32
      %ne3A_747 = arith.constant 0 : i32
      %ne3A_748 = arith.cmpi ne, %rem3A_746, %ne3A_747 : i32
      %lt3A_749 = arith.constant 0 : i32
      %lt3A_750 = arith.cmpi slt, %rem3A_746, %lt3A_749 : i32
      %lt3A_751 = arith.constant 0 : i32
      %lt3A_752 = arith.cmpi slt, %select_n3A_745, %lt3A_751 : i32
      %ne3A_753 = arith.xori %lt3A_750, %lt3A_752 : i1
      %and3A_754 = arith.andi %ne3A_753, %ne3A_748 : i1
      %add3A_755 = arith.addi %rem3A_746, %select_n3A_745 : i32
      %select_n3A_756 = arith.select %and3A_754, %add3A_755, %rem3A_746 : i32
      %jit3A_757 = arith.constant 3 : i32
      %eq3A_758 = arith.constant 0 : i32
      %eq3A_759 = arith.cmpi eq, %jit3A_757, %eq3A_758 : i32
      %jit3A_760 = arith.constant 1 : i32
      %select_n3A_761 = arith.select %eq3A_759, %jit3A_760, %jit3A_757 : i32
      %rem3A_762 = arith.remsi %add3A_740, %select_n3A_761 : i32
      %ne3A_763 = arith.constant 0 : i32
      %ne3A_764 = arith.cmpi ne, %rem3A_762, %ne3A_763 : i32
      %lt3A_765 = arith.constant 0 : i32
      %lt3A_766 = arith.cmpi slt, %rem3A_762, %lt3A_765 : i32
      %lt3A_767 = arith.constant 0 : i32
      %lt3A_768 = arith.cmpi slt, %select_n3A_761, %lt3A_767 : i32
      %ne3A_769 = arith.xori %lt3A_766, %lt3A_768 : i1
      %and3A_770 = arith.andi %ne3A_769, %ne3A_764 : i1
      %add3A_771 = arith.addi %rem3A_762, %select_n3A_761 : i32
      %select_n3A_772 = arith.select %and3A_770, %add3A_771, %rem3A_762 : i32
      %jit3A_773 = arith.constant 2 : i32
      %eq3A_774 = arith.constant 0 : i32
      %eq3A_775 = arith.cmpi eq, %jit3A_773, %eq3A_774 : i32
      %jit3A_776 = arith.constant 1 : i32
      %select_n3A_777 = arith.select %eq3A_775, %jit3A_776, %jit3A_773 : i32
      %rem3A_778 = arith.remsi %add3A_740, %select_n3A_777 : i32
      %ne3A_779 = arith.constant 0 : i32
      %ne3A_780 = arith.cmpi ne, %rem3A_778, %ne3A_779 : i32
      %lt3A_781 = arith.constant 0 : i32
      %lt3A_782 = arith.cmpi slt, %rem3A_778, %lt3A_781 : i32
      %lt3A_783 = arith.constant 0 : i32
      %lt3A_784 = arith.cmpi slt, %select_n3A_777, %lt3A_783 : i32
      %ne3A_785 = arith.xori %lt3A_782, %lt3A_784 : i1
      %and3A_786 = arith.andi %ne3A_785, %ne3A_780 : i1
      %add3A_787 = arith.addi %rem3A_778, %select_n3A_777 : i32
      %select_n3A_788 = arith.select %and3A_786, %add3A_787, %rem3A_778 : i32
      %dma_start3A_789 = arith.constant 0 : i32
      %dma_start3A_790 = arith.constant 0 : i32
      %dma_start3A_791 = arith.constant 0 : i32
      %dma_start3A_792 = tpu.memref_slice %arg6[%select_n3A_772, %dma_start3A_790, %dma_start3A_791] : memref<3x80x144xf32, #tpu.memory_space<vmem>> -> memref<1x80x144xf32, #tpu.memory_space<vmem>>
      %dma_start3A_793 = tpu.memref_squeeze %dma_start3A_792 : memref<1x80x144xf32, #tpu.memory_space<vmem>> -> memref<80x144xf32, #tpu.memory_space<vmem>>
      %dma_start3A_794 = arith.constant 0 : i32
      %dma_start3A_795 = tpu.memref_slice %arg5[%select_n3A_756, %dma_start3A_789, %dma_start3A_794] : memref<6x2x80xi32, #tpu.memory_space<vmem>> -> memref<1x1x80xi32, #tpu.memory_space<vmem>>
      %dma_start3A_796 = tpu.memref_squeeze %dma_start3A_795 : memref<1x1x80xi32, #tpu.memory_space<vmem>> -> memref<80xi32, #tpu.memory_space<vmem>>
      %dma_start3A_797 = arith.constant 0 : i32
      %dma_start3A_798 = arith.constant 0 : i32
      %dma_start3A_799 = tpu.memref_slice %arg2[%dma_start3A_797, %dma_start3A_798] : memref<10000x144xf32, #tpu.memory_space<hbm>> -> memref<10000x144xf32, #tpu.memory_space<hbm>>
      %dma_start3A_800 = tpu.memref_slice %arg9[%select_n3A_788] : memref<2x!tpu.dma_semaphore, #tpu.memory_space<semaphore_mem>> -> memref<1x!tpu.dma_semaphore, #tpu.memory_space<semaphore_mem>>
      %dma_start3A_801 = tpu.memref_squeeze %dma_start3A_800 : memref<1x!tpu.dma_semaphore, #tpu.memory_space<semaphore_mem>> -> memref<!tpu.dma_semaphore, #tpu.memory_space<semaphore_mem>>
      tpu.enqueue_indirect_dma source(%dma_start3A_799 : memref<10000x144xf32, #tpu.memory_space<hbm>>) target(%dma_start3A_793 : memref<80x144xf32, #tpu.memory_space<vmem>>) offsets(%dma_start3A_796 : memref<80xi32, #tpu.memory_space<vmem>>) semaphore(%dma_start3A_801 : memref<!tpu.dma_semaphore, #tpu.memory_space<semaphore_mem>>)
      %sub3A_802 = arith.constant 1 : i32
      %sub3A_803 = arith.subi %scan3A_630, %sub3A_802 : i32
      %jit3A_804 = arith.constant 6 : i32
      %eq3A_805 = arith.constant 0 : i32
      %eq3A_806 = arith.cmpi eq, %jit3A_804, %eq3A_805 : i32
      %jit3A_807 = arith.constant 1 : i32
      %select_n3A_808 = arith.select %eq3A_806, %jit3A_807, %jit3A_804 : i32
      %rem3A_809 = arith.remsi %sub3A_803, %select_n3A_808 : i32
      %ne3A_810 = arith.constant 0 : i32
      %ne3A_811 = arith.cmpi ne, %rem3A_809, %ne3A_810 : i32
      %lt3A_812 = arith.constant 0 : i32
      %lt3A_813 = arith.cmpi slt, %rem3A_809, %lt3A_812 : i32
      %lt3A_814 = arith.constant 0 : i32
      %lt3A_815 = arith.cmpi slt, %select_n3A_808, %lt3A_814 : i32
      %ne3A_816 = arith.xori %lt3A_813, %lt3A_815 : i1
      %and3A_817 = arith.andi %ne3A_816, %ne3A_811 : i1
      %add3A_818 = arith.addi %rem3A_809, %select_n3A_808 : i32
      %select_n3A_819 = arith.select %and3A_817, %add3A_818, %rem3A_809 : i32
      %jit3A_820 = arith.constant 3 : i32
      %eq3A_821 = arith.constant 0 : i32
      %eq3A_822 = arith.cmpi eq, %jit3A_820, %eq3A_821 : i32
      %jit3A_823 = arith.constant 1 : i32
      %select_n3A_824 = arith.select %eq3A_822, %jit3A_823, %jit3A_820 : i32
      %rem3A_825 = arith.remsi %sub3A_803, %select_n3A_824 : i32
      %ne3A_826 = arith.constant 0 : i32
      %ne3A_827 = arith.cmpi ne, %rem3A_825, %ne3A_826 : i32
      %lt3A_828 = arith.constant 0 : i32
      %lt3A_829 = arith.cmpi slt, %rem3A_825, %lt3A_828 : i32
      %lt3A_830 = arith.constant 0 : i32
      %lt3A_831 = arith.cmpi slt, %select_n3A_824, %lt3A_830 : i32
      %ne3A_832 = arith.xori %lt3A_829, %lt3A_831 : i1
      %and3A_833 = arith.andi %ne3A_832, %ne3A_827 : i1
      %add3A_834 = arith.addi %rem3A_825, %select_n3A_824 : i32
      %select_n3A_835 = arith.select %and3A_833, %add3A_834, %rem3A_825 : i32
      %jit3A_836 = arith.constant 2 : i32
      %eq3A_837 = arith.constant 0 : i32
      %eq3A_838 = arith.cmpi eq, %jit3A_836, %eq3A_837 : i32
      %jit3A_839 = arith.constant 1 : i32
      %select_n3A_840 = arith.select %eq3A_838, %jit3A_839, %jit3A_836 : i32
      %rem3A_841 = arith.remsi %sub3A_803, %select_n3A_840 : i32
      %ne3A_842 = arith.constant 0 : i32
      %ne3A_843 = arith.cmpi ne, %rem3A_841, %ne3A_842 : i32
      %lt3A_844 = arith.constant 0 : i32
      %lt3A_845 = arith.cmpi slt, %rem3A_841, %lt3A_844 : i32
      %lt3A_846 = arith.constant 0 : i32
      %lt3A_847 = arith.cmpi slt, %select_n3A_840, %lt3A_846 : i32
      %ne3A_848 = arith.xori %lt3A_845, %lt3A_847 : i1
      %and3A_849 = arith.andi %ne3A_848, %ne3A_843 : i1
      %add3A_850 = arith.addi %rem3A_841, %select_n3A_840 : i32
      %select_n3A_851 = arith.select %and3A_849, %add3A_850, %rem3A_841 : i32
      %dma_wait3A_852 = arith.constant 0 : i32
      %dma_wait3A_853 = arith.constant 0 : i32
      %dma_wait3A_854 = arith.constant 0 : i32
      %dma_wait3A_855 = tpu.memref_slice %arg6[%select_n3A_835, %dma_wait3A_853, %dma_wait3A_854] : memref<3x80x144xf32, #tpu.memory_space<vmem>> -> memref<1x80x144xf32, #tpu.memory_space<vmem>>
      %dma_wait3A_856 = tpu.memref_squeeze %dma_wait3A_855 : memref<1x80x144xf32, #tpu.memory_space<vmem>> -> memref<80x144xf32, #tpu.memory_space<vmem>>
      %dma_wait3A_857 = arith.constant 0 : i32
      %dma_wait3A_858 = tpu.memref_slice %arg5[%select_n3A_819, %dma_wait3A_852, %dma_wait3A_857] : memref<6x2x80xi32, #tpu.memory_space<vmem>> -> memref<1x1x80xi32, #tpu.memory_space<vmem>>
      %dma_wait3A_859 = tpu.memref_squeeze %dma_wait3A_858 : memref<1x1x80xi32, #tpu.memory_space<vmem>> -> memref<80xi32, #tpu.memory_space<vmem>>
      %dma_wait3A_860 = arith.constant 0 : i32
      %dma_wait3A_861 = arith.constant 0 : i32
      %dma_wait3A_862 = tpu.memref_slice %arg2[%dma_wait3A_860, %dma_wait3A_861] : memref<10000x144xf32, #tpu.memory_space<hbm>> -> memref<10000x144xf32, #tpu.memory_space<hbm>>
      %dma_wait3A_863 = tpu.memref_slice %arg9[%select_n3A_851] : memref<2x!tpu.dma_semaphore, #tpu.memory_space<semaphore_mem>> -> memref<1x!tpu.dma_semaphore, #tpu.memory_space<semaphore_mem>>
      %dma_wait3A_864 = tpu.memref_squeeze %dma_wait3A_863 : memref<1x!tpu.dma_semaphore, #tpu.memory_space<semaphore_mem>> -> memref<!tpu.dma_semaphore, #tpu.memory_space<semaphore_mem>>
      tpu.wait_indirect_dma semaphore(%dma_wait3A_864 : memref<!tpu.dma_semaphore, #tpu.memory_space<semaphore_mem>>) src(%dma_wait3A_862 : memref<10000x144xf32, #tpu.memory_space<hbm>>) dst(%dma_wait3A_856 : memref<80x144xf32, #tpu.memory_space<vmem>>)
      %sub3A_865 = arith.constant 1 : i32
      %sub3A_866 = arith.subi %scan3A_630, %sub3A_865 : i32
      %jit3A_867 = arith.constant 3 : i32
      %eq3A_868 = arith.constant 0 : i32
      %eq3A_869 = arith.cmpi eq, %jit3A_867, %eq3A_868 : i32
      %jit3A_870 = arith.constant 1 : i32
      %select_n3A_871 = arith.select %eq3A_869, %jit3A_870, %jit3A_867 : i32
      %rem3A_872 = arith.remsi %sub3A_866, %select_n3A_871 : i32
      %ne3A_873 = arith.constant 0 : i32
      %ne3A_874 = arith.cmpi ne, %rem3A_872, %ne3A_873 : i32
      %lt3A_875 = arith.constant 0 : i32
      %lt3A_876 = arith.cmpi slt, %rem3A_872, %lt3A_875 : i32
      %lt3A_877 = arith.constant 0 : i32
      %lt3A_878 = arith.cmpi slt, %select_n3A_871, %lt3A_877 : i32
      %ne3A_879 = arith.xori %lt3A_876, %lt3A_878 : i1
      %and3A_880 = arith.andi %ne3A_879, %ne3A_874 : i1
      %add3A_881 = arith.addi %rem3A_872, %select_n3A_871 : i32
      %select_n3A_882 = arith.select %and3A_880, %add3A_881, %rem3A_872 : i32
      %jit3A_883 = arith.constant 6 : i32
      %eq3A_884 = arith.constant 0 : i32
      %eq3A_885 = arith.cmpi eq, %jit3A_883, %eq3A_884 : i32
      %jit3A_886 = arith.constant 1 : i32
      %select_n3A_887 = arith.select %eq3A_885, %jit3A_886, %jit3A_883 : i32
      %rem3A_888 = arith.remsi %sub3A_866, %select_n3A_887 : i32
      %ne3A_889 = arith.constant 0 : i32
      %ne3A_890 = arith.cmpi ne, %rem3A_888, %ne3A_889 : i32
      %lt3A_891 = arith.constant 0 : i32
      %lt3A_892 = arith.cmpi slt, %rem3A_888, %lt3A_891 : i32
      %lt3A_893 = arith.constant 0 : i32
      %lt3A_894 = arith.cmpi slt, %select_n3A_887, %lt3A_893 : i32
      %ne3A_895 = arith.xori %lt3A_892, %lt3A_894 : i1
      %and3A_896 = arith.andi %ne3A_895, %ne3A_890 : i1
      %add3A_897 = arith.addi %rem3A_888, %select_n3A_887 : i32
      %select_n3A_898 = arith.select %and3A_896, %add3A_897, %rem3A_888 : i32
      %jit3A_899 = arith.constant 3 : i32
      %eq3A_900 = arith.constant 0 : i32
      %eq3A_901 = arith.cmpi eq, %jit3A_899, %eq3A_900 : i32
      %jit3A_902 = arith.constant 1 : i32
      %select_n3A_903 = arith.select %eq3A_901, %jit3A_902, %jit3A_899 : i32
      %rem3A_904 = arith.remsi %sub3A_866, %select_n3A_903 : i32
      %ne3A_905 = arith.constant 0 : i32
      %ne3A_906 = arith.cmpi ne, %rem3A_904, %ne3A_905 : i32
      %lt3A_907 = arith.constant 0 : i32
      %lt3A_908 = arith.cmpi slt, %rem3A_904, %lt3A_907 : i32
      %lt3A_909 = arith.constant 0 : i32
      %lt3A_910 = arith.cmpi slt, %select_n3A_903, %lt3A_909 : i32
      %ne3A_911 = arith.xori %lt3A_908, %lt3A_910 : i1
      %and3A_912 = arith.andi %ne3A_911, %ne3A_906 : i1
      %add3A_913 = arith.addi %rem3A_904, %select_n3A_903 : i32
      %select_n3A_914 = arith.select %and3A_912, %add3A_913, %rem3A_904 : i32
      %dma_start3A_915 = arith.constant 1 : i32
      %dma_start3A_916 = arith.constant 0 : i32
      %dma_start3A_917 = arith.constant 0 : i32
      %dma_start3A_918 = tpu.memref_slice %arg6[%select_n3A_882, %dma_start3A_916, %dma_start3A_917] : memref<3x80x144xf32, #tpu.memory_space<vmem>> -> memref<1x80x144xf32, #tpu.memory_space<vmem>>
      %dma_start3A_919 = tpu.memref_squeeze %dma_start3A_918 : memref<1x80x144xf32, #tpu.memory_space<vmem>> -> memref<80x144xf32, #tpu.memory_space<vmem>>
      %dma_start3A_920 = arith.constant 0 : i32
      %dma_start3A_921 = tpu.memref_slice %arg5[%select_n3A_898, %dma_start3A_915, %dma_start3A_920] : memref<6x2x80xi32, #tpu.memory_space<vmem>> -> memref<1x1x80xi32, #tpu.memory_space<vmem>>
      %dma_start3A_922 = tpu.memref_squeeze %dma_start3A_921 : memref<1x1x80xi32, #tpu.memory_space<vmem>> -> memref<80xi32, #tpu.memory_space<vmem>>
      %dma_start3A_923 = arith.constant 0 : i32
      %dma_start3A_924 = arith.constant 0 : i32
      %dma_start3A_925 = tpu.memref_slice %arg7[%dma_start3A_923, %dma_start3A_924] : memref<10240x144xf32, #tpu.memory_space<vmem_shared>> -> memref<10240x144xf32, #tpu.memory_space<vmem_shared>>
      %dma_start3A_926 = tpu.memref_slice %arg10[%select_n3A_914] : memref<3x!tpu.dma_semaphore, #tpu.memory_space<semaphore_mem>> -> memref<1x!tpu.dma_semaphore, #tpu.memory_space<semaphore_mem>>
      %dma_start3A_927 = tpu.memref_squeeze %dma_start3A_926 : memref<1x!tpu.dma_semaphore, #tpu.memory_space<semaphore_mem>> -> memref<!tpu.dma_semaphore, #tpu.memory_space<semaphore_mem>>
      tpu.enqueue_indirect_dma source(%dma_start3A_919 : memref<80x144xf32, #tpu.memory_space<vmem>>) target(%dma_start3A_925 : memref<10240x144xf32, #tpu.memory_space<vmem_shared>>) offsets(%dma_start3A_922 : memref<80xi32, #tpu.memory_space<vmem>>) semaphore(%dma_start3A_927 : memref<!tpu.dma_semaphore, #tpu.memory_space<semaphore_mem>>) {add = true}
      %add3A_928 = arith.constant 3 : i32
      %add3A_929 = arith.addi %scan3A_630, %add3A_928 : i32
      %add3A_930 = arith.constant 1 : i32
      %add3A_931 = arith.addi %add3A_929, %add3A_930 : i32
      %mul3A_932 = arith.constant 80 : i32
      %mul3A_933 = arith.muli %add3A_931, %mul3A_932 : i32
      %add3A_934 = arith.addi %add3A, %mul3A_933 : i32
      %multiple_of3A_935 = tpu.assume_multiple %add3A_934, 8 : i32
      %jit3A_936 = arith.constant 6 : i32
      %eq3A_937 = arith.constant 0 : i32
      %eq3A_938 = arith.cmpi eq, %jit3A_936, %eq3A_937 : i32
      %jit3A_939 = arith.constant 1 : i32
      %select_n3A_940 = arith.select %eq3A_938, %jit3A_939, %jit3A_936 : i32
      %rem3A_941 = arith.remsi %add3A_931, %select_n3A_940 : i32
      %ne3A_942 = arith.constant 0 : i32
      %ne3A_943 = arith.cmpi ne, %rem3A_941, %ne3A_942 : i32
      %lt3A_944 = arith.constant 0 : i32
      %lt3A_945 = arith.cmpi slt, %rem3A_941, %lt3A_944 : i32
      %lt3A_946 = arith.constant 0 : i32
      %lt3A_947 = arith.cmpi slt, %select_n3A_940, %lt3A_946 : i32
      %ne3A_948 = arith.xori %lt3A_945, %lt3A_947 : i1
      %and3A_949 = arith.andi %ne3A_948, %ne3A_943 : i1
      %add3A_950 = arith.addi %rem3A_941, %select_n3A_940 : i32
      %select_n3A_951 = arith.select %and3A_949, %add3A_950, %rem3A_941 : i32
      %jit3A_952 = arith.constant 3 : i32
      %eq3A_953 = arith.constant 0 : i32
      %eq3A_954 = arith.cmpi eq, %jit3A_952, %eq3A_953 : i32
      %jit3A_955 = arith.constant 1 : i32
      %select_n3A_956 = arith.select %eq3A_954, %jit3A_955, %jit3A_952 : i32
      %rem3A_957 = arith.remsi %add3A_931, %select_n3A_956 : i32
      %ne3A_958 = arith.constant 0 : i32
      %ne3A_959 = arith.cmpi ne, %rem3A_957, %ne3A_958 : i32
      %lt3A_960 = arith.constant 0 : i32
      %lt3A_961 = arith.cmpi slt, %rem3A_957, %lt3A_960 : i32
      %lt3A_962 = arith.constant 0 : i32
      %lt3A_963 = arith.cmpi slt, %select_n3A_956, %lt3A_962 : i32
      %ne3A_964 = arith.xori %lt3A_961, %lt3A_963 : i1
      %and3A_965 = arith.andi %ne3A_964, %ne3A_959 : i1
      %add3A_966 = arith.addi %rem3A_957, %select_n3A_956 : i32
      %select_n3A_967 = arith.select %and3A_965, %add3A_966, %rem3A_957 : i32
      %dma_start3A_968 = arith.constant 0 : i32
      %dma_start3A_969 = arith.constant 0 : i32
      %dma_start3A_970 = tpu.memref_slice %arg5[%select_n3A_951, %dma_start3A_968, %dma_start3A_969] : memref<6x2x80xi32, #tpu.memory_space<vmem>> -> memref<1x2x80xi32, #tpu.memory_space<vmem>>
      %dma_start3A_971 = tpu.memref_squeeze %dma_start3A_970 : memref<1x2x80xi32, #tpu.memory_space<vmem>> -> memref<2x80xi32, #tpu.memory_space<vmem>>
      %dma_start3A_972 = arith.constant 0 : i32
      %dma_start3A_973 = tpu.memref_slice %arg3[%dma_start3A_972, %multiple_of3A_935] : memref<2x320000xi32, #tpu.memory_space<hbm>> -> memref<2x80xi32, #tpu.memory_space<hbm>>
      %dma_start3A_974 = tpu.memref_slice %arg8[%select_n3A_967] : memref<3x!tpu.dma_semaphore, #tpu.memory_space<semaphore_mem>> -> memref<1x!tpu.dma_semaphore, #tpu.memory_space<semaphore_mem>>
      %dma_start3A_975 = tpu.memref_squeeze %dma_start3A_974 : memref<1x!tpu.dma_semaphore, #tpu.memory_space<semaphore_mem>> -> memref<!tpu.dma_semaphore, #tpu.memory_space<semaphore_mem>>
      %dma_start3A_976 = arith.constant 0 : i32
      %dma_start3A_977 = arith.constant 0 : i32
      %dma_start3A_978 = tpu.memref_slice %arg5[%select_n3A_951, %dma_start3A_976, %dma_start3A_977] : memref<6x2x80xi32, #tpu.memory_space<vmem>> -> memref<1x2x80xi32, #tpu.memory_space<vmem>>
      %dma_start3A_979 = tpu.memref_squeeze %dma_start3A_978 : memref<1x2x80xi32, #tpu.memory_space<vmem>> -> memref<2x80xi32, #tpu.memory_space<vmem>>
      %dma_start3A_980 = arith.constant 0 : i32
      %dma_start3A_981 = tpu.memref_slice %arg3[%dma_start3A_980, %multiple_of3A_935] : memref<2x320000xi32, #tpu.memory_space<hbm>> -> memref<2x80xi32, #tpu.memory_space<hbm>>
      tpu.enqueue_dma source(%dma_start3A_981 : memref<2x80xi32, #tpu.memory_space<hbm>>) target(%dma_start3A_979 : memref<2x80xi32, #tpu.memory_space<vmem>>) target_semaphore(%dma_start3A_975 : memref<!tpu.dma_semaphore, #tpu.memory_space<semaphore_mem>>)
      %scan3A_982 = arith.constant 0 : i32
      scf.yield %scan3A_982 : i32
    }
    %scan3A_268 = arith.constant 119 : i32
    %dma_wait3A_269 = arith.constant 2 : i32
    %dma_wait3A_270 = arith.constant 5 : i32
    %dma_wait3A_271 = arith.constant 1 : i32
    %dma_wait3A_272 = arith.constant 2 : i32
    %dma_wait3A_273 = arith.constant 0 : i32
    %dma_wait3A_274 = arith.constant 0 : i32
    %dma_wait3A_275 = tpu.memref_slice %arg6[%dma_wait3A_269, %dma_wait3A_273, %dma_wait3A_274] : memref<3x80x144xf32, #tpu.memory_space<vmem>> -> memref<1x80x144xf32, #tpu.memory_space<vmem>>
    %dma_wait3A_276 = tpu.memref_squeeze %dma_wait3A_275 : memref<1x80x144xf32, #tpu.memory_space<vmem>> -> memref<80x144xf32, #tpu.memory_space<vmem>>
    %dma_wait3A_277 = arith.constant 0 : i32
    %dma_wait3A_278 = tpu.memref_slice %arg5[%dma_wait3A_270, %dma_wait3A_271, %dma_wait3A_277] : memref<6x2x80xi32, #tpu.memory_space<vmem>> -> memref<1x1x80xi32, #tpu.memory_space<vmem>>
    %dma_wait3A_279 = tpu.memref_squeeze %dma_wait3A_278 : memref<1x1x80xi32, #tpu.memory_space<vmem>> -> memref<80xi32, #tpu.memory_space<vmem>>
    %dma_wait3A_280 = arith.constant 0 : i32
    %dma_wait3A_281 = arith.constant 0 : i32
    %dma_wait3A_282 = tpu.memref_slice %arg7[%dma_wait3A_280, %dma_wait3A_281] : memref<10240x144xf32, #tpu.memory_space<vmem_shared>> -> memref<10240x144xf32, #tpu.memory_space<vmem_shared>>
    %dma_wait3A_283 = tpu.memref_slice %arg10[%dma_wait3A_272] : memref<3x!tpu.dma_semaphore, #tpu.memory_space<semaphore_mem>> -> memref<1x!tpu.dma_semaphore, #tpu.memory_space<semaphore_mem>>
    %dma_wait3A_284 = tpu.memref_squeeze %dma_wait3A_283 : memref<1x!tpu.dma_semaphore, #tpu.memory_space<semaphore_mem>> -> memref<!tpu.dma_semaphore, #tpu.memory_space<semaphore_mem>>
    tpu.wait_indirect_dma semaphore(%dma_wait3A_284 : memref<!tpu.dma_semaphore, #tpu.memory_space<semaphore_mem>>) src(%dma_wait3A_276 : memref<80x144xf32, #tpu.memory_space<vmem>>) dst(%dma_wait3A_282 : memref<10240x144xf32, #tpu.memory_space<vmem_shared>>)
    %dma_wait3A_285 = arith.constant 2 : i32
    %dma_wait3A_286 = arith.constant 2 : i32
    %dma_wait3A_287 = arith.constant 0 : i32
    %dma_wait3A_288 = arith.constant 0 : i32
    %dma_wait3A_289 = tpu.memref_slice %arg5[%dma_wait3A_285, %dma_wait3A_287, %dma_wait3A_288] : memref<6x2x80xi32, #tpu.memory_space<vmem>> -> memref<1x2x80xi32, #tpu.memory_space<vmem>>
    %dma_wait3A_290 = tpu.memref_squeeze %dma_wait3A_289 : memref<1x2x80xi32, #tpu.memory_space<vmem>> -> memref<2x80xi32, #tpu.memory_space<vmem>>
    %dma_wait3A_291 = arith.constant 0 : i32
    %dma_wait3A_292 = arith.constant 0 : i32
    %dma_wait3A_293 = tpu.memref_slice %arg3[%dma_wait3A_291, %dma_wait3A_292] : memref<2x320000xi32, #tpu.memory_space<hbm>> -> memref<2x80xi32, #tpu.memory_space<hbm>>
    %dma_wait3A_294 = tpu.memref_slice %arg8[%dma_wait3A_286] : memref<3x!tpu.dma_semaphore, #tpu.memory_space<semaphore_mem>> -> memref<1x!tpu.dma_semaphore, #tpu.memory_space<semaphore_mem>>
    %dma_wait3A_295 = tpu.memref_squeeze %dma_wait3A_294 : memref<1x!tpu.dma_semaphore, #tpu.memory_space<semaphore_mem>> -> memref<!tpu.dma_semaphore, #tpu.memory_space<semaphore_mem>>
    %dma_wait3A_296 = arith.constant 0 : i32
    %dma_wait3A_297 = arith.constant 0 : i32
    %dma_wait3A_298 = tpu.memref_slice %arg5[%dma_wait3A_285, %dma_wait3A_296, %dma_wait3A_297] : memref<6x2x80xi32, #tpu.memory_space<vmem>> -> memref<1x2x80xi32, #tpu.memory_space<vmem>>
    %dma_wait3A_299 = tpu.memref_squeeze %dma_wait3A_298 : memref<1x2x80xi32, #tpu.memory_space<vmem>> -> memref<2x80xi32, #tpu.memory_space<vmem>>
    %dma_wait3A_300 = arith.constant 0 : i32
    %dma_wait3A_301 = arith.constant 0 : i32
    %dma_wait3A_302 = tpu.memref_slice %arg3[%dma_wait3A_300, %dma_wait3A_301] : memref<2x320000xi32, #tpu.memory_space<hbm>> -> memref<2x80xi32, #tpu.memory_space<hbm>>
    tpu.wait_dma2 semaphore(%dma_wait3A_295 : memref<!tpu.dma_semaphore, #tpu.memory_space<semaphore_mem>>) src(%dma_wait3A_302 : memref<2x80xi32, #tpu.memory_space<hbm>>) dst(%dma_wait3A_299 : memref<2x80xi32, #tpu.memory_space<vmem>>)
    %dma_start3A_303 = arith.constant 2 : i32
    %dma_start3A_304 = arith.constant 0 : i32
    %dma_start3A_305 = arith.constant 2 : i32
    %dma_start3A_306 = arith.constant 0 : i32
    %dma_start3A_307 = arith.constant 0 : i32
    %dma_start3A_308 = arith.constant 0 : i32
    %dma_start3A_309 = tpu.memref_slice %arg6[%dma_start3A_305, %dma_start3A_307, %dma_start3A_308] : memref<3x80x144xf32, #tpu.memory_space<vmem>> -> memref<1x80x144xf32, #tpu.memory_space<vmem>>
    %dma_start3A_310 = tpu.memref_squeeze %dma_start3A_309 : memref<1x80x144xf32, #tpu.memory_space<vmem>> -> memref<80x144xf32, #tpu.memory_space<vmem>>
    %dma_start3A_311 = arith.constant 0 : i32
    %dma_start3A_312 = tpu.memref_slice %arg5[%dma_start3A_303, %dma_start3A_304, %dma_start3A_311] : memref<6x2x80xi32, #tpu.memory_space<vmem>> -> memref<1x1x80xi32, #tpu.memory_space<vmem>>
    %dma_start3A_313 = tpu.memref_squeeze %dma_start3A_312 : memref<1x1x80xi32, #tpu.memory_space<vmem>> -> memref<80xi32, #tpu.memory_space<vmem>>
    %dma_start3A_314 = arith.constant 0 : i32
    %dma_start3A_315 = arith.constant 0 : i32
    %dma_start3A_316 = tpu.memref_slice %arg2[%dma_start3A_314, %dma_start3A_315] : memref<10000x144xf32, #tpu.memory_space<hbm>> -> memref<10000x144xf32, #tpu.memory_space<hbm>>
    %dma_start3A_317 = tpu.memref_slice %arg9[%dma_start3A_306] : memref<2x!tpu.dma_semaphore, #tpu.memory_space<semaphore_mem>> -> memref<1x!tpu.dma_semaphore, #tpu.memory_space<semaphore_mem>>
    %dma_start3A_318 = tpu.memref_squeeze %dma_start3A_317 : memref<1x!tpu.dma_semaphore, #tpu.memory_space<semaphore_mem>> -> memref<!tpu.dma_semaphore, #tpu.memory_space<semaphore_mem>>
    tpu.enqueue_indirect_dma source(%dma_start3A_316 : memref<10000x144xf32, #tpu.memory_space<hbm>>) target(%dma_start3A_310 : memref<80x144xf32, #tpu.memory_space<vmem>>) offsets(%dma_start3A_313 : memref<80xi32, #tpu.memory_space<vmem>>) semaphore(%dma_start3A_318 : memref<!tpu.dma_semaphore, #tpu.memory_space<semaphore_mem>>)
    %dma_wait3A_319 = arith.constant 0 : i32
    %dma_wait3A_320 = arith.constant 0 : i32
    %dma_wait3A_321 = arith.constant 0 : i32
    %dma_wait3A_322 = arith.constant 0 : i32
    %dma_wait3A_323 = arith.constant 0 : i32
    %dma_wait3A_324 = arith.constant 0 : i32
    %dma_wait3A_325 = tpu.memref_slice %arg6[%dma_wait3A_321, %dma_wait3A_323, %dma_wait3A_324] : memref<3x80x144xf32, #tpu.memory_space<vmem>> -> memref<1x80x144xf32, #tpu.memory_space<vmem>>
    %dma_wait3A_326 = tpu.memref_squeeze %dma_wait3A_325 : memref<1x80x144xf32, #tpu.memory_space<vmem>> -> memref<80x144xf32, #tpu.memory_space<vmem>>
    %dma_wait3A_327 = arith.constant 0 : i32
    %dma_wait3A_328 = tpu.memref_slice %arg5[%dma_wait3A_319, %dma_wait3A_320, %dma_wait3A_327] : memref<6x2x80xi32, #tpu.memory_space<vmem>> -> memref<1x1x80xi32, #tpu.memory_space<vmem>>
    %dma_wait3A_329 = tpu.memref_squeeze %dma_wait3A_328 : memref<1x1x80xi32, #tpu.memory_space<vmem>> -> memref<80xi32, #tpu.memory_space<vmem>>
    %dma_wait3A_330 = arith.constant 0 : i32
    %dma_wait3A_331 = arith.constant 0 : i32
    %dma_wait3A_332 = tpu.memref_slice %arg2[%dma_wait3A_330, %dma_wait3A_331] : memref<10000x144xf32, #tpu.memory_space<hbm>> -> memref<10000x144xf32, #tpu.memory_space<hbm>>
    %dma_wait3A_333 = tpu.memref_slice %arg9[%dma_wait3A_322] : memref<2x!tpu.dma_semaphore, #tpu.memory_space<semaphore_mem>> -> memref<1x!tpu.dma_semaphore, #tpu.memory_space<semaphore_mem>>
    %dma_wait3A_334 = tpu.memref_squeeze %dma_wait3A_333 : memref<1x!tpu.dma_semaphore, #tpu.memory_space<semaphore_mem>> -> memref<!tpu.dma_semaphore, #tpu.memory_space<semaphore_mem>>
    tpu.wait_indirect_dma semaphore(%dma_wait3A_334 : memref<!tpu.dma_semaphore, #tpu.memory_space<semaphore_mem>>) src(%dma_wait3A_332 : memref<10000x144xf32, #tpu.memory_space<hbm>>) dst(%dma_wait3A_326 : memref<80x144xf32, #tpu.memory_space<vmem>>)
    %dma_start3A_335 = arith.constant 0 : i32
    %dma_start3A_336 = arith.constant 0 : i32
    %dma_start3A_337 = arith.constant 1 : i32
    %dma_start3A_338 = arith.constant 0 : i32
    %dma_start3A_339 = arith.constant 0 : i32
    %dma_start3A_340 = arith.constant 0 : i32
    %dma_start3A_341 = tpu.memref_slice %arg6[%dma_start3A_335, %dma_start3A_339, %dma_start3A_340] : memref<3x80x144xf32, #tpu.memory_space<vmem>> -> memref<1x80x144xf32, #tpu.memory_space<vmem>>
    %dma_start3A_342 = tpu.memref_squeeze %dma_start3A_341 : memref<1x80x144xf32, #tpu.memory_space<vmem>> -> memref<80x144xf32, #tpu.memory_space<vmem>>
    %dma_start3A_343 = arith.constant 0 : i32
    %dma_start3A_344 = tpu.memref_slice %arg5[%dma_start3A_336, %dma_start3A_337, %dma_start3A_343] : memref<6x2x80xi32, #tpu.memory_space<vmem>> -> memref<1x1x80xi32, #tpu.memory_space<vmem>>
    %dma_start3A_345 = tpu.memref_squeeze %dma_start3A_344 : memref<1x1x80xi32, #tpu.memory_space<vmem>> -> memref<80xi32, #tpu.memory_space<vmem>>
    %dma_start3A_346 = arith.constant 0 : i32
    %dma_start3A_347 = arith.constant 0 : i32
    %dma_start3A_348 = tpu.memref_slice %arg7[%dma_start3A_346, %dma_start3A_347] : memref<10240x144xf32, #tpu.memory_space<vmem_shared>> -> memref<10240x144xf32, #tpu.memory_space<vmem_shared>>
    %dma_start3A_349 = tpu.memref_slice %arg10[%dma_start3A_338] : memref<3x!tpu.dma_semaphore, #tpu.memory_space<semaphore_mem>> -> memref<1x!tpu.dma_semaphore, #tpu.memory_space<semaphore_mem>>
    %dma_start3A_350 = tpu.memref_squeeze %dma_start3A_349 : memref<1x!tpu.dma_semaphore, #tpu.memory_space<semaphore_mem>> -> memref<!tpu.dma_semaphore, #tpu.memory_space<semaphore_mem>>
    tpu.enqueue_indirect_dma source(%dma_start3A_342 : memref<80x144xf32, #tpu.memory_space<vmem>>) target(%dma_start3A_348 : memref<10240x144xf32, #tpu.memory_space<vmem_shared>>) offsets(%dma_start3A_345 : memref<80xi32, #tpu.memory_space<vmem>>) semaphore(%dma_start3A_350 : memref<!tpu.dma_semaphore, #tpu.memory_space<semaphore_mem>>) {add = true}
    %dma_wait3A_351 = arith.constant 0 : i32
    %dma_wait3A_352 = arith.constant 0 : i32
    %dma_wait3A_353 = arith.constant 1 : i32
    %dma_wait3A_354 = arith.constant 0 : i32
    %dma_wait3A_355 = arith.constant 0 : i32
    %dma_wait3A_356 = arith.constant 0 : i32
    %dma_wait3A_357 = tpu.memref_slice %arg6[%dma_wait3A_351, %dma_wait3A_355, %dma_wait3A_356] : memref<3x80x144xf32, #tpu.memory_space<vmem>> -> memref<1x80x144xf32, #tpu.memory_space<vmem>>
    %dma_wait3A_358 = tpu.memref_squeeze %dma_wait3A_357 : memref<1x80x144xf32, #tpu.memory_space<vmem>> -> memref<80x144xf32, #tpu.memory_space<vmem>>
    %dma_wait3A_359 = arith.constant 0 : i32
    %dma_wait3A_360 = tpu.memref_slice %arg5[%dma_wait3A_352, %dma_wait3A_353, %dma_wait3A_359] : memref<6x2x80xi32, #tpu.memory_space<vmem>> -> memref<1x1x80xi32, #tpu.memory_space<vmem>>
    %dma_wait3A_361 = tpu.memref_squeeze %dma_wait3A_360 : memref<1x1x80xi32, #tpu.memory_space<vmem>> -> memref<80xi32, #tpu.memory_space<vmem>>
    %dma_wait3A_362 = arith.constant 0 : i32
    %dma_wait3A_363 = arith.constant 0 : i32
    %dma_wait3A_364 = tpu.memref_slice %arg7[%dma_wait3A_362, %dma_wait3A_363] : memref<10240x144xf32, #tpu.memory_space<vmem_shared>> -> memref<10240x144xf32, #tpu.memory_space<vmem_shared>>
    %dma_wait3A_365 = tpu.memref_slice %arg10[%dma_wait3A_354] : memref<3x!tpu.dma_semaphore, #tpu.memory_space<semaphore_mem>> -> memref<1x!tpu.dma_semaphore, #tpu.memory_space<semaphore_mem>>
    %dma_wait3A_366 = tpu.memref_squeeze %dma_wait3A_365 : memref<1x!tpu.dma_semaphore, #tpu.memory_space<semaphore_mem>> -> memref<!tpu.dma_semaphore, #tpu.memory_space<semaphore_mem>>
    tpu.wait_indirect_dma semaphore(%dma_wait3A_366 : memref<!tpu.dma_semaphore, #tpu.memory_space<semaphore_mem>>) src(%dma_wait3A_358 : memref<80x144xf32, #tpu.memory_space<vmem>>) dst(%dma_wait3A_364 : memref<10240x144xf32, #tpu.memory_space<vmem_shared>>)
    %dma_wait3A_367 = arith.constant 3 : i32
    %dma_wait3A_368 = arith.constant 0 : i32
    %dma_wait3A_369 = arith.constant 0 : i32
    %dma_wait3A_370 = arith.constant 0 : i32
    %dma_wait3A_371 = tpu.memref_slice %arg5[%dma_wait3A_367, %dma_wait3A_369, %dma_wait3A_370] : memref<6x2x80xi32, #tpu.memory_space<vmem>> -> memref<1x2x80xi32, #tpu.memory_space<vmem>>
    %dma_wait3A_372 = tpu.memref_squeeze %dma_wait3A_371 : memref<1x2x80xi32, #tpu.memory_space<vmem>> -> memref<2x80xi32, #tpu.memory_space<vmem>>
    %dma_wait3A_373 = arith.constant 0 : i32
    %dma_wait3A_374 = arith.constant 0 : i32
    %dma_wait3A_375 = tpu.memref_slice %arg3[%dma_wait3A_373, %dma_wait3A_374] : memref<2x320000xi32, #tpu.memory_space<hbm>> -> memref<2x80xi32, #tpu.memory_space<hbm>>
    %dma_wait3A_376 = tpu.memref_slice %arg8[%dma_wait3A_368] : memref<3x!tpu.dma_semaphore, #tpu.memory_space<semaphore_mem>> -> memref<1x!tpu.dma_semaphore, #tpu.memory_space<semaphore_mem>>
    %dma_wait3A_377 = tpu.memref_squeeze %dma_wait3A_376 : memref<1x!tpu.dma_semaphore, #tpu.memory_space<semaphore_mem>> -> memref<!tpu.dma_semaphore, #tpu.memory_space<semaphore_mem>>
    %dma_wait3A_378 = arith.constant 0 : i32
    %dma_wait3A_379 = arith.constant 0 : i32
    %dma_wait3A_380 = tpu.memref_slice %arg5[%dma_wait3A_367, %dma_wait3A_378, %dma_wait3A_379] : memref<6x2x80xi32, #tpu.memory_space<vmem>> -> memref<1x2x80xi32, #tpu.memory_space<vmem>>
    %dma_wait3A_381 = tpu.memref_squeeze %dma_wait3A_380 : memref<1x2x80xi32, #tpu.memory_space<vmem>> -> memref<2x80xi32, #tpu.memory_space<vmem>>
    %dma_wait3A_382 = arith.constant 0 : i32
    %dma_wait3A_383 = arith.constant 0 : i32
    %dma_wait3A_384 = tpu.memref_slice %arg3[%dma_wait3A_382, %dma_wait3A_383] : memref<2x320000xi32, #tpu.memory_space<hbm>> -> memref<2x80xi32, #tpu.memory_space<hbm>>
    tpu.wait_dma2 semaphore(%dma_wait3A_377 : memref<!tpu.dma_semaphore, #tpu.memory_space<semaphore_mem>>) src(%dma_wait3A_384 : memref<2x80xi32, #tpu.memory_space<hbm>>) dst(%dma_wait3A_381 : memref<2x80xi32, #tpu.memory_space<vmem>>)
    %dma_start3A_385 = arith.constant 3 : i32
    %dma_start3A_386 = arith.constant 0 : i32
    %dma_start3A_387 = arith.constant 0 : i32
    %dma_start3A_388 = arith.constant 1 : i32
    %dma_start3A_389 = arith.constant 0 : i32
    %dma_start3A_390 = arith.constant 0 : i32
    %dma_start3A_391 = tpu.memref_slice %arg6[%dma_start3A_387, %dma_start3A_389, %dma_start3A_390] : memref<3x80x144xf32, #tpu.memory_space<vmem>> -> memref<1x80x144xf32, #tpu.memory_space<vmem>>
    %dma_start3A_392 = tpu.memref_squeeze %dma_start3A_391 : memref<1x80x144xf32, #tpu.memory_space<vmem>> -> memref<80x144xf32, #tpu.memory_space<vmem>>
    %dma_start3A_393 = arith.constant 0 : i32
    %dma_start3A_394 = tpu.memref_slice %arg5[%dma_start3A_385, %dma_start3A_386, %dma_start3A_393] : memref<6x2x80xi32, #tpu.memory_space<vmem>> -> memref<1x1x80xi32, #tpu.memory_space<vmem>>
    %dma_start3A_395 = tpu.memref_squeeze %dma_start3A_394 : memref<1x1x80xi32, #tpu.memory_space<vmem>> -> memref<80xi32, #tpu.memory_space<vmem>>
    %dma_start3A_396 = arith.constant 0 : i32
    %dma_start3A_397 = arith.constant 0 : i32
    %dma_start3A_398 = tpu.memref_slice %arg2[%dma_start3A_396, %dma_start3A_397] : memref<10000x144xf32, #tpu.memory_space<hbm>> -> memref<10000x144xf32, #tpu.memory_space<hbm>>
    %dma_start3A_399 = tpu.memref_slice %arg9[%dma_start3A_388] : memref<2x!tpu.dma_semaphore, #tpu.memory_space<semaphore_mem>> -> memref<1x!tpu.dma_semaphore, #tpu.memory_space<semaphore_mem>>
    %dma_start3A_400 = tpu.memref_squeeze %dma_start3A_399 : memref<1x!tpu.dma_semaphore, #tpu.memory_space<semaphore_mem>> -> memref<!tpu.dma_semaphore, #tpu.memory_space<semaphore_mem>>
    tpu.enqueue_indirect_dma source(%dma_start3A_398 : memref<10000x144xf32, #tpu.memory_space<hbm>>) target(%dma_start3A_392 : memref<80x144xf32, #tpu.memory_space<vmem>>) offsets(%dma_start3A_395 : memref<80xi32, #tpu.memory_space<vmem>>) semaphore(%dma_start3A_400 : memref<!tpu.dma_semaphore, #tpu.memory_space<semaphore_mem>>)
    %dma_wait3A_401 = arith.constant 1 : i32
    %dma_wait3A_402 = arith.constant 0 : i32
    %dma_wait3A_403 = arith.constant 1 : i32
    %dma_wait3A_404 = arith.constant 1 : i32
    %dma_wait3A_405 = arith.constant 0 : i32
    %dma_wait3A_406 = arith.constant 0 : i32
    %dma_wait3A_407 = tpu.memref_slice %arg6[%dma_wait3A_403, %dma_wait3A_405, %dma_wait3A_406] : memref<3x80x144xf32, #tpu.memory_space<vmem>> -> memref<1x80x144xf32, #tpu.memory_space<vmem>>
    %dma_wait3A_408 = tpu.memref_squeeze %dma_wait3A_407 : memref<1x80x144xf32, #tpu.memory_space<vmem>> -> memref<80x144xf32, #tpu.memory_space<vmem>>
    %dma_wait3A_409 = arith.constant 0 : i32
    %dma_wait3A_410 = tpu.memref_slice %arg5[%dma_wait3A_401, %dma_wait3A_402, %dma_wait3A_409] : memref<6x2x80xi32, #tpu.memory_space<vmem>> -> memref<1x1x80xi32, #tpu.memory_space<vmem>>
    %dma_wait3A_411 = tpu.memref_squeeze %dma_wait3A_410 : memref<1x1x80xi32, #tpu.memory_space<vmem>> -> memref<80xi32, #tpu.memory_space<vmem>>
    %dma_wait3A_412 = arith.constant 0 : i32
    %dma_wait3A_413 = arith.constant 0 : i32
    %dma_wait3A_414 = tpu.memref_slice %arg2[%dma_wait3A_412, %dma_wait3A_413] : memref<10000x144xf32, #tpu.memory_space<hbm>> -> memref<10000x144xf32, #tpu.memory_space<hbm>>
    %dma_wait3A_415 = tpu.memref_slice %arg9[%dma_wait3A_404] : memref<2x!tpu.dma_semaphore, #tpu.memory_space<semaphore_mem>> -> memref<1x!tpu.dma_semaphore, #tpu.memory_space<semaphore_mem>>
    %dma_wait3A_416 = tpu.memref_squeeze %dma_wait3A_415 : memref<1x!tpu.dma_semaphore, #tpu.memory_space<semaphore_mem>> -> memref<!tpu.dma_semaphore, #tpu.memory_space<semaphore_mem>>
    tpu.wait_indirect_dma semaphore(%dma_wait3A_416 : memref<!tpu.dma_semaphore, #tpu.memory_space<semaphore_mem>>) src(%dma_wait3A_414 : memref<10000x144xf32, #tpu.memory_space<hbm>>) dst(%dma_wait3A_408 : memref<80x144xf32, #tpu.memory_space<vmem>>)
    %dma_start3A_417 = arith.constant 1 : i32
    %dma_start3A_418 = arith.constant 1 : i32
    %dma_start3A_419 = arith.constant 1 : i32
    %dma_start3A_420 = arith.constant 1 : i32
    %dma_start3A_421 = arith.constant 0 : i32
    %dma_start3A_422 = arith.constant 0 : i32
    %dma_start3A_423 = tpu.memref_slice %arg6[%dma_start3A_417, %dma_start3A_421, %dma_start3A_422] : memref<3x80x144xf32, #tpu.memory_space<vmem>> -> memref<1x80x144xf32, #tpu.memory_space<vmem>>
    %dma_start3A_424 = tpu.memref_squeeze %dma_start3A_423 : memref<1x80x144xf32, #tpu.memory_space<vmem>> -> memref<80x144xf32, #tpu.memory_space<vmem>>
    %dma_start3A_425 = arith.constant 0 : i32
    %dma_start3A_426 = tpu.memref_slice %arg5[%dma_start3A_418, %dma_start3A_419, %dma_start3A_425] : memref<6x2x80xi32, #tpu.memory_space<vmem>> -> memref<1x1x80xi32, #tpu.memory_space<vmem>>
    %dma_start3A_427 = tpu.memref_squeeze %dma_start3A_426 : memref<1x1x80xi32, #tpu.memory_space<vmem>> -> memref<80xi32, #tpu.memory_space<vmem>>
    %dma_start3A_428 = arith.constant 0 : i32
    %dma_start3A_429 = arith.constant 0 : i32
    %dma_start3A_430 = tpu.memref_slice %arg7[%dma_start3A_428, %dma_start3A_429] : memref<10240x144xf32, #tpu.memory_space<vmem_shared>> -> memref<10240x144xf32, #tpu.memory_space<vmem_shared>>
    %dma_start3A_431 = tpu.memref_slice %arg10[%dma_start3A_420] : memref<3x!tpu.dma_semaphore, #tpu.memory_space<semaphore_mem>> -> memref<1x!tpu.dma_semaphore, #tpu.memory_space<semaphore_mem>>
    %dma_start3A_432 = tpu.memref_squeeze %dma_start3A_431 : memref<1x!tpu.dma_semaphore, #tpu.memory_space<semaphore_mem>> -> memref<!tpu.dma_semaphore, #tpu.memory_space<semaphore_mem>>
    tpu.enqueue_indirect_dma source(%dma_start3A_424 : memref<80x144xf32, #tpu.memory_space<vmem>>) target(%dma_start3A_430 : memref<10240x144xf32, #tpu.memory_space<vmem_shared>>) offsets(%dma_start3A_427 : memref<80xi32, #tpu.memory_space<vmem>>) semaphore(%dma_start3A_432 : memref<!tpu.dma_semaphore, #tpu.memory_space<semaphore_mem>>) {add = true}
    %dma_wait3A_433 = arith.constant 1 : i32
    %dma_wait3A_434 = arith.constant 1 : i32
    %dma_wait3A_435 = arith.constant 1 : i32
    %dma_wait3A_436 = arith.constant 1 : i32
    %dma_wait3A_437 = arith.constant 0 : i32
    %dma_wait3A_438 = arith.constant 0 : i32
    %dma_wait3A_439 = tpu.memref_slice %arg6[%dma_wait3A_433, %dma_wait3A_437, %dma_wait3A_438] : memref<3x80x144xf32, #tpu.memory_space<vmem>> -> memref<1x80x144xf32, #tpu.memory_space<vmem>>
    %dma_wait3A_440 = tpu.memref_squeeze %dma_wait3A_439 : memref<1x80x144xf32, #tpu.memory_space<vmem>> -> memref<80x144xf32, #tpu.memory_space<vmem>>
    %dma_wait3A_441 = arith.constant 0 : i32
    %dma_wait3A_442 = tpu.memref_slice %arg5[%dma_wait3A_434, %dma_wait3A_435, %dma_wait3A_441] : memref<6x2x80xi32, #tpu.memory_space<vmem>> -> memref<1x1x80xi32, #tpu.memory_space<vmem>>
    %dma_wait3A_443 = tpu.memref_squeeze %dma_wait3A_442 : memref<1x1x80xi32, #tpu.memory_space<vmem>> -> memref<80xi32, #tpu.memory_space<vmem>>
    %dma_wait3A_444 = arith.constant 0 : i32
    %dma_wait3A_445 = arith.constant 0 : i32
    %dma_wait3A_446 = tpu.memref_slice %arg7[%dma_wait3A_444, %dma_wait3A_445] : memref<10240x144xf32, #tpu.memory_space<vmem_shared>> -> memref<10240x144xf32, #tpu.memory_space<vmem_shared>>
    %dma_wait3A_447 = tpu.memref_slice %arg10[%dma_wait3A_436] : memref<3x!tpu.dma_semaphore, #tpu.memory_space<semaphore_mem>> -> memref<1x!tpu.dma_semaphore, #tpu.memory_space<semaphore_mem>>
    %dma_wait3A_448 = tpu.memref_squeeze %dma_wait3A_447 : memref<1x!tpu.dma_semaphore, #tpu.memory_space<semaphore_mem>> -> memref<!tpu.dma_semaphore, #tpu.memory_space<semaphore_mem>>
    tpu.wait_indirect_dma semaphore(%dma_wait3A_448 : memref<!tpu.dma_semaphore, #tpu.memory_space<semaphore_mem>>) src(%dma_wait3A_440 : memref<80x144xf32, #tpu.memory_space<vmem>>) dst(%dma_wait3A_446 : memref<10240x144xf32, #tpu.memory_space<vmem_shared>>)
    %dma_wait3A_449 = arith.constant 4 : i32
    %dma_wait3A_450 = arith.constant 1 : i32
    %dma_wait3A_451 = arith.constant 0 : i32
    %dma_wait3A_452 = arith.constant 0 : i32
    %dma_wait3A_453 = tpu.memref_slice %arg5[%dma_wait3A_449, %dma_wait3A_451, %dma_wait3A_452] : memref<6x2x80xi32, #tpu.memory_space<vmem>> -> memref<1x2x80xi32, #tpu.memory_space<vmem>>
    %dma_wait3A_454 = tpu.memref_squeeze %dma_wait3A_453 : memref<1x2x80xi32, #tpu.memory_space<vmem>> -> memref<2x80xi32, #tpu.memory_space<vmem>>
    %dma_wait3A_455 = arith.constant 0 : i32
    %dma_wait3A_456 = arith.constant 0 : i32
    %dma_wait3A_457 = tpu.memref_slice %arg3[%dma_wait3A_455, %dma_wait3A_456] : memref<2x320000xi32, #tpu.memory_space<hbm>> -> memref<2x80xi32, #tpu.memory_space<hbm>>
    %dma_wait3A_458 = tpu.memref_slice %arg8[%dma_wait3A_450] : memref<3x!tpu.dma_semaphore, #tpu.memory_space<semaphore_mem>> -> memref<1x!tpu.dma_semaphore, #tpu.memory_space<semaphore_mem>>
    %dma_wait3A_459 = tpu.memref_squeeze %dma_wait3A_458 : memref<1x!tpu.dma_semaphore, #tpu.memory_space<semaphore_mem>> -> memref<!tpu.dma_semaphore, #tpu.memory_space<semaphore_mem>>
    %dma_wait3A_460 = arith.constant 0 : i32
    %dma_wait3A_461 = arith.constant 0 : i32
    %dma_wait3A_462 = tpu.memref_slice %arg5[%dma_wait3A_449, %dma_wait3A_460, %dma_wait3A_461] : memref<6x2x80xi32, #tpu.memory_space<vmem>> -> memref<1x2x80xi32, #tpu.memory_space<vmem>>
    %dma_wait3A_463 = tpu.memref_squeeze %dma_wait3A_462 : memref<1x2x80xi32, #tpu.memory_space<vmem>> -> memref<2x80xi32, #tpu.memory_space<vmem>>
    %dma_wait3A_464 = arith.constant 0 : i32
    %dma_wait3A_465 = arith.constant 0 : i32
    %dma_wait3A_466 = tpu.memref_slice %arg3[%dma_wait3A_464, %dma_wait3A_465] : memref<2x320000xi32, #tpu.memory_space<hbm>> -> memref<2x80xi32, #tpu.memory_space<hbm>>
    tpu.wait_dma2 semaphore(%dma_wait3A_459 : memref<!tpu.dma_semaphore, #tpu.memory_space<semaphore_mem>>) src(%dma_wait3A_466 : memref<2x80xi32, #tpu.memory_space<hbm>>) dst(%dma_wait3A_463 : memref<2x80xi32, #tpu.memory_space<vmem>>)
    %dma_start3A_467 = arith.constant 4 : i32
    %dma_start3A_468 = arith.constant 0 : i32
    %dma_start3A_469 = arith.constant 1 : i32
    %dma_start3A_470 = arith.constant 0 : i32
    %dma_start3A_471 = arith.constant 0 : i32
    %dma_start3A_472 = arith.constant 0 : i32
    %dma_start3A_473 = tpu.memref_slice %arg6[%dma_start3A_469, %dma_start3A_471, %dma_start3A_472] : memref<3x80x144xf32, #tpu.memory_space<vmem>> -> memref<1x80x144xf32, #tpu.memory_space<vmem>>
    %dma_start3A_474 = tpu.memref_squeeze %dma_start3A_473 : memref<1x80x144xf32, #tpu.memory_space<vmem>> -> memref<80x144xf32, #tpu.memory_space<vmem>>
    %dma_start3A_475 = arith.constant 0 : i32
    %dma_start3A_476 = tpu.memref_slice %arg5[%dma_start3A_467, %dma_start3A_468, %dma_start3A_475] : memref<6x2x80xi32, #tpu.memory_space<vmem>> -> memref<1x1x80xi32, #tpu.memory_space<vmem>>
    %dma_start3A_477 = tpu.memref_squeeze %dma_start3A_476 : memref<1x1x80xi32, #tpu.memory_space<vmem>> -> memref<80xi32, #tpu.memory_space<vmem>>
    %dma_start3A_478 = arith.constant 0 : i32
    %dma_start3A_479 = arith.constant 0 : i32
    %dma_start3A_480 = tpu.memref_slice %arg2[%dma_start3A_478, %dma_start3A_479] : memref<10000x144xf32, #tpu.memory_space<hbm>> -> memref<10000x144xf32, #tpu.memory_space<hbm>>
    %dma_start3A_481 = tpu.memref_slice %arg9[%dma_start3A_470] : memref<2x!tpu.dma_semaphore, #tpu.memory_space<semaphore_mem>> -> memref<1x!tpu.dma_semaphore, #tpu.memory_space<semaphore_mem>>
    %dma_start3A_482 = tpu.memref_squeeze %dma_start3A_481 : memref<1x!tpu.dma_semaphore, #tpu.memory_space<semaphore_mem>> -> memref<!tpu.dma_semaphore, #tpu.memory_space<semaphore_mem>>
    tpu.enqueue_indirect_dma source(%dma_start3A_480 : memref<10000x144xf32, #tpu.memory_space<hbm>>) target(%dma_start3A_474 : memref<80x144xf32, #tpu.memory_space<vmem>>) offsets(%dma_start3A_477 : memref<80xi32, #tpu.memory_space<vmem>>) semaphore(%dma_start3A_482 : memref<!tpu.dma_semaphore, #tpu.memory_space<semaphore_mem>>)
    %dma_wait3A_483 = arith.constant 2 : i32
    %dma_wait3A_484 = arith.constant 0 : i32
    %dma_wait3A_485 = arith.constant 2 : i32
    %dma_wait3A_486 = arith.constant 0 : i32
    %dma_wait3A_487 = arith.constant 0 : i32
    %dma_wait3A_488 = arith.constant 0 : i32
    %dma_wait3A_489 = tpu.memref_slice %arg6[%dma_wait3A_485, %dma_wait3A_487, %dma_wait3A_488] : memref<3x80x144xf32, #tpu.memory_space<vmem>> -> memref<1x80x144xf32, #tpu.memory_space<vmem>>
    %dma_wait3A_490 = tpu.memref_squeeze %dma_wait3A_489 : memref<1x80x144xf32, #tpu.memory_space<vmem>> -> memref<80x144xf32, #tpu.memory_space<vmem>>
    %dma_wait3A_491 = arith.constant 0 : i32
    %dma_wait3A_492 = tpu.memref_slice %arg5[%dma_wait3A_483, %dma_wait3A_484, %dma_wait3A_491] : memref<6x2x80xi32, #tpu.memory_space<vmem>> -> memref<1x1x80xi32, #tpu.memory_space<vmem>>
    %dma_wait3A_493 = tpu.memref_squeeze %dma_wait3A_492 : memref<1x1x80xi32, #tpu.memory_space<vmem>> -> memref<80xi32, #tpu.memory_space<vmem>>
    %dma_wait3A_494 = arith.constant 0 : i32
    %dma_wait3A_495 = arith.constant 0 : i32
    %dma_wait3A_496 = tpu.memref_slice %arg2[%dma_wait3A_494, %dma_wait3A_495] : memref<10000x144xf32, #tpu.memory_space<hbm>> -> memref<10000x144xf32, #tpu.memory_space<hbm>>
    %dma_wait3A_497 = tpu.memref_slice %arg9[%dma_wait3A_486] : memref<2x!tpu.dma_semaphore, #tpu.memory_space<semaphore_mem>> -> memref<1x!tpu.dma_semaphore, #tpu.memory_space<semaphore_mem>>
    %dma_wait3A_498 = tpu.memref_squeeze %dma_wait3A_497 : memref<1x!tpu.dma_semaphore, #tpu.memory_space<semaphore_mem>> -> memref<!tpu.dma_semaphore, #tpu.memory_space<semaphore_mem>>
    tpu.wait_indirect_dma semaphore(%dma_wait3A_498 : memref<!tpu.dma_semaphore, #tpu.memory_space<semaphore_mem>>) src(%dma_wait3A_496 : memref<10000x144xf32, #tpu.memory_space<hbm>>) dst(%dma_wait3A_490 : memref<80x144xf32, #tpu.memory_space<vmem>>)
    %dma_start3A_499 = arith.constant 2 : i32
    %dma_start3A_500 = arith.constant 2 : i32
    %dma_start3A_501 = arith.constant 1 : i32
    %dma_start3A_502 = arith.constant 2 : i32
    %dma_start3A_503 = arith.constant 0 : i32
    %dma_start3A_504 = arith.constant 0 : i32
    %dma_start3A_505 = tpu.memref_slice %arg6[%dma_start3A_499, %dma_start3A_503, %dma_start3A_504] : memref<3x80x144xf32, #tpu.memory_space<vmem>> -> memref<1x80x144xf32, #tpu.memory_space<vmem>>
    %dma_start3A_506 = tpu.memref_squeeze %dma_start3A_505 : memref<1x80x144xf32, #tpu.memory_space<vmem>> -> memref<80x144xf32, #tpu.memory_space<vmem>>
    %dma_start3A_507 = arith.constant 0 : i32
    %dma_start3A_508 = tpu.memref_slice %arg5[%dma_start3A_500, %dma_start3A_501, %dma_start3A_507] : memref<6x2x80xi32, #tpu.memory_space<vmem>> -> memref<1x1x80xi32, #tpu.memory_space<vmem>>
    %dma_start3A_509 = tpu.memref_squeeze %dma_start3A_508 : memref<1x1x80xi32, #tpu.memory_space<vmem>> -> memref<80xi32, #tpu.memory_space<vmem>>
    %dma_start3A_510 = arith.constant 0 : i32
    %dma_start3A_511 = arith.constant 0 : i32
    %dma_start3A_512 = tpu.memref_slice %arg7[%dma_start3A_510, %dma_start3A_511] : memref<10240x144xf32, #tpu.memory_space<vmem_shared>> -> memref<10240x144xf32, #tpu.memory_space<vmem_shared>>
    %dma_start3A_513 = tpu.memref_slice %arg10[%dma_start3A_502] : memref<3x!tpu.dma_semaphore, #tpu.memory_space<semaphore_mem>> -> memref<1x!tpu.dma_semaphore, #tpu.memory_space<semaphore_mem>>
    %dma_start3A_514 = tpu.memref_squeeze %dma_start3A_513 : memref<1x!tpu.dma_semaphore, #tpu.memory_space<semaphore_mem>> -> memref<!tpu.dma_semaphore, #tpu.memory_space<semaphore_mem>>
    tpu.enqueue_indirect_dma source(%dma_start3A_506 : memref<80x144xf32, #tpu.memory_space<vmem>>) target(%dma_start3A_512 : memref<10240x144xf32, #tpu.memory_space<vmem_shared>>) offsets(%dma_start3A_509 : memref<80xi32, #tpu.memory_space<vmem>>) semaphore(%dma_start3A_514 : memref<!tpu.dma_semaphore, #tpu.memory_space<semaphore_mem>>) {add = true}
    %dma_wait3A_515 = arith.constant 2 : i32
    %dma_wait3A_516 = arith.constant 2 : i32
    %dma_wait3A_517 = arith.constant 1 : i32
    %dma_wait3A_518 = arith.constant 2 : i32
    %dma_wait3A_519 = arith.constant 0 : i32
    %dma_wait3A_520 = arith.constant 0 : i32
    %dma_wait3A_521 = tpu.memref_slice %arg6[%dma_wait3A_515, %dma_wait3A_519, %dma_wait3A_520] : memref<3x80x144xf32, #tpu.memory_space<vmem>> -> memref<1x80x144xf32, #tpu.memory_space<vmem>>
    %dma_wait3A_522 = tpu.memref_squeeze %dma_wait3A_521 : memref<1x80x144xf32, #tpu.memory_space<vmem>> -> memref<80x144xf32, #tpu.memory_space<vmem>>
    %dma_wait3A_523 = arith.constant 0 : i32
    %dma_wait3A_524 = tpu.memref_slice %arg5[%dma_wait3A_516, %dma_wait3A_517, %dma_wait3A_523] : memref<6x2x80xi32, #tpu.memory_space<vmem>> -> memref<1x1x80xi32, #tpu.memory_space<vmem>>
    %dma_wait3A_525 = tpu.memref_squeeze %dma_wait3A_524 : memref<1x1x80xi32, #tpu.memory_space<vmem>> -> memref<80xi32, #tpu.memory_space<vmem>>
    %dma_wait3A_526 = arith.constant 0 : i32
    %dma_wait3A_527 = arith.constant 0 : i32
    %dma_wait3A_528 = tpu.memref_slice %arg7[%dma_wait3A_526, %dma_wait3A_527] : memref<10240x144xf32, #tpu.memory_space<vmem_shared>> -> memref<10240x144xf32, #tpu.memory_space<vmem_shared>>
    %dma_wait3A_529 = tpu.memref_slice %arg10[%dma_wait3A_518] : memref<3x!tpu.dma_semaphore, #tpu.memory_space<semaphore_mem>> -> memref<1x!tpu.dma_semaphore, #tpu.memory_space<semaphore_mem>>
    %dma_wait3A_530 = tpu.memref_squeeze %dma_wait3A_529 : memref<1x!tpu.dma_semaphore, #tpu.memory_space<semaphore_mem>> -> memref<!tpu.dma_semaphore, #tpu.memory_space<semaphore_mem>>
    tpu.wait_indirect_dma semaphore(%dma_wait3A_530 : memref<!tpu.dma_semaphore, #tpu.memory_space<semaphore_mem>>) src(%dma_wait3A_522 : memref<80x144xf32, #tpu.memory_space<vmem>>) dst(%dma_wait3A_528 : memref<10240x144xf32, #tpu.memory_space<vmem_shared>>)
    %dma_wait3A_531 = arith.constant 3 : i32
    %dma_wait3A_532 = arith.constant 0 : i32
    %dma_wait3A_533 = arith.constant 0 : i32
    %dma_wait3A_534 = arith.constant 1 : i32
    %dma_wait3A_535 = arith.constant 0 : i32
    %dma_wait3A_536 = arith.constant 0 : i32
    %dma_wait3A_537 = tpu.memref_slice %arg6[%dma_wait3A_533, %dma_wait3A_535, %dma_wait3A_536] : memref<3x80x144xf32, #tpu.memory_space<vmem>> -> memref<1x80x144xf32, #tpu.memory_space<vmem>>
    %dma_wait3A_538 = tpu.memref_squeeze %dma_wait3A_537 : memref<1x80x144xf32, #tpu.memory_space<vmem>> -> memref<80x144xf32, #tpu.memory_space<vmem>>
    %dma_wait3A_539 = arith.constant 0 : i32
    %dma_wait3A_540 = tpu.memref_slice %arg5[%dma_wait3A_531, %dma_wait3A_532, %dma_wait3A_539] : memref<6x2x80xi32, #tpu.memory_space<vmem>> -> memref<1x1x80xi32, #tpu.memory_space<vmem>>
    %dma_wait3A_541 = tpu.memref_squeeze %dma_wait3A_540 : memref<1x1x80xi32, #tpu.memory_space<vmem>> -> memref<80xi32, #tpu.memory_space<vmem>>
    %dma_wait3A_542 = arith.constant 0 : i32
    %dma_wait3A_543 = arith.constant 0 : i32
    %dma_wait3A_544 = tpu.memref_slice %arg2[%dma_wait3A_542, %dma_wait3A_543] : memref<10000x144xf32, #tpu.memory_space<hbm>> -> memref<10000x144xf32, #tpu.memory_space<hbm>>
    %dma_wait3A_545 = tpu.memref_slice %arg9[%dma_wait3A_534] : memref<2x!tpu.dma_semaphore, #tpu.memory_space<semaphore_mem>> -> memref<1x!tpu.dma_semaphore, #tpu.memory_space<semaphore_mem>>
    %dma_wait3A_546 = tpu.memref_squeeze %dma_wait3A_545 : memref<1x!tpu.dma_semaphore, #tpu.memory_space<semaphore_mem>> -> memref<!tpu.dma_semaphore, #tpu.memory_space<semaphore_mem>>
    tpu.wait_indirect_dma semaphore(%dma_wait3A_546 : memref<!tpu.dma_semaphore, #tpu.memory_space<semaphore_mem>>) src(%dma_wait3A_544 : memref<10000x144xf32, #tpu.memory_space<hbm>>) dst(%dma_wait3A_538 : memref<80x144xf32, #tpu.memory_space<vmem>>)
    %dma_start3A_547 = arith.constant 0 : i32
    %dma_start3A_548 = arith.constant 3 : i32
    %dma_start3A_549 = arith.constant 1 : i32
    %dma_start3A_550 = arith.constant 0 : i32
    %dma_start3A_551 = arith.constant 0 : i32
    %dma_start3A_552 = arith.constant 0 : i32
    %dma_start3A_553 = tpu.memref_slice %arg6[%dma_start3A_547, %dma_start3A_551, %dma_start3A_552] : memref<3x80x144xf32, #tpu.memory_space<vmem>> -> memref<1x80x144xf32, #tpu.memory_space<vmem>>
    %dma_start3A_554 = tpu.memref_squeeze %dma_start3A_553 : memref<1x80x144xf32, #tpu.memory_space<vmem>> -> memref<80x144xf32, #tpu.memory_space<vmem>>
    %dma_start3A_555 = arith.constant 0 : i32
    %dma_start3A_556 = tpu.memref_slice %arg5[%dma_start3A_548, %dma_start3A_549, %dma_start3A_555] : memref<6x2x80xi32, #tpu.memory_space<vmem>> -> memref<1x1x80xi32, #tpu.memory_space<vmem>>
    %dma_start3A_557 = tpu.memref_squeeze %dma_start3A_556 : memref<1x1x80xi32, #tpu.memory_space<vmem>> -> memref<80xi32, #tpu.memory_space<vmem>>
    %dma_start3A_558 = arith.constant 0 : i32
    %dma_start3A_559 = arith.constant 0 : i32
    %dma_start3A_560 = tpu.memref_slice %arg7[%dma_start3A_558, %dma_start3A_559] : memref<10240x144xf32, #tpu.memory_space<vmem_shared>> -> memref<10240x144xf32, #tpu.memory_space<vmem_shared>>
    %dma_start3A_561 = tpu.memref_slice %arg10[%dma_start3A_550] : memref<3x!tpu.dma_semaphore, #tpu.memory_space<semaphore_mem>> -> memref<1x!tpu.dma_semaphore, #tpu.memory_space<semaphore_mem>>
    %dma_start3A_562 = tpu.memref_squeeze %dma_start3A_561 : memref<1x!tpu.dma_semaphore, #tpu.memory_space<semaphore_mem>> -> memref<!tpu.dma_semaphore, #tpu.memory_space<semaphore_mem>>
    tpu.enqueue_indirect_dma source(%dma_start3A_554 : memref<80x144xf32, #tpu.memory_space<vmem>>) target(%dma_start3A_560 : memref<10240x144xf32, #tpu.memory_space<vmem_shared>>) offsets(%dma_start3A_557 : memref<80xi32, #tpu.memory_space<vmem>>) semaphore(%dma_start3A_562 : memref<!tpu.dma_semaphore, #tpu.memory_space<semaphore_mem>>) {add = true}
    %dma_wait3A_563 = arith.constant 0 : i32
    %dma_wait3A_564 = arith.constant 3 : i32
    %dma_wait3A_565 = arith.constant 1 : i32
    %dma_wait3A_566 = arith.constant 0 : i32
    %dma_wait3A_567 = arith.constant 0 : i32
    %dma_wait3A_568 = arith.constant 0 : i32
    %dma_wait3A_569 = tpu.memref_slice %arg6[%dma_wait3A_563, %dma_wait3A_567, %dma_wait3A_568] : memref<3x80x144xf32, #tpu.memory_space<vmem>> -> memref<1x80x144xf32, #tpu.memory_space<vmem>>
    %dma_wait3A_570 = tpu.memref_squeeze %dma_wait3A_569 : memref<1x80x144xf32, #tpu.memory_space<vmem>> -> memref<80x144xf32, #tpu.memory_space<vmem>>
    %dma_wait3A_571 = arith.constant 0 : i32
    %dma_wait3A_572 = tpu.memref_slice %arg5[%dma_wait3A_564, %dma_wait3A_565, %dma_wait3A_571] : memref<6x2x80xi32, #tpu.memory_space<vmem>> -> memref<1x1x80xi32, #tpu.memory_space<vmem>>
    %dma_wait3A_573 = tpu.memref_squeeze %dma_wait3A_572 : memref<1x1x80xi32, #tpu.memory_space<vmem>> -> memref<80xi32, #tpu.memory_space<vmem>>
    %dma_wait3A_574 = arith.constant 0 : i32
    %dma_wait3A_575 = arith.constant 0 : i32
    %dma_wait3A_576 = tpu.memref_slice %arg7[%dma_wait3A_574, %dma_wait3A_575] : memref<10240x144xf32, #tpu.memory_space<vmem_shared>> -> memref<10240x144xf32, #tpu.memory_space<vmem_shared>>
    %dma_wait3A_577 = tpu.memref_slice %arg10[%dma_wait3A_566] : memref<3x!tpu.dma_semaphore, #tpu.memory_space<semaphore_mem>> -> memref<1x!tpu.dma_semaphore, #tpu.memory_space<semaphore_mem>>
    %dma_wait3A_578 = tpu.memref_squeeze %dma_wait3A_577 : memref<1x!tpu.dma_semaphore, #tpu.memory_space<semaphore_mem>> -> memref<!tpu.dma_semaphore, #tpu.memory_space<semaphore_mem>>
    tpu.wait_indirect_dma semaphore(%dma_wait3A_578 : memref<!tpu.dma_semaphore, #tpu.memory_space<semaphore_mem>>) src(%dma_wait3A_570 : memref<80x144xf32, #tpu.memory_space<vmem>>) dst(%dma_wait3A_576 : memref<10240x144xf32, #tpu.memory_space<vmem_shared>>)
    %dma_wait3A_579 = arith.constant 4 : i32
    %dma_wait3A_580 = arith.constant 0 : i32
    %dma_wait3A_581 = arith.constant 1 : i32
    %dma_wait3A_582 = arith.constant 0 : i32
    %dma_wait3A_583 = arith.constant 0 : i32
    %dma_wait3A_584 = arith.constant 0 : i32
    %dma_wait3A_585 = tpu.memref_slice %arg6[%dma_wait3A_581, %dma_wait3A_583, %dma_wait3A_584] : memref<3x80x144xf32, #tpu.memory_space<vmem>> -> memref<1x80x144xf32, #tpu.memory_space<vmem>>
    %dma_wait3A_586 = tpu.memref_squeeze %dma_wait3A_585 : memref<1x80x144xf32, #tpu.memory_space<vmem>> -> memref<80x144xf32, #tpu.memory_space<vmem>>
    %dma_wait3A_587 = arith.constant 0 : i32
    %dma_wait3A_588 = tpu.memref_slice %arg5[%dma_wait3A_579, %dma_wait3A_580, %dma_wait3A_587] : memref<6x2x80xi32, #tpu.memory_space<vmem>> -> memref<1x1x80xi32, #tpu.memory_space<vmem>>
    %dma_wait3A_589 = tpu.memref_squeeze %dma_wait3A_588 : memref<1x1x80xi32, #tpu.memory_space<vmem>> -> memref<80xi32, #tpu.memory_space<vmem>>
    %dma_wait3A_590 = arith.constant 0 : i32
    %dma_wait3A_591 = arith.constant 0 : i32
    %dma_wait3A_592 = tpu.memref_slice %arg2[%dma_wait3A_590, %dma_wait3A_591] : memref<10000x144xf32, #tpu.memory_space<hbm>> -> memref<10000x144xf32, #tpu.memory_space<hbm>>
    %dma_wait3A_593 = tpu.memref_slice %arg9[%dma_wait3A_582] : memref<2x!tpu.dma_semaphore, #tpu.memory_space<semaphore_mem>> -> memref<1x!tpu.dma_semaphore, #tpu.memory_space<semaphore_mem>>
    %dma_wait3A_594 = tpu.memref_squeeze %dma_wait3A_593 : memref<1x!tpu.dma_semaphore, #tpu.memory_space<semaphore_mem>> -> memref<!tpu.dma_semaphore, #tpu.memory_space<semaphore_mem>>
    tpu.wait_indirect_dma semaphore(%dma_wait3A_594 : memref<!tpu.dma_semaphore, #tpu.memory_space<semaphore_mem>>) src(%dma_wait3A_592 : memref<10000x144xf32, #tpu.memory_space<hbm>>) dst(%dma_wait3A_586 : memref<80x144xf32, #tpu.memory_space<vmem>>)
    %dma_start3A_595 = arith.constant 1 : i32
    %dma_start3A_596 = arith.constant 4 : i32
    %dma_start3A_597 = arith.constant 1 : i32
    %dma_start3A_598 = arith.constant 1 : i32
    %dma_start3A_599 = arith.constant 0 : i32
    %dma_start3A_600 = arith.constant 0 : i32
    %dma_start3A_601 = tpu.memref_slice %arg6[%dma_start3A_595, %dma_start3A_599, %dma_start3A_600] : memref<3x80x144xf32, #tpu.memory_space<vmem>> -> memref<1x80x144xf32, #tpu.memory_space<vmem>>
    %dma_start3A_602 = tpu.memref_squeeze %dma_start3A_601 : memref<1x80x144xf32, #tpu.memory_space<vmem>> -> memref<80x144xf32, #tpu.memory_space<vmem>>
    %dma_start3A_603 = arith.constant 0 : i32
    %dma_start3A_604 = tpu.memref_slice %arg5[%dma_start3A_596, %dma_start3A_597, %dma_start3A_603] : memref<6x2x80xi32, #tpu.memory_space<vmem>> -> memref<1x1x80xi32, #tpu.memory_space<vmem>>
    %dma_start3A_605 = tpu.memref_squeeze %dma_start3A_604 : memref<1x1x80xi32, #tpu.memory_space<vmem>> -> memref<80xi32, #tpu.memory_space<vmem>>
    %dma_start3A_606 = arith.constant 0 : i32
    %dma_start3A_607 = arith.constant 0 : i32
    %dma_start3A_608 = tpu.memref_slice %arg7[%dma_start3A_606, %dma_start3A_607] : memref<10240x144xf32, #tpu.memory_space<vmem_shared>> -> memref<10240x144xf32, #tpu.memory_space<vmem_shared>>
    %dma_start3A_609 = tpu.memref_slice %arg10[%dma_start3A_598] : memref<3x!tpu.dma_semaphore, #tpu.memory_space<semaphore_mem>> -> memref<1x!tpu.dma_semaphore, #tpu.memory_space<semaphore_mem>>
    %dma_start3A_610 = tpu.memref_squeeze %dma_start3A_609 : memref<1x!tpu.dma_semaphore, #tpu.memory_space<semaphore_mem>> -> memref<!tpu.dma_semaphore, #tpu.memory_space<semaphore_mem>>
    tpu.enqueue_indirect_dma source(%dma_start3A_602 : memref<80x144xf32, #tpu.memory_space<vmem>>) target(%dma_start3A_608 : memref<10240x144xf32, #tpu.memory_space<vmem_shared>>) offsets(%dma_start3A_605 : memref<80xi32, #tpu.memory_space<vmem>>) semaphore(%dma_start3A_610 : memref<!tpu.dma_semaphore, #tpu.memory_space<semaphore_mem>>) {add = true}
    %dma_wait3A_611 = arith.constant 1 : i32
    %dma_wait3A_612 = arith.constant 4 : i32
    %dma_wait3A_613 = arith.constant 1 : i32
    %dma_wait3A_614 = arith.constant 1 : i32
    %dma_wait3A_615 = arith.constant 0 : i32
    %dma_wait3A_616 = arith.constant 0 : i32
    %dma_wait3A_617 = tpu.memref_slice %arg6[%dma_wait3A_611, %dma_wait3A_615, %dma_wait3A_616] : memref<3x80x144xf32, #tpu.memory_space<vmem>> -> memref<1x80x144xf32, #tpu.memory_space<vmem>>
    %dma_wait3A_618 = tpu.memref_squeeze %dma_wait3A_617 : memref<1x80x144xf32, #tpu.memory_space<vmem>> -> memref<80x144xf32, #tpu.memory_space<vmem>>
    %dma_wait3A_619 = arith.constant 0 : i32
    %dma_wait3A_620 = tpu.memref_slice %arg5[%dma_wait3A_612, %dma_wait3A_613, %dma_wait3A_619] : memref<6x2x80xi32, #tpu.memory_space<vmem>> -> memref<1x1x80xi32, #tpu.memory_space<vmem>>
    %dma_wait3A_621 = tpu.memref_squeeze %dma_wait3A_620 : memref<1x1x80xi32, #tpu.memory_space<vmem>> -> memref<80xi32, #tpu.memory_space<vmem>>
    %dma_wait3A_622 = arith.constant 0 : i32
    %dma_wait3A_623 = arith.constant 0 : i32
    %dma_wait3A_624 = tpu.memref_slice %arg7[%dma_wait3A_622, %dma_wait3A_623] : memref<10240x144xf32, #tpu.memory_space<vmem_shared>> -> memref<10240x144xf32, #tpu.memory_space<vmem_shared>>
    %dma_wait3A_625 = tpu.memref_slice %arg10[%dma_wait3A_614] : memref<3x!tpu.dma_semaphore, #tpu.memory_space<semaphore_mem>> -> memref<1x!tpu.dma_semaphore, #tpu.memory_space<semaphore_mem>>
    %dma_wait3A_626 = tpu.memref_squeeze %dma_wait3A_625 : memref<1x!tpu.dma_semaphore, #tpu.memory_space<semaphore_mem>> -> memref<!tpu.dma_semaphore, #tpu.memory_space<semaphore_mem>>
    tpu.wait_indirect_dma semaphore(%dma_wait3A_626 : memref<!tpu.dma_semaphore, #tpu.memory_space<semaphore_mem>>) src(%dma_wait3A_618 : memref<80x144xf32, #tpu.memory_space<vmem>>) dst(%dma_wait3A_624 : memref<10240x144xf32, #tpu.memory_space<vmem_shared>>)
    %barrier3A_627 = arith.constant 0 : index
    tpu.barrier barrier_id(%barrier3A_627)
    %mul3A_628 = arith.constant 640 : i32
    %mul3A_629 = arith.muli %mul3A_628, %arg1 : i32
    "tpu.region"() ({
      %run_scoped3A = tpu.sem_alloc : memref<!tpu.dma_semaphore, #tpu.memory_space<semaphore_mem>>
      %dma_start3A_630 = arith.constant 0 : i32
      %dma_start3A_631 = tpu.memref_slice %arg4[%arg0, %mul3A_629, %dma_start3A_630] : memref<2x10240x144xf32, #tpu.memory_space<hbm>> -> memref<1x640x144xf32, #tpu.memory_space<hbm>>
      %dma_start3A_632 = tpu.memref_squeeze %dma_start3A_631 : memref<1x640x144xf32, #tpu.memory_space<hbm>> -> memref<640x144xf32, #tpu.memory_space<hbm>>
      %dma_start3A_633 = arith.constant 0 : i32
      %dma_start3A_634 = tpu.memref_slice %arg7[%mul3A_629, %dma_start3A_633] : memref<10240x144xf32, #tpu.memory_space<vmem_shared>> -> memref<640x144xf32, #tpu.memory_space<vmem_shared>>
      tpu.enqueue_dma source(%dma_start3A_634 : memref<640x144xf32, #tpu.memory_space<vmem_shared>>) target(%dma_start3A_632 : memref<640x144xf32, #tpu.memory_space<hbm>>) target_semaphore(%run_scoped3A : memref<!tpu.dma_semaphore, #tpu.memory_space<semaphore_mem>>)
      %dma_wait3A_635 = arith.constant 0 : i32
      %dma_wait3A_636 = tpu.memref_slice %arg4[%arg0, %mul3A_629, %dma_wait3A_635] : memref<2x10240x144xf32, #tpu.memory_space<hbm>> -> memref<1x640x144xf32, #tpu.memory_space<hbm>>
      %dma_wait3A_637 = tpu.memref_squeeze %dma_wait3A_636 : memref<1x640x144xf32, #tpu.memory_space<hbm>> -> memref<640x144xf32, #tpu.memory_space<hbm>>
      %dma_wait3A_638 = arith.constant 0 : i32
      %dma_wait3A_639 = tpu.memref_slice %arg7[%mul3A_629, %dma_wait3A_638] : memref<10240x144xf32, #tpu.memory_space<vmem_shared>> -> memref<640x144xf32, #tpu.memory_space<vmem_shared>>
      tpu.wait_dma2 semaphore(%run_scoped3A : memref<!tpu.dma_semaphore, #tpu.memory_space<semaphore_mem>>) src(%dma_wait3A_639 : memref<640x144xf32, #tpu.memory_space<vmem_shared>>) dst(%dma_wait3A_637 : memref<640x144xf32, #tpu.memory_space<hbm>>)
      tpu.yield
    }) : () -> ()
    return
  }
}

module attributes {stable_mosaic.version = 14 : i64} {
  func.func @_tc1_body(%arg0: i32, %arg1: memref<2x1000x144xf32, #tpu.memory_space<vmem>>, %arg2: memref<1000x128xf32, #tpu.memory_space<vmem>>, %arg3: memref<256x128xf32, #tpu.memory_space<vmem>>, %arg4: memref<256x128xf32, #tpu.memory_space<vmem>>, %arg5: memref<256xf32, #tpu.memory_space<vmem>>, %arg6: memref<2x1000x128xf32, #tpu.memory_space<vmem>>, %arg7: memref<1000x1xf32, #tpu.memory_space<vmem>>) attributes {dimension_semantics = [#tpu.dimension_semantics<arbitrary>], iteration_bounds = array<i64: 10>, scalar_prefetch = 0 : i64, scratch_operands = 0 : i64, tpu.core_type = #tpu.core_type<tc>, window_params = [{transform_indices = @transform_0, window_bounds = array<i64: 2, 1000, 144>}, {transform_indices = @transform_1, window_bounds = array<i64: 1000, 128>}, {pipeline_mode = #tpu.pipeline_mode<synchronous>, transform_indices = @transform_2, window_bounds = array<i64: 256, 128>}, {pipeline_mode = #tpu.pipeline_mode<synchronous>, transform_indices = @transform_3, window_bounds = array<i64: 256, 128>}, {pipeline_mode = #tpu.pipeline_mode<synchronous>, transform_indices = @transform_4, window_bounds = array<i64: 256>}, {transform_indices = @transform_5, window_bounds = array<i64: 2, 1000, 128>}, {transform_indices = @transform_6, window_bounds = array<i64: 1000, 1>}]} {
    %get3A = arith.constant 0 : index
    %get3A_0 = arith.constant 0 : index
    %get3A_1 = arith.constant 0 : index
    %get3A_2 = vector.load %arg1[%get3A, %get3A_0, %get3A_1] : memref<2x1000x144xf32, #tpu.memory_space<vmem>>, vector<1x1000x144xf32>
    %get3A_3 = vector.shape_cast %get3A_2 : vector<1x1000x144xf32> to vector<1000x144xf32>
    %get3A_4 = arith.constant 1 : index
    %get3A_5 = arith.constant 0 : index
    %get3A_6 = arith.constant 0 : index
    %get3A_7 = vector.load %arg1[%get3A_4, %get3A_5, %get3A_6] : memref<2x1000x144xf32, #tpu.memory_space<vmem>>, vector<1x1000x144xf32>
    %get3A_8 = vector.shape_cast %get3A_7 : vector<1x1000x144xf32> to vector<1000x144xf32>
    %slice3A = vector.extract_strided_slice %get3A_3 {offsets = [0, 0], sizes = [1000, 128], strides = [1, 1]} : vector<1000x144xf32> to vector<1000x128xf32>
    %slice3A_9 = vector.extract_strided_slice %get3A_8 {offsets = [0, 0], sizes = [1000, 128], strides = [1, 1]} : vector<1000x144xf32> to vector<1000x128xf32>
    %add3A = arith.addf %slice3A, %slice3A_9 : vector<1000x128xf32>
    %slice3A_10 = vector.extract_strided_slice %get3A_3 {offsets = [0, 128], sizes = [1000, 1], strides = [1, 1]} : vector<1000x144xf32> to vector<1000x1xf32>
    %slice3A_11 = vector.extract_strided_slice %get3A_8 {offsets = [0, 128], sizes = [1000, 1], strides = [1, 1]} : vector<1000x144xf32> to vector<1000x1xf32>
    %add3A_12 = arith.addf %slice3A_10, %slice3A_11 : vector<1000x1xf32>
    %max3A = arith.constant 1.000000e+00 : f32
    %max3A_13 = vector.broadcast %max3A : f32 to vector<1000x1xf32>
    %max3A_14 = arith.maximumf %add3A_12, %max3A_13 : vector<1000x1xf32>
    %div3A = arith.constant 1.000000e+00 : f32
    %div3A_15 = vector.broadcast %div3A : f32 to vector<1000x1xf32>
    %div3A_16 = arith.divf %div3A_15, %max3A_14 : vector<1000x1xf32>
    %mul3A = vector.broadcast %div3A_16 : vector<1000x1xf32> to vector<1000x128xf32>
    %mul3A_17 = arith.mulf %add3A, %mul3A : vector<1000x128xf32>
    %get3A_18 = arith.constant 0 : index
    %get3A_19 = arith.constant 0 : index
    %get3A_20 = vector.load %arg3[%get3A_18, %get3A_19] : memref<256x128xf32, #tpu.memory_space<vmem>>, vector<256x128xf32>
    %dot_general3A = arith.constant dense<0.000000e+00> : vector<1000x256xf32>
    %dot_general3A_21 = tpu.matmul %mul3A_17, %get3A_20, %dot_general3A {dimension_numbers = #tpu.dot_dimension_numbers<[1], [1], [0], [0], [0, 0, 1, 0], [], []>, transpose_lhs_hint = false} : vector<1000x128xf32>, vector<256x128xf32>, vector<1000x256xf32> -> vector<1000x256xf32>
    %get3A_22 = arith.constant 0 : index
    %get3A_23 = arith.constant 0 : index
    %get3A_24 = vector.load %arg2[%get3A_22, %get3A_23] : memref<1000x128xf32, #tpu.memory_space<vmem>>, vector<1000x128xf32>
    %get3A_25 = arith.constant 0 : index
    %get3A_26 = arith.constant 0 : index
    %get3A_27 = vector.load %arg4[%get3A_25, %get3A_26] : memref<256x128xf32, #tpu.memory_space<vmem>>, vector<256x128xf32>
    %dot_general3A_28 = arith.constant dense<0.000000e+00> : vector<1000x256xf32>
    %dot_general3A_29 = tpu.matmul %get3A_24, %get3A_27, %dot_general3A_28 {dimension_numbers = #tpu.dot_dimension_numbers<[1], [1], [0], [0], [0, 0, 1, 0], [], []>, transpose_lhs_hint = false} : vector<1000x128xf32>, vector<256x128xf32>, vector<1000x256xf32> -> vector<1000x256xf32>
    %add3A_30 = arith.addf %dot_general3A_21, %dot_general3A_29 : vector<1000x256xf32>
    %get3A_31 = arith.constant 0 : index
    %get3A_32 = vector.load %arg5[%get3A_31] : memref<256xf32, #tpu.memory_space<vmem>>, vector<256xf32>
    %broadcast_in_dim3A = vector.shape_cast %get3A_32 : vector<256xf32> to vector<1x256xf32>
    %add3A_33 = vector.broadcast %broadcast_in_dim3A : vector<1x256xf32> to vector<1000x256xf32>
    %add3A_34 = arith.addf %add3A_30, %add3A_33 : vector<1000x256xf32>
    %max3A_35 = arith.constant 0.000000e+00 : f32
    %max3A_36 = vector.broadcast %max3A_35 : f32 to vector<1000x256xf32>
    %max3A_37 = arith.maximumf %add3A_34, %max3A_36 : vector<1000x256xf32>
    %slice3A_38 = vector.extract_strided_slice %max3A_37 {offsets = [0, 0], sizes = [1000, 128], strides = [1, 1]} : vector<1000x256xf32> to vector<1000x128xf32>
    %swap3A = arith.constant 0 : index
    %swap3A_39 = arith.constant 0 : index
    %swap3A_40 = arith.constant 0 : index
    %swap3A_41 = vector.load %arg6[%swap3A, %swap3A_39, %swap3A_40] : memref<2x1000x128xf32, #tpu.memory_space<vmem>>, vector<1x1000x128xf32>
    %swap3A_42 = vector.shape_cast %swap3A_41 : vector<1x1000x128xf32> to vector<1000x128xf32>
    %swap3A_43 = vector.shape_cast %slice3A_38 : vector<1000x128xf32> to vector<1x1000x128xf32>
    tpu.vector_store %arg6[%swap3A, %swap3A_39, %swap3A_40], %swap3A_43 {strides = array<i32>} : memref<2x1000x128xf32, #tpu.memory_space<vmem>>, vector<1x1000x128xf32>,
    %slice3A_44 = vector.extract_strided_slice %max3A_37 {offsets = [0, 128], sizes = [1000, 128], strides = [1, 1]} : vector<1000x256xf32> to vector<1000x128xf32>
    %swap3A_45 = arith.constant 1 : index
    %swap3A_46 = arith.constant 0 : index
    %swap3A_47 = arith.constant 0 : index
    %swap3A_48 = vector.load %arg6[%swap3A_45, %swap3A_46, %swap3A_47] : memref<2x1000x128xf32, #tpu.memory_space<vmem>>, vector<1x1000x128xf32>
    %swap3A_49 = vector.shape_cast %swap3A_48 : vector<1x1000x128xf32> to vector<1000x128xf32>
    %swap3A_50 = vector.shape_cast %slice3A_44 : vector<1000x128xf32> to vector<1x1000x128xf32>
    tpu.vector_store %arg6[%swap3A_45, %swap3A_46, %swap3A_47], %swap3A_50 {strides = array<i32>} : memref<2x1000x128xf32, #tpu.memory_space<vmem>>, vector<1x1000x128xf32>,
    %swap3A_51 = arith.constant 0 : index
    %swap3A_52 = arith.constant 0 : index
    %swap3A_53 = vector.load %arg7[%swap3A_51, %swap3A_52] : memref<1000x1xf32, #tpu.memory_space<vmem>>, vector<1000x1xf32>
    tpu.vector_store %arg7[%swap3A_51, %swap3A_52], %div3A_16 {strides = array<i32>} : memref<1000x1xf32, #tpu.memory_space<vmem>>, vector<1000x1xf32>,
    return
  }
  func.func @transform_0(%arg0: i32) -> (i32, i32, i32) {
    %c0_i32 = arith.constant 0 : i32
    %c0_i32_0 = arith.constant 0 : i32
    %c0_i32_1 = arith.constant 0 : i32
    return %c0_i32, %arg0, %c0_i32_0 : i32, i32, i32
  }
  func.func @transform_1(%arg0: i32) -> (i32, i32) {
    %c0_i32 = arith.constant 0 : i32
    %c0_i32_0 = arith.constant 0 : i32
    return %arg0, %c0_i32 : i32, i32
  }
  func.func @transform_2(%arg0: i32) -> (i32, i32) {
    %c0_i32 = arith.constant 0 : i32
    %c0_i32_0 = arith.constant 0 : i32
    %c0_i32_1 = arith.constant 0 : i32
    return %c0_i32, %c0_i32_0 : i32, i32
  }
  func.func @transform_3(%arg0: i32) -> (i32, i32) {
    %c0_i32 = arith.constant 0 : i32
    %c0_i32_0 = arith.constant 0 : i32
    %c0_i32_1 = arith.constant 0 : i32
    return %c0_i32, %c0_i32_0 : i32, i32
  }
  func.func @transform_4(%arg0: i32) -> i32 {
    %c0_i32 = arith.constant 0 : i32
    %c0_i32_0 = arith.constant 0 : i32
    return %c0_i32 : i32
  }
  func.func @transform_5(%arg0: i32) -> (i32, i32, i32) {
    %c0_i32 = arith.constant 0 : i32
    %c0_i32_0 = arith.constant 0 : i32
    %c0_i32_1 = arith.constant 0 : i32
    return %c0_i32, %arg0, %c0_i32_0 : i32, i32, i32
  }
  func.func @transform_6(%arg0: i32) -> (i32, i32) {
    %c0_i32 = arith.constant 0 : i32
    %c0_i32_0 = arith.constant 0 : i32
    return %arg0, %c0_i32 : i32, i32
  }
}

module attributes {stable_mosaic.version = 14 : i64} {
  func.func @_tc2_body(%arg0: i32, %arg1: memref<2x1000x128xf32, #tpu.memory_space<vmem>>, %arg2: memref<1000x1xf32, #tpu.memory_space<vmem>>, %arg3: memref<2x1000x128xf32, #tpu.memory_space<vmem>>, %arg4: memref<256x256xf32, #tpu.memory_space<vmem>>, %arg5: memref<256x256xf32, #tpu.memory_space<vmem>>, %arg6: memref<256xf32, #tpu.memory_space<vmem>>, %arg7: memref<1000x256xf32, #tpu.memory_space<vmem>>) attributes {dimension_semantics = [#tpu.dimension_semantics<arbitrary>], iteration_bounds = array<i64: 10>, scalar_prefetch = 0 : i64, scratch_operands = 0 : i64, tpu.core_type = #tpu.core_type<tc>, window_params = [{transform_indices = @transform_0, window_bounds = array<i64: 2, 1000, 128>}, {transform_indices = @transform_1, window_bounds = array<i64: 1000, 1>}, {transform_indices = @transform_2, window_bounds = array<i64: 2, 1000, 128>}, {pipeline_mode = #tpu.pipeline_mode<synchronous>, transform_indices = @transform_3, window_bounds = array<i64: 256, 256>}, {pipeline_mode = #tpu.pipeline_mode<synchronous>, transform_indices = @transform_4, window_bounds = array<i64: 256, 256>}, {pipeline_mode = #tpu.pipeline_mode<synchronous>, transform_indices = @transform_5, window_bounds = array<i64: 256>}, {transform_indices = @transform_6, window_bounds = array<i64: 1000, 256>}]} {
    %get3A = arith.constant 0 : index
    %get3A_0 = arith.constant 0 : index
    %get3A_1 = vector.load %arg2[%get3A, %get3A_0] : memref<1000x1xf32, #tpu.memory_space<vmem>>, vector<1000x1xf32>
    %get3A_2 = arith.constant 0 : index
    %get3A_3 = arith.constant 0 : index
    %get3A_4 = arith.constant 0 : index
    %get3A_5 = vector.load %arg1[%get3A_2, %get3A_3, %get3A_4] : memref<2x1000x128xf32, #tpu.memory_space<vmem>>, vector<1x1000x128xf32>
    %get3A_6 = vector.shape_cast %get3A_5 : vector<1x1000x128xf32> to vector<1000x128xf32>
    %mul3A = vector.broadcast %get3A_1 : vector<1000x1xf32> to vector<1000x128xf32>
    %mul3A_7 = arith.mulf %get3A_6, %mul3A : vector<1000x128xf32>
    %get3A_8 = arith.constant 1 : index
    %get3A_9 = arith.constant 0 : index
    %get3A_10 = arith.constant 0 : index
    %get3A_11 = vector.load %arg1[%get3A_8, %get3A_9, %get3A_10] : memref<2x1000x128xf32, #tpu.memory_space<vmem>>, vector<1x1000x128xf32>
    %get3A_12 = vector.shape_cast %get3A_11 : vector<1x1000x128xf32> to vector<1000x128xf32>
    %mul3A_13 = vector.broadcast %get3A_1 : vector<1000x1xf32> to vector<1000x128xf32>
    %mul3A_14 = arith.mulf %get3A_12, %mul3A_13 : vector<1000x128xf32>
    %get3A_15 = arith.constant 0 : index
    %get3A_16 = arith.constant 0 : index
    %get3A_17 = vector.load %arg4[%get3A_15, %get3A_16] : memref<256x256xf32, #tpu.memory_space<vmem>>, vector<256x128xf32>
    %dot_general3A = arith.constant dense<0.000000e+00> : vector<1000x256xf32>
    %dot_general3A_18 = tpu.matmul %mul3A_7, %get3A_17, %dot_general3A {dimension_numbers = #tpu.dot_dimension_numbers<[1], [1], [0], [0], [0, 0, 1, 0], [], []>, transpose_lhs_hint = false} : vector<1000x128xf32>, vector<256x128xf32>, vector<1000x256xf32> -> vector<1000x256xf32>
    %get3A_19 = arith.constant 0 : index
    %get3A_20 = arith.constant 128 : index
    %get3A_21 = vector.load %arg4[%get3A_19, %get3A_20] : memref<256x256xf32, #tpu.memory_space<vmem>>, vector<256x128xf32>
    %dot_general3A_22 = arith.constant dense<0.000000e+00> : vector<1000x256xf32>
    %dot_general3A_23 = tpu.matmul %mul3A_14, %get3A_21, %dot_general3A_22 {dimension_numbers = #tpu.dot_dimension_numbers<[1], [1], [0], [0], [0, 0, 1, 0], [], []>, transpose_lhs_hint = false} : vector<1000x128xf32>, vector<256x128xf32>, vector<1000x256xf32> -> vector<1000x256xf32>
    %add3A = arith.addf %dot_general3A_18, %dot_general3A_23 : vector<1000x256xf32>
    %get3A_24 = arith.constant 0 : index
    %get3A_25 = arith.constant 0 : index
    %get3A_26 = arith.constant 0 : index
    %get3A_27 = vector.load %arg3[%get3A_24, %get3A_25, %get3A_26] : memref<2x1000x128xf32, #tpu.memory_space<vmem>>, vector<1x1000x128xf32>
    %get3A_28 = vector.shape_cast %get3A_27 : vector<1x1000x128xf32> to vector<1000x128xf32>
    %get3A_29 = arith.constant 0 : index
    %get3A_30 = arith.constant 0 : index
    %get3A_31 = vector.load %arg5[%get3A_29, %get3A_30] : memref<256x256xf32, #tpu.memory_space<vmem>>, vector<256x128xf32>
    %dot_general3A_32 = arith.constant dense<0.000000e+00> : vector<1000x256xf32>
    %dot_general3A_33 = tpu.matmul %get3A_28, %get3A_31, %dot_general3A_32 {dimension_numbers = #tpu.dot_dimension_numbers<[1], [1], [0], [0], [0, 0, 1, 0], [], []>, transpose_lhs_hint = false} : vector<1000x128xf32>, vector<256x128xf32>, vector<1000x256xf32> -> vector<1000x256xf32>
    %add3A_34 = arith.addf %add3A, %dot_general3A_33 : vector<1000x256xf32>
    %get3A_35 = arith.constant 1 : index
    %get3A_36 = arith.constant 0 : index
    %get3A_37 = arith.constant 0 : index
    %get3A_38 = vector.load %arg3[%get3A_35, %get3A_36, %get3A_37] : memref<2x1000x128xf32, #tpu.memory_space<vmem>>, vector<1x1000x128xf32>
    %get3A_39 = vector.shape_cast %get3A_38 : vector<1x1000x128xf32> to vector<1000x128xf32>
    %get3A_40 = arith.constant 0 : index
    %get3A_41 = arith.constant 128 : index
    %get3A_42 = vector.load %arg5[%get3A_40, %get3A_41] : memref<256x256xf32, #tpu.memory_space<vmem>>, vector<256x128xf32>
    %dot_general3A_43 = arith.constant dense<0.000000e+00> : vector<1000x256xf32>
    %dot_general3A_44 = tpu.matmul %get3A_39, %get3A_42, %dot_general3A_43 {dimension_numbers = #tpu.dot_dimension_numbers<[1], [1], [0], [0], [0, 0, 1, 0], [], []>, transpose_lhs_hint = false} : vector<1000x128xf32>, vector<256x128xf32>, vector<1000x256xf32> -> vector<1000x256xf32>
    %add3A_45 = arith.addf %add3A_34, %dot_general3A_44 : vector<1000x256xf32>
    %get3A_46 = arith.constant 0 : index
    %get3A_47 = vector.load %arg6[%get3A_46] : memref<256xf32, #tpu.memory_space<vmem>>, vector<256xf32>
    %broadcast_in_dim3A = vector.shape_cast %get3A_47 : vector<256xf32> to vector<1x256xf32>
    %add3A_48 = vector.broadcast %broadcast_in_dim3A : vector<1x256xf32> to vector<1000x256xf32>
    %add3A_49 = arith.addf %add3A_45, %add3A_48 : vector<1000x256xf32>
    %max3A = arith.constant 0.000000e+00 : f32
    %max3A_50 = vector.broadcast %max3A : f32 to vector<1000x256xf32>
    %max3A_51 = arith.maximumf %add3A_49, %max3A_50 : vector<1000x256xf32>
    %swap3A = arith.constant 0 : index
    %swap3A_52 = arith.constant 0 : index
    %swap3A_53 = vector.load %arg7[%swap3A, %swap3A_52] : memref<1000x256xf32, #tpu.memory_space<vmem>>, vector<1000x256xf32>
    tpu.vector_store %arg7[%swap3A, %swap3A_52], %max3A_51 {strides = array<i32>} : memref<1000x256xf32, #tpu.memory_space<vmem>>, vector<1000x256xf32>,
    return
  }
  func.func @transform_0(%arg0: i32) -> (i32, i32, i32) {
    %c0_i32 = arith.constant 0 : i32
    %c0_i32_0 = arith.constant 0 : i32
    %c0_i32_1 = arith.constant 0 : i32
    return %c0_i32, %arg0, %c0_i32_0 : i32, i32, i32
  }
  func.func @transform_1(%arg0: i32) -> (i32, i32) {
    %c0_i32 = arith.constant 0 : i32
    %c0_i32_0 = arith.constant 0 : i32
    return %arg0, %c0_i32 : i32, i32
  }
  func.func @transform_2(%arg0: i32) -> (i32, i32, i32) {
    %c0_i32 = arith.constant 0 : i32
    %c0_i32_0 = arith.constant 0 : i32
    %c0_i32_1 = arith.constant 0 : i32
    return %c0_i32, %arg0, %c0_i32_0 : i32, i32, i32
  }
  func.func @transform_3(%arg0: i32) -> (i32, i32) {
    %c0_i32 = arith.constant 0 : i32
    %c0_i32_0 = arith.constant 0 : i32
    %c0_i32_1 = arith.constant 0 : i32
    return %c0_i32, %c0_i32_0 : i32, i32
  }
  func.func @transform_4(%arg0: i32) -> (i32, i32) {
    %c0_i32 = arith.constant 0 : i32
    %c0_i32_0 = arith.constant 0 : i32
    %c0_i32_1 = arith.constant 0 : i32
    return %c0_i32, %c0_i32_0 : i32, i32
  }
  func.func @transform_5(%arg0: i32) -> i32 {
    %c0_i32 = arith.constant 0 : i32
    %c0_i32_0 = arith.constant 0 : i32
    return %c0_i32 : i32
  }
  func.func @transform_6(%arg0: i32) -> (i32, i32) {
    %c0_i32 = arith.constant 0 : i32
    %c0_i32_0 = arith.constant 0 : i32
    return %arg0, %c0_i32 : i32, i32
  }
}

</mosaic_0001>

<sc_bundles>
// kernel: kernel.6.cloned.1.call-start
scs
__scs_entry_jumppad:
0x0: {  	(pc) =	sbr.rel $0x88, $3  }
0x1: {  	(tag) =	ssettag $0x0;
	lr =	simm.s32 $0x1  }
0x2: {  	[smem:$0x3F99] =	sst lr;
	_ =	strace $0xD0000000  }
0x3: {  	_ = 	snop  }
0x4: {  	_ = 	snop  }
0x5: {  	_ = 	snop  }
0x6: {  	_ = 	snop  }
0x7: {  	_ = 	snop  }
__scs_overlays_trampoline_lowered:
0x8: {  	[smem:$0x3FA8] =	sst s0  }
0x9: {  	[smem:$0x3FA9] =	sst s1  }
0xa: {  	[smem:$0x3FAA] =	sst s2  }
0xb: {  	[smem:$0x3FAB] =	sst s3  }
0xc: {  	[smem:$0x3FAC] =	sst s4  }
0xd: {  	[smem:$0x3FAD] =	sst s5  }
0xe: {  	[smem:$0x3FAE] =	sst s6  }
0xf: {  	[smem:$0x3FAF] =	sst s7  }
0x10: {  	[smem:$0x3FB0] =	sst s8  }
0x11: {  	[smem:$0x3FB1] =	sst s9;
	s0 =	simm.s32 @!p0 $0x0  }
0x12: {  	s1 =	sld [smem:$0x3F97];
	s0 =	simm.s32 @p0 $0x1  }
0x13: {  	[smem:$0x3FB2] =	sst s0;
	s0 =	simm.s32 @!p1 $0x0  }
0x14: {  	s2 =	sld [smem:$0x3F96];
	s0 =	simm.s32 @p1 $0x1  }
0x15: {  	[smem:$0x3FB3] =	sst s0;
	s0 =	simm.s32 @!p2 $0x0  }
0x16: {  	s3 =	sld [smem:$0x3FDB];
	s0 =	simm.s32 @p2 $0x1  }
0x17: {  	s4 =	simm.s32 $0x1BF5;
	[smem:$0x3FB5] =	sst s0  }
0x18: {  	s0 =	sld [smem:$0x3F98];
	_ =	swait.ge [sflag:s4], $0x0  }
0x19: {  	s7 =	sld [smem:$0x3F99]  }
0x1a: {  	s8 =	sadd.s32 $0xFFFFE003, lr  }
0x1b: {  	s9 =	sadd.s32 $0xFFFFFEF7, lr;
	s5 =	simm.s32 $0xFFFFFFFF;
	p2 =	slt.u32 s8, $0xFFFFF086  }
0x1c: {  	p1 =	slt.u32 s9, $0xF7A;
	s5 =	simm.s32 @!p2 $0x0  }
0x1d: {  	s5 =	simm.s32 @p1 $0x1;
	p0 =	seq.s32 s7, s2  }
0x1e: {  	s7 =	smul.u32 @!p0 $0xF7A, s2;
	p2 =	seq.s32 @!p0 s5, $0x0  }
0x1f: {  	s9 =	smul.u32 $0xF7A, s1;
	s8 =	simm.s32 @!p0 $0x1BF5;
	p2 =	por !p2, p0  }
0x20: {  	[sflag:s8] =	ssyncset.s32 @!p0 $0xFFFFF086;
	s6 =	sadd.s32 @!p0 s3, s7;
	s7 =	simm.s32 @!p0 $0x108  }
0x21: {  	s3 =	sadd.s32 s3, s9;
	s6 =	sadd.s32 @!p0 $0x88, s6;
	s7 =	simm.s32 @p2 $0x1082  }
0x22: {  	[simem:s7], [sflag:s8] =	dma.local @!p0 [hbm:s6], $0xF7A  }
0x23: {  	s9 =	sor.u32 $0xD0000000, s2;
	s6 =	simm.s32 $0x108;
	_ =	swait.ge @!p0 [sflag:s8], $0x0  }
0x24: {  	s3 =	sadd.s32 $0x88, s3;
	s6 =	simm.s32 @!p1 $0x1082;
	[sflag:s4] =	ssyncset.s32 $0xFFFFF086  }
0x25: {  	[simem:s6], [sflag:s4] =	dma.local [hbm:s3], $0xF7A  }
0x26: {  	[smem:$0x3F99] =	sst s1;
	(tag) =	ssettag s2;
	_ =	strace s9  }
0x27: {  	s1 =	sld [smem:$0x3FA9]  }
0x28: {  	s2 =	sld [smem:$0x3FAA]  }
0x29: {  	s4 =	sld [smem:$0x3FAC]  }
0x2a: {  	p0 =	seq.s32 s5, $0x0;
	s5 =	sld [smem:$0x3FAD]  }
0x2b: {  	s6 =	sld [smem:$0x3FAE]  }
0x2c: {  	s7 =	sld [smem:$0x3FAF]  }
0x2d: {  	s3 =	simm.s32 $0x108;
	s8 =	sld [smem:$0x3FB0]  }
0x2e: {  	s3 =	simm.s32 @!p0 $0x1082;
	s9 =	sld [smem:$0x3FB1]  }
0x2f: {  	lr =	sadd.s32 s0, s3;
	s0 =	sld [smem:$0x3FA8]  }
0x30: {  	s3 =	sld [smem:$0x3FAB]  }
0x31: {  	[smem:$0x3FB4] =	sst s10  }
0x32: {  	s10 =	sld [smem:$0x3FB2];
	_ =	sdelay $0x3  }
0x33: {  	p0 =	seq.s32 s10, $0x1;
	s10 =	sld [smem:$0x3FB4];
	_ =	sdelay $0x3  }
0x34: {  	[smem:$0x3FB4] =	sst s10  }
0x35: {  	s10 =	sld [smem:$0x3FB3];
	_ =	sdelay $0x3  }
0x36: {  	p1 =	seq.s32 s10, $0x1;
	s10 =	sld [smem:$0x3FB4];
	_ =	sdelay $0x3  }
0x37: {  	[smem:$0x3FB4] =	sst s10  }
0x38: {  	s10 =	sld [smem:$0x3FB5]  }
0x39: {  	_ = 	snop;
	(pc) =	sbr.ind lr, $3  }
0x3a: {  	_ = 	snop  }
0x3b: {  	_ = 	snop  }
0x3c: {  	p2 =	seq.s32 s10, $0x1;
	s10 =	sld [smem:$0x3FB4]  }
0x3d: {  	_ =	shalt  }
0x3e: {  	_ =	shalt  }
0x3f: {  	_ =	shalt  }
0x40: {  	_ =	shalt  }
0x41: {  	_ =	shalt  }
0x42: {  	_ =	shalt  }
0x43: {  	_ =	shalt  }
0x44: {  	_ =	shalt  }
0x45: {  	_ =	shalt  }
0x46: {  	_ =	shalt  }
0x47: {  	_ =	shalt  }
0x48: {  	_ =	shalt  }
0x49: {  	_ =	shalt  }
0x4a: {  	_ =	shalt  }
0x4b: {  	_ =	shalt  }
0x4c: {  	_ =	shalt  }
0x4d: {  	_ =	shalt  }
0x4e: {  	_ =	shalt  }
0x4f: {  	_ =	shalt  }
0x50: {  	_ =	shalt  }
0x51: {  	_ =	shalt  }
0x52: {  	_ =	shalt  }
0x53: {  	_ =	shalt  }
0x54: {  	_ =	shalt  }
0x55: {  	_ =	shalt  }
0x56: {  	_ =	shalt  }
0x57: {  	_ =	shalt  }
0x58: {  	_ =	shalt  }
0x59: {  	_ =	shalt  }
0x5a: {  	_ =	shalt  }
0x5b: {  	_ =	shalt  }
0x5c: {  	_ =	shalt  }
0x5d: {  	_ =	shalt  }
0x5e: {  	_ =	shalt  }
0x5f: {  	_ =	shalt  }
0x60: {  	_ =	shalt  }
0x61: {  	_ =	shalt  }
0x62: {  	_ =	shalt  }
0x63: {  	_ =	shalt  }
0x64: {  	_ =	shalt  }
0x65: {  	_ =	shalt  }
0x66: {  	_ =	shalt  }
0x67: {  	_ =	shalt  }
0x68: {  	_ =	shalt  }
0x69: {  	_ =	shalt  }
0x6a: {  	_ =	shalt  }
0x6b: {  	_ =	shalt  }
0x6c: {  	_ =	shalt  }
0x6d: {  	_ =	shalt  }
0x6e: {  	_ =	shalt  }
0x6f: {  	_ =	shalt  }
0x70: {  	_ =	shalt  }
0x71: {  	_ =	shalt  }
0x72: {  	_ =	shalt  }
0x73: {  	_ =	shalt  }
0x74: {  	_ =	shalt  }
0x75: {  	_ =	shalt  }
0x76: {  	_ =	shalt  }
0x77: {  	_ =	shalt  }
0x78: {  	_ =	shalt  }
0x79: {  	_ =	shalt  }
0x7a: {  	_ =	shalt  }
0x7b: {  	_ =	shalt  }
0x7c: {  	_ =	shalt  }
0x7d: {  	_ =	shalt  }
0x7e: {  	_ =	shalt  }
0x7f: {  	_ =	shalt  }
0x80: {  	_ =	shalt  }
0x81: {  	_ =	shalt  }
0x82: {  	_ =	shalt  }
0x83: {  	_ =	shalt  }
0x84: {  	_ =	shalt  }
0x85: {  	_ =	shalt  }
0x86: {  	_ =	shalt  }
0x87: {  	_ =	shalt  }
.Lfunc_end0:
.L_simem_size_0:
called_computation_lowered:
.L_overlay_start_0:
0x88: {  	s2 =	sld [smem:$0x3FD9]  }
0x89: {  	s3 =	sld [smem:$0x3FFE];
	_ =	sdelay $0x1  }
0x8a: {  	s1 =	srdreg.scid  }
0x8b: {  	s0 =	sand.u32 $0x1, s1  }
0x8c: {  	s17 =	sshll.u32 s0, $0xA;
	s2 =	sadd.s32 s3, s2  }
0x8d: {  	s2 =	sadd.s32 s2, s17  }
0x8e: {  	[smem:$0x3FC0] =	sst s2  }
0x8f: {  	_ = 	snop  }
0x90: {  	s2 =	sld [smem:$0x3FD0];
	(tm) =	ssettm $0x1  }
0x91: {  	s18 =	sld [smem:$0x3FFB];
	_ =	sdelay $0x3  }
0x92: {  	_ =	strace s18  }
0x93: {  	s3 =	sld [smem:$0x3FFC];
	_ =	sdelay $0x3  }
0x94: {  	_ =	strace s3  }
0x95: {  	s3 =	sld [smem:$0x3FFD];
	_ =	sdelay $0x3  }
0x96: {  	_ =	strace s3  }
0x97: {  	_ =	strace $0x8FFFFFFF  }
0x98: {  	s19 =	sld [smem:$0x3FDB];
	_ =	sdelay $0x1  }
0x99: {  	s4 =	simm.s32 $_scs_section_size  }
0x9a: {  	s5 =	simm.s32 $_size__tile_overlayer_lowered;
	s6 =	simm.s32 $_tile_overlayer_lowered  }
0x9b: {  	s22 =	simm.s32 $0x1BFF;
	s21 =	sshll.u32 s6, $0x1;
	s3 =	sadd.s32 s4, s19  }
0x9c: {  	s7 =	simm.s32 $0x0;
	s20 =	sshll.u32 s5, $0x1;
	s5 =	sadd.s32 s21, s3  }
0x9d: {  	[timem:s7], [sflag:s22] =	dma.local [hbm:s5], s20  }
0x9e: {  	_ =	swait.ge [sflag:s22], s20  }
0x9f: {  	s4 =	ssub.s32 $0x0, s20;
	[sflag:s22] =	ssyncset.done $0x0  }
0xa0: {  	[sflag:s22] =	ssyncadd.s32 s4;
	_ =	sdelay $0x1  }
0xa1: {  	s23 =	simm.s32 $0x1B8B  }
0xa2: {  	_ =	swait.ge [sflag:s23], $0x1  }
0xa3: {  	[sflag:s23] =	ssyncset.done $0x0  }
0xa4: {  	s25 =	simm.s32 $0x1B8E;
	s24 =	sld [smem:$0x3FFE];
	[sflag:s23] =	ssyncadd.s32 $0xFFFFFFFF  }
0xa5: {  	s26 =	simm.s32 $execute0_lowered;
	[smem:$0x3FD2] =	sst s25  }
0xa6: {  	s5 =	sshll.u32 s26, $0x1;
	_ =	strace $0x80000046;
	[dreg:$0x1] =	wrdreg $0xFFFFFFFF  }
0xa7: {  	s28 =	simm.s32 $_size_execute0_lowered;
	s3 =	sadd.s32 s3, s5;
	[dreg:$0x0] =	wrdreg $0x0  }
0xa8: {  	s5 =	sshll.u32 s28, $0x1;
	[dreg:$0x2] =	wrdreg s3  }
0xa9: {  	[dreg:$0x3] =	wrdreg s5  }
0xaa: {  	[dreg:$0x4] =	wrdreg $0xC0  }
0xab: {  	_ =	task [dreg:s7], $0x5FFFF  }
0xac: {  	[dreg:$0x1] =	wrdreg $0xFFFFFFFF  }
0xad: {  	[dreg:$0x0] =	wrdreg $0x60  }
0xae: {  	[dreg:$0x2] =	wrdreg s2  }
0xaf: {  	[dreg:$0x3] =	wrdreg s24  }
0xb0: {  	[dreg:$0x4] =	wrdreg $0x8AC00  }
0xb1: {  	[dreg:$0x5] =	wrdreg $0x9  }
0xb2: {  	_ =	task.clear_ibuf [dreg:s7], $0x6FFFF;
	_ =	strace $0x90000046  }
0xb3: {  	s29 =	simm.s32 $0x9;
	_ =	strace $0x80000048  }
0xb4: {  	_ =	swait.ge [sflag:s29], $0x1  }
0xb5: {  	[sflag:s29] =	ssyncadd.s32 $0xFFFFFFFF  }
0xb6: {  	_ =	strace $0x90000048  }
0xb7: {  	_ =	sfence  }
0xb8: {  	s30 =	sld [smem:$0x0];
	_ =	sdelay $0x2  }
0xb9: {  	s31 =	sshll.u32 s1, $0xD;
	s1 =	sshrl.u32 s1, $0x2  }
0xba: {  	s3 =	sand.u32 $0x4000, s31;
	s1 =	sadd.s32 s1, s30  }
0xbb: {  	s0 =	sor.u32 s3, s0;
	s1 =	sshll.u32 s1, $0x11  }
0xbc: {  	s0 =	sor.u32 s1, s0  }
0xbd: {  	s0 =	sadd.s32 $0x8F2B, s0  }
0xbe: {  	[sflag:s0] =	ssyncadd.remote.s32 $0x1  }
0xbf: {  	_ =	sfence.sel $0xFFFF  }
0xc0: {  	[dreg:$0x0] =	wrdreg $0xFFFFFFFF;
	(pc) =	sbr.abs _section_cstart, $3  }
0xc1: {  	[dreg:$0x1] =	wrdreg $0xFFFFFFFF  }
0xc2: {  	_ =	task.clear_ibuf [dreg:s7], $0x2FFFF;
	_ =	strace $0x9FFFFFFF  }
0xc3: {  	(tm) =	ssettm $0x7FFFFFFF  }
tec
execute0_lowered:
.L_overlay_start_1:
0x0: {  	(tag) =	ssettag $0x1  }
0x1: {  	s1 =	rddreg [dreg:$0x0]  }
0x2: {  	s0 =	srdreg.scid;
	s2 =	rddreg [dreg:$0x1]  }
0x3: {  	s9 =	stileid.u32;
	s3 =	rddreg [dreg:$0x2];
	s7 =	simm.s32 $0x0  }
0x4: {  	s30 =	simm.s32 $0x1;
	s12 =	simm.s32 $0x1E0;
	s5 =	smul.u32 $0x16800, s9  }
0x5: {  	s10 =	simm.s32 $0x6;
	s0 =	sand.u32 $0x1, s0;
	s14 =	smul.u32 $0x2710, s9  }
0x6: {  	s11 =	simm.s32 $0x5;
	[smem:$0x7FF] =	sst s7;
	s4 =	smul.u32 $0x168000, s0  }
0x7: {  	s8 =	sadd.s32 $0x2200, s2;
	s6 =	smul.u32 $0x27100, s0;
	s0 =	ssub.s32 $0x2, s0  }
0x8: {  	_ =	strace $0x80000047;
	s15 =	sshrl.u32 s0, $0x1;
	s21 =	sadd.s32 s5, s3  }
0x9: {  	s6 =	sadd.s32 s14, s6;
	s0 =	ssub.s32 s0, s15;
	s31 =	sshrl.u32 s21, $0x3  }
0xa: {  	s7 =	sshrl.u32 s6, $0x3;
	s0 =	smax.u32 s0, $0x1;
	[dreg:$0x15] =	wrdreg s31  }
0xb: {  	s13 =	simm.s32 $0x7;
	s7 =	sadd.s32 s8, s7;
	[dreg:$0xc] =	wrdreg s0  }
0xc: {  	s16 =	smul.u32 $0x5A000, s9;
	s17 =	sadd.s32 $0xA, s7;
	[dreg:$0x4] =	wrdreg s7  }
0xd: {  	s4 =	sadd.s32 s5, s4;
	s18 =	sadd.s32 $0x14, s7;
	[dreg:$0x5] =	wrdreg s17  }
0xe: {  	s4 =	sshrl.u32 s4, $0x3;
	s19 =	sadd.s32 $0x1E, s7;
	[dreg:$0x6] =	wrdreg s18  }
0xf: {  	s26 =	sadd.s32 $0x1E0, s6;
	s20 =	sadd.s32 $0x28, s7;
	[dreg:$0x7] =	wrdreg s19  }
0x10: {  	s2 =	sadd.s32 s4, s2;
	s7 =	sadd.s32 $0x32, s7;
	[dreg:$0x8] =	wrdreg s20  }
0x11: {  	s4 =	sshrl.u32 s16, $0x2;
	s2 =	sadd.s32 $0x15C00, s2;
	[dreg:$0x9] =	wrdreg s7  }
0x12: {  	s0 =	sshrl.u32 s26, $0x3;
	s4 =	sadd.s32 s4, s3;
	[dreg:$0xa] =	wrdreg s2  }
0x13: {  	s9 =	simm.s32 $0x8;
	s0 =	sadd.s32 s0, s8;
	[dreg:$0xb] =	wrdreg s4  }
0x14: {  	s15 =	simm.s32 $0x30C0;
	s22 =	sadd.s32 $0x2D00, s4;
	[dreg:$0x14] =	wrdreg s0  }
0x15: {  	s14 =	simm.s32 $0x0;
	s23 =	sadd.s32 $0x5A00, s4;
	[dreg:$0xd] =	wrdreg s22  }
0x16: {  	s6 =	simm.s32 $0x3;
	s24 =	sadd.s32 $0x8700, s4;
	[dreg:$0xe] =	wrdreg s23  }
0x17: {  	s26 =	simm.s32 $0x4E200;
	s25 =	sadd.s32 $0xB400, s4;
	[dreg:$0xf] =	wrdreg s24  }
0x18: {  	s16 =	simm.s32 $0x280;
	s28 =	sadd.s32 $0xE100, s4;
	[dreg:$0x10] =	wrdreg s25  }
0x19: {  	s8 =	simm.s32 $0x4;
	s29 =	sadd.s32 $0x10E00, s4;
	[dreg:$0x11] =	wrdreg s28  }
0x1a: {  	s4 =	sadd.s32 $0x13B00, s4;
	s7 =	simm.s32 $0x140;
	[dreg:$0x12] =	wrdreg s29  }
0x1b: {  	s2 =	simm.s32 $0x2;
	s17 =	simm.s32 $0x5DC0;
	[dreg:$0x13] =	wrdreg s4  }
0x1c: {  	v0 =	vimm.f32 $0.0e+00;
	s22 =	simm.s32 $0x3C0;
	s23 =	simm.s32 $0x9;
	s24 =	simm.s32 $0x50  }
.LBB2_1:
0x1d: {  	s4 =	simm.s32 $0x80;
	s5 =	simm.s32 $0x440  }
.LBB2_2:
0x1e: {  	p0 =	sne.s32 s5, $0xB3C0;
	[tilespmem:s4+$0x3C0] =	vst v0  }
0x1f: {  	[tilespmem:s4+$0x340] =	vst v0  }
0x20: {  	[tilespmem:s4+$0x350] =	vst v0  }
0x21: {  	[tilespmem:s4+$0x360] =	vst v0  }
.Ltmp0:
0x22: {  	[tilespmem:s4+$0x370] =	vst v0;
	(pc) =	sbr.rel @p0 .LBB2_2-.Ltmp0, $4  }
0x23: {  	[tilespmem:s4+$0x380] =	vst v0  }
0x24: {  	[tilespmem:s4+$0x390] =	vst v0  }
0x25: {  	[tilespmem:s4+$0x3A0] =	vst v0  }
0x26: {  	[tilespmem:s4+$0x3B0] =	vst v0;
	s4 =	sshra.s32 s5, $0x2;
	s5 =	sadd.s32 $0x240, s5  }
0x27: {  	[tilespmem:s4+$0x3C0] =	vst v0  }
0x28: {  	[tilespmem:s4+$0x340] =	vst v0  }
0x29: {  	[tilespmem:s4+$0x350] =	vst v0  }
0x2a: {  	[tilespmem:s4+$0x360] =	vst v0  }
0x2b: {  	[tilespmem:s4+$0x370] =	vst v0  }
0x2c: {  	[tilespmem:s4+$0x380] =	vst v0  }
0x2d: {  	[tilespmem:s4+$0x390] =	vst v0  }
0x2e: {  	[tilespmem:s4+$0x3A0] =	vst v0  }
0x2f: {  	[tilespmem:s4+$0x3B0] =	vst v0;
	s0 =	rddreg [dreg:$0xb]  }
0x30: {  	[spmem:s0] =	stream.linear.scatter [tilespmem:s22], [sflag:$0x9], $0x2D00, $0x38;
	[tilespmem:$0x1F2C0] =	vst v63  }
0x31: {  	_ =	swait.ge [sflag:s23], $0x2D00  }
0x32: {  	[sflag:s23] =	ssyncset.done $0x0  }
0x33: {  	s21 =	rddreg [dreg:$0xd];
	[sflag:s23] =	ssyncadd.s32 $0xFFFFD300  }
0x34: {  	[spmem:s21] =	stream.linear.scatter [tilespmem:s22], [sflag:$0x9], $0x2D00, $0x38;
	[tilespmem:$0x1F2C0] =	vst v63  }
0x35: {  	_ =	swait.ge [sflag:s23], $0x2D00  }
0x36: {  	[sflag:s23] =	ssyncset.done $0x0  }
0x37: {  	s25 =	rddreg [dreg:$0xe];
	[sflag:s23] =	ssyncadd.s32 $0xFFFFD300  }
0x38: {  	[spmem:s25] =	stream.linear.scatter [tilespmem:s22], [sflag:$0x9], $0x2D00, $0x38;
	[tilespmem:$0x1F2C0] =	vst v63  }
0x39: {  	_ =	swait.ge [sflag:s23], $0x2D00  }
0x3a: {  	[sflag:s23] =	ssyncset.done $0x0  }
0x3b: {  	s29 =	rddreg [dreg:$0xf];
	[sflag:s23] =	ssyncadd.s32 $0xFFFFD300  }
0x3c: {  	[spmem:s29] =	stream.linear.scatter [tilespmem:s22], [sflag:$0x9], $0x2D00, $0x38;
	[tilespmem:$0x1F2C0] =	vst v63  }
0x3d: {  	_ =	swait.ge [sflag:s23], $0x2D00  }
0x3e: {  	[sflag:s23] =	ssyncset.done $0x0  }
0x3f: {  	s4 =	rddreg [dreg:$0x10];
	[sflag:s23] =	ssyncadd.s32 $0xFFFFD300  }
0x40: {  	[spmem:s4] =	stream.linear.scatter [tilespmem:s22], [sflag:$0x9], $0x2D00, $0x38;
	[tilespmem:$0x1F2C0] =	vst v63  }
0x41: {  	_ =	swait.ge [sflag:s23], $0x2D00  }
0x42: {  	[sflag:s23] =	ssyncset.done $0x0  }
0x43: {  	s5 =	rddreg [dreg:$0x11];
	[sflag:s23] =	ssyncadd.s32 $0xFFFFD300  }
0x44: {  	[spmem:s5] =	stream.linear.scatter [tilespmem:s22], [sflag:$0x9], $0x2D00, $0x38;
	[tilespmem:$0x1F2C0] =	vst v63  }
0x45: {  	_ =	swait.ge [sflag:s23], $0x2D00  }
0x46: {  	[sflag:s23] =	ssyncset.done $0x0  }
0x47: {  	s18 =	rddreg [dreg:$0x12];
	[sflag:s23] =	ssyncadd.s32 $0xFFFFD300  }
0x48: {  	[spmem:s18] =	stream.linear.scatter [tilespmem:s22], [sflag:$0x9], $0x2D00, $0x38;
	[tilespmem:$0x1F2C0] =	vst v63  }
0x49: {  	_ =	swait.ge [sflag:s23], $0x2D00  }
0x4a: {  	[sflag:s23] =	ssyncset.done $0x0  }
0x4b: {  	s19 =	rddreg [dreg:$0x13];
	[sflag:s23] =	ssyncadd.s32 $0xFFFFD300  }
0x4c: {  	[spmem:s19] =	stream.linear.scatter [tilespmem:s22], [sflag:$0x9], $0x2D00, $0x38;
	[tilespmem:$0x1F2C0] =	vst v63  }
0x4d: {  	_ =	swait.ge [sflag:s23], $0x2D00  }
0x4e: {  	[sflag:s23] =	ssyncset.done $0x0  }
0x4f: {  	[sflag:s23] =	ssyncadd.s32 $0xFFFFD300  }
0x50: {  	[bflag:$0x0] =	sbarrier.arrive $0xFFFF  }
0x51: {  	s20 =	simm.s32 $0x0;
	s21 =	rddreg [dreg:$0x4]  }
0x52: {  	[tilespmem:s20], [sflag:$0x1] =	stream.strided.gather [hbm4b:s21+s24], $0xA0, s26, s24, $0x38;
	[tilespmem:$0x1F2C0] =	vst v63  }
0x53: {  	s5 =	simm.s32 $0xA0;
	s25 =	rddreg [dreg:$0x5]  }
0x54: {  	[tilespmem:s5], [sflag:$0x2] =	stream.strided.gather [hbm4b:s25+s24], $0xA0, s26, s24, $0x38;
	[tilespmem:$0x1F2C0] =	vst v63  }
0x55: {  	s29 =	rddreg [dreg:$0x6]  }
0x56: {  	[tilespmem:s7], [sflag:$0x3] =	stream.strided.gather [hbm4b:s29+s24], $0xA0, s26, s24, $0x38;
	[tilespmem:$0x1F2C0] =	vst v63  }
0x57: {  	_ =	swait.ge [sflag:s30], $0xA0  }
0x58: {  	[sflag:s30] =	ssyncset.done $0x0  }
0x59: {  	[sflag:s30] =	ssyncadd.s32 $0xFFFFFF60  }
0x5a: {  	[tilespmem:s22], [sflag:$0x4] =	stream.indirect.gather [hbm4b:s1+s24], $0x90, s20, s24, $0xb8;
	[tilespmem:$0x1F2C0] =	vst v63  }
0x5b: {  	s18 =	simm.s32 $0x0;
	s4 =	rddreg [dreg:$0x7]  }
0x5c: {  	[tilespmem:s12], [sflag:$0x1] =	stream.strided.gather [hbm4b:s4+s24], $0xA0, s26, s24, $0x38;
	[tilespmem:$0x1F2C0] =	vst v63  }
0x5d: {  	s25 =	simm.s32 $0x1;
	s4 =	smul.u32 $0x56, s18  }
0x5e: {  	s29 =	simm.s32 $0x1;
	s20 =	simm.s32 $0x320;
	_ =	swait.ge [sflag:s2], $0xA0  }
0x5f: {  	[sflag:s2] =	ssyncset.done $0x0;
	s21 =	sshrl.u32 s4, $0x1F;
	s4 =	sshrl.u32 s4, $0x8  }
0x60: {  	s12 =	smul.u32 $0x2B, s29;
	[sflag:s2] =	ssyncadd.s32 $0xFFFFFF60;
	s4 =	sadd.s32 s21, s4  }
0x61: {  	[tilespmem:s15], [sflag:$0x5] =	stream.indirect.gather [hbm4b:s1+s24], $0x90, s5, s24, $0xb8;
	[tilespmem:$0x1F2C0] =	vst v63  }
0x62: {  	s15 =	rddreg [dreg:$0x8];
	s4 =	smul.u32 $0x3, s4;
	s5 =	sand.u32 $0x1, s25  }
0x63: {  	[tilespmem:s16], [sflag:$0x2] =	stream.strided.gather [hbm4b:s15+s24], $0xA0, s26, s24, $0x38;
	[tilespmem:$0x1F2C0] =	vst v63  }
0x64: {  	s25 =	smul.u32 $0x56, s29;
	s15 =	simm.s32 $0x6;
	_ =	swait.ge [sflag:s6], $0xA0  }
0x65: {  	s16 =	simm.s32 $0x7;
	s4 =	ssub.s32 $0x0, s4;
	[sflag:s6] =	ssyncset.done $0x0  }
0x66: {  	s18 =	sshrl.u32 s25, $0x1F;
	s4 =	sshll.u32 s4, $0x18;
	[sflag:s6] =	ssyncadd.s32 $0xFFFFFF60  }
0x67: {  	[tilespmem:s17], [sflag:$0x4] =	stream.indirect.gather [hbm4b:s1+s24], $0x90, s7, s24, $0xb8;
	[tilespmem:$0x1F2C0] =	vst v63  }
0x68: {  	s25 =	sshrl.u32 s25, $0x8;
	s4 =	sshra.s32 s4, $0x18;
	_ =	swait.ge [sflag:s8], $0x2D00  }
0x69: {  	p0 =	slt.s32 s4, $0x0;
	s21 =	sadd.s32 $0x3, s4;
	[sflag:s8] =	ssyncset.done $0x0  }
0x6a: {  	s28 =	smul.u32 $0xAB, s15;
	s4 =	smov.u32 @p0 s21;
	[sflag:s8] =	ssyncadd.s32 $0xFFFFD300  }
0x6b: {  	[spmem:s3] =	stream.indirect.scatter.add.f32 [tilespmem:s22], [sflag:$0x6], $0x90, s24, s24, $0xb8;
	[tilespmem:$0x1F2C0] =	vst v63  }
0x6c: {  	s29 =	sshrl.u32 s28, $0xA;
	s4 =	sadd.s32 $0x6, s4;
	s19 =	rddreg [dreg:$0x9]  }
0x6d: {  	[tilespmem:s20], [sflag:$0x3] =	stream.strided.gather [hbm4b:s19+s24], $0xA0, s26, s24, $0x38;
	[tilespmem:$0x1F2C0] =	vst v63  }
0x6e: {  	s0 =	rddreg [dreg:$0x14];
	s19 =	sor.u32 $0x4, s5;
	s5 =	sadd.s32 $0xFFFFFDFF, s28  }
0x6f: {  	s17 =	sadd.s32 $0xA, s0;
	s7 =	sshrl.u32 s5, $0x9;
	_ =	swait.ge [sflag:s4], $0x2D00  }
0x70: {  	s5 =	sshrl.u32 s5, $0xA;
	s21 =	sand.u32 $0x7F, s7;
	s7 =	sshrl.u32 s12, $0x1F  }
0x71: {  	s12 =	sshrl.u32 s12, $0x8;
	s5 =	sand.u32 $0x3F, s5;
	s21 =	smul.u32 $0x3, s21  }
0x72: {  	[sflag:s4] =	ssyncset.done $0x0;
	s12 =	sadd.s32 s7, s12;
	s5 =	smul.u32 $0x6, s5  }
0x73: {  	[sflag:s4] =	ssyncadd.s32 $0xFFFFD300;
	s4 =	sadd.s32 s18, s25;
	s12 =	smul.u32 $0x6, s12  }
0x74: {  	s20 =	simm.s32 $0x3;
	s25 =	smul.u32 $0x3, s4;
	s21 =	ssub.s32 $0x3, s21  }
0x75: {  	s5 =	ssub.s32 $0x3, s5;
	s21 =	sand.u32 $0xFF, s21;
	s12 =	ssub.s32 $0x1, s12  }
0x76: {  	s5 =	sand.u32 $0xFF, s5;
	s18 =	sadd.s32 $0x1, s21;
	s21 =	smul.u32 $0xB400, s21  }
0x77: {  	s4 =	sand.u32 $0x3F, s29;
	s12 =	sshll.u32 s12, $0x18;
	s5 =	smul.u32 $0x280, s5  }
0x78: {  	_ =	swait.ge [sflag:s18], $0xA0;
	s12 =	sshra.s32 s12, $0x18;
	s21 =	sshrl.u32 s21, $0x2  }
0x79: {  	[sflag:s18] =	ssyncset.done $0x0;
	s31 =	sadd.s32 $0x3C0, s21;
	s21 =	ssub.s32 $0x1, s25  }
0x7a: {  	p0 =	slt.s32 s12, $0x0;
	s5 =	sshrl.u32 s5, $0x2;
	s21 =	sshll.u32 s21, $0x18  }
0x7b: {  	[sflag:s18] =	ssyncadd.s32 $0xFFFFFF60;
	s25 =	sshra.s32 s21, $0x18;
	s21 =	sadd.s32 $0x6, s12  }
0x7c: {  	p1 =	slt.s32 s25, $0x0;
	s12 =	smov.u32 @p0 s21;
	s21 =	smov.u32 s0  }
.LBB2_4:
0x7d: {  	s29 =	sadd.s32 $0x3, s25;
	s4 =	smul.u32 $0x6, s4;
	s28 =	sshrl.u32 s28, $0x9  }
0x7e: {  	s7 =	smov.u32 s16;
	s12 =	smul.u32 $0x280, s12;
	s20 =	sand.u32 $0x1, s20  }
0x7f: {  	p0 =	sne.s32 s16, $0x7C;
	s25 =	smov.u32 @p1 s29;
	s28 =	sand.u32 $0x7F, s28  }
0x80: {  	s20 =	sor.u32 $0x4, s20;
	s29 =	smul.u32 $0xB400, s25;
	s4 =	ssub.s32 s15, s4  }
0x81: {  	s12 =	sshra.s32 s12, $0x2;
	s25 =	sadd.s32 $0x6, s25;
	s4 =	sand.u32 $0xFF, s4  }
0x82: {  	s12 =	sadd.s32 $0x50, s12;
	s29 =	sshra.s32 s29, $0x2;
	s4 =	smul.u32 $0x280, s4  }
0x83: {  	[tilespmem:s31], [sflag:s20] =	stream.indirect.gather [hbm4b:s1+s24], $0x90, s5, s24, $0xb8;
	[tilespmem:$0x1F2C0] =	vst v63  }
0x84: {  	s5 =	smul.u32 $0x3, s28;
	s20 =	sadd.s32 $0x3C0, s29;
	_ =	swait.ge [sflag:s19], $0x2D00  }
0x85: {  	s29 =	sadd.s32 $0xFFFFFFFA, s16;
	s16 =	sadd.s32 $0x1, s16;
	[sflag:s19] =	ssyncset.done $0x0  }
0x86: {  	s4 =	sshrl.u32 s4, $0x2;
	s5 =	ssub.s32 s15, s5;
	[sflag:s19] =	ssyncadd.s32 $0xFFFFD300  }
0x87: {  	[spmem:s3] =	stream.indirect.scatter.add.f32 [tilespmem:s20], [sflag:s25], $0x90, s12, s24, $0xb8;
	[tilespmem:$0x1F2C0] =	vst v63  }
0x88: {  	s15 =	smov.u32 s7;
	s5 =	sand.u32 $0xFF, s5;
	s12 =	sshll.u32 s29, $0x18  }
0x89: {  	s28 =	smul.u32 $0xAB, s15;
	s5 =	sadd.s32 $0x1, s5;
	s12 =	sshra.s32 s12, $0x18  }
0x8a: {  	s20 =	sadd.s32 $0xFFFFFFFD, s15;
	s25 =	sadd.s32 $0xFFFFFFFB, s15;
	s12 =	smul.u32 $0x56, s12  }
0x8b: {  	[tilespmem:s4], [sflag:s5] =	stream.strided.gather [hbm4b:s21+s24], $0xA0, s26, s24, $0x38;
	[tilespmem:$0x1F2C0] =	vst v63  }
0x8c: {  	s4 =	sshrl.u32 s12, $0x1F;
	s5 =	sshrl.u32 s12, $0x8;
	s21 =	smov.u32 s17  }
0x8d: {  	s7 =	sand.u32 $0x1, s25;
	s4 =	sadd.s32 s4, s5;
	s5 =	sshll.u32 s25, $0x18  }
0x8e: {  	s17 =	sadd.s32 $0xA, s17;
	s4 =	smul.u32 $0x3, s4;
	s5 =	sshra.s32 s5, $0x18  }
0x8f: {  	s19 =	sor.u32 $0x4, s7;
	s31 =	smul.u32 $0x56, s5  }
0x90: {  	s7 =	sadd.s32 $0xFFFFFDFF, s28;
	s5 =	smul.u32 $0x2B, s5;
	s4 =	ssub.s32 s29, s4  }
0x91: {  	s12 =	sshrl.u32 s28, $0xA;
	s29 =	sshrl.u32 s7, $0x9;
	s4 =	sshll.u32 s4, $0x18  }
0x92: {  	s7 =	sshrl.u32 s7, $0xA;
	s0 =	sshrl.u32 s5, $0x1F;
	s4 =	sshra.s32 s4, $0x18  }
0x93: {  	s5 =	sshrl.u32 s5, $0x8;
	p1 =	slt.s32 s4, $0x0;
	s18 =	sadd.s32 $0x3, s4  }
0x94: {  	s0 =	sadd.s32 s0, s5;
	s4 =	smov.u32 @p1 s18;
	s18 =	sand.u32 $0x7F, s29  }
0x95: {  	s29 =	sshrl.u32 s31, $0x1F;
	s4 =	sadd.s32 $0x6, s4;
	s18 =	smul.u32 $0x3, s18  }
0x96: {  	s5 =	sand.u32 $0x3F, s7;
	s31 =	sshrl.u32 s31, $0x8;
	_ =	swait.ge [sflag:s4], $0x2D00  }
0x97: {  	s5 =	smul.u32 $0x6, s5;
	s18 =	ssub.s32 s20, s18;
	[sflag:s4] =	ssyncset.done $0x0  }
0x98: {  	[sflag:s4] =	ssyncadd.s32 $0xFFFFD300;
	s4 =	sand.u32 $0xFF, s18;
	s18 =	sadd.s32 s29, s31  }
0x99: {  	s29 =	sadd.s32 $0x1, s4;
	s4 =	smul.u32 $0xB400, s4  }
0x9a: {  	s0 =	smul.u32 $0x6, s0;
	_ =	swait.ge [sflag:s29], $0xA0  }
0x9b: {  	s5 =	ssub.s32 s20, s5;
	[sflag:s29] =	ssyncset.done $0x0;
	s4 =	sshrl.u32 s4, $0x2  }
0x9c: {  	s7 =	smul.u32 $0x3, s18;
	[sflag:s29] =	ssyncadd.s32 $0xFFFFFF60;
	s31 =	sadd.s32 $0x3C0, s4  }
.Ltmp1:
0x9d: {  	s0 =	ssub.s32 s25, s0;
	s4 =	sand.u32 $0x3F, s12;
	(pc) =	sbr.rel @p0 .LBB2_4-.Ltmp1, $4  }
0x9e: {  	s5 =	sand.u32 $0xFF, s5;
	s0 =	sshll.u32 s0, $0x18;
	s7 =	ssub.s32 s25, s7  }
0x9f: {  	s5 =	smul.u32 $0x280, s5;
	s7 =	sshll.u32 s7, $0x18;
	s12 =	sshra.s32 s0, $0x18  }
0xa0: {  	s25 =	sshra.s32 s7, $0x18;
	p2 =	slt.s32 s12, $0x0;
	s0 =	sadd.s32 $0x6, s12  }
0xa1: {  	s5 =	sshrl.u32 s5, $0x2;
	p1 =	slt.s32 s25, $0x0;
	s12 =	smov.u32 @p2 s0  }
0xa2: {  	s0 =	sand.u32 $0x1, s20  }
0xa3: {  	s0 =	sor.u32 $0x4, s0  }
0xa4: {  	[tilespmem:s31], [sflag:s0] =	stream.indirect.gather [hbm4b:s1+s24], $0x90, s5, s24, $0xb8;
	[tilespmem:$0x1F2C0] =	vst v63  }
0xa5: {  	s7 =	smul.u32 $0x280, s12;
	s0 =	sadd.s32 $0x3, s25  }
0xa6: {  	s16 =	smul.u32 $0x6, s4;
	s25 =	smov.u32 @p1 s0  }
0xa7: {  	s17 =	sshrl.u32 s28, $0x9;
	s12 =	smul.u32 $0xB400, s25  }
0xa8: {  	s4 =	sand.u32 $0x7F, s17;
	_ =	swait.ge [sflag:s19], $0x2D00;
	s0 =	sshra.s32 s7, $0x2  }
0xa9: {  	[sflag:s19] =	ssyncset.done $0x0;
	s0 =	sadd.s32 $0x50, s0;
	s5 =	sshra.s32 s12, $0x2  }
0xaa: {  	s7 =	sadd.s32 $0x6, s25;
	[sflag:s19] =	ssyncadd.s32 $0xFFFFD300;
	s5 =	sadd.s32 $0x3C0, s5  }
0xab: {  	[spmem:s3] =	stream.indirect.scatter.add.f32 [tilespmem:s5], [sflag:s7], $0x90, s0, s24, $0xb8;
	[tilespmem:$0x1F2C0] =	vst v63  }
0xac: {  	s4 =	smul.u32 $0x3, s4;
	s0 =	ssub.s32 s15, s16  }
0xad: {  	s0 =	sand.u32 $0xFF, s0  }
0xae: {  	s4 =	ssub.s32 s15, s4;
	s0 =	smul.u32 $0x280, s0  }
0xaf: {  	s4 =	sand.u32 $0xFF, s4  }
0xb0: {  	s4 =	sadd.s32 $0x1, s4;
	s0 =	sshrl.u32 s0, $0x2  }
0xb1: {  	[tilespmem:s0], [sflag:s4] =	stream.strided.gather [hbm4b:s21+s24], $0xA0, s26, s24, $0x38;
	[tilespmem:$0x1F2C0] =	vst v63  }
0xb2: {  	_ =	swait.ge [sflag:s9], $0x2D00  }
0xb3: {  	[sflag:s9] =	ssyncset.done $0x0  }
0xb4: {  	[sflag:s9] =	ssyncadd.s32 $0xFFFFD300  }
0xb5: {  	_ =	swait.ge [sflag:s6], $0xA0  }
0xb6: {  	[sflag:s6] =	ssyncset.done $0x0  }
0xb7: {  	s17 =	simm.s32 $0x5DC0;
	s7 =	simm.s32 $0x140;
	[sflag:s6] =	ssyncadd.s32 $0xFFFFFF60  }
0xb8: {  	[tilespmem:s17], [sflag:$0x4] =	stream.indirect.gather [hbm4b:s1+s24], $0x90, s7, s24, $0xb8;
	[tilespmem:$0x1F2C0] =	vst v63  }
0xb9: {  	_ =	swait.ge [sflag:s8], $0x2D00  }
0xba: {  	[sflag:s8] =	ssyncset.done $0x0  }
0xbb: {  	[sflag:s8] =	ssyncadd.s32 $0xFFFFD300  }
0xbc: {  	[spmem:s3] =	stream.indirect.scatter.add.f32 [tilespmem:s22], [sflag:$0x6], $0x90, s24, s24, $0xb8;
	[tilespmem:$0x1F2C0] =	vst v63  }
0xbd: {  	_ =	swait.ge [sflag:s10], $0x2D00  }
0xbe: {  	[sflag:s10] =	ssyncset.done $0x0  }
0xbf: {  	[sflag:s10] =	ssyncadd.s32 $0xFFFFD300  }
0xc0: {  	_ =	swait.ge [sflag:s30], $0xA0  }
0xc1: {  	[sflag:s30] =	ssyncset.done $0x0  }
0xc2: {  	s12 =	simm.s32 $0x1E0;
	[sflag:s30] =	ssyncadd.s32 $0xFFFFFF60  }
0xc3: {  	[tilespmem:s22], [sflag:$0x5] =	stream.indirect.gather [hbm4b:s1+s24], $0x90, s12, s24, $0xb8;
	[tilespmem:$0x1F2C0] =	vst v63  }
0xc4: {  	_ =	swait.ge [sflag:s11], $0x2D00  }
0xc5: {  	[sflag:s11] =	ssyncset.done $0x0  }
0xc6: {  	s18 =	simm.s32 $0xF0;
	s15 =	simm.s32 $0x30C0;
	[sflag:s11] =	ssyncadd.s32 $0xFFFFD300  }
0xc7: {  	[spmem:s3] =	stream.indirect.scatter.add.f32 [tilespmem:s15], [sflag:$0x7], $0x90, s18, s24, $0xb8;
	[tilespmem:$0x1F2C0] =	vst v63  }
0xc8: {  	_ =	swait.ge [sflag:s13], $0x2D00  }
0xc9: {  	[sflag:s13] =	ssyncset.done $0x0  }
0xca: {  	[sflag:s13] =	ssyncadd.s32 $0xFFFFD300  }
0xcb: {  	_ =	swait.ge [sflag:s2], $0xA0  }
0xcc: {  	[sflag:s2] =	ssyncset.done $0x0  }
0xcd: {  	s16 =	simm.s32 $0x280;
	[sflag:s2] =	ssyncadd.s32 $0xFFFFFF60  }
0xce: {  	[tilespmem:s15], [sflag:$0x4] =	stream.indirect.gather [hbm4b:s1+s24], $0x90, s16, s24, $0xb8;
	[tilespmem:$0x1F2C0] =	vst v63  }
0xcf: {  	_ =	swait.ge [sflag:s8], $0x2D00  }
0xd0: {  	[sflag:s8] =	ssyncset.done $0x0  }
0xd1: {  	s19 =	simm.s32 $0x190;
	[sflag:s8] =	ssyncadd.s32 $0xFFFFD300  }
0xd2: {  	[spmem:s3] =	stream.indirect.scatter.add.f32 [tilespmem:s17], [sflag:$0x8], $0x90, s19, s24, $0xb8;
	[tilespmem:$0x1F2C0] =	vst v63  }
0xd3: {  	_ =	swait.ge [sflag:s9], $0x2D00  }
0xd4: {  	[sflag:s9] =	ssyncset.done $0x0  }
0xd5: {  	[sflag:s9] =	ssyncadd.s32 $0xFFFFD300  }
0xd6: {  	_ =	swait.ge [sflag:s11], $0x2D00  }
0xd7: {  	[sflag:s11] =	ssyncset.done $0x0  }
0xd8: {  	s20 =	simm.s32 $0x230;
	[sflag:s11] =	ssyncadd.s32 $0xFFFFD300  }
0xd9: {  	[spmem:s3] =	stream.indirect.scatter.add.f32 [tilespmem:s22], [sflag:$0x6], $0x90, s20, s24, $0xb8;
	[tilespmem:$0x1F2C0] =	vst v63  }
0xda: {  	_ =	swait.ge [sflag:s10], $0x2D00  }
0xdb: {  	[sflag:s10] =	ssyncset.done $0x0  }
0xdc: {  	[sflag:s10] =	ssyncadd.s32 $0xFFFFD300  }
0xdd: {  	_ =	swait.ge [sflag:s8], $0x2D00  }
0xde: {  	[sflag:s8] =	ssyncset.done $0x0  }
0xdf: {  	s21 =	simm.s32 $0x2D0;
	[sflag:s8] =	ssyncadd.s32 $0xFFFFD300  }
0xe0: {  	[spmem:s3] =	stream.indirect.scatter.add.f32 [tilespmem:s15], [sflag:$0x7], $0x90, s21, s24, $0xb8;
	[tilespmem:$0x1F2C0] =	vst v63  }
0xe1: {  	_ =	swait.ge [sflag:s13], $0x2D00  }
0xe2: {  	[sflag:s13] =	ssyncset.done $0x0  }
0xe3: {  	[sflag:s13] =	ssyncadd.s32 $0xFFFFD300  }
0xe4: {  	s25 =	stileid.u32;
	[bflag:$0x0] =	sbarrier.arrive $0xFFFF  }
0xe5: {  	s0 =	sshll.u32 s25, $0x6;
	s28 =	rddreg [dreg:$0xa]  }
0xe6: {  	s0 =	sor.u32 $0x1C09, s0;
	s29 =	rddreg [dreg:$0x15]  }
0xe7: {  	[hbm:s28], [sflag:s0] =	dma.local [spmem:s29], $0x2D00  }
0xe8: {  	_ =	swait.ge [sflag:s23], $0x2D00  }
0xe9: {  	s14 =	sadd.s32 $0x1, s14;
	s31 =	rddreg [dreg:$0xc]  }
0xea: {  	p0 =	sne.s32 s14, s31  }
.Ltmp2:
0xeb: {  	_ = 	snop;
	(pc) =	sbr.rel @p0 .LBB2_1-.Ltmp2, $3  }
0xec: {  	_ =	sdelay $0x1  }
0xed: {  	[sflag:s23] =	ssyncset.done $0x0  }
0xee: {  	[sflag:s23] =	ssyncadd.s32 $0xFFFFD300  }
0xef: {  	_ =	sfence.sel $0x180000  }
0xf0: {  	[bflag:$0x0] =	sbarrier.arrive $0xFFFF  }
0xf1: {  	_ =	strace $0x90000047  }
0xf2: {  	s0 =	stileid.u32;
	[bflag:$0x2] =	sbarrier.arrive $0xFFFF  }
0xf3: {  	p0 =	sne.s32 s0, $0x0;
	s0 =	rddreg [dreg:$0x3]  }
0xf4: {  	s0 =	sadd.s32 @!p0 $0x100000, s0  }
0xf5: {  	[sflag:s0] =	ssyncadd.tile.s32 @!p0 $0x1;
	_ =	shalt  }
.Lfunc_end2:
_tile_overlayer_lowered:
.L_overlay_start_2:
0xf6: {  	(tag) =	ssettag $0x2  }
0xf7: {  	s0 =	rddreg [dreg:$0x0];
	s2 =	stileid.u32  }
0xf8: {  	s1 =	rddreg [dreg:$0x1];
	p0 =	sne.s32 s2, $0x0  }
0xf9: {  	s3 =	rddreg [dreg:$0x2];
	[bflag:$0x3] =	sbarrier.arrive $0xFFFF;
	s2 =	simm.s32 @!p0 $0x1C09  }
0xfa: {  	[timem:s3], [sflag:s2] =	dma.local @!p0 [hbm:s0], s1  }
0xfb: {  	s0 =	simm.s32 @!p0 $0x9  }
0xfc: {  	_ =	swait.ge @!p0 [sflag:s0], s1  }
0xfd: {  	s1 =	ssub.s32 @!p0 $0x0, s1;
	[sflag:s0] =	ssyncset.done @!p0 $0x0  }
0xfe: {  	[sflag:s0] =	ssyncadd.s32 @!p0 s1  }
0xff: {  	[bflag:$0x3] =	sbarrier.arrive $0xFFFF  }
0x100: {  	_ =	shalt  }

// kernel: kernel.9.cloned.1.call-start
scs
__scs_entry_jumppad:
0x0: {  	(pc) =	sbr.rel $0x88, $3  }
0x1: {  	(tag) =	ssettag $0x0;
	lr =	simm.s32 $0x1  }
0x2: {  	[smem:$0x3F99] =	sst lr;
	_ =	strace $0xD0000000  }
0x3: {  	_ = 	snop  }
0x4: {  	_ = 	snop  }
0x5: {  	_ = 	snop  }
0x6: {  	_ = 	snop  }
0x7: {  	_ = 	snop  }
__scs_overlays_trampoline_lowered:
0x8: {  	[smem:$0x3FA8] =	sst s0  }
0x9: {  	[smem:$0x3FA9] =	sst s1  }
0xa: {  	[smem:$0x3FAA] =	sst s2  }
0xb: {  	[smem:$0x3FAB] =	sst s3  }
0xc: {  	[smem:$0x3FAC] =	sst s4  }
0xd: {  	[smem:$0x3FAD] =	sst s5  }
0xe: {  	[smem:$0x3FAE] =	sst s6  }
0xf: {  	[smem:$0x3FAF] =	sst s7  }
0x10: {  	[smem:$0x3FB0] =	sst s8  }
0x11: {  	[smem:$0x3FB1] =	sst s9;
	s0 =	simm.s32 @!p0 $0x0  }
0x12: {  	s1 =	sld [smem:$0x3F97];
	s0 =	simm.s32 @p0 $0x1  }
0x13: {  	[smem:$0x3FB2] =	sst s0;
	s0 =	simm.s32 @!p1 $0x0  }
0x14: {  	s2 =	sld [smem:$0x3F96];
	s0 =	simm.s32 @p1 $0x1  }
0x15: {  	[smem:$0x3FB3] =	sst s0;
	s0 =	simm.s32 @!p2 $0x0  }
0x16: {  	s3 =	sld [smem:$0x3FDB];
	s0 =	simm.s32 @p2 $0x1  }
0x17: {  	s4 =	simm.s32 $0x1BF5;
	[smem:$0x3FB5] =	sst s0  }
0x18: {  	s0 =	sld [smem:$0x3F98];
	_ =	swait.ge [sflag:s4], $0x0  }
0x19: {  	s7 =	sld [smem:$0x3F99]  }
0x1a: {  	s8 =	sadd.s32 $0xFFFFE003, lr  }
0x1b: {  	s9 =	sadd.s32 $0xFFFFFEF7, lr;
	s5 =	simm.s32 $0xFFFFFFFF;
	p2 =	slt.u32 s8, $0xFFFFF086  }
0x1c: {  	p1 =	slt.u32 s9, $0xF7A;
	s5 =	simm.s32 @!p2 $0x0  }
0x1d: {  	s5 =	simm.s32 @p1 $0x1;
	p0 =	seq.s32 s7, s2  }
0x1e: {  	s7 =	smul.u32 @!p0 $0xF7A, s2;
	p2 =	seq.s32 @!p0 s5, $0x0  }
0x1f: {  	s9 =	smul.u32 $0xF7A, s1;
	s8 =	simm.s32 @!p0 $0x1BF5;
	p2 =	por !p2, p0  }
0x20: {  	[sflag:s8] =	ssyncset.s32 @!p0 $0xFFFFF086;
	s6 =	sadd.s32 @!p0 s3, s7;
	s7 =	simm.s32 @!p0 $0x108  }
0x21: {  	s3 =	sadd.s32 s3, s9;
	s6 =	sadd.s32 @!p0 $0x88, s6;
	s7 =	simm.s32 @p2 $0x1082  }
0x22: {  	[simem:s7], [sflag:s8] =	dma.local @!p0 [hbm:s6], $0xF7A  }
0x23: {  	s9 =	sor.u32 $0xD0000000, s2;
	s6 =	simm.s32 $0x108;
	_ =	swait.ge @!p0 [sflag:s8], $0x0  }
0x24: {  	s3 =	sadd.s32 $0x88, s3;
	s6 =	simm.s32 @!p1 $0x1082;
	[sflag:s4] =	ssyncset.s32 $0xFFFFF086  }
0x25: {  	[simem:s6], [sflag:s4] =	dma.local [hbm:s3], $0xF7A  }
0x26: {  	[smem:$0x3F99] =	sst s1;
	(tag) =	ssettag s2;
	_ =	strace s9  }
0x27: {  	s1 =	sld [smem:$0x3FA9]  }
0x28: {  	s2 =	sld [smem:$0x3FAA]  }
0x29: {  	s4 =	sld [smem:$0x3FAC]  }
0x2a: {  	p0 =	seq.s32 s5, $0x0;
	s5 =	sld [smem:$0x3FAD]  }
0x2b: {  	s6 =	sld [smem:$0x3FAE]  }
0x2c: {  	s7 =	sld [smem:$0x3FAF]  }
0x2d: {  	s3 =	simm.s32 $0x108;
	s8 =	sld [smem:$0x3FB0]  }
0x2e: {  	s3 =	simm.s32 @!p0 $0x1082;
	s9 =	sld [smem:$0x3FB1]  }
0x2f: {  	lr =	sadd.s32 s0, s3;
	s0 =	sld [smem:$0x3FA8]  }
0x30: {  	s3 =	sld [smem:$0x3FAB]  }
0x31: {  	[smem:$0x3FB4] =	sst s10  }
0x32: {  	s10 =	sld [smem:$0x3FB2];
	_ =	sdelay $0x3  }
0x33: {  	p0 =	seq.s32 s10, $0x1;
	s10 =	sld [smem:$0x3FB4];
	_ =	sdelay $0x3  }
0x34: {  	[smem:$0x3FB4] =	sst s10  }
0x35: {  	s10 =	sld [smem:$0x3FB3];
	_ =	sdelay $0x3  }
0x36: {  	p1 =	seq.s32 s10, $0x1;
	s10 =	sld [smem:$0x3FB4];
	_ =	sdelay $0x3  }
0x37: {  	[smem:$0x3FB4] =	sst s10  }
0x38: {  	s10 =	sld [smem:$0x3FB5]  }
0x39: {  	_ = 	snop;
	(pc) =	sbr.ind lr, $3  }
0x3a: {  	_ = 	snop  }
0x3b: {  	_ = 	snop  }
0x3c: {  	p2 =	seq.s32 s10, $0x1;
	s10 =	sld [smem:$0x3FB4]  }
0x3d: {  	_ =	shalt  }
0x3e: {  	_ =	shalt  }
0x3f: {  	_ =	shalt  }
0x40: {  	_ =	shalt  }
0x41: {  	_ =	shalt  }
0x42: {  	_ =	shalt  }
0x43: {  	_ =	shalt  }
0x44: {  	_ =	shalt  }
0x45: {  	_ =	shalt  }
0x46: {  	_ =	shalt  }
0x47: {  	_ =	shalt  }
0x48: {  	_ =	shalt  }
0x49: {  	_ =	shalt  }
0x4a: {  	_ =	shalt  }
0x4b: {  	_ =	shalt  }
0x4c: {  	_ =	shalt  }
0x4d: {  	_ =	shalt  }
0x4e: {  	_ =	shalt  }
0x4f: {  	_ =	shalt  }
0x50: {  	_ =	shalt  }
0x51: {  	_ =	shalt  }
0x52: {  	_ =	shalt  }
0x53: {  	_ =	shalt  }
0x54: {  	_ =	shalt  }
0x55: {  	_ =	shalt  }
0x56: {  	_ =	shalt  }
0x57: {  	_ =	shalt  }
0x58: {  	_ =	shalt  }
0x59: {  	_ =	shalt  }
0x5a: {  	_ =	shalt  }
0x5b: {  	_ =	shalt  }
0x5c: {  	_ =	shalt  }
0x5d: {  	_ =	shalt  }
0x5e: {  	_ =	shalt  }
0x5f: {  	_ =	shalt  }
0x60: {  	_ =	shalt  }
0x61: {  	_ =	shalt  }
0x62: {  	_ =	shalt  }
0x63: {  	_ =	shalt  }
0x64: {  	_ =	shalt  }
0x65: {  	_ =	shalt  }
0x66: {  	_ =	shalt  }
0x67: {  	_ =	shalt  }
0x68: {  	_ =	shalt  }
0x69: {  	_ =	shalt  }
0x6a: {  	_ =	shalt  }
0x6b: {  	_ =	shalt  }
0x6c: {  	_ =	shalt  }
0x6d: {  	_ =	shalt  }
0x6e: {  	_ =	shalt  }
0x6f: {  	_ =	shalt  }
0x70: {  	_ =	shalt  }
0x71: {  	_ =	shalt  }
0x72: {  	_ =	shalt  }
0x73: {  	_ =	shalt  }
0x74: {  	_ =	shalt  }
0x75: {  	_ =	shalt  }
0x76: {  	_ =	shalt  }
0x77: {  	_ =	shalt  }
0x78: {  	_ =	shalt  }
0x79: {  	_ =	shalt  }
0x7a: {  	_ =	shalt  }
0x7b: {  	_ =	shalt  }
0x7c: {  	_ =	shalt  }
0x7d: {  	_ =	shalt  }
0x7e: {  	_ =	shalt  }
0x7f: {  	_ =	shalt  }
0x80: {  	_ =	shalt  }
0x81: {  	_ =	shalt  }
0x82: {  	_ =	shalt  }
0x83: {  	_ =	shalt  }
0x84: {  	_ =	shalt  }
0x85: {  	_ =	shalt  }
0x86: {  	_ =	shalt  }
0x87: {  	_ =	shalt  }
.Lfunc_end0:
.L_simem_size_0:
called_computation.1_lowered:
.L_overlay_start_0:
0x88: {  	s2 =	sld [smem:$0x3FD9]  }
0x89: {  	s3 =	sld [smem:$0x3FFE];
	_ =	sdelay $0x1  }
0x8a: {  	s1 =	srdreg.scid  }
0x8b: {  	s0 =	sand.u32 $0x1, s1  }
0x8c: {  	s17 =	sshll.u32 s0, $0xA;
	s2 =	sadd.s32 s3, s2  }
0x8d: {  	s2 =	sadd.s32 s2, s17  }
0x8e: {  	[smem:$0x3FC0] =	sst s2  }
0x8f: {  	_ = 	snop  }
0x90: {  	s2 =	sld [smem:$0x3FD0];
	(tm) =	ssettm $0x1  }
0x91: {  	s18 =	sld [smem:$0x3FFB];
	_ =	sdelay $0x3  }
0x92: {  	_ =	strace s18  }
0x93: {  	s3 =	sld [smem:$0x3FFC];
	_ =	sdelay $0x3  }
0x94: {  	_ =	strace s3  }
0x95: {  	s3 =	sld [smem:$0x3FFD];
	_ =	sdelay $0x3  }
0x96: {  	_ =	strace s3  }
0x97: {  	_ =	strace $0x8FFFFFFF  }
0x98: {  	s19 =	sld [smem:$0x3FDB];
	_ =	sdelay $0x1  }
0x99: {  	s4 =	simm.s32 $_scs_section_size  }
0x9a: {  	s5 =	simm.s32 $_size__tile_overlayer_lowered;
	s6 =	simm.s32 $_tile_overlayer_lowered  }
0x9b: {  	s22 =	simm.s32 $0x1BFF;
	s21 =	sshll.u32 s6, $0x1;
	s3 =	sadd.s32 s4, s19  }
0x9c: {  	s7 =	simm.s32 $0x0;
	s20 =	sshll.u32 s5, $0x1;
	s5 =	sadd.s32 s21, s3  }
0x9d: {  	[timem:s7], [sflag:s22] =	dma.local [hbm:s5], s20  }
0x9e: {  	_ =	swait.ge [sflag:s22], s20  }
0x9f: {  	s4 =	ssub.s32 $0x0, s20;
	[sflag:s22] =	ssyncset.done $0x0  }
0xa0: {  	[sflag:s22] =	ssyncadd.s32 s4;
	_ =	sdelay $0x1  }
0xa1: {  	s23 =	simm.s32 $0x1B8B  }
0xa2: {  	_ =	swait.ge [sflag:s23], $0x1  }
0xa3: {  	[sflag:s23] =	ssyncset.done $0x0  }
0xa4: {  	s25 =	simm.s32 $0x1B8E;
	s24 =	sld [smem:$0x3FFE];
	[sflag:s23] =	ssyncadd.s32 $0xFFFFFFFF  }
0xa5: {  	s26 =	simm.s32 $execute0_lowered;
	[smem:$0x3FD2] =	sst s25  }
0xa6: {  	s5 =	sshll.u32 s26, $0x1;
	_ =	strace $0x80000049;
	[dreg:$0x1] =	wrdreg $0xFFFFFFFF  }
0xa7: {  	s28 =	simm.s32 $_size_execute0_lowered;
	s3 =	sadd.s32 s3, s5;
	[dreg:$0x0] =	wrdreg $0x0  }
0xa8: {  	s5 =	sshll.u32 s28, $0x1;
	[dreg:$0x2] =	wrdreg s3  }
0xa9: {  	[dreg:$0x3] =	wrdreg s5  }
0xaa: {  	[dreg:$0x4] =	wrdreg $0xC0  }
0xab: {  	_ =	task [dreg:s7], $0x5FFFF  }
0xac: {  	[dreg:$0x1] =	wrdreg $0xFFFFFFFF  }
0xad: {  	[dreg:$0x0] =	wrdreg $0x60  }
0xae: {  	[dreg:$0x2] =	wrdreg s2  }
0xaf: {  	[dreg:$0x3] =	wrdreg s24  }
0xb0: {  	[dreg:$0x4] =	wrdreg $0x7BC00  }
0xb1: {  	[dreg:$0x5] =	wrdreg $0x9  }
0xb2: {  	_ =	task.clear_ibuf [dreg:s7], $0x6FFFF;
	_ =	strace $0x90000049  }
0xb3: {  	s29 =	simm.s32 $0x9;
	_ =	strace $0x8000004B  }
0xb4: {  	_ =	swait.ge [sflag:s29], $0x1  }
0xb5: {  	[sflag:s29] =	ssyncadd.s32 $0xFFFFFFFF  }
0xb6: {  	_ =	strace $0x9000004B  }
0xb7: {  	_ =	sfence  }
0xb8: {  	s30 =	sld [smem:$0x0];
	_ =	sdelay $0x2  }
0xb9: {  	s31 =	sshll.u32 s1, $0xD;
	s1 =	sshrl.u32 s1, $0x2  }
0xba: {  	s3 =	sand.u32 $0x4000, s31;
	s1 =	sadd.s32 s1, s30  }
0xbb: {  	s0 =	sor.u32 s3, s0;
	s1 =	sshll.u32 s1, $0x11  }
0xbc: {  	s0 =	sor.u32 s1, s0  }
0xbd: {  	s0 =	sadd.s32 $0x8F2B, s0  }
0xbe: {  	[sflag:s0] =	ssyncadd.remote.s32 $0x1  }
0xbf: {  	_ =	sfence.sel $0xFFFF  }
0xc0: {  	[dreg:$0x0] =	wrdreg $0xFFFFFFFF;
	(pc) =	sbr.abs _section_cstart, $3  }
0xc1: {  	[dreg:$0x1] =	wrdreg $0xFFFFFFFF  }
0xc2: {  	_ =	task.clear_ibuf [dreg:s7], $0x2FFFF;
	_ =	strace $0x9FFFFFFF  }
0xc3: {  	(tm) =	ssettm $0x7FFFFFFF  }
tec
execute0_lowered:
.L_overlay_start_1:
0x0: {  	(tag) =	ssettag $0x1  }
0x1: {  	s3 =	rddreg [dreg:$0x0];
	s0 =	srdreg.scid  }
0x2: {  	s2 =	rddreg [dreg:$0x1];
	s1 =	stileid.u32  }
0x3: {  	s23 =	rddreg [dreg:$0x2];
	s5 =	smul.u32 $0x14000, s1  }
0x4: {  	s6 =	simm.s32 $0x0;
	s10 =	simm.s32 $0x4;
	s12 =	smul.u32 $0x4E20, s1  }
0x5: {  	s0 =	sand.u32 $0x1, s0;
	[smem:$0x7FF] =	sst s6;
	s15 =	smul.u32 $0x50000, s1  }
0x6: {  	s7 =	sadd.s32 $0x2200, s2;
	s4 =	smul.u32 $0x140000, s0;
	s6 =	sshrl.u32 s12, $0x3  }
0x7: {  	_ =	strace $0x8000004A;
	s13 =	ssub.s32 $0x2, s0;
	s14 =	sadd.s32 s7, s6  }
0x8: {  	s8 =	sshrl.u32 s13, $0x1;
	s9 =	sadd.s32 $0xA, s14;
	[dreg:$0x6] =	wrdreg s14  }
0x9: {  	s4 =	sadd.s32 s5, s4;
	s16 =	sadd.s32 $0x14, s14;
	[dreg:$0x7] =	wrdreg s9  }
0xa: {  	s6 =	sshrl.u32 s15, $0x2;
	s17 =	sadd.s32 $0x1E, s14;
	[dreg:$0x8] =	wrdreg s16  }
0xb: {  	s4 =	sshrl.u32 s4, $0x3;
	s18 =	sadd.s32 $0x28, s14;
	[dreg:$0x9] =	wrdreg s17  }
0xc: {  	s20 =	sadd.s32 s6, s23;
	s2 =	sadd.s32 s4, s2;
	[dreg:$0xa] =	wrdreg s18  }
0xd: {  	s4 =	ssub.s32 s13, s8;
	s8 =	sadd.s32 $0x32, s14;
	[dreg:$0xd] =	wrdreg s20  }
0xe: {  	s22 =	smul.u32 $0x9C4, s1;
	s21 =	sadd.s32 $0x2800, s20;
	[dreg:$0xb] =	wrdreg s8  }
0xf: {  	s1 =	simm.s32 $0x9;
	s24 =	sadd.s32 $0x5000, s20;
	[dreg:$0xf] =	wrdreg s21  }
0x10: {  	s0 =	smul.u32 $0x2710, s0;
	s25 =	sadd.s32 $0x7800, s20;
	[dreg:$0x10] =	wrdreg s24  }
0x11: {  	s19 =	sadd.s32 s5, s23;
	s26 =	sadd.s32 $0xA000, s20;
	[dreg:$0x11] =	wrdreg s25  }
0x12: {  	s5 =	simm.s32 $0xA0;
	s28 =	sadd.s32 $0xC800, s20;
	[dreg:$0x12] =	wrdreg s26  }
0x13: {  	s6 =	simm.s32 $0x140;
	s29 =	sadd.s32 $0xF000, s20;
	[dreg:$0x13] =	wrdreg s28  }
0x14: {  	s30 =	sadd.s32 $0x11800, s20;
	s14 =	simm.s32 $0x4E200;
	[dreg:$0x14] =	wrdreg s29  }
0x15: {  	s9 =	simm.s32 $0x53C0;
	s2 =	sadd.s32 $0x15C00, s2;
	[dreg:$0x15] =	wrdreg s30  }
0x16: {  	s4 =	smax.u32 s4, $0x1;
	s8 =	simm.s32 $0x2;
	[dreg:$0xc] =	wrdreg s2  }
0x17: {  	[dreg:$0xe] =	wrdreg s4;
	s4 =	sadd.s32 s22, s7;
	s2 =	sshrl.u32 s19, $0x3  }
0x18: {  	s7 =	simm.s32 $0x1E0;
	s31 =	sadd.s32 $0x3C, s4;
	[dreg:$0x17] =	wrdreg s2  }
0x19: {  	v1 =	vimm.f32 $0.0e+00;
	v0 =	vmov s0;
	s4 =	simm.s32 $0x50;
	s2 =	simm.s32 $0x0;
	[dreg:$0x16] =	wrdreg s31  }
.LBB2_1:
0x1a: {  	[dreg:$0x18] =	wrdreg s2;
	s0 =	simm.s32 $0x70;
	s2 =	simm.s32 $0x3C0  }
.LBB2_2:
0x1b: {  	p0 =	sne.s32 s2, $0x9FC0;
	[tilespmem:s0+$0x3C0] =	vst v1  }
0x1c: {  	[tilespmem:s0+$0x350] =	vst v1  }
0x1d: {  	[tilespmem:s0+$0x360] =	vst v1  }
.Ltmp0:
0x1e: {  	[tilespmem:s0+$0x370] =	vst v1;
	(pc) =	sbr.rel @p0 .LBB2_2-.Ltmp0, $4  }
0x1f: {  	[tilespmem:s0+$0x380] =	vst v1  }
0x20: {  	[tilespmem:s0+$0x390] =	vst v1  }
0x21: {  	[tilespmem:s0+$0x3A0] =	vst v1  }
0x22: {  	[tilespmem:s0+$0x3B0] =	vst v1;
	s0 =	sshra.s32 s2, $0x2;
	s2 =	sadd.s32 $0x200, s2  }
0x23: {  	[tilespmem:s0+$0x3C0] =	vst v1  }
0x24: {  	[tilespmem:s0+$0x350] =	vst v1  }
0x25: {  	[tilespmem:s0+$0x360] =	vst v1  }
0x26: {  	[tilespmem:s0+$0x370] =	vst v1  }
0x27: {  	[tilespmem:s0+$0x380] =	vst v1  }
0x28: {  	[tilespmem:s0+$0x390] =	vst v1  }
0x29: {  	[tilespmem:s0+$0x3A0] =	vst v1  }
0x2a: {  	[tilespmem:s0+$0x3B0] =	vst v1;
	s31 =	simm.s32 $0x3C0;
	s18 =	rddreg [dreg:$0xd]  }
0x2b: {  	[spmem:s18] =	stream.linear.scatter [tilespmem:s31], [sflag:$0x9], $0x2800, $0x38;
	[tilespmem:$0x1BBC0] =	vst v63  }
0x2c: {  	_ =	swait.ge [sflag:s1], $0x2800  }
0x2d: {  	[sflag:s1] =	ssyncset.done $0x0  }
0x2e: {  	s19 =	rddreg [dreg:$0xf];
	[sflag:s1] =	ssyncadd.s32 $0xFFFFD800  }
0x2f: {  	[spmem:s19] =	stream.linear.scatter [tilespmem:s31], [sflag:$0x9], $0x2800, $0x38;
	[tilespmem:$0x1BBC0] =	vst v63  }
0x30: {  	_ =	swait.ge [sflag:s1], $0x2800  }
0x31: {  	[sflag:s1] =	ssyncset.done $0x0  }
0x32: {  	s20 =	rddreg [dreg:$0x10];
	[sflag:s1] =	ssyncadd.s32 $0xFFFFD800  }
0x33: {  	[spmem:s20] =	stream.linear.scatter [tilespmem:s31], [sflag:$0x9], $0x2800, $0x38;
	[tilespmem:$0x1BBC0] =	vst v63  }
0x34: {  	_ =	swait.ge [sflag:s1], $0x2800  }
0x35: {  	[sflag:s1] =	ssyncset.done $0x0  }
0x36: {  	s21 =	rddreg [dreg:$0x11];
	[sflag:s1] =	ssyncadd.s32 $0xFFFFD800  }
0x37: {  	[spmem:s21] =	stream.linear.scatter [tilespmem:s31], [sflag:$0x9], $0x2800, $0x38;
	[tilespmem:$0x1BBC0] =	vst v63  }
0x38: {  	_ =	swait.ge [sflag:s1], $0x2800  }
0x39: {  	[sflag:s1] =	ssyncset.done $0x0  }
0x3a: {  	s22 =	rddreg [dreg:$0x12];
	[sflag:s1] =	ssyncadd.s32 $0xFFFFD800  }
0x3b: {  	[spmem:s22] =	stream.linear.scatter [tilespmem:s31], [sflag:$0x9], $0x2800, $0x38;
	[tilespmem:$0x1BBC0] =	vst v63  }
0x3c: {  	_ =	swait.ge [sflag:s1], $0x2800  }
0x3d: {  	[sflag:s1] =	ssyncset.done $0x0  }
0x3e: {  	s24 =	rddreg [dreg:$0x13];
	[sflag:s1] =	ssyncadd.s32 $0xFFFFD800  }
0x3f: {  	[spmem:s24] =	stream.linear.scatter [tilespmem:s31], [sflag:$0x9], $0x2800, $0x38;
	[tilespmem:$0x1BBC0] =	vst v63  }
0x40: {  	_ =	swait.ge [sflag:s1], $0x2800  }
0x41: {  	[sflag:s1] =	ssyncset.done $0x0  }
0x42: {  	s25 =	rddreg [dreg:$0x14];
	[sflag:s1] =	ssyncadd.s32 $0xFFFFD800  }
0x43: {  	[spmem:s25] =	stream.linear.scatter [tilespmem:s31], [sflag:$0x9], $0x2800, $0x38;
	[tilespmem:$0x1BBC0] =	vst v63  }
0x44: {  	_ =	swait.ge [sflag:s1], $0x2800  }
0x45: {  	[sflag:s1] =	ssyncset.done $0x0  }
0x46: {  	s26 =	rddreg [dreg:$0x15];
	[sflag:s1] =	ssyncadd.s32 $0xFFFFD800  }
0x47: {  	[spmem:s26] =	stream.linear.scatter [tilespmem:s31], [sflag:$0x9], $0x2800, $0x38;
	[tilespmem:$0x1BBC0] =	vst v63  }
0x48: {  	_ =	swait.ge [sflag:s1], $0x2800  }
0x49: {  	[sflag:s1] =	ssyncset.done $0x0  }
0x4a: {  	[sflag:s1] =	ssyncadd.s32 $0xFFFFD800  }
0x4b: {  	[bflag:$0x0] =	sbarrier.arrive $0xFFFF  }
0x4c: {  	s30 =	simm.s32 $0x0;
	s2 =	rddreg [dreg:$0x6]  }
0x4d: {  	[tilespmem:s30], [sflag:$0x1] =	stream.strided.gather [hbm4b:s2+s4], $0xA0, s14, s4, $0x38;
	[tilespmem:$0x1BBC0] =	vst v63  }
0x4e: {  	s11 =	rddreg [dreg:$0x7]  }
0x4f: {  	[tilespmem:s5], [sflag:$0x2] =	stream.strided.gather [hbm4b:s11+s4], $0xA0, s14, s4, $0x38;
	[tilespmem:$0x1BBC0] =	vst v63  }
0x50: {  	s12 =	rddreg [dreg:$0x8];
	s2 =	simm.s32 $0x1  }
0x51: {  	[tilespmem:s6], [sflag:$0x3] =	stream.strided.gather [hbm4b:s12+s4], $0xA0, s14, s4, $0x38;
	[tilespmem:$0x1BBC0] =	vst v63  }
0x52: {  	_ =	swait.ge [sflag:s2], $0xA0  }
0x53: {  	[sflag:s2] =	ssyncset.done $0x0  }
0x54: {  	[sflag:s2] =	ssyncadd.s32 $0xFFFFFF60  }
0x55: {  	v2 =	vld [tilespmem:$0x0]  }
0x56: {  	v3 =	vld [tilespmem:$0x10]  }
0x57: {  	v4 =	vld [tilespmem:$0x20]  }
0x58: {  	v5 =	vld [tilespmem:$0x30]  }
0x59: {  	v6 =	vld [tilespmem:$0x40]  }
0x5a: {  	v2 =	vadd.s32 v0, v2  }
0x5b: {  	[tilespmem:$0x0] =	vst v2;
	v2 =	vadd.s32 v0, v3  }
0x5c: {  	[tilespmem:$0x10] =	vst v2;
	v2 =	vadd.s32 v0, v4  }
0x5d: {  	[tilespmem:$0x20] =	vst v2;
	v2 =	vadd.s32 v0, v5  }
0x5e: {  	[tilespmem:$0x30] =	vst v2;
	v2 =	vadd.s32 v0, v6  }
0x5f: {  	[tilespmem:$0x40] =	vst v2  }
0x60: {  	[tilespmem:s31], [sflag:$0x4] =	stream.indirect.gather [hbm4b:s3+s4], $0x80, s30, s4, $0xb8;
	[tilespmem:$0x1BBC0] =	vst v63  }
0x61: {  	s13 =	rddreg [dreg:$0x9]  }
0x62: {  	[tilespmem:s7], [sflag:$0x1] =	stream.strided.gather [hbm4b:s13+s4], $0xA0, s14, s4, $0x38;
	[tilespmem:$0x1BBC0] =	vst v63  }
0x63: {  	_ =	swait.ge [sflag:s8], $0xA0  }
0x64: {  	[sflag:s8] =	ssyncset.done $0x0  }
0x65: {  	[sflag:s8] =	ssyncadd.s32 $0xFFFFFF60  }
0x66: {  	v2 =	vld [tilespmem:$0xA0]  }
0x67: {  	v3 =	vld [tilespmem:$0xB0]  }
0x68: {  	v58 =	vld [tilespmem:$0xC0]  }
0x69: {  	v59 =	vld [tilespmem:$0xD0]  }
0x6a: {  	v60 =	vld [tilespmem:$0xE0]  }
0x6b: {  	v2 =	vadd.s32 v0, v2  }
0x6c: {  	[tilespmem:$0xA0] =	vst v2;
	v2 =	vadd.s32 v0, v3  }
0x6d: {  	[tilespmem:$0xB0] =	vst v2;
	v2 =	vadd.s32 v0, v58  }
0x6e: {  	[tilespmem:$0xC0] =	vst v2;
	v2 =	vadd.s32 v0, v59  }
0x6f: {  	[tilespmem:$0xD0] =	vst v2;
	v2 =	vadd.s32 v0, v60  }
0x70: {  	s28 =	simm.s32 $0x2BC0;
	[tilespmem:$0xE0] =	vst v2  }
0x71: {  	[tilespmem:s28], [sflag:$0x5] =	stream.indirect.gather [hbm4b:s3+s4], $0x80, s5, s4, $0xb8;
	[tilespmem:$0x1BBC0] =	vst v63  }
0x72: {  	s16 =	simm.s32 $0x280;
	s26 =	simm.s32 $0x3;
	s15 =	rddreg [dreg:$0xa]  }
0x73: {  	[tilespmem:s16], [sflag:$0x2] =	stream.strided.gather [hbm4b:s15+s4], $0xA0, s14, s4, $0x38;
	[tilespmem:$0x1BBC0] =	vst v63  }
0x74: {  	_ =	swait.ge [sflag:s26], $0xA0  }
0x75: {  	[sflag:s26] =	ssyncset.done $0x0  }
0x76: {  	[sflag:s26] =	ssyncadd.s32 $0xFFFFFF60  }
0x77: {  	v2 =	vld [tilespmem:$0x140]  }
0x78: {  	v3 =	vld [tilespmem:$0x150]  }
0x79: {  	s17 =	simm.s32 $0x0;
	v61 =	vld [tilespmem:$0x160]  }
0x7a: {  	s0 =	smul.u32 $0x5556, s17;
	v62 =	vld [tilespmem:$0x170]  }
0x7b: {  	v63 =	vld [tilespmem:$0x180]  }
0x7c: {  	s21 =	sshrl.u32 s0, $0x1F;
	s0 =	sshrl.u32 s0, $0x10;
	v2 =	vadd.s32 v0, v2  }
0x7d: {  	s0 =	sadd.s32 s21, s0;
	[tilespmem:$0x140] =	vst v2;
	v2 =	vadd.s32 v0, v3  }
0x7e: {  	s0 =	smul.u32 $0x3, s0;
	[tilespmem:$0x150] =	vst v2;
	v2 =	vadd.s32 v0, v61  }
0x7f: {  	[tilespmem:$0x160] =	vst v2;
	v2 =	vadd.s32 v0, v62  }
0x80: {  	s0 =	ssub.s32 $0x0, s0;
	[tilespmem:$0x170] =	vst v2;
	v2 =	vadd.s32 v0, v63  }
0x81: {  	s29 =	simm.s32 $0x4;
	s0 =	sshll.u32 s0, $0x10;
	[tilespmem:$0x180] =	vst v2  }
0x82: {  	[tilespmem:s9], [sflag:$0x4] =	stream.indirect.gather [hbm4b:s3+s4], $0x80, s6, s4, $0xb8;
	[tilespmem:$0x1BBC0] =	vst v63  }
0x83: {  	s17 =	simm.s32 $0x53C0;
	s0 =	sshra.s32 s0, $0x10;
	_ =	swait.ge [sflag:s10], $0x2800  }
0x84: {  	s19 =	simm.s32 $0x320;
	p0 =	slt.s32 s0, $0x0;
	[sflag:s10] =	ssyncset.done $0x0  }
0x85: {  	s20 =	sand.u32 $0xFF, s26;
	s25 =	smulhi.u32 $0xAAAAAAAB, s2;
	[sflag:s10] =	ssyncadd.s32 $0xFFFFD800  }
0x86: {  	[spmem:s23] =	stream.indirect.scatter.add.f32 [tilespmem:s31], [sflag:$0x6], $0x80, s4, s4, $0xb8;
	[tilespmem:$0x1BBC0] =	vst v63  }
0x87: {  	s11 =	simm.s32 $0x5;
	s12 =	simm.s32 $0x6;
	s18 =	rddreg [dreg:$0xb]  }
0x88: {  	[tilespmem:s19], [sflag:$0x3] =	stream.strided.gather [hbm4b:s18+s4], $0xA0, s14, s4, $0x38;
	[tilespmem:$0x1BBC0] =	vst v63  }
0x89: {  	s2 =	simm.s32 $0x1;
	s7 =	sadd.s32 $0x3, s0;
	s4 =	smul.u32 $0xAB, s20  }
0x8a: {  	s30 =	sand.u32 $0x1, s26;
	s13 =	sshrl.u32 s25, $0x1;
	s0 =	smov.u32 @p0 s7  }
0x8b: {  	s0 =	sadd.s32 $0x6, s0;
	s5 =	simm.s32 $0x7;
	s22 =	sshrl.u32 s4, $0x9  }
0x8c: {  	s15 =	simm.s32 $0xF0;
	s4 =	sshrl.u32 s4, $0xA;
	s6 =	smul.u32 $0x3, s22  }
0x8d: {  	s9 =	simm.s32 $0x7;
	s10 =	sor.u32 $0x4, s30;
	s4 =	smul.u32 $0x6, s4  }
0x8e: {  	s20 =	simm.s32 $0x8;
	s18 =	simm.s32 $0x460;
	s6 =	ssub.s32 $0x3, s6  }
0x8f: {  	_ =	swait.ge [sflag:s0], $0x2800;
	s4 =	ssub.s32 $0x3, s4;
	s6 =	sand.u32 $0xFF, s6  }
0x90: {  	[sflag:s0] =	ssyncset.done $0x0;
	s4 =	sand.u32 $0xFF, s4;
	s24 =	smul.u32 $0xA000, s6  }
0x91: {  	[sflag:s0] =	ssyncadd.s32 $0xFFFFD800;
	s4 =	smul.u32 $0x280, s4;
	s6 =	sadd.s32 $0x1, s6  }
0x92: {  	s19 =	simm.s32 $0x8;
	s0 =	simm.s32 $0x10000;
	_ =	swait.ge [sflag:s6], $0xA0  }
0x93: {  	s7 =	sshrl.u32 s24, $0x2;
	s8 =	sshrl.u32 s4, $0x2;
	[sflag:s6] =	ssyncset.done $0x0  }
0x94: {  	s4 =	simm.s32 $0x2;
	s21 =	rddreg [dreg:$0x16];
	[sflag:s6] =	ssyncadd.s32 $0xFFFFFF60  }
0x95: {  	s24 =	simm.s32 $0x7;
	s16 =	sadd.s32 $0xA, s21;
	s6 =	sshrl.u32 s25, $0x2;
	v2 =	vld [tilespmem:s8+$0x0]  }
.LBB2_4:
0x96: {  	s1 =	sshra.s32 s0, $0x10;
	s3 =	smul.u32 $0xFFFFFFF4, s13  }
0x97: {  	s22 =	smov.u32 s11;
	s25 =	sadd.s32 $0x1, s11;
	s30 =	smov.u32 s4  }
0x98: {  	p0 =	sne.s32 s11, $0xF6;
	s0 =	smov.u32 s19;
	s6 =	smul.u32 $0xFFFFF100, s6  }
0x99: {  	s26 =	sadd.s32 $0xFFFFFFFE, s26;
	s4 =	sadd.s32 $0x1, s4;
	s19 =	sadd.s32 $0x1, s19  }
0x9a: {  	[dreg:$0x5] =	wrdreg s30;
	s30 =	smov.u32 s5;
	s5 =	smul.u32 $0xFFFE2000, s13  }
0x9b: {  	v3 =	vld [tilespmem:s8+$0x10];
	[dreg:$0x4] =	wrdreg s25;
	s13 =	sor.u32 $0x3C0, s7;
	s25 =	smulhi.u32 $0xAAAAAAAB, s12  }
0x9c: {  	v4 =	vld [tilespmem:s8+$0x20];
	s1 =	smul.u32 $0x5556, s1;
	s12 =	smov.u32 s24;
	s3 =	sshra.s32 s3, $0x2  }
0x9d: {  	v5 =	vld [tilespmem:s8+$0x30];
	s24 =	sadd.s32 $0x1, s24;
	s14 =	sshra.s32 s6, $0x2;
	s7 =	sadd.s32 s3, s9  }
0x9e: {  	v6 =	vld [tilespmem:s8+$0x40];
	s6 =	sshra.s32 s5, $0x2;
	s3 =	sadd.s32 s14, s15;
	s11 =	sshrl.u32 s25, $0x2  }
0x9f: {  	s9 =	smov.u32 s20;
	s5 =	sand.u32 $0xFF, s29;
	v2 =	vadd.s32 v0, v2;
	s6 =	sadd.s32 s6, s28  }
0xa0: {  	s28 =	sshrl.u32 s1, $0x1F;
	s1 =	sshrl.u32 s1, $0x10;
	s11 =	smul.u32 $0xFFFFF100, s11;
	[tilespmem:s8+$0x0] =	vst v2;
	v2 =	vadd.s32 v0, v3  }
0xa1: {  	s14 =	smov.u32 s23;
	s23 =	smul.u32 $0xAB, s5;
	s1 =	sadd.s32 s28, s1;
	[tilespmem:s8+$0x10] =	vst v2;
	v2 =	vadd.s32 v0, v4  }
0xa2: {  	s15 =	sadd.s32 $0xA0, s15;
	s20 =	sadd.s32 $0x1, s20;
	s1 =	smul.u32 $0x3, s1;
	[tilespmem:s8+$0x20] =	vst v2;
	v2 =	vadd.s32 v0, v5  }
0xa3: {  	s5 =	simm.s32 $0x50;
	s28 =	rddreg [dreg:$0x0];
	s11 =	sshra.s32 s11, $0x2;
	[tilespmem:s8+$0x30] =	vst v2;
	v2 =	vadd.s32 v0, v6  }
0xa4: {  	s11 =	sadd.s32 s11, s31;
	s31 =	smov.u32 s18;
	s1 =	ssub.s32 s2, s1;
	[tilespmem:s8+$0x40] =	vst v2  }
0xa5: {  	[tilespmem:s13], [sflag:s10] =	stream.indirect.gather [hbm4b:s28+s5], $0x80, s8, s5, $0xb8;
	[tilespmem:$0x1BBC0] =	vst v63  }
0xa6: {  	s18 =	sadd.s32 $0xA0, s18;
	s1 =	sshll.u32 s1, $0x10;
	s13 =	sshrl.u32 s23, $0xA  }
0xa7: {  	s23 =	sshrl.u32 s23, $0x9;
	s1 =	sshra.s32 s1, $0x10;
	s28 =	smov.u32 s17  }
0xa8: {  	s8 =	smul.u32 $0x6, s13;
	s13 =	sshrl.u32 s25, $0x1;
	s25 =	sand.u32 $0x1, s26  }
0xa9: {  	s26 =	smul.u32 $0x3, s23;
	p1 =	slt.s32 s1, $0x0;
	s23 =	sadd.s32 $0x3, s1  }
0xaa: {  	s25 =	sor.u32 $0x4, s25;
	s13 =	smul.u32 $0xFFFFFFF4, s13;
	s1 =	smov.u32 @p1 s23  }
0xab: {  	s23 =	smov.u32 s14;
	s14 =	simm.s32 $0x4E200;
	s8 =	ssub.s32 s29, s8  }
0xac: {  	_ =	swait.ge [sflag:s25], $0x2800;
	s2 =	ssub.s32 s29, s26;
	s1 =	sadd.s32 $0x6, s1  }
0xad: {  	s8 =	sand.u32 $0xFF, s8;
	[sflag:s25] =	ssyncset.done $0x0;
	s26 =	sshra.s32 s13, $0x2  }
0xae: {  	s2 =	sand.u32 $0xFF, s2;
	[sflag:s25] =	ssyncadd.s32 $0xFFFFD800;
	s10 =	sadd.s32 s26, s30  }
0xaf: {  	[spmem:s23] =	stream.indirect.scatter.add.f32 [tilespmem:s6], [sflag:s7], $0x80, s3, s5, $0xb8;
	[tilespmem:$0x1BBC0] =	vst v63  }
0xb0: {  	s26 =	smov.u32 s29;
	s29 =	smov.u32 s22;
	s22 =	smul.u32 $0x280, s8  }
0xb1: {  	[tilespmem:s11], [sflag:s10] =	stream.strided.gather [hbm4b:s21+s5], $0xA0, s14, s5, $0x38;
	[tilespmem:$0x1BBC0] =	vst v63  }
0xb2: {  	s17 =	sadd.s32 $0x2800, s17;
	s13 =	sadd.s32 $0x1, s2;
	_ =	swait.ge [sflag:s1], $0x2800  }
0xb3: {  	s30 =	sand.u32 $0x1, s26;
	s8 =	sshrl.u32 s22, $0x2;
	[sflag:s1] =	ssyncset.done $0x0  }
0xb4: {  	s5 =	smov.u32 s0;
	s11 =	smul.u32 $0xA000, s2;
	[sflag:s1] =	ssyncadd.s32 $0xFFFFD800  }
.Ltmp1:
0xb5: {  	s21 =	smov.u32 s16;
	_ =	swait.ge [sflag:s13], $0xA0;
	(pc) =	sbr.rel @p0 .LBB2_4-.Ltmp1, $4  }
0xb6: {  	s16 =	sadd.s32 $0xA, s16;
	s2 =	sadd.s32 $0xFFFFFFFD, s29;
	s25 =	rddreg [dreg:$0x5]  }
0xb7: {  	s10 =	sor.u32 $0x4, s30;
	[sflag:s13] =	ssyncset.done $0x0;
	s1 =	smulhi.u32 $0xAAAAAAAB, s25  }
0xb8: {  	s0 =	sshll.u32 s2, $0x10;
	s7 =	sshrl.u32 s11, $0x2;
	[sflag:s13] =	ssyncadd.s32 $0xFFFFFF60  }
0xb9: {  	s11 =	rddreg [dreg:$0x4];
	v2 =	vld [tilespmem:s8+$0x0];
	s13 =	sshrl.u32 s1, $0x1;
	s6 =	sshrl.u32 s1, $0x2  }
0xba: {  	v3 =	vld [tilespmem:s8+$0x10]  }
0xbb: {  	v4 =	vld [tilespmem:s8+$0x20]  }
0xbc: {  	v5 =	vld [tilespmem:s8+$0x30]  }
0xbd: {  	v6 =	vld [tilespmem:s8+$0x40]  }
0xbe: {  	v2 =	vadd.s32 v0, v2  }
0xbf: {  	[tilespmem:s8+$0x0] =	vst v2;
	v2 =	vadd.s32 v0, v3  }
0xc0: {  	[tilespmem:s8+$0x10] =	vst v2;
	v2 =	vadd.s32 v0, v4  }
0xc1: {  	s1 =	smul.u32 $0xFFFFFFF4, s13;
	s3 =	sor.u32 $0x3C0, s7;
	[tilespmem:s8+$0x20] =	vst v2;
	v2 =	vadd.s32 v0, v5  }
0xc2: {  	s22 =	rddreg [dreg:$0x0];
	s6 =	smul.u32 $0xFFFFF100, s6;
	s0 =	sshra.s32 s0, $0x10;
	[tilespmem:s8+$0x30] =	vst v2;
	v2 =	vadd.s32 v0, v6  }
0xc3: {  	s25 =	simm.s32 $0x50;
	s11 =	sadd.s32 $0xFFFFFFFE, s26;
	s0 =	smul.u32 $0x5556, s0;
	[tilespmem:s8+$0x40] =	vst v2  }
0xc4: {  	[tilespmem:s3], [sflag:s10] =	stream.indirect.gather [hbm4b:s22+s25], $0x80, s8, s25, $0xb8;
	[tilespmem:$0x1BBC0] =	vst v63  }
0xc5: {  	s7 =	sand.u32 $0x1, s11;
	s1 =	sshra.s32 s1, $0x2;
	s10 =	smul.u32 $0xFFFE2000, s13  }
0xc6: {  	s7 =	sor.u32 $0x4, s7;
	s6 =	sshra.s32 s6, $0x2;
	s13 =	smulhi.u32 $0xAAAAAAAB, s12  }
0xc7: {  	s1 =	sadd.s32 s1, s9;
	s6 =	sadd.s32 s6, s15;
	_ =	swait.ge [sflag:s7], $0x2800  }
0xc8: {  	s3 =	sshra.s32 s10, $0x2;
	[sflag:s7] =	ssyncset.done $0x0;
	s26 =	sshrl.u32 s13, $0x2  }
0xc9: {  	s30 =	sshrl.u32 s13, $0x1;
	s3 =	sadd.s32 s3, s28;
	[sflag:s7] =	ssyncadd.s32 $0xFFFFD800  }
0xca: {  	[spmem:s23] =	stream.indirect.scatter.add.f32 [tilespmem:s3], [sflag:s1], $0x80, s6, s25, $0xb8;
	[tilespmem:$0x1BBC0] =	vst v63  }
0xcb: {  	s28 =	sshrl.u32 s0, $0x1F;
	s0 =	sshrl.u32 s0, $0x10;
	s1 =	smul.u32 $0xFFFFF100, s26  }
0xcc: {  	s0 =	sadd.s32 s28, s0;
	s3 =	smul.u32 $0xFFFFFFF4, s30  }
0xcd: {  	s0 =	smul.u32 $0x3, s0  }
0xce: {  	s1 =	sshra.s32 s1, $0x2;
	s3 =	sshra.s32 s3, $0x2  }
0xcf: {  	s0 =	ssub.s32 s2, s0;
	s1 =	sadd.s32 s1, s31;
	s31 =	sand.u32 $0xFF, s29  }
0xd0: {  	s3 =	sadd.s32 s3, s5;
	s0 =	sshll.u32 s0, $0x10;
	s2 =	smul.u32 $0xAB, s31  }
0xd1: {  	[tilespmem:s1], [sflag:s3] =	stream.strided.gather [hbm4b:s21+s25], $0xA0, s14, s25, $0x38;
	[tilespmem:$0x1BBC0] =	vst v63  }
0xd2: {  	s0 =	sshra.s32 s0, $0x10  }
0xd3: {  	s5 =	sshrl.u32 s2, $0x9;
	p0 =	slt.s32 s0, $0x0;
	s3 =	sadd.s32 $0x3, s0  }
0xd4: {  	s2 =	sshrl.u32 s2, $0xA;
	s1 =	smul.u32 $0x3, s5;
	s0 =	smov.u32 @p0 s3  }
0xd5: {  	s2 =	smul.u32 $0x6, s2;
	s0 =	sadd.s32 $0x6, s0  }
0xd6: {  	s1 =	ssub.s32 s29, s1;
	_ =	swait.ge [sflag:s0], $0x2800  }
0xd7: {  	s2 =	ssub.s32 s29, s2;
	s1 =	sand.u32 $0xFF, s1;
	[sflag:s0] =	ssyncset.done $0x0  }
0xd8: {  	s2 =	sand.u32 $0xFF, s2;
	s6 =	sadd.s32 $0x1, s1;
	[sflag:s0] =	ssyncadd.s32 $0xFFFFD800  }
0xd9: {  	s7 =	smul.u32 $0x280, s2;
	_ =	swait.ge [sflag:s6], $0xA0  }
0xda: {  	[sflag:s6] =	ssyncset.done $0x0  }
0xdb: {  	s0 =	sshrl.u32 s7, $0x2;
	[sflag:s6] =	ssyncadd.s32 $0xFFFFFF60  }
0xdc: {  	v2 =	vld [tilespmem:s0+$0x0]  }
0xdd: {  	s8 =	smulhi.u32 $0xAAAAAAAB, s4;
	v3 =	vld [tilespmem:s0+$0x10]  }
0xde: {  	v52 =	vld [tilespmem:s0+$0x20]  }
0xdf: {  	s4 =	sshrl.u32 s8, $0x1;
	v53 =	vld [tilespmem:s0+$0x30]  }
0xe0: {  	s10 =	smul.u32 $0xFFFFFFF4, s4;
	v54 =	vld [tilespmem:s0+$0x40]  }
0xe1: {  	s26 =	smulhi.u32 $0xAAAAAAAB, s24;
	v2 =	vadd.s32 v0, v2  }
0xe2: {  	s12 =	smul.u32 $0xFFFE2000, s4;
	[tilespmem:s0+$0x0] =	vst v2;
	v2 =	vadd.s32 v0, v3  }
0xe3: {  	s28 =	sshrl.u32 s26, $0x2;
	s1 =	smul.u32 $0xA000, s1;
	[tilespmem:s0+$0x10] =	vst v2;
	v2 =	vadd.s32 v0, v52  }
0xe4: {  	s9 =	sand.u32 $0x1, s29;
	s13 =	sshra.s32 s10, $0x2;
	s4 =	smul.u32 $0xFFFFF100, s28;
	[tilespmem:s0+$0x20] =	vst v2;
	v2 =	vadd.s32 v0, v53  }
0xe5: {  	s3 =	sor.u32 $0x4, s9;
	s5 =	sshrl.u32 s26, $0x1;
	s1 =	sshrl.u32 s1, $0x2;
	[tilespmem:s0+$0x30] =	vst v2;
	v2 =	vadd.s32 v0, v54  }
0xe6: {  	s2 =	sadd.s32 s13, s20;
	s20 =	sadd.s32 $0xFFFFFFFE, s29;
	s1 =	sor.u32 $0x3C0, s1;
	[tilespmem:s0+$0x40] =	vst v2  }
0xe7: {  	[tilespmem:s1], [sflag:s3] =	stream.indirect.gather [hbm4b:s22+s25], $0x80, s0, s25, $0xb8;
	[tilespmem:$0x1BBC0] =	vst v63  }
0xe8: {  	s11 =	sshrl.u32 s8, $0x2;
	s29 =	smul.u32 $0xFFFFFFF4, s5;
	s3 =	sand.u32 $0x1, s20  }
0xe9: {  	s21 =	sadd.s32 $0xA0, s15;
	s0 =	smul.u32 $0xFFFFF100, s11;
	s3 =	sor.u32 $0x4, s3  }
0xea: {  	s30 =	sshra.s32 s4, $0x2;
	s31 =	sshra.s32 s29, $0x2;
	_ =	swait.ge [sflag:s3], $0x2800  }
0xeb: {  	s1 =	sshra.s32 s12, $0x2;
	s0 =	sshra.s32 s0, $0x2;
	[sflag:s3] =	ssyncset.done $0x0  }
0xec: {  	s1 =	sadd.s32 s1, s17;
	s0 =	sadd.s32 s0, s21;
	[sflag:s3] =	ssyncadd.s32 $0xFFFFD800  }
0xed: {  	[spmem:s23] =	stream.indirect.scatter.add.f32 [tilespmem:s1], [sflag:s2], $0x80, s0, s25, $0xb8;
	[tilespmem:$0x1BBC0] =	vst v63  }
0xee: {  	s0 =	sadd.s32 s30, s18;
	s1 =	sadd.s32 s31, s19;
	s2 =	simm.s32 $0x7  }
0xef: {  	[tilespmem:s0], [sflag:s1] =	stream.strided.gather [hbm4b:s16+s25], $0xA0, s14, s25, $0x38;
	[tilespmem:$0x1BBC0] =	vst v63  }
0xf0: {  	_ =	swait.ge [sflag:s2], $0x2800  }
0xf1: {  	[sflag:s2] =	ssyncset.done $0x0  }
0xf2: {  	s8 =	simm.s32 $0x2;
	[sflag:s2] =	ssyncadd.s32 $0xFFFFD800  }
0xf3: {  	_ =	swait.ge [sflag:s8], $0xA0  }
0xf4: {  	[sflag:s8] =	ssyncset.done $0x0  }
0xf5: {  	[sflag:s8] =	ssyncadd.s32 $0xFFFFFF60  }
0xf6: {  	v2 =	vld [tilespmem:$0xA0]  }
0xf7: {  	v3 =	vld [tilespmem:$0xB0]  }
0xf8: {  	v55 =	vld [tilespmem:$0xC0]  }
0xf9: {  	v56 =	vld [tilespmem:$0xD0]  }
0xfa: {  	v57 =	vld [tilespmem:$0xE0]  }
0xfb: {  	v2 =	vadd.s32 v0, v2  }
0xfc: {  	[tilespmem:$0xA0] =	vst v2;
	v2 =	vadd.s32 v0, v3  }
0xfd: {  	[tilespmem:$0xB0] =	vst v2;
	v2 =	vadd.s32 v0, v55  }
0xfe: {  	[tilespmem:$0xC0] =	vst v2;
	v2 =	vadd.s32 v0, v56  }
0xff: {  	[tilespmem:$0xD0] =	vst v2;
	v2 =	vadd.s32 v0, v57  }
0x100: {  	s5 =	simm.s32 $0xA0;
	s13 =	simm.s32 $0x5;
	s12 =	simm.s32 $0x2BC0;
	[tilespmem:$0xE0] =	vst v2  }
0x101: {  	[tilespmem:s12], [sflag:$0x5] =	stream.indirect.gather [hbm4b:s22+s25], $0x80, s5, s25, $0xb8;
	[tilespmem:$0x1BBC0] =	vst v63  }
0x102: {  	_ =	swait.ge [sflag:s13], $0x2800  }
0x103: {  	s15 =	simm.s32 $0x370;
	[sflag:s13] =	ssyncset.done $0x0  }
0x104: {  	s9 =	simm.s32 $0x53C0;
	s16 =	simm.s32 $0x8;
	[sflag:s13] =	ssyncadd.s32 $0xFFFFD800  }
0x105: {  	[spmem:s23] =	stream.indirect.scatter.add.f32 [tilespmem:s9], [sflag:$0x8], $0x80, s15, s25, $0xb8;
	[tilespmem:$0x1BBC0] =	vst v63  }
0x106: {  	_ =	swait.ge [sflag:s16], $0x2800  }
0x107: {  	[sflag:s16] =	ssyncset.done $0x0  }
0x108: {  	s17 =	simm.s32 $0x3;
	[sflag:s16] =	ssyncadd.s32 $0xFFFFD800  }
0x109: {  	_ =	swait.ge [sflag:s17], $0xA0  }
0x10a: {  	[sflag:s17] =	ssyncset.done $0x0  }
0x10b: {  	[sflag:s17] =	ssyncadd.s32 $0xFFFFFF60  }
0x10c: {  	v2 =	vld [tilespmem:$0x140]  }
0x10d: {  	v3 =	vld [tilespmem:$0x150]  }
0x10e: {  	v58 =	vld [tilespmem:$0x160]  }
0x10f: {  	v59 =	vld [tilespmem:$0x170]  }
0x110: {  	v60 =	vld [tilespmem:$0x180]  }
0x111: {  	v2 =	vadd.s32 v0, v2  }
0x112: {  	[tilespmem:$0x140] =	vst v2;
	v2 =	vadd.s32 v0, v3  }
0x113: {  	[tilespmem:$0x150] =	vst v2;
	v2 =	vadd.s32 v0, v58  }
0x114: {  	[tilespmem:$0x160] =	vst v2;
	v2 =	vadd.s32 v0, v59  }
0x115: {  	[tilespmem:$0x170] =	vst v2;
	v2 =	vadd.s32 v0, v60  }
0x116: {  	s10 =	simm.s32 $0x4;
	s6 =	simm.s32 $0x140;
	[tilespmem:$0x180] =	vst v2  }
0x117: {  	[tilespmem:s9], [sflag:$0x4] =	stream.indirect.gather [hbm4b:s22+s25], $0x80, s6, s25, $0xb8;
	[tilespmem:$0x1BBC0] =	vst v63  }
0x118: {  	_ =	swait.ge [sflag:s10], $0x2800  }
0x119: {  	[sflag:s10] =	ssyncset.done $0x0  }
0x11a: {  	s11 =	simm.s32 $0x6;
	s18 =	simm.s32 $0x3C0;
	[sflag:s10] =	ssyncadd.s32 $0xFFFFD800  }
0x11b: {  	[spmem:s23] =	stream.indirect.scatter.add.f32 [tilespmem:s18], [sflag:$0x6], $0x80, s25, s25, $0xb8;
	[tilespmem:$0x1BBC0] =	vst v63  }
0x11c: {  	_ =	swait.ge [sflag:s11], $0x2800  }
0x11d: {  	[sflag:s11] =	ssyncset.done $0x0  }
0x11e: {  	s19 =	simm.s32 $0x1;
	[sflag:s11] =	ssyncadd.s32 $0xFFFFD800  }
0x11f: {  	_ =	swait.ge [sflag:s19], $0xA0  }
0x120: {  	[sflag:s19] =	ssyncset.done $0x0  }
0x121: {  	[sflag:s19] =	ssyncadd.s32 $0xFFFFFF60  }
0x122: {  	v2 =	vld [tilespmem:$0x1E0]  }
0x123: {  	v3 =	vld [tilespmem:$0x1F0]  }
0x124: {  	v61 =	vld [tilespmem:$0x200]  }
0x125: {  	v62 =	vld [tilespmem:$0x210]  }
0x126: {  	v63 =	vld [tilespmem:$0x220]  }
0x127: {  	v2 =	vadd.s32 v0, v2  }
0x128: {  	[tilespmem:$0x1E0] =	vst v2;
	v2 =	vadd.s32 v0, v3  }
0x129: {  	[tilespmem:$0x1F0] =	vst v2;
	v2 =	vadd.s32 v0, v61  }
0x12a: {  	[tilespmem:$0x200] =	vst v2;
	v2 =	vadd.s32 v0, v62  }
0x12b: {  	[tilespmem:$0x210] =	vst v2;
	v2 =	vadd.s32 v0, v63  }
0x12c: {  	s7 =	simm.s32 $0x1E0;
	[tilespmem:$0x220] =	vst v2  }
0x12d: {  	[tilespmem:s18], [sflag:$0x5] =	stream.indirect.gather [hbm4b:s22+s25], $0x80, s7, s25, $0xb8;
	[tilespmem:$0x1BBC0] =	vst v63  }
0x12e: {  	_ =	swait.ge [sflag:s13], $0x2800  }
0x12f: {  	[sflag:s13] =	ssyncset.done $0x0  }
0x130: {  	s20 =	simm.s32 $0xF0;
	[sflag:s13] =	ssyncadd.s32 $0xFFFFD800  }
0x131: {  	[spmem:s23] =	stream.indirect.scatter.add.f32 [tilespmem:s12], [sflag:$0x7], $0x80, s20, s25, $0xb8;
	[tilespmem:$0x1BBC0] =	vst v63  }
0x132: {  	_ =	swait.ge [sflag:s2], $0x2800  }
0x133: {  	[sflag:s2] =	ssyncset.done $0x0  }
0x134: {  	[sflag:s2] =	ssyncadd.s32 $0xFFFFD800  }
0x135: {  	_ =	swait.ge [sflag:s10], $0x2800  }
0x136: {  	[sflag:s10] =	ssyncset.done $0x0  }
0x137: {  	s21 =	simm.s32 $0x190;
	[sflag:s10] =	ssyncadd.s32 $0xFFFFD800  }
0x138: {  	[spmem:s23] =	stream.indirect.scatter.add.f32 [tilespmem:s9], [sflag:$0x8], $0x80, s21, s25, $0xb8;
	[tilespmem:$0x1BBC0] =	vst v63  }
0x139: {  	_ =	swait.ge [sflag:s16], $0x2800  }
0x13a: {  	[sflag:s16] =	ssyncset.done $0x0  }
0x13b: {  	[sflag:s16] =	ssyncadd.s32 $0xFFFFD800  }
0x13c: {  	_ =	swait.ge [sflag:s13], $0x2800  }
0x13d: {  	[sflag:s13] =	ssyncset.done $0x0  }
0x13e: {  	s24 =	simm.s32 $0x230;
	[sflag:s13] =	ssyncadd.s32 $0xFFFFD800  }
0x13f: {  	[spmem:s23] =	stream.indirect.scatter.add.f32 [tilespmem:s18], [sflag:$0x6], $0x80, s24, s25, $0xb8;
	[tilespmem:$0x1BBC0] =	vst v63  }
0x140: {  	_ =	swait.ge [sflag:s11], $0x2800  }
0x141: {  	[sflag:s11] =	ssyncset.done $0x0  }
0x142: {  	[sflag:s11] =	ssyncadd.s32 $0xFFFFD800  }
0x143: {  	s26 =	stileid.u32;
	[bflag:$0x0] =	sbarrier.arrive $0xFFFF  }
0x144: {  	s0 =	sshll.u32 s26, $0x6;
	s28 =	rddreg [dreg:$0xc]  }
0x145: {  	s1 =	simm.s32 $0x9;
	s0 =	sor.u32 $0x1C09, s0;
	s29 =	rddreg [dreg:$0x17]  }
0x146: {  	[hbm:s28], [sflag:s0] =	dma.local [spmem:s29], $0x2800  }
0x147: {  	_ =	swait.ge [sflag:s1], $0x2800  }
0x148: {  	s30 =	rddreg [dreg:$0x18]  }
0x149: {  	s31 =	rddreg [dreg:$0xe];
	s2 =	sadd.s32 $0x1, s30  }
0x14a: {  	p0 =	sne.s32 s2, s31  }
.Ltmp2:
0x14b: {  	_ = 	snop;
	(pc) =	sbr.rel @p0 .LBB2_1-.Ltmp2, $3  }
0x14c: {  	_ =	sdelay $0x1  }
0x14d: {  	[sflag:s1] =	ssyncset.done $0x0  }
0x14e: {  	s4 =	simm.s32 $0x50;
	s3 =	smov.u32 s22;
	[sflag:s1] =	ssyncadd.s32 $0xFFFFD800  }
0x14f: {  	_ =	sfence.sel $0x180000  }
0x150: {  	[bflag:$0x0] =	sbarrier.arrive $0xFFFF  }
0x151: {  	_ =	strace $0x9000004A  }
0x152: {  	s0 =	stileid.u32;
	[bflag:$0x2] =	sbarrier.arrive $0xFFFF  }
0x153: {  	p0 =	sne.s32 s0, $0x0;
	s0 =	rddreg [dreg:$0x3]  }
0x154: {  	s0 =	sadd.s32 @!p0 $0x100000, s0  }
0x155: {  	[sflag:s0] =	ssyncadd.tile.s32 @!p0 $0x1;
	_ =	shalt  }
.Lfunc_end2:
_tile_overlayer_lowered:
.L_overlay_start_2:
0x156: {  	(tag) =	ssettag $0x2  }
0x157: {  	s0 =	rddreg [dreg:$0x0];
	s2 =	stileid.u32  }
0x158: {  	s1 =	rddreg [dreg:$0x1];
	p0 =	sne.s32 s2, $0x0  }
0x159: {  	s3 =	rddreg [dreg:$0x2];
	[bflag:$0x3] =	sbarrier.arrive $0xFFFF;
	s2 =	simm.s32 @!p0 $0x1C09  }
0x15a: {  	[timem:s3], [sflag:s2] =	dma.local @!p0 [hbm:s0], s1  }
0x15b: {  	s0 =	simm.s32 @!p0 $0x9  }
0x15c: {  	_ =	swait.ge @!p0 [sflag:s0], s1  }
0x15d: {  	s1 =	ssub.s32 @!p0 $0x0, s1;
	[sflag:s0] =	ssyncset.done @!p0 $0x0  }
0x15e: {  	[sflag:s0] =	ssyncadd.s32 @!p0 s1  }
0x15f: {  	[bflag:$0x3] =	sbarrier.arrive $0xFFFF  }
0x160: {  	_ =	shalt  }

</sc_bundles>
